<compile_context>
chip_gen: v7x
topology: tpu7x:2x2x1
jax: 0.10.2.dev20260603
libtpu: 0.0.44.dev20260713+nightly
codegen_flags: <defaults>
</compile_context>

<pallas_src>
import functools

import jax
import jax.numpy as jnp
from jax import lax
from jax.experimental import pallas as pl
from jax.experimental.pallas import tpu as pltpu
from jax.experimental.pallas import tpu_sc as plsc

N = 10000
NE = 320000
NODE = 128
H = 64
DT = 0.05
TAU_MIN = 0.01

NC = 2
NS = 16
NW = NC * NS
CH = 128
NCHUNK = NE // CH
F32 = jnp.float32
_DBLK = 200
_NDB = N // _DBLK

def _mesh():
    return plsc.VectorSubcoreMesh(core_axis_name="c", subcore_axis_name="s",
                                  num_cores=NC, num_subcores=NS)


def _preproj_body(v_ref, w_ref, a_ref, b_ref):
    ab = jnp.dot(v_ref[...], w_ref[...], preferred_element_type=F32)
    a_ref[...] = ab[:, :NODE]
    b_ref[...] = ab[:, NODE:]


def _preproj(V, Wsr):
    blk = 2000
    return pl.pallas_call(
        _preproj_body,
        grid=(N // blk,),
        in_specs=[
            pl.BlockSpec((blk, NODE), lambda i: (i, 0)),
            pl.BlockSpec((NODE, 2 * NODE), lambda i: (0, 0)),
        ],
        out_specs=[
            pl.BlockSpec((blk, NODE), lambda i: (i, 0)),
            pl.BlockSpec((blk, NODE), lambda i: (i, 0)),
        ],
        out_shape=[
            jax.ShapeDtypeStruct((N, NODE), F32),
            jax.ShapeDtypeStruct((N, NODE), F32),
        ],
    )(V, Wsr)


def _gather_body(nchunk, a_hbm, b_hbm, src_hbm, dst_hbm, sab_hbm,
                 idxs0, idxd0, ra0, idxs1, idxd1, ra1,
                 sl0, sg0, sw0, sl1, sg1, sw1):
    c = lax.axis_index("c")
    s = lax.axis_index("s")
    wid = s * NC + c
    n = (nchunk - wid + NW - 1) // NW
    slots = ((idxs0, idxd0, ra0, sl0, sg0, sw0),
             (idxs1, idxd1, ra1, sl1, sg1, sw1))

    def issue_loads(k, slot):
        idxs, idxd, _, sL, _, _ = slot
        base = (wid + k * NW) * CH
        pltpu.async_copy(src_hbm.at[pl.ds(base, CH)], idxs, sL)
        pltpu.async_copy(dst_hbm.at[pl.ds(base, CH)], idxd, sL)

    issue_loads(0, slots[0])
    issue_loads(1, slots[1])

    def grp(g, carry):
        for b in range(2):
            idxs, idxd, ra, sL, sG, sW = slots[b]
            k = g * 2 + b

            @pl.when(k < n)
            def _do():
                base = (wid + k * NW) * CH
                hbm_out = sab_hbm.at[pl.ds(base, CH)]
                pltpu.make_async_copy(src_hbm.at[pl.ds(base, CH)],
                                      idxs, sL).wait()
                pltpu.make_async_copy(dst_hbm.at[pl.ds(base, CH)],
                                      idxd, sL).wait()

                @pl.when(k >= 2)
                def _drain_wb():
                    pltpu.make_async_copy(ra, hbm_out, sW).wait()

                pltpu.async_copy(a_hbm.at[idxs], ra, sG).wait()
                pltpu.async_copy(b_hbm.at[idxd], ra, sG, add=True).wait()
                pltpu.async_copy(ra, hbm_out, sW)

                @pl.when(k + 2 < n)
                def _prefetch():
                    issue_loads(k + 2, slots[b])
        return carry

    lax.fori_loop(0, (n + 1) // 2, grp, 0)
    for b in range(2):
        _, _, ra, _, _, sW = slots[b]
        pltpu.make_async_copy(ra, sab_hbm.at[pl.ds(0, CH)], sW).wait()


def _sc_gather(A, B, src, dst):
    ne = src.shape[0]
    k = functools.partial(
        pl.kernel,
        out_type=jax.ShapeDtypeStruct((ne, NODE), F32),
        mesh=_mesh(),
        scratch_types=[
            pltpu.VMEM((CH,), jnp.int32),
            pltpu.VMEM((CH,), jnp.int32),
            pltpu.VMEM((CH, NODE), F32),
            pltpu.VMEM((CH,), jnp.int32),
            pltpu.VMEM((CH,), jnp.int32),
            pltpu.VMEM((CH, NODE), F32),
            pltpu.SemaphoreType.DMA,
            pltpu.SemaphoreType.DMA,
            pltpu.SemaphoreType.DMA,
            pltpu.SemaphoreType.DMA,
            pltpu.SemaphoreType.DMA,
            pltpu.SemaphoreType.DMA,
        ],
    )(functools.partial(_gather_body, ne // CH))
    return k(A, B, src, dst)


def _edge_mlp_body(sab_ref, e_ref,
                   w1e_ref, b1_ref, w2_ref, b2_ref,
                   out_ref, sc0_ref, sc1_ref):
    pre = (sab_ref[...]
           + jnp.dot(e_ref[...], w1e_ref[...], preferred_element_type=F32)
           + b1_ref[...])
    h = pre * jax.nn.sigmoid(pre)
    emb = (jnp.dot(h, w2_ref[...], preferred_element_type=F32)
           + b2_ref[...])
    out_ref[...] = emb
    n = emb.shape[0]
    one = jnp.ones((n, 1), F32)
    zer = jnp.zeros((n, NODE - H - 1), F32)
    sc0_ref[...] = jnp.concatenate([emb[:, :H], one, zer], axis=1)
    sc1_ref[...] = jnp.concatenate([emb[:, H:], one, zer], axis=1)


def _edge_mlp(SAB, E, eoff, W1e, b1, W2, b2):
    ne = SAB.shape[0]
    blk = 1280
    row = lambda i: (i, 0)
    erow = lambda i: (i + eoff // blk, 0)
    full = lambda i: (0, 0)
    return pl.pallas_call(
        _edge_mlp_body,
        grid=(ne // blk,),
        in_specs=[
            pl.BlockSpec((blk, NODE), row),
            pl.BlockSpec((blk, NODE), erow),
            pl.BlockSpec((NODE, NODE), full),
            pl.BlockSpec((1, NODE), full),
            pl.BlockSpec((NODE, NODE), full),
            pl.BlockSpec((1, NODE), full),
        ],
        out_specs=[
            pl.BlockSpec((blk, NODE), row),
            pl.BlockSpec((blk, NODE), row),
            pl.BlockSpec((blk, NODE), row),
        ],
        out_shape=[
            jax.ShapeDtypeStruct((ne, NODE), F32),
            jax.ShapeDtypeStruct((ne, NODE), F32),
            jax.ShapeDtypeStruct((ne, NODE), F32),
        ],
    )(SAB, E, W1e, b1, W2, b2)


def _remap_body(src_ref, dst_ref, i00_ref, i01_ref, i10_ref, i11_ref):
    nh = N // 2
    sidx = src_ref[...]
    didx = dst_ref[...]
    i00_ref[...] = jnp.where(sidx < nh, sidx, nh)
    i01_ref[...] = jnp.where(sidx >= nh, sidx - nh, nh)
    i10_ref[...] = jnp.where(didx < nh, didx, nh)
    i11_ref[...] = jnp.where(didx >= nh, didx - nh, nh)


def _remap(src, dst):
    nr = NE // CH
    shp = jax.ShapeDtypeStruct((nr, CH), jnp.int32)
    return pl.pallas_call(
        _remap_body,
        out_shape=[shp, shp, shp, shp],
    )(src.reshape(nr, CH), dst.reshape(nr, CH))


_NHALF = N // 2
_ACC_R = _NHALF + _DBLK
_NZB = _ACC_R // _DBLK
_NDB2 = _NHALF // _DBLK


def _scatter_body(nchunk, sc0_hbm, sc1_hbm, i00_hbm, i01_hbm, i10_hbm,
                  i11_hbm, acc_hbm, idx0_v, ev0_v, idx1_v, ev1_v, sl0, sl1,
                  z_v, sh_acc):
    c = lax.axis_index("c")
    s = lax.axis_index("s")
    n = (nchunk - s + NS - 1) // NS
    slots = ((idx0_v, ev0_v, sl0), (idx1_v, ev1_v, sl1))

    zero16 = jnp.zeros((16,), F32)

    def fill_z(r, carry):
        for j in range(8):
            z_v[r, pl.ds(j * 16, 16)] = zero16
        return carry

    lax.fori_loop(0, _DBLK, fill_z, 0)

    for p, (idxA_hbm, idxB_hbm) in enumerate(((i00_hbm, i10_hbm),
                                              (i01_hbm, i11_hbm))):
        for j in range((_NZB + NS - 1) // NS):
            b = s + NS * j

            @pl.when(b < _NZB)
            def _zero():
                pltpu.sync_copy(z_v, sh_acc.at[pl.ds(b * _DBLK, _DBLK)])
        plsc.subcore_barrier()

        def issue_loads(k, slot):
            idx_v, ev_v, sL = slot
            base = (s + k * NS) * CH

            @pl.when(c == 0)
            def _load0():
                pltpu.async_copy(idxA_hbm.at[pl.ds(base, CH)], idx_v, sL)
                pltpu.async_copy(sc0_hbm.at[pl.ds(base, CH)], ev_v, sL)

            @pl.when(c == 1)
            def _load1():
                pltpu.async_copy(idxB_hbm.at[pl.ds(base, CH)], idx_v, sL)
                pltpu.async_copy(sc1_hbm.at[pl.ds(base, CH)], ev_v, sL)

        issue_loads(0, slots[0])
        issue_loads(1, slots[1])

        def grp(g, carry):
            for b in range(2):
                idx_v, ev_v, sL = slots[b]
                k = g * 2 + b

                @pl.when(k < n)
                def _do():
                    base = (s + k * NS) * CH
                    pltpu.make_async_copy(idxA_hbm.at[pl.ds(base, CH)],
                                          idx_v, sL).wait()
                    pltpu.make_async_copy(sc0_hbm.at[pl.ds(base, CH)],
                                          ev_v, sL).wait()
                    pltpu.sync_copy(ev_v, sh_acc.at[idx_v], add=True)

                    @pl.when(k + 2 < n)
                    def _prefetch():
                        issue_loads(k + 2, slots[b])
            return carry

        lax.fori_loop(0, (n + 1) // 2, grp, 0)
        plsc.subcore_barrier()

        for j in range((_NDB2 + NS - 1) // NS):
            b = s + NS * j

            @pl.when(b < _NDB2)
            def _dump():
                r = b * _DBLK
                pltpu.sync_copy(sh_acc.at[pl.ds(r, _DBLK)],
                                acc_hbm.at[c, pl.ds(p * _NHALF + r, _DBLK)])
        plsc.subcore_barrier()


def _sc_scatter(sc0, sc1, i00, i01, i10, i11):
    k = functools.partial(
        pl.kernel,
        out_type=jax.ShapeDtypeStruct((NC, N, NODE), F32),
        mesh=_mesh(),
        scratch_types=[
            pltpu.VMEM((CH,), jnp.int32),
            pltpu.VMEM((CH, NODE), F32),
            pltpu.VMEM((CH,), jnp.int32),
            pltpu.VMEM((CH, NODE), F32),
            pltpu.SemaphoreType.DMA,
            pltpu.SemaphoreType.DMA,
            pltpu.VMEM((_DBLK, NODE), F32),
            pltpu.VMEM_SHARED((_ACC_R, NODE), F32),
        ],
    )(functools.partial(_scatter_body, sc0.shape[0] // CH))
    return k(sc0, sc1, i00, i01, i10, i11)


def _node_body(v_ref, acc_ref,
               wep_ref, bep_ref, wt_ref, bt_ref, wg_ref, bg_ref,
               wf1_ref, bf1_ref, wf2_ref, bf2_ref, gam_ref, bet_ref,
               out_ref):
    x = v_ref[...]
    nparts = acc_ref.shape[0]
    a0 = acc_ref[0].astype(F32)
    a1 = acc_ref[1].astype(F32)
    for t in range(2, nparts, 2):
        a0 = a0 + acc_ref[t].astype(F32)
        a1 = a1 + acc_ref[t + 1].astype(F32)
    m0 = a0[:, :H] / jnp.maximum(a0[:, H:H + 1], 1.0)
    m1 = a1[:, :H] / jnp.maximum(a1[:, H:H + 1], 1.0)
    em = jnp.concatenate([m0, m1], axis=-1)
    u = jnp.dot(em, wep_ref[...], preferred_element_type=F32) + bep_ref[...]
    xu = jnp.concatenate([x, u], axis=-1)
    tau = jnp.maximum(
        jax.nn.softplus(jnp.dot(xu, wt_ref[...], preferred_element_type=F32)
                        + bt_ref[...]), TAU_MIN)
    gate = jax.nn.sigmoid(jnp.dot(xu, wg_ref[...], preferred_element_type=F32)
                          + bg_ref[...])
    h1 = jnp.dot(xu, wf1_ref[...], preferred_element_type=F32) + bf1_ref[...]
    h1 = h1 * jax.nn.sigmoid(h1)
    f = jnp.tanh(jnp.dot(h1, wf2_ref[...], preferred_element_type=F32)
                 + bf2_ref[...]) * gate
    xn = x + (1.0 / tau) * (-x + f) * DT
    mu = jnp.mean(xn, axis=-1, keepdims=True)
    var = jnp.mean((xn - mu) ** 2, axis=-1, keepdims=True)
    out_ref[...] = ((xn - mu) / jnp.sqrt(var + 1e-5) * gam_ref[...]
                    + bet_ref[...])


def _node_update(V, acc, Wep, bep, Wt, bt, Wg, bg,
                 Wf1, bf1, Wf2, bf2, gamma, beta):
    blk = 2000
    row = lambda i: (i, 0)
    part = lambda i: (0, i, 0)
    full = lambda i: (0, 0)
    d2 = 2 * NODE
    return pl.pallas_call(
        _node_body,
        grid=(N // blk,),
        in_specs=[
            pl.BlockSpec((blk, NODE), row),
            pl.BlockSpec((acc.shape[0], blk, NODE), part),
            pl.BlockSpec((NODE, NODE), full),
            pl.BlockSpec((1, NODE), full),
            pl.BlockSpec((d2, NODE), full),
            pl.BlockSpec((1, NODE), full),
            pl.BlockSpec((d2, NODE), full),
            pl.BlockSpec((1, NODE), full),
            pl.BlockSpec((d2, d2), full),
            pl.BlockSpec((1, d2), full),
            pl.BlockSpec((d2, NODE), full),
            pl.BlockSpec((1, NODE), full),
            pl.BlockSpec((1, NODE), full),
            pl.BlockSpec((1, NODE), full),
        ],
        out_specs=pl.BlockSpec((blk, NODE), row),
        out_shape=jax.ShapeDtypeStruct((N, NODE), F32),
    )(V, acc, Wep, bep, Wt, bt, Wg, bg,
      Wf1, bf1, Wf2, bf2, gamma, beta)


def kernel(V, E, edges, We1, be1, We2, be2, Wep, bep,
           Wf1, bf1, Wf2, bf2, Wt, bt, Wg, bg, gamma, beta):
    V2 = V[0]
    E2 = E[0]
    src = edges[0, :, 0]
    dst = edges[0, :, 1]
    Wsr = jnp.concatenate([We1[:NODE], We1[NODE:2 * NODE]], axis=1)
    W1e = We1[2 * NODE:]

    A, B = _preproj(V2, Wsr)
    i00, i01, i10, i11 = _remap(src, dst)

    K = 2
    neh = NE // K
    nrh = neh // CH
    embs, accs = [], []
    for t in range(K):
        sl = slice(t * neh, (t + 1) * neh)
        rsl = slice(t * nrh, (t + 1) * nrh)
        SAB = _sc_gather(A, B, src[sl], dst[sl])
        emb_t, sc0, sc1 = _edge_mlp(SAB, E2, t * neh, W1e,
                                    be1.reshape(1, -1), We2,
                                    be2.reshape(1, -1))
        acc_t = _sc_scatter(sc0, sc1,
                            i00[rsl].reshape(neh), i01[rsl].reshape(neh),
                            i10[rsl].reshape(neh), i11[rsl].reshape(neh))
        embs.append(emb_t)
        accs.append(acc_t)
    emb = jnp.concatenate(embs, axis=0)
    acc = jnp.concatenate(accs, axis=0)
    node_emb = _node_update(
        V2, acc, Wep, bep.reshape(1, -1), Wt, bt.reshape(1, -1),
        Wg, bg.reshape(1, -1), Wf1, bf1.reshape(1, -1),
        Wf2, bf2.reshape(1, -1), gamma.reshape(1, -1), beta.reshape(1, -1))
    return node_emb[None], emb[None]

# --- scband reference (transcript-rebuilt; emitter-appended) ---
"""Pipeline reference for scband-gnn-lnn-16432544875342 (READ-ONLY COPY).

The authoritative reference and input builder live on the scoring server;
editing this copy changes nothing except your own understanding.
"""

import jax, jax.numpy as jnp
import numpy as np

BS, N, NE = 1, 10000, 320000
NODE, EDGE = 128, 128
H = EDGE // 2
DT = 0.05
TAU_MIN = 0.01


def _lin(key, fan_in, fan_out):
    kw, kb = jax.random.split(key)
    s = 1.0 / np.sqrt(fan_in)
    W = jax.random.uniform(kw, (fan_in, fan_out), jnp.float32, -s, s)
    b = jax.random.uniform(kb, (fan_out,), jnp.float32, -s, s)
    return W, b


def setup_inputs(seed: int = 0) -> dict:
    key = jax.random.key(seed)
    ks = jax.random.split(key, 12)
    V = jax.random.normal(ks[0], (BS, N, NODE), jnp.float32)
    E = jax.random.normal(ks[1], (BS, NE, EDGE), jnp.float32)
    edges = jax.random.randint(ks[2], (BS, NE, 2), 0, N, dtype=jnp.int32)
    # f_edge MLP: Linear(EDGE+2*NODE -> 128), SiLU, Linear(128 -> EDGE)
    We1, be1 = _lin(ks[3], EDGE + 2 * NODE, 128)
    We2, be2 = _lin(ks[4], 128, EDGE)
    # node_updater.edge_proj: Linear(EDGE -> NODE); node_proj is Identity (dims match)
    Wep, bep = _lin(ks[5], EDGE, NODE)
    # LiquidCell(state_dim=NODE, input_dim=NODE), d = 2*NODE
    Wf1, bf1 = _lin(ks[6], 2 * NODE, 2 * NODE)
    Wf2, bf2 = _lin(ks[7], 2 * NODE, NODE)
    Wt, bt = _lin(ks[8], 2 * NODE, NODE)
    Wg, bg = _lin(ks[9], 2 * NODE, NODE)
    gamma = jnp.ones((NODE,), jnp.float32)
    beta = jnp.zeros((NODE,), jnp.float32)
    return {"V": V, "E": E, "edges": edges,
            "We1": We1, "be1": be1, "We2": We2, "be2": be2,
            "Wep": Wep, "bep": bep,
            "Wf1": Wf1, "bf1": bf1, "Wf2": Wf2, "bf2": bf2,
            "Wt": Wt, "bt": bt, "Wg": Wg, "bg": bg,
            "gamma": gamma, "beta": beta}


def _gather_nodes(V, idx):
    # V: (bs, N, d), idx: (bs, ne) -> (bs, ne, d)
    idx_e = jnp.broadcast_to(idx[..., None], idx.shape + (V.shape[-1],))
    return jnp.take_along_axis(V, idx_e, axis=1)


def _scatter_mean(src, index, n):
    # src: (bs, ne, h), index: (bs, ne) -> (bs, n, h); empty bins -> 0
    def one(s, i):
        summed = jnp.zeros((n, s.shape[-1]), s.dtype).at[i].add(s)
        cnt = jnp.zeros((n,), s.dtype).at[i].add(1.0)
        return summed / jnp.maximum(cnt, 1.0)[:, None]
    return jax.vmap(one)(src, index)


def _layernorm(x, gamma, beta, eps=1e-5):
    mu = jnp.mean(x, axis=-1, keepdims=True)
    var = jnp.mean((x - mu) ** 2, axis=-1, keepdims=True)
    return (x - mu) / jnp.sqrt(var + eps) * gamma + beta


def reference(V, E, edges, We1, be1, We2, be2, Wep, bep,
              Wf1, bf1, Wf2, bf2, Wt, bt, Wg, bg, gamma, beta):
    silu = jax.nn.silu
    s = _gather_nodes(V, edges[..., 0])
    r = _gather_nodes(V, edges[..., 1])
    emb = silu(jnp.concatenate([s, r, E], axis=-1) @ We1 + be1) @ We2 + be2
    e0, e1 = emb[..., :H], emb[..., H:]
    # use_directed_flux=False: e0 -> sender, e1 -> receiver
    m0 = _scatter_mean(e0, edges[..., 0], V.shape[1])
    m1 = _scatter_mean(e1, edges[..., 1], V.shape[1])
    edge_mean = jnp.concatenate([m0, m1], axis=-1)
    # LiquidNodeUpdater: node_proj = Identity, edge_proj linear
    x = V
    u = edge_mean @ Wep + bep
    # LiquidCell euler step
    xu = jnp.concatenate([x, u], axis=-1)
    tau = jnp.maximum(jax.nn.softplus(xu @ Wt + bt), TAU_MIN)
    gate = jax.nn.sigmoid(xu @ Wg + bg)
    f = jnp.tanh(silu(xu @ Wf1 + bf1) @ Wf2 + bf2) * gate
    xn = x + (1.0 / tau) * (-x + f) * DT
    node_emb = _layernorm(xn, gamma, beta)
    return (node_emb, emb)

if __name__ == "__main__":
    import jax
    _d = setup_inputs()
    print(jax.jit(kernel)(*tuple(_d.values())))

</pallas_src>

<mosaic_0001>
#map = affine_map<(d0, d1) -> (0, 0)>
#map1 = affine_map<(d0, d1) -> (0)>
#map2 = affine_map<(d0, d1) -> (0, 0, 0)>
module attributes {stable_mosaic.version = 14 : i64} {
  func.func @_scatter_body(%arg0: i32, %arg1: i32, %arg2: memref<160000x128xf32, #tpu.memory_space<hbm>>, %arg3: memref<160000x128xf32, #tpu.memory_space<hbm>>, %arg4: memref<160000xi32, #tpu.memory_space<hbm>>, %arg5: memref<160000xi32, #tpu.memory_space<hbm>>, %arg6: memref<160000xi32, #tpu.memory_space<hbm>>, %arg7: memref<160000xi32, #tpu.memory_space<hbm>>, %arg8: memref<2x10000x128xf32, #tpu.memory_space<hbm>>, %arg9: memref<128xi32, #tpu.memory_space<vmem>>, %arg10: memref<128x128xf32, #tpu.memory_space<vmem>>, %arg11: memref<128xi32, #tpu.memory_space<vmem>>, %arg12: memref<128x128xf32, #tpu.memory_space<vmem>>, %arg13: memref<!tpu.dma_semaphore, #tpu.memory_space<semaphore_mem>>, %arg14: memref<!tpu.dma_semaphore, #tpu.memory_space<semaphore_mem>>, %arg15: memref<200x128xf32, #tpu.memory_space<vmem>>, %arg16: memref<5200x128xf32, #tpu.memory_space<vmem_shared>>) attributes {dimension_semantics = [#tpu.dimension_semantics<core_parallel>, #tpu.dimension_semantics<subcore_parallel>], iteration_bounds = array<i64: 2, 16>, scalar_prefetch = 0 : i64, scratch_operands = 8 : i64, tpu.core_type = #tpu.core_type<sc_vector_subcore>, window_params = [{transform_indices = #map}, {transform_indices = #map}, {transform_indices = #map1}, {transform_indices = #map1}, {transform_indices = #map1}, {transform_indices = #map1}, {transform_indices = #map2}]} {
    %sub3A = arith.constant 1250 : i32
    %sub3A_0 = arith.subi %sub3A, %arg1 : i32
    %add3A = arith.constant 16 : i32
    %add3A_1 = arith.addi %sub3A_0, %add3A : i32
    %sub3A_2 = arith.constant 1 : i32
    %sub3A_3 = arith.subi %add3A_1, %sub3A_2 : i32
    %jit3A = arith.constant 16 : i32
    %div3A = arith.divsi %sub3A_3, %jit3A : i32
    %sign3A = arith.constant 0 : i32
    %sign3A_4 = arith.cmpi sgt, %sub3A_3, %sign3A : i32
    %sign3A_5 = arith.extui %sign3A_4 : i1 to i32
    %sign3A_6 = arith.constant 0 : i32
    %sign3A_7 = arith.cmpi slt, %sub3A_3, %sign3A_6 : i32
    %sign3A_8 = arith.extui %sign3A_7 : i1 to i32
    %sign3A_9 = arith.subi %sign3A_5, %sign3A_8 : i32
    %sign3A_10 = arith.constant 0 : i32
    %sign3A_11 = arith.cmpi sgt, %jit3A, %sign3A_10 : i32
    %sign3A_12 = arith.extui %sign3A_11 : i1 to i32
    %sign3A_13 = arith.constant 0 : i32
    %sign3A_14 = arith.cmpi slt, %jit3A, %sign3A_13 : i32
    %sign3A_15 = arith.extui %sign3A_14 : i1 to i32
    %sign3A_16 = arith.subi %sign3A_12, %sign3A_15 : i32
    %ne3A = arith.cmpi ne, %sign3A_9, %sign3A_16 : i32
    %rem3A = arith.remsi %sub3A_3, %jit3A : i32
    %ne3A_17 = arith.constant 0 : i32
    %ne3A_18 = arith.cmpi ne, %rem3A, %ne3A_17 : i32
    %and3A = arith.andi %ne3A, %ne3A_18 : i1
    %sub3A_19 = arith.constant 1 : i32
    %sub3A_20 = arith.subi %div3A, %sub3A_19 : i32
    %select_n3A = arith.select %and3A, %sub3A_20, %div3A : i32
    %broadcast_in_dim3A = arith.constant 0.000000e+00 : f32
    %broadcast_in_dim3A_21 = vector.broadcast %broadcast_in_dim3A : f32 to vector<16xf32>
    %scan3A = arith.constant 0 : i32
    %scan3A_22 = arith.constant 0 : i32
    %scan3A_23 = arith.constant 200 : i32
    %scan3A_24 = arith.addi %scan3A_22, %scan3A_23 : i32
    %scan3A_25 = arith.constant 1 : i32
    scf.for %scan3A_210 = %scan3A_22 to %scan3A_24 step %scan3A_25  : i32 {
      %swap3A = arith.index_cast %scan3A_210 : i32 to index
      %swap3A_211 = arith.constant 0 : index
      %swap3A_212 = tpu.vector_load %arg15[%swap3A, %swap3A_211] {strides = array<i32>} : memref<200x128xf32, #tpu.memory_space<vmem>>, vector<1x16xf32>,
      %swap3A_213 = vector.shape_cast %swap3A_212 : vector<1x16xf32> to vector<16xf32>
      %swap3A_214 = vector.shape_cast %broadcast_in_dim3A_21 : vector<16xf32> to vector<1x16xf32>
      tpu.vector_store %arg15[%swap3A, %swap3A_211], %swap3A_214 {strides = array<i32>} : memref<200x128xf32, #tpu.memory_space<vmem>>, vector<1x16xf32>,
      %swap3A_215 = arith.index_cast %scan3A_210 : i32 to index
      %swap3A_216 = arith.constant 16 : index
      %swap3A_217 = tpu.vector_load %arg15[%swap3A_215, %swap3A_216] {strides = array<i32>} : memref<200x128xf32, #tpu.memory_space<vmem>>, vector<1x16xf32>,
      %swap3A_218 = vector.shape_cast %swap3A_217 : vector<1x16xf32> to vector<16xf32>
      %swap3A_219 = vector.shape_cast %broadcast_in_dim3A_21 : vector<16xf32> to vector<1x16xf32>
      tpu.vector_store %arg15[%swap3A_215, %swap3A_216], %swap3A_219 {strides = array<i32>} : memref<200x128xf32, #tpu.memory_space<vmem>>, vector<1x16xf32>,
      %swap3A_220 = arith.index_cast %scan3A_210 : i32 to index
      %swap3A_221 = arith.constant 32 : index
      %swap3A_222 = tpu.vector_load %arg15[%swap3A_220, %swap3A_221] {strides = array<i32>} : memref<200x128xf32, #tpu.memory_space<vmem>>, vector<1x16xf32>,
      %swap3A_223 = vector.shape_cast %swap3A_222 : vector<1x16xf32> to vector<16xf32>
      %swap3A_224 = vector.shape_cast %broadcast_in_dim3A_21 : vector<16xf32> to vector<1x16xf32>
      tpu.vector_store %arg15[%swap3A_220, %swap3A_221], %swap3A_224 {strides = array<i32>} : memref<200x128xf32, #tpu.memory_space<vmem>>, vector<1x16xf32>,
      %swap3A_225 = arith.index_cast %scan3A_210 : i32 to index
      %swap3A_226 = arith.constant 48 : index
      %swap3A_227 = tpu.vector_load %arg15[%swap3A_225, %swap3A_226] {strides = array<i32>} : memref<200x128xf32, #tpu.memory_space<vmem>>, vector<1x16xf32>,
      %swap3A_228 = vector.shape_cast %swap3A_227 : vector<1x16xf32> to vector<16xf32>
      %swap3A_229 = vector.shape_cast %broadcast_in_dim3A_21 : vector<16xf32> to vector<1x16xf32>
      tpu.vector_store %arg15[%swap3A_225, %swap3A_226], %swap3A_229 {strides = array<i32>} : memref<200x128xf32, #tpu.memory_space<vmem>>, vector<1x16xf32>,
      %swap3A_230 = arith.index_cast %scan3A_210 : i32 to index
      %swap3A_231 = arith.constant 64 : index
      %swap3A_232 = tpu.vector_load %arg15[%swap3A_230, %swap3A_231] {strides = array<i32>} : memref<200x128xf32, #tpu.memory_space<vmem>>, vector<1x16xf32>,
      %swap3A_233 = vector.shape_cast %swap3A_232 : vector<1x16xf32> to vector<16xf32>
      %swap3A_234 = vector.shape_cast %broadcast_in_dim3A_21 : vector<16xf32> to vector<1x16xf32>
      tpu.vector_store %arg15[%swap3A_230, %swap3A_231], %swap3A_234 {strides = array<i32>} : memref<200x128xf32, #tpu.memory_space<vmem>>, vector<1x16xf32>,
      %swap3A_235 = arith.index_cast %scan3A_210 : i32 to index
      %swap3A_236 = arith.constant 80 : index
      %swap3A_237 = tpu.vector_load %arg15[%swap3A_235, %swap3A_236] {strides = array<i32>} : memref<200x128xf32, #tpu.memory_space<vmem>>, vector<1x16xf32>,
      %swap3A_238 = vector.shape_cast %swap3A_237 : vector<1x16xf32> to vector<16xf32>
      %swap3A_239 = vector.shape_cast %broadcast_in_dim3A_21 : vector<16xf32> to vector<1x16xf32>
      tpu.vector_store %arg15[%swap3A_235, %swap3A_236], %swap3A_239 {strides = array<i32>} : memref<200x128xf32, #tpu.memory_space<vmem>>, vector<1x16xf32>,
      %swap3A_240 = arith.index_cast %scan3A_210 : i32 to index
      %swap3A_241 = arith.constant 96 : index
      %swap3A_242 = tpu.vector_load %arg15[%swap3A_240, %swap3A_241] {strides = array<i32>} : memref<200x128xf32, #tpu.memory_space<vmem>>, vector<1x16xf32>,
      %swap3A_243 = vector.shape_cast %swap3A_242 : vector<1x16xf32> to vector<16xf32>
      %swap3A_244 = vector.shape_cast %broadcast_in_dim3A_21 : vector<16xf32> to vector<1x16xf32>
      tpu.vector_store %arg15[%swap3A_240, %swap3A_241], %swap3A_244 {strides = array<i32>} : memref<200x128xf32, #tpu.memory_space<vmem>>, vector<1x16xf32>,
      %swap3A_245 = arith.index_cast %scan3A_210 : i32 to index
      %swap3A_246 = arith.constant 112 : index
      %swap3A_247 = tpu.vector_load %arg15[%swap3A_245, %swap3A_246] {strides = array<i32>} : memref<200x128xf32, #tpu.memory_space<vmem>>, vector<1x16xf32>,
      %swap3A_248 = vector.shape_cast %swap3A_247 : vector<1x16xf32> to vector<16xf32>
      %swap3A_249 = vector.shape_cast %broadcast_in_dim3A_21 : vector<16xf32> to vector<1x16xf32>
      tpu.vector_store %arg15[%swap3A_245, %swap3A_246], %swap3A_249 {strides = array<i32>} : memref<200x128xf32, #tpu.memory_space<vmem>>, vector<1x16xf32>,
    }
    %scan3A_26 = arith.constant 200 : i32
    %add3A_27 = arith.constant 0 : i32
    %add3A_28 = arith.addi %arg1, %add3A_27 : i32
    %lt3A = arith.constant 26 : i32
    %lt3A_29 = arith.cmpi slt, %add3A_28, %lt3A : i32
    %convert_element_type3A = arith.extui %lt3A_29 : i1 to i32
    %cond3A = arith.constant 0 : i32
    %cond3A_30 = arith.cmpi ne, %convert_element_type3A, %cond3A : i32
    scf.if %cond3A_30 {
      %mul3A_210 = arith.constant 200 : i32
      %mul3A_211 = arith.muli %add3A_28, %mul3A_210 : i32
      "tpu.region"() ({
        %run_scoped3A = tpu.sem_alloc : memref<!tpu.dma_semaphore, #tpu.memory_space<semaphore_mem>>
        %dma_start3A = arith.constant 0 : i32
        %dma_start3A_212 = tpu.memref_slice %arg16[%mul3A_211, %dma_start3A] : memref<5200x128xf32, #tpu.memory_space<vmem_shared>> -> memref<200x128xf32, #tpu.memory_space<vmem_shared>>
        %dma_start3A_213 = arith.constant 0 : i32
        %dma_start3A_214 = tpu.memref_slice %arg16[%mul3A_211, %dma_start3A_213] : memref<5200x128xf32, #tpu.memory_space<vmem_shared>> -> memref<200x128xf32, #tpu.memory_space<vmem_shared>>
        tpu.enqueue_dma source(%arg15 : memref<200x128xf32, #tpu.memory_space<vmem>>) target(%dma_start3A_214 : memref<200x128xf32, #tpu.memory_space<vmem_shared>>) target_semaphore(%run_scoped3A : memref<!tpu.dma_semaphore, #tpu.memory_space<semaphore_mem>>)
        %dma_wait3A = arith.constant 0 : i32
        %dma_wait3A_215 = tpu.memref_slice %arg16[%mul3A_211, %dma_wait3A] : memref<5200x128xf32, #tpu.memory_space<vmem_shared>> -> memref<200x128xf32, #tpu.memory_space<vmem_shared>>
        %dma_wait3A_216 = arith.constant 0 : i32
        %dma_wait3A_217 = tpu.memref_slice %arg16[%mul3A_211, %dma_wait3A_216] : memref<5200x128xf32, #tpu.memory_space<vmem_shared>> -> memref<200x128xf32, #tpu.memory_space<vmem_shared>>
        tpu.wait_dma2 semaphore(%run_scoped3A : memref<!tpu.dma_semaphore, #tpu.memory_space<semaphore_mem>>) src(%arg15 : memref<200x128xf32, #tpu.memory_space<vmem>>) dst(%dma_wait3A_217 : memref<200x128xf32, #tpu.memory_space<vmem_shared>>)
        tpu.yield
      }) : () -> ()
    } else {
    }
    %add3A_31 = arith.constant 16 : i32
    %add3A_32 = arith.addi %arg1, %add3A_31 : i32
    %lt3A_33 = arith.constant 26 : i32
    %lt3A_34 = arith.cmpi slt, %add3A_32, %lt3A_33 : i32
    %convert_element_type3A_35 = arith.extui %lt3A_34 : i1 to i32
    %cond3A_36 = arith.constant 0 : i32
    %cond3A_37 = arith.cmpi ne, %convert_element_type3A_35, %cond3A_36 : i32
    scf.if %cond3A_37 {
      %mul3A_210 = arith.constant 200 : i32
      %mul3A_211 = arith.muli %add3A_32, %mul3A_210 : i32
      "tpu.region"() ({
        %run_scoped3A = tpu.sem_alloc : memref<!tpu.dma_semaphore, #tpu.memory_space<semaphore_mem>>
        %dma_start3A = arith.constant 0 : i32
        %dma_start3A_212 = tpu.memref_slice %arg16[%mul3A_211, %dma_start3A] : memref<5200x128xf32, #tpu.memory_space<vmem_shared>> -> memref<200x128xf32, #tpu.memory_space<vmem_shared>>
        %dma_start3A_213 = arith.constant 0 : i32
        %dma_start3A_214 = tpu.memref_slice %arg16[%mul3A_211, %dma_start3A_213] : memref<5200x128xf32, #tpu.memory_space<vmem_shared>> -> memref<200x128xf32, #tpu.memory_space<vmem_shared>>
        tpu.enqueue_dma source(%arg15 : memref<200x128xf32, #tpu.memory_space<vmem>>) target(%dma_start3A_214 : memref<200x128xf32, #tpu.memory_space<vmem_shared>>) target_semaphore(%run_scoped3A : memref<!tpu.dma_semaphore, #tpu.memory_space<semaphore_mem>>)
        %dma_wait3A = arith.constant 0 : i32
        %dma_wait3A_215 = tpu.memref_slice %arg16[%mul3A_211, %dma_wait3A] : memref<5200x128xf32, #tpu.memory_space<vmem_shared>> -> memref<200x128xf32, #tpu.memory_space<vmem_shared>>
        %dma_wait3A_216 = arith.constant 0 : i32
        %dma_wait3A_217 = tpu.memref_slice %arg16[%mul3A_211, %dma_wait3A_216] : memref<5200x128xf32, #tpu.memory_space<vmem_shared>> -> memref<200x128xf32, #tpu.memory_space<vmem_shared>>
        tpu.wait_dma2 semaphore(%run_scoped3A : memref<!tpu.dma_semaphore, #tpu.memory_space<semaphore_mem>>) src(%arg15 : memref<200x128xf32, #tpu.memory_space<vmem>>) dst(%dma_wait3A_217 : memref<200x128xf32, #tpu.memory_space<vmem_shared>>)
        tpu.yield
      }) : () -> ()
    } else {
    }
    %barrier3A = arith.constant 0 : index
    tpu.barrier barrier_id(%barrier3A)
    %add3A_38 = arith.constant 0 : i32
    %add3A_39 = arith.addi %arg1, %add3A_38 : i32
    %mul3A = arith.constant 128 : i32
    %mul3A_40 = arith.muli %add3A_39, %mul3A : i32
    %eq3A = arith.constant 0 : i32
    %eq3A_41 = arith.cmpi eq, %arg0, %eq3A : i32
    %convert_element_type3A_42 = arith.extui %eq3A_41 : i1 to i32
    %cond3A_43 = arith.constant 0 : i32
    %cond3A_44 = arith.cmpi ne, %convert_element_type3A_42, %cond3A_43 : i32
    scf.if %cond3A_44 {
      %dma_start3A = tpu.memref_slice %arg4[%mul3A_40] : memref<160000xi32, #tpu.memory_space<hbm>> -> memref<128xi32, #tpu.memory_space<hbm>>
      %dma_start3A_210 = tpu.memref_slice %arg4[%mul3A_40] : memref<160000xi32, #tpu.memory_space<hbm>> -> memref<128xi32, #tpu.memory_space<hbm>>
      tpu.enqueue_dma source(%dma_start3A_210 : memref<128xi32, #tpu.memory_space<hbm>>) target(%arg9 : memref<128xi32, #tpu.memory_space<vmem>>) target_semaphore(%arg13 : memref<!tpu.dma_semaphore, #tpu.memory_space<semaphore_mem>>)
      %dma_start3A_211 = arith.constant 0 : i32
      %dma_start3A_212 = tpu.memref_slice %arg2[%mul3A_40, %dma_start3A_211] : memref<160000x128xf32, #tpu.memory_space<hbm>> -> memref<128x128xf32, #tpu.memory_space<hbm>>
      %dma_start3A_213 = arith.constant 0 : i32
      %dma_start3A_214 = tpu.memref_slice %arg2[%mul3A_40, %dma_start3A_213] : memref<160000x128xf32, #tpu.memory_space<hbm>> -> memref<128x128xf32, #tpu.memory_space<hbm>>
      tpu.enqueue_dma source(%dma_start3A_214 : memref<128x128xf32, #tpu.memory_space<hbm>>) target(%arg10 : memref<128x128xf32, #tpu.memory_space<vmem>>) target_semaphore(%arg13 : memref<!tpu.dma_semaphore, #tpu.memory_space<semaphore_mem>>)
    } else {
    }
    %eq3A_45 = arith.constant 1 : i32
    %eq3A_46 = arith.cmpi eq, %arg0, %eq3A_45 : i32
    %convert_element_type3A_47 = arith.extui %eq3A_46 : i1 to i32
    %cond3A_48 = arith.constant 0 : i32
    %cond3A_49 = arith.cmpi ne, %convert_element_type3A_47, %cond3A_48 : i32
    scf.if %cond3A_49 {
      %dma_start3A = tpu.memref_slice %arg6[%mul3A_40] : memref<160000xi32, #tpu.memory_space<hbm>> -> memref<128xi32, #tpu.memory_space<hbm>>
      %dma_start3A_210 = tpu.memref_slice %arg6[%mul3A_40] : memref<160000xi32, #tpu.memory_space<hbm>> -> memref<128xi32, #tpu.memory_space<hbm>>
      tpu.enqueue_dma source(%dma_start3A_210 : memref<128xi32, #tpu.memory_space<hbm>>) target(%arg9 : memref<128xi32, #tpu.memory_space<vmem>>) target_semaphore(%arg13 : memref<!tpu.dma_semaphore, #tpu.memory_space<semaphore_mem>>)
      %dma_start3A_211 = arith.constant 0 : i32
      %dma_start3A_212 = tpu.memref_slice %arg3[%mul3A_40, %dma_start3A_211] : memref<160000x128xf32, #tpu.memory_space<hbm>> -> memref<128x128xf32, #tpu.memory_space<hbm>>
      %dma_start3A_213 = arith.constant 0 : i32
      %dma_start3A_214 = tpu.memref_slice %arg3[%mul3A_40, %dma_start3A_213] : memref<160000x128xf32, #tpu.memory_space<hbm>> -> memref<128x128xf32, #tpu.memory_space<hbm>>
      tpu.enqueue_dma source(%dma_start3A_214 : memref<128x128xf32, #tpu.memory_space<hbm>>) target(%arg10 : memref<128x128xf32, #tpu.memory_space<vmem>>) target_semaphore(%arg13 : memref<!tpu.dma_semaphore, #tpu.memory_space<semaphore_mem>>)
    } else {
    }
    %add3A_50 = arith.constant 16 : i32
    %add3A_51 = arith.addi %arg1, %add3A_50 : i32
    %mul3A_52 = arith.constant 128 : i32
    %mul3A_53 = arith.muli %add3A_51, %mul3A_52 : i32
    %eq3A_54 = arith.constant 0 : i32
    %eq3A_55 = arith.cmpi eq, %arg0, %eq3A_54 : i32
    %convert_element_type3A_56 = arith.extui %eq3A_55 : i1 to i32
    %cond3A_57 = arith.constant 0 : i32
    %cond3A_58 = arith.cmpi ne, %convert_element_type3A_56, %cond3A_57 : i32
    scf.if %cond3A_58 {
      %dma_start3A = tpu.memref_slice %arg4[%mul3A_53] : memref<160000xi32, #tpu.memory_space<hbm>> -> memref<128xi32, #tpu.memory_space<hbm>>
      %dma_start3A_210 = tpu.memref_slice %arg4[%mul3A_53] : memref<160000xi32, #tpu.memory_space<hbm>> -> memref<128xi32, #tpu.memory_space<hbm>>
      tpu.enqueue_dma source(%dma_start3A_210 : memref<128xi32, #tpu.memory_space<hbm>>) target(%arg11 : memref<128xi32, #tpu.memory_space<vmem>>) target_semaphore(%arg14 : memref<!tpu.dma_semaphore, #tpu.memory_space<semaphore_mem>>)
      %dma_start3A_211 = arith.constant 0 : i32
      %dma_start3A_212 = tpu.memref_slice %arg2[%mul3A_53, %dma_start3A_211] : memref<160000x128xf32, #tpu.memory_space<hbm>> -> memref<128x128xf32, #tpu.memory_space<hbm>>
      %dma_start3A_213 = arith.constant 0 : i32
      %dma_start3A_214 = tpu.memref_slice %arg2[%mul3A_53, %dma_start3A_213] : memref<160000x128xf32, #tpu.memory_space<hbm>> -> memref<128x128xf32, #tpu.memory_space<hbm>>
      tpu.enqueue_dma source(%dma_start3A_214 : memref<128x128xf32, #tpu.memory_space<hbm>>) target(%arg12 : memref<128x128xf32, #tpu.memory_space<vmem>>) target_semaphore(%arg14 : memref<!tpu.dma_semaphore, #tpu.memory_space<semaphore_mem>>)
    } else {
    }
    %eq3A_59 = arith.constant 1 : i32
    %eq3A_60 = arith.cmpi eq, %arg0, %eq3A_59 : i32
    %convert_element_type3A_61 = arith.extui %eq3A_60 : i1 to i32
    %cond3A_62 = arith.constant 0 : i32
    %cond3A_63 = arith.cmpi ne, %convert_element_type3A_61, %cond3A_62 : i32
    scf.if %cond3A_63 {
      %dma_start3A = tpu.memref_slice %arg6[%mul3A_53] : memref<160000xi32, #tpu.memory_space<hbm>> -> memref<128xi32, #tpu.memory_space<hbm>>
      %dma_start3A_210 = tpu.memref_slice %arg6[%mul3A_53] : memref<160000xi32, #tpu.memory_space<hbm>> -> memref<128xi32, #tpu.memory_space<hbm>>
      tpu.enqueue_dma source(%dma_start3A_210 : memref<128xi32, #tpu.memory_space<hbm>>) target(%arg11 : memref<128xi32, #tpu.memory_space<vmem>>) target_semaphore(%arg14 : memref<!tpu.dma_semaphore, #tpu.memory_space<semaphore_mem>>)
      %dma_start3A_211 = arith.constant 0 : i32
      %dma_start3A_212 = tpu.memref_slice %arg3[%mul3A_53, %dma_start3A_211] : memref<160000x128xf32, #tpu.memory_space<hbm>> -> memref<128x128xf32, #tpu.memory_space<hbm>>
      %dma_start3A_213 = arith.constant 0 : i32
      %dma_start3A_214 = tpu.memref_slice %arg3[%mul3A_53, %dma_start3A_213] : memref<160000x128xf32, #tpu.memory_space<hbm>> -> memref<128x128xf32, #tpu.memory_space<hbm>>
      tpu.enqueue_dma source(%dma_start3A_214 : memref<128x128xf32, #tpu.memory_space<hbm>>) target(%arg12 : memref<128x128xf32, #tpu.memory_space<vmem>>) target_semaphore(%arg14 : memref<!tpu.dma_semaphore, #tpu.memory_space<semaphore_mem>>)
    } else {
    }
    %add3A_64 = arith.constant 1 : i32
    %add3A_65 = arith.addi %select_n3A, %add3A_64 : i32
    %jit3A_66 = arith.constant 2 : i32
    %div3A_67 = arith.divsi %add3A_65, %jit3A_66 : i32
    %sign3A_68 = arith.constant 0 : i32
    %sign3A_69 = arith.cmpi sgt, %add3A_65, %sign3A_68 : i32
    %sign3A_70 = arith.extui %sign3A_69 : i1 to i32
    %sign3A_71 = arith.constant 0 : i32
    %sign3A_72 = arith.cmpi slt, %add3A_65, %sign3A_71 : i32
    %sign3A_73 = arith.extui %sign3A_72 : i1 to i32
    %sign3A_74 = arith.subi %sign3A_70, %sign3A_73 : i32
    %sign3A_75 = arith.constant 0 : i32
    %sign3A_76 = arith.cmpi sgt, %jit3A_66, %sign3A_75 : i32
    %sign3A_77 = arith.extui %sign3A_76 : i1 to i32
    %sign3A_78 = arith.constant 0 : i32
    %sign3A_79 = arith.cmpi slt, %jit3A_66, %sign3A_78 : i32
    %sign3A_80 = arith.extui %sign3A_79 : i1 to i32
    %sign3A_81 = arith.subi %sign3A_77, %sign3A_80 : i32
    %ne3A_82 = arith.cmpi ne, %sign3A_74, %sign3A_81 : i32
    %rem3A_83 = arith.remsi %add3A_65, %jit3A_66 : i32
    %ne3A_84 = arith.constant 0 : i32
    %ne3A_85 = arith.cmpi ne, %rem3A_83, %ne3A_84 : i32
    %and3A_86 = arith.andi %ne3A_82, %ne3A_85 : i1
    %sub3A_87 = arith.constant 1 : i32
    %sub3A_88 = arith.subi %div3A_67, %sub3A_87 : i32
    %select_n3A_89 = arith.select %and3A_86, %sub3A_88, %div3A_67 : i32
    %while3A = arith.constant 0 : i32
    %while3A_90 = arith.constant 0 : i32
    %while3A_91 = arith.subi %select_n3A_89, %while3A_90 : i32
    %while3A_92 = arith.addi %while3A_90, %while3A_91 : i32
    %while3A_93 = arith.constant 1 : i32
    %while3A_94 = arith.divsi %while3A_91, %while3A_93 : i32
    %while3A_95 = arith.muli %while3A_94, %while3A_93 : i32
    %while3A_96 = arith.addi %while3A_90, %while3A_95 : i32
    %while3A_97 = arith.constant 1 : i32
    scf.for %while3A_210 = %while3A_90 to %while3A_96 step %while3A_97  : i32 {
      %mul3A_211 = arith.constant 2 : i32
      %mul3A_212 = arith.muli %while3A_210, %mul3A_211 : i32
      %add3A_213 = arith.constant 0 : i32
      %add3A_214 = arith.addi %mul3A_212, %add3A_213 : i32
      %lt3A_215 = arith.cmpi slt, %add3A_214, %select_n3A : i32
      %convert_element_type3A_216 = arith.extui %lt3A_215 : i1 to i32
      %cond3A_217 = arith.constant 0 : i32
      %cond3A_218 = arith.cmpi ne, %convert_element_type3A_216, %cond3A_217 : i32
      scf.if %cond3A_218 {
        %mul3A_227 = arith.constant 16 : i32
        %mul3A_228 = arith.muli %add3A_214, %mul3A_227 : i32
        %add3A_229 = arith.addi %arg1, %mul3A_228 : i32
        %mul3A_230 = arith.constant 128 : i32
        %mul3A_231 = arith.muli %add3A_229, %mul3A_230 : i32
        %dma_wait3A = tpu.memref_slice %arg4[%mul3A_231] : memref<160000xi32, #tpu.memory_space<hbm>> -> memref<128xi32, #tpu.memory_space<hbm>>
        %dma_wait3A_232 = tpu.memref_slice %arg4[%mul3A_231] : memref<160000xi32, #tpu.memory_space<hbm>> -> memref<128xi32, #tpu.memory_space<hbm>>
        tpu.wait_dma2 semaphore(%arg13 : memref<!tpu.dma_semaphore, #tpu.memory_space<semaphore_mem>>) src(%dma_wait3A_232 : memref<128xi32, #tpu.memory_space<hbm>>) dst(%arg9 : memref<128xi32, #tpu.memory_space<vmem>>)
        %dma_wait3A_233 = arith.constant 0 : i32
        %dma_wait3A_234 = tpu.memref_slice %arg2[%mul3A_231, %dma_wait3A_233] : memref<160000x128xf32, #tpu.memory_space<hbm>> -> memref<128x128xf32, #tpu.memory_space<hbm>>
        %dma_wait3A_235 = arith.constant 0 : i32
        %dma_wait3A_236 = tpu.memref_slice %arg2[%mul3A_231, %dma_wait3A_235] : memref<160000x128xf32, #tpu.memory_space<hbm>> -> memref<128x128xf32, #tpu.memory_space<hbm>>
        tpu.wait_dma2 semaphore(%arg13 : memref<!tpu.dma_semaphore, #tpu.memory_space<semaphore_mem>>) src(%dma_wait3A_236 : memref<128x128xf32, #tpu.memory_space<hbm>>) dst(%arg10 : memref<128x128xf32, #tpu.memory_space<vmem>>)
        "tpu.region"() ({
          %run_scoped3A = tpu.sem_alloc : memref<!tpu.dma_semaphore, #tpu.memory_space<semaphore_mem>>
          %dma_start3A = arith.constant 0 : i32
          %dma_start3A_243 = arith.constant 0 : i32
          %dma_start3A_244 = tpu.memref_slice %arg16[%dma_start3A, %dma_start3A_243] : memref<5200x128xf32, #tpu.memory_space<vmem_shared>> -> memref<5200x128xf32, #tpu.memory_space<vmem_shared>>
          tpu.enqueue_indirect_dma source(%arg10 : memref<128x128xf32, #tpu.memory_space<vmem>>) target(%dma_start3A_244 : memref<5200x128xf32, #tpu.memory_space<vmem_shared>>) offsets(%arg9 : memref<128xi32, #tpu.memory_space<vmem>>) semaphore(%run_scoped3A : memref<!tpu.dma_semaphore, #tpu.memory_space<semaphore_mem>>) {add = true}
          %dma_wait3A_245 = arith.constant 0 : i32
          %dma_wait3A_246 = arith.constant 0 : i32
          %dma_wait3A_247 = tpu.memref_slice %arg16[%dma_wait3A_245, %dma_wait3A_246] : memref<5200x128xf32, #tpu.memory_space<vmem_shared>> -> memref<5200x128xf32, #tpu.memory_space<vmem_shared>>
          tpu.wait_indirect_dma semaphore(%run_scoped3A : memref<!tpu.dma_semaphore, #tpu.memory_space<semaphore_mem>>) src(%arg10 : memref<128x128xf32, #tpu.memory_space<vmem>>) dst(%dma_wait3A_247 : memref<5200x128xf32, #tpu.memory_space<vmem_shared>>)
          tpu.yield
        }) : () -> ()
        %add3A_237 = arith.constant 2 : i32
        %add3A_238 = arith.addi %add3A_214, %add3A_237 : i32
        %lt3A_239 = arith.cmpi slt, %add3A_238, %select_n3A : i32
        %convert_element_type3A_240 = arith.extui %lt3A_239 : i1 to i32
        %cond3A_241 = arith.constant 0 : i32
        %cond3A_242 = arith.cmpi ne, %convert_element_type3A_240, %cond3A_241 : i32
        scf.if %cond3A_242 {
          %add3A_243 = arith.constant 2 : i32
          %add3A_244 = arith.addi %add3A_214, %add3A_243 : i32
          %mul3A_245 = arith.constant 16 : i32
          %mul3A_246 = arith.muli %add3A_244, %mul3A_245 : i32
          %add3A_247 = arith.addi %arg1, %mul3A_246 : i32
          %mul3A_248 = arith.constant 128 : i32
          %mul3A_249 = arith.muli %add3A_247, %mul3A_248 : i32
          %eq3A_250 = arith.constant 0 : i32
          %eq3A_251 = arith.cmpi eq, %arg0, %eq3A_250 : i32
          %convert_element_type3A_252 = arith.extui %eq3A_251 : i1 to i32
          %cond3A_253 = arith.constant 0 : i32
          %cond3A_254 = arith.cmpi ne, %convert_element_type3A_252, %cond3A_253 : i32
          scf.if %cond3A_254 {
            %dma_start3A = tpu.memref_slice %arg4[%mul3A_249] : memref<160000xi32, #tpu.memory_space<hbm>> -> memref<128xi32, #tpu.memory_space<hbm>>
            %dma_start3A_260 = tpu.memref_slice %arg4[%mul3A_249] : memref<160000xi32, #tpu.memory_space<hbm>> -> memref<128xi32, #tpu.memory_space<hbm>>
            tpu.enqueue_dma source(%dma_start3A_260 : memref<128xi32, #tpu.memory_space<hbm>>) target(%arg9 : memref<128xi32, #tpu.memory_space<vmem>>) target_semaphore(%arg13 : memref<!tpu.dma_semaphore, #tpu.memory_space<semaphore_mem>>)
            %dma_start3A_261 = arith.constant 0 : i32
            %dma_start3A_262 = tpu.memref_slice %arg2[%mul3A_249, %dma_start3A_261] : memref<160000x128xf32, #tpu.memory_space<hbm>> -> memref<128x128xf32, #tpu.memory_space<hbm>>
            %dma_start3A_263 = arith.constant 0 : i32
            %dma_start3A_264 = tpu.memref_slice %arg2[%mul3A_249, %dma_start3A_263] : memref<160000x128xf32, #tpu.memory_space<hbm>> -> memref<128x128xf32, #tpu.memory_space<hbm>>
            tpu.enqueue_dma source(%dma_start3A_264 : memref<128x128xf32, #tpu.memory_space<hbm>>) target(%arg10 : memref<128x128xf32, #tpu.memory_space<vmem>>) target_semaphore(%arg13 : memref<!tpu.dma_semaphore, #tpu.memory_space<semaphore_mem>>)
          } else {
          }
          %eq3A_255 = arith.constant 1 : i32
          %eq3A_256 = arith.cmpi eq, %arg0, %eq3A_255 : i32
          %convert_element_type3A_257 = arith.extui %eq3A_256 : i1 to i32
          %cond3A_258 = arith.constant 0 : i32
          %cond3A_259 = arith.cmpi ne, %convert_element_type3A_257, %cond3A_258 : i32
          scf.if %cond3A_259 {
            %dma_start3A = tpu.memref_slice %arg6[%mul3A_249] : memref<160000xi32, #tpu.memory_space<hbm>> -> memref<128xi32, #tpu.memory_space<hbm>>
            %dma_start3A_260 = tpu.memref_slice %arg6[%mul3A_249] : memref<160000xi32, #tpu.memory_space<hbm>> -> memref<128xi32, #tpu.memory_space<hbm>>
            tpu.enqueue_dma source(%dma_start3A_260 : memref<128xi32, #tpu.memory_space<hbm>>) target(%arg9 : memref<128xi32, #tpu.memory_space<vmem>>) target_semaphore(%arg13 : memref<!tpu.dma_semaphore, #tpu.memory_space<semaphore_mem>>)
            %dma_start3A_261 = arith.constant 0 : i32
            %dma_start3A_262 = tpu.memref_slice %arg3[%mul3A_249, %dma_start3A_261] : memref<160000x128xf32, #tpu.memory_space<hbm>> -> memref<128x128xf32, #tpu.memory_space<hbm>>
            %dma_start3A_263 = arith.constant 0 : i32
            %dma_start3A_264 = tpu.memref_slice %arg3[%mul3A_249, %dma_start3A_263] : memref<160000x128xf32, #tpu.memory_space<hbm>> -> memref<128x128xf32, #tpu.memory_space<hbm>>
            tpu.enqueue_dma source(%dma_start3A_264 : memref<128x128xf32, #tpu.memory_space<hbm>>) target(%arg10 : memref<128x128xf32, #tpu.memory_space<vmem>>) target_semaphore(%arg13 : memref<!tpu.dma_semaphore, #tpu.memory_space<semaphore_mem>>)
          } else {
          }
        } else {
        }
      } else {
      }
      %mul3A_219 = arith.constant 2 : i32
      %mul3A_220 = arith.muli %while3A_210, %mul3A_219 : i32
      %add3A_221 = arith.constant 1 : i32
      %add3A_222 = arith.addi %mul3A_220, %add3A_221 : i32
      %lt3A_223 = arith.cmpi slt, %add3A_222, %select_n3A : i32
      %convert_element_type3A_224 = arith.extui %lt3A_223 : i1 to i32
      %cond3A_225 = arith.constant 0 : i32
      %cond3A_226 = arith.cmpi ne, %convert_element_type3A_224, %cond3A_225 : i32
      scf.if %cond3A_226 {
        %mul3A_227 = arith.constant 16 : i32
        %mul3A_228 = arith.muli %add3A_222, %mul3A_227 : i32
        %add3A_229 = arith.addi %arg1, %mul3A_228 : i32
        %mul3A_230 = arith.constant 128 : i32
        %mul3A_231 = arith.muli %add3A_229, %mul3A_230 : i32
        %dma_wait3A = tpu.memref_slice %arg4[%mul3A_231] : memref<160000xi32, #tpu.memory_space<hbm>> -> memref<128xi32, #tpu.memory_space<hbm>>
        %dma_wait3A_232 = tpu.memref_slice %arg4[%mul3A_231] : memref<160000xi32, #tpu.memory_space<hbm>> -> memref<128xi32, #tpu.memory_space<hbm>>
        tpu.wait_dma2 semaphore(%arg14 : memref<!tpu.dma_semaphore, #tpu.memory_space<semaphore_mem>>) src(%dma_wait3A_232 : memref<128xi32, #tpu.memory_space<hbm>>) dst(%arg11 : memref<128xi32, #tpu.memory_space<vmem>>)
        %dma_wait3A_233 = arith.constant 0 : i32
        %dma_wait3A_234 = tpu.memref_slice %arg2[%mul3A_231, %dma_wait3A_233] : memref<160000x128xf32, #tpu.memory_space<hbm>> -> memref<128x128xf32, #tpu.memory_space<hbm>>
        %dma_wait3A_235 = arith.constant 0 : i32
        %dma_wait3A_236 = tpu.memref_slice %arg2[%mul3A_231, %dma_wait3A_235] : memref<160000x128xf32, #tpu.memory_space<hbm>> -> memref<128x128xf32, #tpu.memory_space<hbm>>
        tpu.wait_dma2 semaphore(%arg14 : memref<!tpu.dma_semaphore, #tpu.memory_space<semaphore_mem>>) src(%dma_wait3A_236 : memref<128x128xf32, #tpu.memory_space<hbm>>) dst(%arg12 : memref<128x128xf32, #tpu.memory_space<vmem>>)
        "tpu.region"() ({
          %run_scoped3A = tpu.sem_alloc : memref<!tpu.dma_semaphore, #tpu.memory_space<semaphore_mem>>
          %dma_start3A = arith.constant 0 : i32
          %dma_start3A_243 = arith.constant 0 : i32
          %dma_start3A_244 = tpu.memref_slice %arg16[%dma_start3A, %dma_start3A_243] : memref<5200x128xf32, #tpu.memory_space<vmem_shared>> -> memref<5200x128xf32, #tpu.memory_space<vmem_shared>>
          tpu.enqueue_indirect_dma source(%arg12 : memref<128x128xf32, #tpu.memory_space<vmem>>) target(%dma_start3A_244 : memref<5200x128xf32, #tpu.memory_space<vmem_shared>>) offsets(%arg11 : memref<128xi32, #tpu.memory_space<vmem>>) semaphore(%run_scoped3A : memref<!tpu.dma_semaphore, #tpu.memory_space<semaphore_mem>>) {add = true}
          %dma_wait3A_245 = arith.constant 0 : i32
          %dma_wait3A_246 = arith.constant 0 : i32
          %dma_wait3A_247 = tpu.memref_slice %arg16[%dma_wait3A_245, %dma_wait3A_246] : memref<5200x128xf32, #tpu.memory_space<vmem_shared>> -> memref<5200x128xf32, #tpu.memory_space<vmem_shared>>
          tpu.wait_indirect_dma semaphore(%run_scoped3A : memref<!tpu.dma_semaphore, #tpu.memory_space<semaphore_mem>>) src(%arg12 : memref<128x128xf32, #tpu.memory_space<vmem>>) dst(%dma_wait3A_247 : memref<5200x128xf32, #tpu.memory_space<vmem_shared>>)
          tpu.yield
        }) : () -> ()
        %add3A_237 = arith.constant 2 : i32
        %add3A_238 = arith.addi %add3A_222, %add3A_237 : i32
        %lt3A_239 = arith.cmpi slt, %add3A_238, %select_n3A : i32
        %convert_element_type3A_240 = arith.extui %lt3A_239 : i1 to i32
        %cond3A_241 = arith.constant 0 : i32
        %cond3A_242 = arith.cmpi ne, %convert_element_type3A_240, %cond3A_241 : i32
        scf.if %cond3A_242 {
          %add3A_243 = arith.constant 2 : i32
          %add3A_244 = arith.addi %add3A_222, %add3A_243 : i32
          %mul3A_245 = arith.constant 16 : i32
          %mul3A_246 = arith.muli %add3A_244, %mul3A_245 : i32
          %add3A_247 = arith.addi %arg1, %mul3A_246 : i32
          %mul3A_248 = arith.constant 128 : i32
          %mul3A_249 = arith.muli %add3A_247, %mul3A_248 : i32
          %eq3A_250 = arith.constant 0 : i32
          %eq3A_251 = arith.cmpi eq, %arg0, %eq3A_250 : i32
          %convert_element_type3A_252 = arith.extui %eq3A_251 : i1 to i32
          %cond3A_253 = arith.constant 0 : i32
          %cond3A_254 = arith.cmpi ne, %convert_element_type3A_252, %cond3A_253 : i32
          scf.if %cond3A_254 {
            %dma_start3A = tpu.memref_slice %arg4[%mul3A_249] : memref<160000xi32, #tpu.memory_space<hbm>> -> memref<128xi32, #tpu.memory_space<hbm>>
            %dma_start3A_260 = tpu.memref_slice %arg4[%mul3A_249] : memref<160000xi32, #tpu.memory_space<hbm>> -> memref<128xi32, #tpu.memory_space<hbm>>
            tpu.enqueue_dma source(%dma_start3A_260 : memref<128xi32, #tpu.memory_space<hbm>>) target(%arg11 : memref<128xi32, #tpu.memory_space<vmem>>) target_semaphore(%arg14 : memref<!tpu.dma_semaphore, #tpu.memory_space<semaphore_mem>>)
            %dma_start3A_261 = arith.constant 0 : i32
            %dma_start3A_262 = tpu.memref_slice %arg2[%mul3A_249, %dma_start3A_261] : memref<160000x128xf32, #tpu.memory_space<hbm>> -> memref<128x128xf32, #tpu.memory_space<hbm>>
            %dma_start3A_263 = arith.constant 0 : i32
            %dma_start3A_264 = tpu.memref_slice %arg2[%mul3A_249, %dma_start3A_263] : memref<160000x128xf32, #tpu.memory_space<hbm>> -> memref<128x128xf32, #tpu.memory_space<hbm>>
            tpu.enqueue_dma source(%dma_start3A_264 : memref<128x128xf32, #tpu.memory_space<hbm>>) target(%arg12 : memref<128x128xf32, #tpu.memory_space<vmem>>) target_semaphore(%arg14 : memref<!tpu.dma_semaphore, #tpu.memory_space<semaphore_mem>>)
          } else {
          }
          %eq3A_255 = arith.constant 1 : i32
          %eq3A_256 = arith.cmpi eq, %arg0, %eq3A_255 : i32
          %convert_element_type3A_257 = arith.extui %eq3A_256 : i1 to i32
          %cond3A_258 = arith.constant 0 : i32
          %cond3A_259 = arith.cmpi ne, %convert_element_type3A_257, %cond3A_258 : i32
          scf.if %cond3A_259 {
            %dma_start3A = tpu.memref_slice %arg6[%mul3A_249] : memref<160000xi32, #tpu.memory_space<hbm>> -> memref<128xi32, #tpu.memory_space<hbm>>
            %dma_start3A_260 = tpu.memref_slice %arg6[%mul3A_249] : memref<160000xi32, #tpu.memory_space<hbm>> -> memref<128xi32, #tpu.memory_space<hbm>>
            tpu.enqueue_dma source(%dma_start3A_260 : memref<128xi32, #tpu.memory_space<hbm>>) target(%arg11 : memref<128xi32, #tpu.memory_space<vmem>>) target_semaphore(%arg14 : memref<!tpu.dma_semaphore, #tpu.memory_space<semaphore_mem>>)
            %dma_start3A_261 = arith.constant 0 : i32
            %dma_start3A_262 = tpu.memref_slice %arg3[%mul3A_249, %dma_start3A_261] : memref<160000x128xf32, #tpu.memory_space<hbm>> -> memref<128x128xf32, #tpu.memory_space<hbm>>
            %dma_start3A_263 = arith.constant 0 : i32
            %dma_start3A_264 = tpu.memref_slice %arg3[%mul3A_249, %dma_start3A_263] : memref<160000x128xf32, #tpu.memory_space<hbm>> -> memref<128x128xf32, #tpu.memory_space<hbm>>
            tpu.enqueue_dma source(%dma_start3A_264 : memref<128x128xf32, #tpu.memory_space<hbm>>) target(%arg12 : memref<128x128xf32, #tpu.memory_space<vmem>>) target_semaphore(%arg14 : memref<!tpu.dma_semaphore, #tpu.memory_space<semaphore_mem>>)
          } else {
          }
        } else {
        }
      } else {
      }
    }
    %while3A_98 = arith.constant 1 : i32
    scf.for %while3A_210 = %while3A_96 to %while3A_92 step %while3A_98  : i32 {
      %mul3A_211 = arith.constant 2 : i32
      %mul3A_212 = arith.muli %while3A_210, %mul3A_211 : i32
      %add3A_213 = arith.constant 0 : i32
      %add3A_214 = arith.addi %mul3A_212, %add3A_213 : i32
      %lt3A_215 = arith.cmpi slt, %add3A_214, %select_n3A : i32
      %convert_element_type3A_216 = arith.extui %lt3A_215 : i1 to i32
      %cond3A_217 = arith.constant 0 : i32
      %cond3A_218 = arith.cmpi ne, %convert_element_type3A_216, %cond3A_217 : i32
      scf.if %cond3A_218 {
        %mul3A_227 = arith.constant 16 : i32
        %mul3A_228 = arith.muli %add3A_214, %mul3A_227 : i32
        %add3A_229 = arith.addi %arg1, %mul3A_228 : i32
        %mul3A_230 = arith.constant 128 : i32
        %mul3A_231 = arith.muli %add3A_229, %mul3A_230 : i32
        %dma_wait3A = tpu.memref_slice %arg4[%mul3A_231] : memref<160000xi32, #tpu.memory_space<hbm>> -> memref<128xi32, #tpu.memory_space<hbm>>
        %dma_wait3A_232 = tpu.memref_slice %arg4[%mul3A_231] : memref<160000xi32, #tpu.memory_space<hbm>> -> memref<128xi32, #tpu.memory_space<hbm>>
        tpu.wait_dma2 semaphore(%arg13 : memref<!tpu.dma_semaphore, #tpu.memory_space<semaphore_mem>>) src(%dma_wait3A_232 : memref<128xi32, #tpu.memory_space<hbm>>) dst(%arg9 : memref<128xi32, #tpu.memory_space<vmem>>)
        %dma_wait3A_233 = arith.constant 0 : i32
        %dma_wait3A_234 = tpu.memref_slice %arg2[%mul3A_231, %dma_wait3A_233] : memref<160000x128xf32, #tpu.memory_space<hbm>> -> memref<128x128xf32, #tpu.memory_space<hbm>>
        %dma_wait3A_235 = arith.constant 0 : i32
        %dma_wait3A_236 = tpu.memref_slice %arg2[%mul3A_231, %dma_wait3A_235] : memref<160000x128xf32, #tpu.memory_space<hbm>> -> memref<128x128xf32, #tpu.memory_space<hbm>>
        tpu.wait_dma2 semaphore(%arg13 : memref<!tpu.dma_semaphore, #tpu.memory_space<semaphore_mem>>) src(%dma_wait3A_236 : memref<128x128xf32, #tpu.memory_space<hbm>>) dst(%arg10 : memref<128x128xf32, #tpu.memory_space<vmem>>)
        "tpu.region"() ({
          %run_scoped3A = tpu.sem_alloc : memref<!tpu.dma_semaphore, #tpu.memory_space<semaphore_mem>>
          %dma_start3A = arith.constant 0 : i32
          %dma_start3A_243 = arith.constant 0 : i32
          %dma_start3A_244 = tpu.memref_slice %arg16[%dma_start3A, %dma_start3A_243] : memref<5200x128xf32, #tpu.memory_space<vmem_shared>> -> memref<5200x128xf32, #tpu.memory_space<vmem_shared>>
          tpu.enqueue_indirect_dma source(%arg10 : memref<128x128xf32, #tpu.memory_space<vmem>>) target(%dma_start3A_244 : memref<5200x128xf32, #tpu.memory_space<vmem_shared>>) offsets(%arg9 : memref<128xi32, #tpu.memory_space<vmem>>) semaphore(%run_scoped3A : memref<!tpu.dma_semaphore, #tpu.memory_space<semaphore_mem>>) {add = true}
          %dma_wait3A_245 = arith.constant 0 : i32
          %dma_wait3A_246 = arith.constant 0 : i32
          %dma_wait3A_247 = tpu.memref_slice %arg16[%dma_wait3A_245, %dma_wait3A_246] : memref<5200x128xf32, #tpu.memory_space<vmem_shared>> -> memref<5200x128xf32, #tpu.memory_space<vmem_shared>>
          tpu.wait_indirect_dma semaphore(%run_scoped3A : memref<!tpu.dma_semaphore, #tpu.memory_space<semaphore_mem>>) src(%arg10 : memref<128x128xf32, #tpu.memory_space<vmem>>) dst(%dma_wait3A_247 : memref<5200x128xf32, #tpu.memory_space<vmem_shared>>)
          tpu.yield
        }) : () -> ()
        %add3A_237 = arith.constant 2 : i32
        %add3A_238 = arith.addi %add3A_214, %add3A_237 : i32
        %lt3A_239 = arith.cmpi slt, %add3A_238, %select_n3A : i32
        %convert_element_type3A_240 = arith.extui %lt3A_239 : i1 to i32
        %cond3A_241 = arith.constant 0 : i32
        %cond3A_242 = arith.cmpi ne, %convert_element_type3A_240, %cond3A_241 : i32
        scf.if %cond3A_242 {
          %add3A_243 = arith.constant 2 : i32
          %add3A_244 = arith.addi %add3A_214, %add3A_243 : i32
          %mul3A_245 = arith.constant 16 : i32
          %mul3A_246 = arith.muli %add3A_244, %mul3A_245 : i32
          %add3A_247 = arith.addi %arg1, %mul3A_246 : i32
          %mul3A_248 = arith.constant 128 : i32
          %mul3A_249 = arith.muli %add3A_247, %mul3A_248 : i32
          %eq3A_250 = arith.constant 0 : i32
          %eq3A_251 = arith.cmpi eq, %arg0, %eq3A_250 : i32
          %convert_element_type3A_252 = arith.extui %eq3A_251 : i1 to i32
          %cond3A_253 = arith.constant 0 : i32
          %cond3A_254 = arith.cmpi ne, %convert_element_type3A_252, %cond3A_253 : i32
          scf.if %cond3A_254 {
            %dma_start3A = tpu.memref_slice %arg4[%mul3A_249] : memref<160000xi32, #tpu.memory_space<hbm>> -> memref<128xi32, #tpu.memory_space<hbm>>
            %dma_start3A_260 = tpu.memref_slice %arg4[%mul3A_249] : memref<160000xi32, #tpu.memory_space<hbm>> -> memref<128xi32, #tpu.memory_space<hbm>>
            tpu.enqueue_dma source(%dma_start3A_260 : memref<128xi32, #tpu.memory_space<hbm>>) target(%arg9 : memref<128xi32, #tpu.memory_space<vmem>>) target_semaphore(%arg13 : memref<!tpu.dma_semaphore, #tpu.memory_space<semaphore_mem>>)
            %dma_start3A_261 = arith.constant 0 : i32
            %dma_start3A_262 = tpu.memref_slice %arg2[%mul3A_249, %dma_start3A_261] : memref<160000x128xf32, #tpu.memory_space<hbm>> -> memref<128x128xf32, #tpu.memory_space<hbm>>
            %dma_start3A_263 = arith.constant 0 : i32
            %dma_start3A_264 = tpu.memref_slice %arg2[%mul3A_249, %dma_start3A_263] : memref<160000x128xf32, #tpu.memory_space<hbm>> -> memref<128x128xf32, #tpu.memory_space<hbm>>
            tpu.enqueue_dma source(%dma_start3A_264 : memref<128x128xf32, #tpu.memory_space<hbm>>) target(%arg10 : memref<128x128xf32, #tpu.memory_space<vmem>>) target_semaphore(%arg13 : memref<!tpu.dma_semaphore, #tpu.memory_space<semaphore_mem>>)
          } else {
          }
          %eq3A_255 = arith.constant 1 : i32
          %eq3A_256 = arith.cmpi eq, %arg0, %eq3A_255 : i32
          %convert_element_type3A_257 = arith.extui %eq3A_256 : i1 to i32
          %cond3A_258 = arith.constant 0 : i32
          %cond3A_259 = arith.cmpi ne, %convert_element_type3A_257, %cond3A_258 : i32
          scf.if %cond3A_259 {
            %dma_start3A = tpu.memref_slice %arg6[%mul3A_249] : memref<160000xi32, #tpu.memory_space<hbm>> -> memref<128xi32, #tpu.memory_space<hbm>>
            %dma_start3A_260 = tpu.memref_slice %arg6[%mul3A_249] : memref<160000xi32, #tpu.memory_space<hbm>> -> memref<128xi32, #tpu.memory_space<hbm>>
            tpu.enqueue_dma source(%dma_start3A_260 : memref<128xi32, #tpu.memory_space<hbm>>) target(%arg9 : memref<128xi32, #tpu.memory_space<vmem>>) target_semaphore(%arg13 : memref<!tpu.dma_semaphore, #tpu.memory_space<semaphore_mem>>)
            %dma_start3A_261 = arith.constant 0 : i32
            %dma_start3A_262 = tpu.memref_slice %arg3[%mul3A_249, %dma_start3A_261] : memref<160000x128xf32, #tpu.memory_space<hbm>> -> memref<128x128xf32, #tpu.memory_space<hbm>>
            %dma_start3A_263 = arith.constant 0 : i32
            %dma_start3A_264 = tpu.memref_slice %arg3[%mul3A_249, %dma_start3A_263] : memref<160000x128xf32, #tpu.memory_space<hbm>> -> memref<128x128xf32, #tpu.memory_space<hbm>>
            tpu.enqueue_dma source(%dma_start3A_264 : memref<128x128xf32, #tpu.memory_space<hbm>>) target(%arg10 : memref<128x128xf32, #tpu.memory_space<vmem>>) target_semaphore(%arg13 : memref<!tpu.dma_semaphore, #tpu.memory_space<semaphore_mem>>)
          } else {
          }
        } else {
        }
      } else {
      }
      %mul3A_219 = arith.constant 2 : i32
      %mul3A_220 = arith.muli %while3A_210, %mul3A_219 : i32
      %add3A_221 = arith.constant 1 : i32
      %add3A_222 = arith.addi %mul3A_220, %add3A_221 : i32
      %lt3A_223 = arith.cmpi slt, %add3A_222, %select_n3A : i32
      %convert_element_type3A_224 = arith.extui %lt3A_223 : i1 to i32
      %cond3A_225 = arith.constant 0 : i32
      %cond3A_226 = arith.cmpi ne, %convert_element_type3A_224, %cond3A_225 : i32
      scf.if %cond3A_226 {
        %mul3A_227 = arith.constant 16 : i32
        %mul3A_228 = arith.muli %add3A_222, %mul3A_227 : i32
        %add3A_229 = arith.addi %arg1, %mul3A_228 : i32
        %mul3A_230 = arith.constant 128 : i32
        %mul3A_231 = arith.muli %add3A_229, %mul3A_230 : i32
        %dma_wait3A = tpu.memref_slice %arg4[%mul3A_231] : memref<160000xi32, #tpu.memory_space<hbm>> -> memref<128xi32, #tpu.memory_space<hbm>>
        %dma_wait3A_232 = tpu.memref_slice %arg4[%mul3A_231] : memref<160000xi32, #tpu.memory_space<hbm>> -> memref<128xi32, #tpu.memory_space<hbm>>
        tpu.wait_dma2 semaphore(%arg14 : memref<!tpu.dma_semaphore, #tpu.memory_space<semaphore_mem>>) src(%dma_wait3A_232 : memref<128xi32, #tpu.memory_space<hbm>>) dst(%arg11 : memref<128xi32, #tpu.memory_space<vmem>>)
        %dma_wait3A_233 = arith.constant 0 : i32
        %dma_wait3A_234 = tpu.memref_slice %arg2[%mul3A_231, %dma_wait3A_233] : memref<160000x128xf32, #tpu.memory_space<hbm>> -> memref<128x128xf32, #tpu.memory_space<hbm>>
        %dma_wait3A_235 = arith.constant 0 : i32
        %dma_wait3A_236 = tpu.memref_slice %arg2[%mul3A_231, %dma_wait3A_235] : memref<160000x128xf32, #tpu.memory_space<hbm>> -> memref<128x128xf32, #tpu.memory_space<hbm>>
        tpu.wait_dma2 semaphore(%arg14 : memref<!tpu.dma_semaphore, #tpu.memory_space<semaphore_mem>>) src(%dma_wait3A_236 : memref<128x128xf32, #tpu.memory_space<hbm>>) dst(%arg12 : memref<128x128xf32, #tpu.memory_space<vmem>>)
        "tpu.region"() ({
          %run_scoped3A = tpu.sem_alloc : memref<!tpu.dma_semaphore, #tpu.memory_space<semaphore_mem>>
          %dma_start3A = arith.constant 0 : i32
          %dma_start3A_243 = arith.constant 0 : i32
          %dma_start3A_244 = tpu.memref_slice %arg16[%dma_start3A, %dma_start3A_243] : memref<5200x128xf32, #tpu.memory_space<vmem_shared>> -> memref<5200x128xf32, #tpu.memory_space<vmem_shared>>
          tpu.enqueue_indirect_dma source(%arg12 : memref<128x128xf32, #tpu.memory_space<vmem>>) target(%dma_start3A_244 : memref<5200x128xf32, #tpu.memory_space<vmem_shared>>) offsets(%arg11 : memref<128xi32, #tpu.memory_space<vmem>>) semaphore(%run_scoped3A : memref<!tpu.dma_semaphore, #tpu.memory_space<semaphore_mem>>) {add = true}
          %dma_wait3A_245 = arith.constant 0 : i32
          %dma_wait3A_246 = arith.constant 0 : i32
          %dma_wait3A_247 = tpu.memref_slice %arg16[%dma_wait3A_245, %dma_wait3A_246] : memref<5200x128xf32, #tpu.memory_space<vmem_shared>> -> memref<5200x128xf32, #tpu.memory_space<vmem_shared>>
          tpu.wait_indirect_dma semaphore(%run_scoped3A : memref<!tpu.dma_semaphore, #tpu.memory_space<semaphore_mem>>) src(%arg12 : memref<128x128xf32, #tpu.memory_space<vmem>>) dst(%dma_wait3A_247 : memref<5200x128xf32, #tpu.memory_space<vmem_shared>>)
          tpu.yield
        }) : () -> ()
        %add3A_237 = arith.constant 2 : i32
        %add3A_238 = arith.addi %add3A_222, %add3A_237 : i32
        %lt3A_239 = arith.cmpi slt, %add3A_238, %select_n3A : i32
        %convert_element_type3A_240 = arith.extui %lt3A_239 : i1 to i32
        %cond3A_241 = arith.constant 0 : i32
        %cond3A_242 = arith.cmpi ne, %convert_element_type3A_240, %cond3A_241 : i32
        scf.if %cond3A_242 {
          %add3A_243 = arith.constant 2 : i32
          %add3A_244 = arith.addi %add3A_222, %add3A_243 : i32
          %mul3A_245 = arith.constant 16 : i32
          %mul3A_246 = arith.muli %add3A_244, %mul3A_245 : i32
          %add3A_247 = arith.addi %arg1, %mul3A_246 : i32
          %mul3A_248 = arith.constant 128 : i32
          %mul3A_249 = arith.muli %add3A_247, %mul3A_248 : i32
          %eq3A_250 = arith.constant 0 : i32
          %eq3A_251 = arith.cmpi eq, %arg0, %eq3A_250 : i32
          %convert_element_type3A_252 = arith.extui %eq3A_251 : i1 to i32
          %cond3A_253 = arith.constant 0 : i32
          %cond3A_254 = arith.cmpi ne, %convert_element_type3A_252, %cond3A_253 : i32
          scf.if %cond3A_254 {
            %dma_start3A = tpu.memref_slice %arg4[%mul3A_249] : memref<160000xi32, #tpu.memory_space<hbm>> -> memref<128xi32, #tpu.memory_space<hbm>>
            %dma_start3A_260 = tpu.memref_slice %arg4[%mul3A_249] : memref<160000xi32, #tpu.memory_space<hbm>> -> memref<128xi32, #tpu.memory_space<hbm>>
            tpu.enqueue_dma source(%dma_start3A_260 : memref<128xi32, #tpu.memory_space<hbm>>) target(%arg11 : memref<128xi32, #tpu.memory_space<vmem>>) target_semaphore(%arg14 : memref<!tpu.dma_semaphore, #tpu.memory_space<semaphore_mem>>)
            %dma_start3A_261 = arith.constant 0 : i32
            %dma_start3A_262 = tpu.memref_slice %arg2[%mul3A_249, %dma_start3A_261] : memref<160000x128xf32, #tpu.memory_space<hbm>> -> memref<128x128xf32, #tpu.memory_space<hbm>>
            %dma_start3A_263 = arith.constant 0 : i32
            %dma_start3A_264 = tpu.memref_slice %arg2[%mul3A_249, %dma_start3A_263] : memref<160000x128xf32, #tpu.memory_space<hbm>> -> memref<128x128xf32, #tpu.memory_space<hbm>>
            tpu.enqueue_dma source(%dma_start3A_264 : memref<128x128xf32, #tpu.memory_space<hbm>>) target(%arg12 : memref<128x128xf32, #tpu.memory_space<vmem>>) target_semaphore(%arg14 : memref<!tpu.dma_semaphore, #tpu.memory_space<semaphore_mem>>)
          } else {
          }
          %eq3A_255 = arith.constant 1 : i32
          %eq3A_256 = arith.cmpi eq, %arg0, %eq3A_255 : i32
          %convert_element_type3A_257 = arith.extui %eq3A_256 : i1 to i32
          %cond3A_258 = arith.constant 0 : i32
          %cond3A_259 = arith.cmpi ne, %convert_element_type3A_257, %cond3A_258 : i32
          scf.if %cond3A_259 {
            %dma_start3A = tpu.memref_slice %arg6[%mul3A_249] : memref<160000xi32, #tpu.memory_space<hbm>> -> memref<128xi32, #tpu.memory_space<hbm>>
            %dma_start3A_260 = tpu.memref_slice %arg6[%mul3A_249] : memref<160000xi32, #tpu.memory_space<hbm>> -> memref<128xi32, #tpu.memory_space<hbm>>
            tpu.enqueue_dma source(%dma_start3A_260 : memref<128xi32, #tpu.memory_space<hbm>>) target(%arg11 : memref<128xi32, #tpu.memory_space<vmem>>) target_semaphore(%arg14 : memref<!tpu.dma_semaphore, #tpu.memory_space<semaphore_mem>>)
            %dma_start3A_261 = arith.constant 0 : i32
            %dma_start3A_262 = tpu.memref_slice %arg3[%mul3A_249, %dma_start3A_261] : memref<160000x128xf32, #tpu.memory_space<hbm>> -> memref<128x128xf32, #tpu.memory_space<hbm>>
            %dma_start3A_263 = arith.constant 0 : i32
            %dma_start3A_264 = tpu.memref_slice %arg3[%mul3A_249, %dma_start3A_263] : memref<160000x128xf32, #tpu.memory_space<hbm>> -> memref<128x128xf32, #tpu.memory_space<hbm>>
            tpu.enqueue_dma source(%dma_start3A_264 : memref<128x128xf32, #tpu.memory_space<hbm>>) target(%arg12 : memref<128x128xf32, #tpu.memory_space<vmem>>) target_semaphore(%arg14 : memref<!tpu.dma_semaphore, #tpu.memory_space<semaphore_mem>>)
          } else {
          }
        } else {
        }
      } else {
      }
    }
    %barrier3A_99 = arith.constant 0 : index
    tpu.barrier barrier_id(%barrier3A_99)
    %add3A_100 = arith.constant 0 : i32
    %add3A_101 = arith.addi %arg1, %add3A_100 : i32
    %lt3A_102 = arith.constant 25 : i32
    %lt3A_103 = arith.cmpi slt, %add3A_101, %lt3A_102 : i32
    %convert_element_type3A_104 = arith.extui %lt3A_103 : i1 to i32
    %cond3A_105 = arith.constant 0 : i32
    %cond3A_106 = arith.cmpi ne, %convert_element_type3A_104, %cond3A_105 : i32
    scf.if %cond3A_106 {
      %mul3A_210 = arith.constant 200 : i32
      %mul3A_211 = arith.muli %add3A_101, %mul3A_210 : i32
      %add3A_212 = arith.constant 0 : i32
      %add3A_213 = arith.addi %add3A_212, %mul3A_211 : i32
      "tpu.region"() ({
        %run_scoped3A = tpu.sem_alloc : memref<!tpu.dma_semaphore, #tpu.memory_space<semaphore_mem>>
        %dma_start3A = arith.constant 0 : i32
        %dma_start3A_214 = tpu.memref_slice %arg8[%arg0, %add3A_213, %dma_start3A] : memref<2x10000x128xf32, #tpu.memory_space<hbm>> -> memref<1x200x128xf32, #tpu.memory_space<hbm>>
        %dma_start3A_215 = tpu.memref_squeeze %dma_start3A_214 : memref<1x200x128xf32, #tpu.memory_space<hbm>> -> memref<200x128xf32, #tpu.memory_space<hbm>>
        %dma_start3A_216 = arith.constant 0 : i32
        %dma_start3A_217 = tpu.memref_slice %arg16[%mul3A_211, %dma_start3A_216] : memref<5200x128xf32, #tpu.memory_space<vmem_shared>> -> memref<200x128xf32, #tpu.memory_space<vmem_shared>>
        tpu.enqueue_dma source(%dma_start3A_217 : memref<200x128xf32, #tpu.memory_space<vmem_shared>>) target(%dma_start3A_215 : memref<200x128xf32, #tpu.memory_space<hbm>>) target_semaphore(%run_scoped3A : memref<!tpu.dma_semaphore, #tpu.memory_space<semaphore_mem>>)
        %dma_wait3A = arith.constant 0 : i32
        %dma_wait3A_218 = tpu.memref_slice %arg8[%arg0, %add3A_213, %dma_wait3A] : memref<2x10000x128xf32, #tpu.memory_space<hbm>> -> memref<1x200x128xf32, #tpu.memory_space<hbm>>
        %dma_wait3A_219 = tpu.memref_squeeze %dma_wait3A_218 : memref<1x200x128xf32, #tpu.memory_space<hbm>> -> memref<200x128xf32, #tpu.memory_space<hbm>>
        %dma_wait3A_220 = arith.constant 0 : i32
        %dma_wait3A_221 = tpu.memref_slice %arg16[%mul3A_211, %dma_wait3A_220] : memref<5200x128xf32, #tpu.memory_space<vmem_shared>> -> memref<200x128xf32, #tpu.memory_space<vmem_shared>>
        tpu.wait_dma2 semaphore(%run_scoped3A : memref<!tpu.dma_semaphore, #tpu.memory_space<semaphore_mem>>) src(%dma_wait3A_221 : memref<200x128xf32, #tpu.memory_space<vmem_shared>>) dst(%dma_wait3A_219 : memref<200x128xf32, #tpu.memory_space<hbm>>)
        tpu.yield
      }) : () -> ()
    } else {
    }
    %add3A_107 = arith.constant 16 : i32
    %add3A_108 = arith.addi %arg1, %add3A_107 : i32
    %lt3A_109 = arith.constant 25 : i32
    %lt3A_110 = arith.cmpi slt, %add3A_108, %lt3A_109 : i32
    %convert_element_type3A_111 = arith.extui %lt3A_110 : i1 to i32
    %cond3A_112 = arith.constant 0 : i32
    %cond3A_113 = arith.cmpi ne, %convert_element_type3A_111, %cond3A_112 : i32
    scf.if %cond3A_113 {
      %mul3A_210 = arith.constant 200 : i32
      %mul3A_211 = arith.muli %add3A_108, %mul3A_210 : i32
      %add3A_212 = arith.constant 0 : i32
      %add3A_213 = arith.addi %add3A_212, %mul3A_211 : i32
      "tpu.region"() ({
        %run_scoped3A = tpu.sem_alloc : memref<!tpu.dma_semaphore, #tpu.memory_space<semaphore_mem>>
        %dma_start3A = arith.constant 0 : i32
        %dma_start3A_214 = tpu.memref_slice %arg8[%arg0, %add3A_213, %dma_start3A] : memref<2x10000x128xf32, #tpu.memory_space<hbm>> -> memref<1x200x128xf32, #tpu.memory_space<hbm>>
        %dma_start3A_215 = tpu.memref_squeeze %dma_start3A_214 : memref<1x200x128xf32, #tpu.memory_space<hbm>> -> memref<200x128xf32, #tpu.memory_space<hbm>>
        %dma_start3A_216 = arith.constant 0 : i32
        %dma_start3A_217 = tpu.memref_slice %arg16[%mul3A_211, %dma_start3A_216] : memref<5200x128xf32, #tpu.memory_space<vmem_shared>> -> memref<200x128xf32, #tpu.memory_space<vmem_shared>>
        tpu.enqueue_dma source(%dma_start3A_217 : memref<200x128xf32, #tpu.memory_space<vmem_shared>>) target(%dma_start3A_215 : memref<200x128xf32, #tpu.memory_space<hbm>>) target_semaphore(%run_scoped3A : memref<!tpu.dma_semaphore, #tpu.memory_space<semaphore_mem>>)
        %dma_wait3A = arith.constant 0 : i32
        %dma_wait3A_218 = tpu.memref_slice %arg8[%arg0, %add3A_213, %dma_wait3A] : memref<2x10000x128xf32, #tpu.memory_space<hbm>> -> memref<1x200x128xf32, #tpu.memory_space<hbm>>
        %dma_wait3A_219 = tpu.memref_squeeze %dma_wait3A_218 : memref<1x200x128xf32, #tpu.memory_space<hbm>> -> memref<200x128xf32, #tpu.memory_space<hbm>>
        %dma_wait3A_220 = arith.constant 0 : i32
        %dma_wait3A_221 = tpu.memref_slice %arg16[%mul3A_211, %dma_wait3A_220] : memref<5200x128xf32, #tpu.memory_space<vmem_shared>> -> memref<200x128xf32, #tpu.memory_space<vmem_shared>>
        tpu.wait_dma2 semaphore(%run_scoped3A : memref<!tpu.dma_semaphore, #tpu.memory_space<semaphore_mem>>) src(%dma_wait3A_221 : memref<200x128xf32, #tpu.memory_space<vmem_shared>>) dst(%dma_wait3A_219 : memref<200x128xf32, #tpu.memory_space<hbm>>)
        tpu.yield
      }) : () -> ()
    } else {
    }
    %barrier3A_114 = arith.constant 0 : index
    tpu.barrier barrier_id(%barrier3A_114)
    %add3A_115 = arith.constant 0 : i32
    %add3A_116 = arith.addi %arg1, %add3A_115 : i32
    %lt3A_117 = arith.constant 26 : i32
    %lt3A_118 = arith.cmpi slt, %add3A_116, %lt3A_117 : i32
    %convert_element_type3A_119 = arith.extui %lt3A_118 : i1 to i32
    %cond3A_120 = arith.constant 0 : i32
    %cond3A_121 = arith.cmpi ne, %convert_element_type3A_119, %cond3A_120 : i32
    scf.if %cond3A_121 {
      %mul3A_210 = arith.constant 200 : i32
      %mul3A_211 = arith.muli %add3A_116, %mul3A_210 : i32
      "tpu.region"() ({
        %run_scoped3A = tpu.sem_alloc : memref<!tpu.dma_semaphore, #tpu.memory_space<semaphore_mem>>
        %dma_start3A = arith.constant 0 : i32
        %dma_start3A_212 = tpu.memref_slice %arg16[%mul3A_211, %dma_start3A] : memref<5200x128xf32, #tpu.memory_space<vmem_shared>> -> memref<200x128xf32, #tpu.memory_space<vmem_shared>>
        %dma_start3A_213 = arith.constant 0 : i32
        %dma_start3A_214 = tpu.memref_slice %arg16[%mul3A_211, %dma_start3A_213] : memref<5200x128xf32, #tpu.memory_space<vmem_shared>> -> memref<200x128xf32, #tpu.memory_space<vmem_shared>>
        tpu.enqueue_dma source(%arg15 : memref<200x128xf32, #tpu.memory_space<vmem>>) target(%dma_start3A_214 : memref<200x128xf32, #tpu.memory_space<vmem_shared>>) target_semaphore(%run_scoped3A : memref<!tpu.dma_semaphore, #tpu.memory_space<semaphore_mem>>)
        %dma_wait3A = arith.constant 0 : i32
        %dma_wait3A_215 = tpu.memref_slice %arg16[%mul3A_211, %dma_wait3A] : memref<5200x128xf32, #tpu.memory_space<vmem_shared>> -> memref<200x128xf32, #tpu.memory_space<vmem_shared>>
        %dma_wait3A_216 = arith.constant 0 : i32
        %dma_wait3A_217 = tpu.memref_slice %arg16[%mul3A_211, %dma_wait3A_216] : memref<5200x128xf32, #tpu.memory_space<vmem_shared>> -> memref<200x128xf32, #tpu.memory_space<vmem_shared>>
        tpu.wait_dma2 semaphore(%run_scoped3A : memref<!tpu.dma_semaphore, #tpu.memory_space<semaphore_mem>>) src(%arg15 : memref<200x128xf32, #tpu.memory_space<vmem>>) dst(%dma_wait3A_217 : memref<200x128xf32, #tpu.memory_space<vmem_shared>>)
        tpu.yield
      }) : () -> ()
    } else {
    }
    %add3A_122 = arith.constant 16 : i32
    %add3A_123 = arith.addi %arg1, %add3A_122 : i32
    %lt3A_124 = arith.constant 26 : i32
    %lt3A_125 = arith.cmpi slt, %add3A_123, %lt3A_124 : i32
    %convert_element_type3A_126 = arith.extui %lt3A_125 : i1 to i32
    %cond3A_127 = arith.constant 0 : i32
    %cond3A_128 = arith.cmpi ne, %convert_element_type3A_126, %cond3A_127 : i32
    scf.if %cond3A_128 {
      %mul3A_210 = arith.constant 200 : i32
      %mul3A_211 = arith.muli %add3A_123, %mul3A_210 : i32
      "tpu.region"() ({
        %run_scoped3A = tpu.sem_alloc : memref<!tpu.dma_semaphore, #tpu.memory_space<semaphore_mem>>
        %dma_start3A = arith.constant 0 : i32
        %dma_start3A_212 = tpu.memref_slice %arg16[%mul3A_211, %dma_start3A] : memref<5200x128xf32, #tpu.memory_space<vmem_shared>> -> memref<200x128xf32, #tpu.memory_space<vmem_shared>>
        %dma_start3A_213 = arith.constant 0 : i32
        %dma_start3A_214 = tpu.memref_slice %arg16[%mul3A_211, %dma_start3A_213] : memref<5200x128xf32, #tpu.memory_space<vmem_shared>> -> memref<200x128xf32, #tpu.memory_space<vmem_shared>>
        tpu.enqueue_dma source(%arg15 : memref<200x128xf32, #tpu.memory_space<vmem>>) target(%dma_start3A_214 : memref<200x128xf32, #tpu.memory_space<vmem_shared>>) target_semaphore(%run_scoped3A : memref<!tpu.dma_semaphore, #tpu.memory_space<semaphore_mem>>)
        %dma_wait3A = arith.constant 0 : i32
        %dma_wait3A_215 = tpu.memref_slice %arg16[%mul3A_211, %dma_wait3A] : memref<5200x128xf32, #tpu.memory_space<vmem_shared>> -> memref<200x128xf32, #tpu.memory_space<vmem_shared>>
        %dma_wait3A_216 = arith.constant 0 : i32
        %dma_wait3A_217 = tpu.memref_slice %arg16[%mul3A_211, %dma_wait3A_216] : memref<5200x128xf32, #tpu.memory_space<vmem_shared>> -> memref<200x128xf32, #tpu.memory_space<vmem_shared>>
        tpu.wait_dma2 semaphore(%run_scoped3A : memref<!tpu.dma_semaphore, #tpu.memory_space<semaphore_mem>>) src(%arg15 : memref<200x128xf32, #tpu.memory_space<vmem>>) dst(%dma_wait3A_217 : memref<200x128xf32, #tpu.memory_space<vmem_shared>>)
        tpu.yield
      }) : () -> ()
    } else {
    }
    %barrier3A_129 = arith.constant 0 : index
    tpu.barrier barrier_id(%barrier3A_129)
    %add3A_130 = arith.constant 0 : i32
    %add3A_131 = arith.addi %arg1, %add3A_130 : i32
    %mul3A_132 = arith.constant 128 : i32
    %mul3A_133 = arith.muli %add3A_131, %mul3A_132 : i32
    %eq3A_134 = arith.constant 0 : i32
    %eq3A_135 = arith.cmpi eq, %arg0, %eq3A_134 : i32
    %convert_element_type3A_136 = arith.extui %eq3A_135 : i1 to i32
    %cond3A_137 = arith.constant 0 : i32
    %cond3A_138 = arith.cmpi ne, %convert_element_type3A_136, %cond3A_137 : i32
    scf.if %cond3A_138 {
      %dma_start3A = tpu.memref_slice %arg5[%mul3A_133] : memref<160000xi32, #tpu.memory_space<hbm>> -> memref<128xi32, #tpu.memory_space<hbm>>
      %dma_start3A_210 = tpu.memref_slice %arg5[%mul3A_133] : memref<160000xi32, #tpu.memory_space<hbm>> -> memref<128xi32, #tpu.memory_space<hbm>>
      tpu.enqueue_dma source(%dma_start3A_210 : memref<128xi32, #tpu.memory_space<hbm>>) target(%arg9 : memref<128xi32, #tpu.memory_space<vmem>>) target_semaphore(%arg13 : memref<!tpu.dma_semaphore, #tpu.memory_space<semaphore_mem>>)
      %dma_start3A_211 = arith.constant 0 : i32
      %dma_start3A_212 = tpu.memref_slice %arg2[%mul3A_133, %dma_start3A_211] : memref<160000x128xf32, #tpu.memory_space<hbm>> -> memref<128x128xf32, #tpu.memory_space<hbm>>
      %dma_start3A_213 = arith.constant 0 : i32
      %dma_start3A_214 = tpu.memref_slice %arg2[%mul3A_133, %dma_start3A_213] : memref<160000x128xf32, #tpu.memory_space<hbm>> -> memref<128x128xf32, #tpu.memory_space<hbm>>
      tpu.enqueue_dma source(%dma_start3A_214 : memref<128x128xf32, #tpu.memory_space<hbm>>) target(%arg10 : memref<128x128xf32, #tpu.memory_space<vmem>>) target_semaphore(%arg13 : memref<!tpu.dma_semaphore, #tpu.memory_space<semaphore_mem>>)
    } else {
    }
    %eq3A_139 = arith.constant 1 : i32
    %eq3A_140 = arith.cmpi eq, %arg0, %eq3A_139 : i32
    %convert_element_type3A_141 = arith.extui %eq3A_140 : i1 to i32
    %cond3A_142 = arith.constant 0 : i32
    %cond3A_143 = arith.cmpi ne, %convert_element_type3A_141, %cond3A_142 : i32
    scf.if %cond3A_143 {
      %dma_start3A = tpu.memref_slice %arg7[%mul3A_133] : memref<160000xi32, #tpu.memory_space<hbm>> -> memref<128xi32, #tpu.memory_space<hbm>>
      %dma_start3A_210 = tpu.memref_slice %arg7[%mul3A_133] : memref<160000xi32, #tpu.memory_space<hbm>> -> memref<128xi32, #tpu.memory_space<hbm>>
      tpu.enqueue_dma source(%dma_start3A_210 : memref<128xi32, #tpu.memory_space<hbm>>) target(%arg9 : memref<128xi32, #tpu.memory_space<vmem>>) target_semaphore(%arg13 : memref<!tpu.dma_semaphore, #tpu.memory_space<semaphore_mem>>)
      %dma_start3A_211 = arith.constant 0 : i32
      %dma_start3A_212 = tpu.memref_slice %arg3[%mul3A_133, %dma_start3A_211] : memref<160000x128xf32, #tpu.memory_space<hbm>> -> memref<128x128xf32, #tpu.memory_space<hbm>>
      %dma_start3A_213 = arith.constant 0 : i32
      %dma_start3A_214 = tpu.memref_slice %arg3[%mul3A_133, %dma_start3A_213] : memref<160000x128xf32, #tpu.memory_space<hbm>> -> memref<128x128xf32, #tpu.memory_space<hbm>>
      tpu.enqueue_dma source(%dma_start3A_214 : memref<128x128xf32, #tpu.memory_space<hbm>>) target(%arg10 : memref<128x128xf32, #tpu.memory_space<vmem>>) target_semaphore(%arg13 : memref<!tpu.dma_semaphore, #tpu.memory_space<semaphore_mem>>)
    } else {
    }
    %add3A_144 = arith.constant 16 : i32
    %add3A_145 = arith.addi %arg1, %add3A_144 : i32
    %mul3A_146 = arith.constant 128 : i32
    %mul3A_147 = arith.muli %add3A_145, %mul3A_146 : i32
    %eq3A_148 = arith.constant 0 : i32
    %eq3A_149 = arith.cmpi eq, %arg0, %eq3A_148 : i32
    %convert_element_type3A_150 = arith.extui %eq3A_149 : i1 to i32
    %cond3A_151 = arith.constant 0 : i32
    %cond3A_152 = arith.cmpi ne, %convert_element_type3A_150, %cond3A_151 : i32
    scf.if %cond3A_152 {
      %dma_start3A = tpu.memref_slice %arg5[%mul3A_147] : memref<160000xi32, #tpu.memory_space<hbm>> -> memref<128xi32, #tpu.memory_space<hbm>>
      %dma_start3A_210 = tpu.memref_slice %arg5[%mul3A_147] : memref<160000xi32, #tpu.memory_space<hbm>> -> memref<128xi32, #tpu.memory_space<hbm>>
      tpu.enqueue_dma source(%dma_start3A_210 : memref<128xi32, #tpu.memory_space<hbm>>) target(%arg11 : memref<128xi32, #tpu.memory_space<vmem>>) target_semaphore(%arg14 : memref<!tpu.dma_semaphore, #tpu.memory_space<semaphore_mem>>)
      %dma_start3A_211 = arith.constant 0 : i32
      %dma_start3A_212 = tpu.memref_slice %arg2[%mul3A_147, %dma_start3A_211] : memref<160000x128xf32, #tpu.memory_space<hbm>> -> memref<128x128xf32, #tpu.memory_space<hbm>>
      %dma_start3A_213 = arith.constant 0 : i32
      %dma_start3A_214 = tpu.memref_slice %arg2[%mul3A_147, %dma_start3A_213] : memref<160000x128xf32, #tpu.memory_space<hbm>> -> memref<128x128xf32, #tpu.memory_space<hbm>>
      tpu.enqueue_dma source(%dma_start3A_214 : memref<128x128xf32, #tpu.memory_space<hbm>>) target(%arg12 : memref<128x128xf32, #tpu.memory_space<vmem>>) target_semaphore(%arg14 : memref<!tpu.dma_semaphore, #tpu.memory_space<semaphore_mem>>)
    } else {
    }
    %eq3A_153 = arith.constant 1 : i32
    %eq3A_154 = arith.cmpi eq, %arg0, %eq3A_153 : i32
    %convert_element_type3A_155 = arith.extui %eq3A_154 : i1 to i32
    %cond3A_156 = arith.constant 0 : i32
    %cond3A_157 = arith.cmpi ne, %convert_element_type3A_155, %cond3A_156 : i32
    scf.if %cond3A_157 {
      %dma_start3A = tpu.memref_slice %arg7[%mul3A_147] : memref<160000xi32, #tpu.memory_space<hbm>> -> memref<128xi32, #tpu.memory_space<hbm>>
      %dma_start3A_210 = tpu.memref_slice %arg7[%mul3A_147] : memref<160000xi32, #tpu.memory_space<hbm>> -> memref<128xi32, #tpu.memory_space<hbm>>
      tpu.enqueue_dma source(%dma_start3A_210 : memref<128xi32, #tpu.memory_space<hbm>>) target(%arg11 : memref<128xi32, #tpu.memory_space<vmem>>) target_semaphore(%arg14 : memref<!tpu.dma_semaphore, #tpu.memory_space<semaphore_mem>>)
      %dma_start3A_211 = arith.constant 0 : i32
      %dma_start3A_212 = tpu.memref_slice %arg3[%mul3A_147, %dma_start3A_211] : memref<160000x128xf32, #tpu.memory_space<hbm>> -> memref<128x128xf32, #tpu.memory_space<hbm>>
      %dma_start3A_213 = arith.constant 0 : i32
      %dma_start3A_214 = tpu.memref_slice %arg3[%mul3A_147, %dma_start3A_213] : memref<160000x128xf32, #tpu.memory_space<hbm>> -> memref<128x128xf32, #tpu.memory_space<hbm>>
      tpu.enqueue_dma source(%dma_start3A_214 : memref<128x128xf32, #tpu.memory_space<hbm>>) target(%arg12 : memref<128x128xf32, #tpu.memory_space<vmem>>) target_semaphore(%arg14 : memref<!tpu.dma_semaphore, #tpu.memory_space<semaphore_mem>>)
    } else {
    }
    %add3A_158 = arith.constant 1 : i32
    %add3A_159 = arith.addi %select_n3A, %add3A_158 : i32
    %jit3A_160 = arith.constant 2 : i32
    %div3A_161 = arith.divsi %add3A_159, %jit3A_160 : i32
    %sign3A_162 = arith.constant 0 : i32
    %sign3A_163 = arith.cmpi sgt, %add3A_159, %sign3A_162 : i32
    %sign3A_164 = arith.extui %sign3A_163 : i1 to i32
    %sign3A_165 = arith.constant 0 : i32
    %sign3A_166 = arith.cmpi slt, %add3A_159, %sign3A_165 : i32
    %sign3A_167 = arith.extui %sign3A_166 : i1 to i32
    %sign3A_168 = arith.subi %sign3A_164, %sign3A_167 : i32
    %sign3A_169 = arith.constant 0 : i32
    %sign3A_170 = arith.cmpi sgt, %jit3A_160, %sign3A_169 : i32
    %sign3A_171 = arith.extui %sign3A_170 : i1 to i32
    %sign3A_172 = arith.constant 0 : i32
    %sign3A_173 = arith.cmpi slt, %jit3A_160, %sign3A_172 : i32
    %sign3A_174 = arith.extui %sign3A_173 : i1 to i32
    %sign3A_175 = arith.subi %sign3A_171, %sign3A_174 : i32
    %ne3A_176 = arith.cmpi ne, %sign3A_168, %sign3A_175 : i32
    %rem3A_177 = arith.remsi %add3A_159, %jit3A_160 : i32
    %ne3A_178 = arith.constant 0 : i32
    %ne3A_179 = arith.cmpi ne, %rem3A_177, %ne3A_178 : i32
    %and3A_180 = arith.andi %ne3A_176, %ne3A_179 : i1
    %sub3A_181 = arith.constant 1 : i32
    %sub3A_182 = arith.subi %div3A_161, %sub3A_181 : i32
    %select_n3A_183 = arith.select %and3A_180, %sub3A_182, %div3A_161 : i32
    %while3A_184 = arith.constant 0 : i32
    %while3A_185 = arith.constant 0 : i32
    %while3A_186 = arith.subi %select_n3A_183, %while3A_185 : i32
    %while3A_187 = arith.addi %while3A_185, %while3A_186 : i32
    %while3A_188 = arith.constant 1 : i32
    %while3A_189 = arith.divsi %while3A_186, %while3A_188 : i32
    %while3A_190 = arith.muli %while3A_189, %while3A_188 : i32
    %while3A_191 = arith.addi %while3A_185, %while3A_190 : i32
    %while3A_192 = arith.constant 1 : i32
    scf.for %while3A_210 = %while3A_185 to %while3A_191 step %while3A_192  : i32 {
      %mul3A_211 = arith.constant 2 : i32
      %mul3A_212 = arith.muli %while3A_210, %mul3A_211 : i32
      %add3A_213 = arith.constant 0 : i32
      %add3A_214 = arith.addi %mul3A_212, %add3A_213 : i32
      %lt3A_215 = arith.cmpi slt, %add3A_214, %select_n3A : i32
      %convert_element_type3A_216 = arith.extui %lt3A_215 : i1 to i32
      %cond3A_217 = arith.constant 0 : i32
      %cond3A_218 = arith.cmpi ne, %convert_element_type3A_216, %cond3A_217 : i32
      scf.if %cond3A_218 {
        %mul3A_227 = arith.constant 16 : i32
        %mul3A_228 = arith.muli %add3A_214, %mul3A_227 : i32
        %add3A_229 = arith.addi %arg1, %mul3A_228 : i32
        %mul3A_230 = arith.constant 128 : i32
        %mul3A_231 = arith.muli %add3A_229, %mul3A_230 : i32
        %dma_wait3A = tpu.memref_slice %arg5[%mul3A_231] : memref<160000xi32, #tpu.memory_space<hbm>> -> memref<128xi32, #tpu.memory_space<hbm>>
        %dma_wait3A_232 = tpu.memref_slice %arg5[%mul3A_231] : memref<160000xi32, #tpu.memory_space<hbm>> -> memref<128xi32, #tpu.memory_space<hbm>>
        tpu.wait_dma2 semaphore(%arg13 : memref<!tpu.dma_semaphore, #tpu.memory_space<semaphore_mem>>) src(%dma_wait3A_232 : memref<128xi32, #tpu.memory_space<hbm>>) dst(%arg9 : memref<128xi32, #tpu.memory_space<vmem>>)
        %dma_wait3A_233 = arith.constant 0 : i32
        %dma_wait3A_234 = tpu.memref_slice %arg2[%mul3A_231, %dma_wait3A_233] : memref<160000x128xf32, #tpu.memory_space<hbm>> -> memref<128x128xf32, #tpu.memory_space<hbm>>
        %dma_wait3A_235 = arith.constant 0 : i32
        %dma_wait3A_236 = tpu.memref_slice %arg2[%mul3A_231, %dma_wait3A_235] : memref<160000x128xf32, #tpu.memory_space<hbm>> -> memref<128x128xf32, #tpu.memory_space<hbm>>
        tpu.wait_dma2 semaphore(%arg13 : memref<!tpu.dma_semaphore, #tpu.memory_space<semaphore_mem>>) src(%dma_wait3A_236 : memref<128x128xf32, #tpu.memory_space<hbm>>) dst(%arg10 : memref<128x128xf32, #tpu.memory_space<vmem>>)
        "tpu.region"() ({
          %run_scoped3A = tpu.sem_alloc : memref<!tpu.dma_semaphore, #tpu.memory_space<semaphore_mem>>
          %dma_start3A = arith.constant 0 : i32
          %dma_start3A_243 = arith.constant 0 : i32
          %dma_start3A_244 = tpu.memref_slice %arg16[%dma_start3A, %dma_start3A_243] : memref<5200x128xf32, #tpu.memory_space<vmem_shared>> -> memref<5200x128xf32, #tpu.memory_space<vmem_shared>>
          tpu.enqueue_indirect_dma source(%arg10 : memref<128x128xf32, #tpu.memory_space<vmem>>) target(%dma_start3A_244 : memref<5200x128xf32, #tpu.memory_space<vmem_shared>>) offsets(%arg9 : memref<128xi32, #tpu.memory_space<vmem>>) semaphore(%run_scoped3A : memref<!tpu.dma_semaphore, #tpu.memory_space<semaphore_mem>>) {add = true}
          %dma_wait3A_245 = arith.constant 0 : i32
          %dma_wait3A_246 = arith.constant 0 : i32
          %dma_wait3A_247 = tpu.memref_slice %arg16[%dma_wait3A_245, %dma_wait3A_246] : memref<5200x128xf32, #tpu.memory_space<vmem_shared>> -> memref<5200x128xf32, #tpu.memory_space<vmem_shared>>
          tpu.wait_indirect_dma semaphore(%run_scoped3A : memref<!tpu.dma_semaphore, #tpu.memory_space<semaphore_mem>>) src(%arg10 : memref<128x128xf32, #tpu.memory_space<vmem>>) dst(%dma_wait3A_247 : memref<5200x128xf32, #tpu.memory_space<vmem_shared>>)
          tpu.yield
        }) : () -> ()
        %add3A_237 = arith.constant 2 : i32
        %add3A_238 = arith.addi %add3A_214, %add3A_237 : i32
        %lt3A_239 = arith.cmpi slt, %add3A_238, %select_n3A : i32
        %convert_element_type3A_240 = arith.extui %lt3A_239 : i1 to i32
        %cond3A_241 = arith.constant 0 : i32
        %cond3A_242 = arith.cmpi ne, %convert_element_type3A_240, %cond3A_241 : i32
        scf.if %cond3A_242 {
          %add3A_243 = arith.constant 2 : i32
          %add3A_244 = arith.addi %add3A_214, %add3A_243 : i32
          %mul3A_245 = arith.constant 16 : i32
          %mul3A_246 = arith.muli %add3A_244, %mul3A_245 : i32
          %add3A_247 = arith.addi %arg1, %mul3A_246 : i32
          %mul3A_248 = arith.constant 128 : i32
          %mul3A_249 = arith.muli %add3A_247, %mul3A_248 : i32
          %eq3A_250 = arith.constant 0 : i32
          %eq3A_251 = arith.cmpi eq, %arg0, %eq3A_250 : i32
          %convert_element_type3A_252 = arith.extui %eq3A_251 : i1 to i32
          %cond3A_253 = arith.constant 0 : i32
          %cond3A_254 = arith.cmpi ne, %convert_element_type3A_252, %cond3A_253 : i32
          scf.if %cond3A_254 {
            %dma_start3A = tpu.memref_slice %arg5[%mul3A_249] : memref<160000xi32, #tpu.memory_space<hbm>> -> memref<128xi32, #tpu.memory_space<hbm>>
            %dma_start3A_260 = tpu.memref_slice %arg5[%mul3A_249] : memref<160000xi32, #tpu.memory_space<hbm>> -> memref<128xi32, #tpu.memory_space<hbm>>
            tpu.enqueue_dma source(%dma_start3A_260 : memref<128xi32, #tpu.memory_space<hbm>>) target(%arg9 : memref<128xi32, #tpu.memory_space<vmem>>) target_semaphore(%arg13 : memref<!tpu.dma_semaphore, #tpu.memory_space<semaphore_mem>>)
            %dma_start3A_261 = arith.constant 0 : i32
            %dma_start3A_262 = tpu.memref_slice %arg2[%mul3A_249, %dma_start3A_261] : memref<160000x128xf32, #tpu.memory_space<hbm>> -> memref<128x128xf32, #tpu.memory_space<hbm>>
            %dma_start3A_263 = arith.constant 0 : i32
            %dma_start3A_264 = tpu.memref_slice %arg2[%mul3A_249, %dma_start3A_263] : memref<160000x128xf32, #tpu.memory_space<hbm>> -> memref<128x128xf32, #tpu.memory_space<hbm>>
            tpu.enqueue_dma source(%dma_start3A_264 : memref<128x128xf32, #tpu.memory_space<hbm>>) target(%arg10 : memref<128x128xf32, #tpu.memory_space<vmem>>) target_semaphore(%arg13 : memref<!tpu.dma_semaphore, #tpu.memory_space<semaphore_mem>>)
          } else {
          }
          %eq3A_255 = arith.constant 1 : i32
          %eq3A_256 = arith.cmpi eq, %arg0, %eq3A_255 : i32
          %convert_element_type3A_257 = arith.extui %eq3A_256 : i1 to i32
          %cond3A_258 = arith.constant 0 : i32
          %cond3A_259 = arith.cmpi ne, %convert_element_type3A_257, %cond3A_258 : i32
          scf.if %cond3A_259 {
            %dma_start3A = tpu.memref_slice %arg7[%mul3A_249] : memref<160000xi32, #tpu.memory_space<hbm>> -> memref<128xi32, #tpu.memory_space<hbm>>
            %dma_start3A_260 = tpu.memref_slice %arg7[%mul3A_249] : memref<160000xi32, #tpu.memory_space<hbm>> -> memref<128xi32, #tpu.memory_space<hbm>>
            tpu.enqueue_dma source(%dma_start3A_260 : memref<128xi32, #tpu.memory_space<hbm>>) target(%arg9 : memref<128xi32, #tpu.memory_space<vmem>>) target_semaphore(%arg13 : memref<!tpu.dma_semaphore, #tpu.memory_space<semaphore_mem>>)
            %dma_start3A_261 = arith.constant 0 : i32
            %dma_start3A_262 = tpu.memref_slice %arg3[%mul3A_249, %dma_start3A_261] : memref<160000x128xf32, #tpu.memory_space<hbm>> -> memref<128x128xf32, #tpu.memory_space<hbm>>
            %dma_start3A_263 = arith.constant 0 : i32
            %dma_start3A_264 = tpu.memref_slice %arg3[%mul3A_249, %dma_start3A_263] : memref<160000x128xf32, #tpu.memory_space<hbm>> -> memref<128x128xf32, #tpu.memory_space<hbm>>
            tpu.enqueue_dma source(%dma_start3A_264 : memref<128x128xf32, #tpu.memory_space<hbm>>) target(%arg10 : memref<128x128xf32, #tpu.memory_space<vmem>>) target_semaphore(%arg13 : memref<!tpu.dma_semaphore, #tpu.memory_space<semaphore_mem>>)
          } else {
          }
        } else {
        }
      } else {
      }
      %mul3A_219 = arith.constant 2 : i32
      %mul3A_220 = arith.muli %while3A_210, %mul3A_219 : i32
      %add3A_221 = arith.constant 1 : i32
      %add3A_222 = arith.addi %mul3A_220, %add3A_221 : i32
      %lt3A_223 = arith.cmpi slt, %add3A_222, %select_n3A : i32
      %convert_element_type3A_224 = arith.extui %lt3A_223 : i1 to i32
      %cond3A_225 = arith.constant 0 : i32
      %cond3A_226 = arith.cmpi ne, %convert_element_type3A_224, %cond3A_225 : i32
      scf.if %cond3A_226 {
        %mul3A_227 = arith.constant 16 : i32
        %mul3A_228 = arith.muli %add3A_222, %mul3A_227 : i32
        %add3A_229 = arith.addi %arg1, %mul3A_228 : i32
        %mul3A_230 = arith.constant 128 : i32
        %mul3A_231 = arith.muli %add3A_229, %mul3A_230 : i32
        %dma_wait3A = tpu.memref_slice %arg5[%mul3A_231] : memref<160000xi32, #tpu.memory_space<hbm>> -> memref<128xi32, #tpu.memory_space<hbm>>
        %dma_wait3A_232 = tpu.memref_slice %arg5[%mul3A_231] : memref<160000xi32, #tpu.memory_space<hbm>> -> memref<128xi32, #tpu.memory_space<hbm>>
        tpu.wait_dma2 semaphore(%arg14 : memref<!tpu.dma_semaphore, #tpu.memory_space<semaphore_mem>>) src(%dma_wait3A_232 : memref<128xi32, #tpu.memory_space<hbm>>) dst(%arg11 : memref<128xi32, #tpu.memory_space<vmem>>)
        %dma_wait3A_233 = arith.constant 0 : i32
        %dma_wait3A_234 = tpu.memref_slice %arg2[%mul3A_231, %dma_wait3A_233] : memref<160000x128xf32, #tpu.memory_space<hbm>> -> memref<128x128xf32, #tpu.memory_space<hbm>>
        %dma_wait3A_235 = arith.constant 0 : i32
        %dma_wait3A_236 = tpu.memref_slice %arg2[%mul3A_231, %dma_wait3A_235] : memref<160000x128xf32, #tpu.memory_space<hbm>> -> memref<128x128xf32, #tpu.memory_space<hbm>>
        tpu.wait_dma2 semaphore(%arg14 : memref<!tpu.dma_semaphore, #tpu.memory_space<semaphore_mem>>) src(%dma_wait3A_236 : memref<128x128xf32, #tpu.memory_space<hbm>>) dst(%arg12 : memref<128x128xf32, #tpu.memory_space<vmem>>)
        "tpu.region"() ({
          %run_scoped3A = tpu.sem_alloc : memref<!tpu.dma_semaphore, #tpu.memory_space<semaphore_mem>>
          %dma_start3A = arith.constant 0 : i32
          %dma_start3A_243 = arith.constant 0 : i32
          %dma_start3A_244 = tpu.memref_slice %arg16[%dma_start3A, %dma_start3A_243] : memref<5200x128xf32, #tpu.memory_space<vmem_shared>> -> memref<5200x128xf32, #tpu.memory_space<vmem_shared>>
          tpu.enqueue_indirect_dma source(%arg12 : memref<128x128xf32, #tpu.memory_space<vmem>>) target(%dma_start3A_244 : memref<5200x128xf32, #tpu.memory_space<vmem_shared>>) offsets(%arg11 : memref<128xi32, #tpu.memory_space<vmem>>) semaphore(%run_scoped3A : memref<!tpu.dma_semaphore, #tpu.memory_space<semaphore_mem>>) {add = true}
          %dma_wait3A_245 = arith.constant 0 : i32
          %dma_wait3A_246 = arith.constant 0 : i32
          %dma_wait3A_247 = tpu.memref_slice %arg16[%dma_wait3A_245, %dma_wait3A_246] : memref<5200x128xf32, #tpu.memory_space<vmem_shared>> -> memref<5200x128xf32, #tpu.memory_space<vmem_shared>>
          tpu.wait_indirect_dma semaphore(%run_scoped3A : memref<!tpu.dma_semaphore, #tpu.memory_space<semaphore_mem>>) src(%arg12 : memref<128x128xf32, #tpu.memory_space<vmem>>) dst(%dma_wait3A_247 : memref<5200x128xf32, #tpu.memory_space<vmem_shared>>)
          tpu.yield
        }) : () -> ()
        %add3A_237 = arith.constant 2 : i32
        %add3A_238 = arith.addi %add3A_222, %add3A_237 : i32
        %lt3A_239 = arith.cmpi slt, %add3A_238, %select_n3A : i32
        %convert_element_type3A_240 = arith.extui %lt3A_239 : i1 to i32
        %cond3A_241 = arith.constant 0 : i32
        %cond3A_242 = arith.cmpi ne, %convert_element_type3A_240, %cond3A_241 : i32
        scf.if %cond3A_242 {
          %add3A_243 = arith.constant 2 : i32
          %add3A_244 = arith.addi %add3A_222, %add3A_243 : i32
          %mul3A_245 = arith.constant 16 : i32
          %mul3A_246 = arith.muli %add3A_244, %mul3A_245 : i32
          %add3A_247 = arith.addi %arg1, %mul3A_246 : i32
          %mul3A_248 = arith.constant 128 : i32
          %mul3A_249 = arith.muli %add3A_247, %mul3A_248 : i32
          %eq3A_250 = arith.constant 0 : i32
          %eq3A_251 = arith.cmpi eq, %arg0, %eq3A_250 : i32
          %convert_element_type3A_252 = arith.extui %eq3A_251 : i1 to i32
          %cond3A_253 = arith.constant 0 : i32
          %cond3A_254 = arith.cmpi ne, %convert_element_type3A_252, %cond3A_253 : i32
          scf.if %cond3A_254 {
            %dma_start3A = tpu.memref_slice %arg5[%mul3A_249] : memref<160000xi32, #tpu.memory_space<hbm>> -> memref<128xi32, #tpu.memory_space<hbm>>
            %dma_start3A_260 = tpu.memref_slice %arg5[%mul3A_249] : memref<160000xi32, #tpu.memory_space<hbm>> -> memref<128xi32, #tpu.memory_space<hbm>>
            tpu.enqueue_dma source(%dma_start3A_260 : memref<128xi32, #tpu.memory_space<hbm>>) target(%arg11 : memref<128xi32, #tpu.memory_space<vmem>>) target_semaphore(%arg14 : memref<!tpu.dma_semaphore, #tpu.memory_space<semaphore_mem>>)
            %dma_start3A_261 = arith.constant 0 : i32
            %dma_start3A_262 = tpu.memref_slice %arg2[%mul3A_249, %dma_start3A_261] : memref<160000x128xf32, #tpu.memory_space<hbm>> -> memref<128x128xf32, #tpu.memory_space<hbm>>
            %dma_start3A_263 = arith.constant 0 : i32
            %dma_start3A_264 = tpu.memref_slice %arg2[%mul3A_249, %dma_start3A_263] : memref<160000x128xf32, #tpu.memory_space<hbm>> -> memref<128x128xf32, #tpu.memory_space<hbm>>
            tpu.enqueue_dma source(%dma_start3A_264 : memref<128x128xf32, #tpu.memory_space<hbm>>) target(%arg12 : memref<128x128xf32, #tpu.memory_space<vmem>>) target_semaphore(%arg14 : memref<!tpu.dma_semaphore, #tpu.memory_space<semaphore_mem>>)
          } else {
          }
          %eq3A_255 = arith.constant 1 : i32
          %eq3A_256 = arith.cmpi eq, %arg0, %eq3A_255 : i32
          %convert_element_type3A_257 = arith.extui %eq3A_256 : i1 to i32
          %cond3A_258 = arith.constant 0 : i32
          %cond3A_259 = arith.cmpi ne, %convert_element_type3A_257, %cond3A_258 : i32
          scf.if %cond3A_259 {
            %dma_start3A = tpu.memref_slice %arg7[%mul3A_249] : memref<160000xi32, #tpu.memory_space<hbm>> -> memref<128xi32, #tpu.memory_space<hbm>>
            %dma_start3A_260 = tpu.memref_slice %arg7[%mul3A_249] : memref<160000xi32, #tpu.memory_space<hbm>> -> memref<128xi32, #tpu.memory_space<hbm>>
            tpu.enqueue_dma source(%dma_start3A_260 : memref<128xi32, #tpu.memory_space<hbm>>) target(%arg11 : memref<128xi32, #tpu.memory_space<vmem>>) target_semaphore(%arg14 : memref<!tpu.dma_semaphore, #tpu.memory_space<semaphore_mem>>)
            %dma_start3A_261 = arith.constant 0 : i32
            %dma_start3A_262 = tpu.memref_slice %arg3[%mul3A_249, %dma_start3A_261] : memref<160000x128xf32, #tpu.memory_space<hbm>> -> memref<128x128xf32, #tpu.memory_space<hbm>>
            %dma_start3A_263 = arith.constant 0 : i32
            %dma_start3A_264 = tpu.memref_slice %arg3[%mul3A_249, %dma_start3A_263] : memref<160000x128xf32, #tpu.memory_space<hbm>> -> memref<128x128xf32, #tpu.memory_space<hbm>>
            tpu.enqueue_dma source(%dma_start3A_264 : memref<128x128xf32, #tpu.memory_space<hbm>>) target(%arg12 : memref<128x128xf32, #tpu.memory_space<vmem>>) target_semaphore(%arg14 : memref<!tpu.dma_semaphore, #tpu.memory_space<semaphore_mem>>)
          } else {
          }
        } else {
        }
      } else {
      }
    }
    %while3A_193 = arith.constant 1 : i32
    scf.for %while3A_210 = %while3A_191 to %while3A_187 step %while3A_193  : i32 {
      %mul3A_211 = arith.constant 2 : i32
      %mul3A_212 = arith.muli %while3A_210, %mul3A_211 : i32
      %add3A_213 = arith.constant 0 : i32
      %add3A_214 = arith.addi %mul3A_212, %add3A_213 : i32
      %lt3A_215 = arith.cmpi slt, %add3A_214, %select_n3A : i32
      %convert_element_type3A_216 = arith.extui %lt3A_215 : i1 to i32
      %cond3A_217 = arith.constant 0 : i32
      %cond3A_218 = arith.cmpi ne, %convert_element_type3A_216, %cond3A_217 : i32
      scf.if %cond3A_218 {
        %mul3A_227 = arith.constant 16 : i32
        %mul3A_228 = arith.muli %add3A_214, %mul3A_227 : i32
        %add3A_229 = arith.addi %arg1, %mul3A_228 : i32
        %mul3A_230 = arith.constant 128 : i32
        %mul3A_231 = arith.muli %add3A_229, %mul3A_230 : i32
        %dma_wait3A = tpu.memref_slice %arg5[%mul3A_231] : memref<160000xi32, #tpu.memory_space<hbm>> -> memref<128xi32, #tpu.memory_space<hbm>>
        %dma_wait3A_232 = tpu.memref_slice %arg5[%mul3A_231] : memref<160000xi32, #tpu.memory_space<hbm>> -> memref<128xi32, #tpu.memory_space<hbm>>
        tpu.wait_dma2 semaphore(%arg13 : memref<!tpu.dma_semaphore, #tpu.memory_space<semaphore_mem>>) src(%dma_wait3A_232 : memref<128xi32, #tpu.memory_space<hbm>>) dst(%arg9 : memref<128xi32, #tpu.memory_space<vmem>>)
        %dma_wait3A_233 = arith.constant 0 : i32
        %dma_wait3A_234 = tpu.memref_slice %arg2[%mul3A_231, %dma_wait3A_233] : memref<160000x128xf32, #tpu.memory_space<hbm>> -> memref<128x128xf32, #tpu.memory_space<hbm>>
        %dma_wait3A_235 = arith.constant 0 : i32
        %dma_wait3A_236 = tpu.memref_slice %arg2[%mul3A_231, %dma_wait3A_235] : memref<160000x128xf32, #tpu.memory_space<hbm>> -> memref<128x128xf32, #tpu.memory_space<hbm>>
        tpu.wait_dma2 semaphore(%arg13 : memref<!tpu.dma_semaphore, #tpu.memory_space<semaphore_mem>>) src(%dma_wait3A_236 : memref<128x128xf32, #tpu.memory_space<hbm>>) dst(%arg10 : memref<128x128xf32, #tpu.memory_space<vmem>>)
        "tpu.region"() ({
          %run_scoped3A = tpu.sem_alloc : memref<!tpu.dma_semaphore, #tpu.memory_space<semaphore_mem>>
          %dma_start3A = arith.constant 0 : i32
          %dma_start3A_243 = arith.constant 0 : i32
          %dma_start3A_244 = tpu.memref_slice %arg16[%dma_start3A, %dma_start3A_243] : memref<5200x128xf32, #tpu.memory_space<vmem_shared>> -> memref<5200x128xf32, #tpu.memory_space<vmem_shared>>
          tpu.enqueue_indirect_dma source(%arg10 : memref<128x128xf32, #tpu.memory_space<vmem>>) target(%dma_start3A_244 : memref<5200x128xf32, #tpu.memory_space<vmem_shared>>) offsets(%arg9 : memref<128xi32, #tpu.memory_space<vmem>>) semaphore(%run_scoped3A : memref<!tpu.dma_semaphore, #tpu.memory_space<semaphore_mem>>) {add = true}
          %dma_wait3A_245 = arith.constant 0 : i32
          %dma_wait3A_246 = arith.constant 0 : i32
          %dma_wait3A_247 = tpu.memref_slice %arg16[%dma_wait3A_245, %dma_wait3A_246] : memref<5200x128xf32, #tpu.memory_space<vmem_shared>> -> memref<5200x128xf32, #tpu.memory_space<vmem_shared>>
          tpu.wait_indirect_dma semaphore(%run_scoped3A : memref<!tpu.dma_semaphore, #tpu.memory_space<semaphore_mem>>) src(%arg10 : memref<128x128xf32, #tpu.memory_space<vmem>>) dst(%dma_wait3A_247 : memref<5200x128xf32, #tpu.memory_space<vmem_shared>>)
          tpu.yield
        }) : () -> ()
        %add3A_237 = arith.constant 2 : i32
        %add3A_238 = arith.addi %add3A_214, %add3A_237 : i32
        %lt3A_239 = arith.cmpi slt, %add3A_238, %select_n3A : i32
        %convert_element_type3A_240 = arith.extui %lt3A_239 : i1 to i32
        %cond3A_241 = arith.constant 0 : i32
        %cond3A_242 = arith.cmpi ne, %convert_element_type3A_240, %cond3A_241 : i32
        scf.if %cond3A_242 {
          %add3A_243 = arith.constant 2 : i32
          %add3A_244 = arith.addi %add3A_214, %add3A_243 : i32
          %mul3A_245 = arith.constant 16 : i32
          %mul3A_246 = arith.muli %add3A_244, %mul3A_245 : i32
          %add3A_247 = arith.addi %arg1, %mul3A_246 : i32
          %mul3A_248 = arith.constant 128 : i32
          %mul3A_249 = arith.muli %add3A_247, %mul3A_248 : i32
          %eq3A_250 = arith.constant 0 : i32
          %eq3A_251 = arith.cmpi eq, %arg0, %eq3A_250 : i32
          %convert_element_type3A_252 = arith.extui %eq3A_251 : i1 to i32
          %cond3A_253 = arith.constant 0 : i32
          %cond3A_254 = arith.cmpi ne, %convert_element_type3A_252, %cond3A_253 : i32
          scf.if %cond3A_254 {
            %dma_start3A = tpu.memref_slice %arg5[%mul3A_249] : memref<160000xi32, #tpu.memory_space<hbm>> -> memref<128xi32, #tpu.memory_space<hbm>>
            %dma_start3A_260 = tpu.memref_slice %arg5[%mul3A_249] : memref<160000xi32, #tpu.memory_space<hbm>> -> memref<128xi32, #tpu.memory_space<hbm>>
            tpu.enqueue_dma source(%dma_start3A_260 : memref<128xi32, #tpu.memory_space<hbm>>) target(%arg9 : memref<128xi32, #tpu.memory_space<vmem>>) target_semaphore(%arg13 : memref<!tpu.dma_semaphore, #tpu.memory_space<semaphore_mem>>)
            %dma_start3A_261 = arith.constant 0 : i32
            %dma_start3A_262 = tpu.memref_slice %arg2[%mul3A_249, %dma_start3A_261] : memref<160000x128xf32, #tpu.memory_space<hbm>> -> memref<128x128xf32, #tpu.memory_space<hbm>>
            %dma_start3A_263 = arith.constant 0 : i32
            %dma_start3A_264 = tpu.memref_slice %arg2[%mul3A_249, %dma_start3A_263] : memref<160000x128xf32, #tpu.memory_space<hbm>> -> memref<128x128xf32, #tpu.memory_space<hbm>>
            tpu.enqueue_dma source(%dma_start3A_264 : memref<128x128xf32, #tpu.memory_space<hbm>>) target(%arg10 : memref<128x128xf32, #tpu.memory_space<vmem>>) target_semaphore(%arg13 : memref<!tpu.dma_semaphore, #tpu.memory_space<semaphore_mem>>)
          } else {
          }
          %eq3A_255 = arith.constant 1 : i32
          %eq3A_256 = arith.cmpi eq, %arg0, %eq3A_255 : i32
          %convert_element_type3A_257 = arith.extui %eq3A_256 : i1 to i32
          %cond3A_258 = arith.constant 0 : i32
          %cond3A_259 = arith.cmpi ne, %convert_element_type3A_257, %cond3A_258 : i32
          scf.if %cond3A_259 {
            %dma_start3A = tpu.memref_slice %arg7[%mul3A_249] : memref<160000xi32, #tpu.memory_space<hbm>> -> memref<128xi32, #tpu.memory_space<hbm>>
            %dma_start3A_260 = tpu.memref_slice %arg7[%mul3A_249] : memref<160000xi32, #tpu.memory_space<hbm>> -> memref<128xi32, #tpu.memory_space<hbm>>
            tpu.enqueue_dma source(%dma_start3A_260 : memref<128xi32, #tpu.memory_space<hbm>>) target(%arg9 : memref<128xi32, #tpu.memory_space<vmem>>) target_semaphore(%arg13 : memref<!tpu.dma_semaphore, #tpu.memory_space<semaphore_mem>>)
            %dma_start3A_261 = arith.constant 0 : i32
            %dma_start3A_262 = tpu.memref_slice %arg3[%mul3A_249, %dma_start3A_261] : memref<160000x128xf32, #tpu.memory_space<hbm>> -> memref<128x128xf32, #tpu.memory_space<hbm>>
            %dma_start3A_263 = arith.constant 0 : i32
            %dma_start3A_264 = tpu.memref_slice %arg3[%mul3A_249, %dma_start3A_263] : memref<160000x128xf32, #tpu.memory_space<hbm>> -> memref<128x128xf32, #tpu.memory_space<hbm>>
            tpu.enqueue_dma source(%dma_start3A_264 : memref<128x128xf32, #tpu.memory_space<hbm>>) target(%arg10 : memref<128x128xf32, #tpu.memory_space<vmem>>) target_semaphore(%arg13 : memref<!tpu.dma_semaphore, #tpu.memory_space<semaphore_mem>>)
          } else {
          }
        } else {
        }
      } else {
      }
      %mul3A_219 = arith.constant 2 : i32
      %mul3A_220 = arith.muli %while3A_210, %mul3A_219 : i32
      %add3A_221 = arith.constant 1 : i32
      %add3A_222 = arith.addi %mul3A_220, %add3A_221 : i32
      %lt3A_223 = arith.cmpi slt, %add3A_222, %select_n3A : i32
      %convert_element_type3A_224 = arith.extui %lt3A_223 : i1 to i32
      %cond3A_225 = arith.constant 0 : i32
      %cond3A_226 = arith.cmpi ne, %convert_element_type3A_224, %cond3A_225 : i32
      scf.if %cond3A_226 {
        %mul3A_227 = arith.constant 16 : i32
        %mul3A_228 = arith.muli %add3A_222, %mul3A_227 : i32
        %add3A_229 = arith.addi %arg1, %mul3A_228 : i32
        %mul3A_230 = arith.constant 128 : i32
        %mul3A_231 = arith.muli %add3A_229, %mul3A_230 : i32
        %dma_wait3A = tpu.memref_slice %arg5[%mul3A_231] : memref<160000xi32, #tpu.memory_space<hbm>> -> memref<128xi32, #tpu.memory_space<hbm>>
        %dma_wait3A_232 = tpu.memref_slice %arg5[%mul3A_231] : memref<160000xi32, #tpu.memory_space<hbm>> -> memref<128xi32, #tpu.memory_space<hbm>>
        tpu.wait_dma2 semaphore(%arg14 : memref<!tpu.dma_semaphore, #tpu.memory_space<semaphore_mem>>) src(%dma_wait3A_232 : memref<128xi32, #tpu.memory_space<hbm>>) dst(%arg11 : memref<128xi32, #tpu.memory_space<vmem>>)
        %dma_wait3A_233 = arith.constant 0 : i32
        %dma_wait3A_234 = tpu.memref_slice %arg2[%mul3A_231, %dma_wait3A_233] : memref<160000x128xf32, #tpu.memory_space<hbm>> -> memref<128x128xf32, #tpu.memory_space<hbm>>
        %dma_wait3A_235 = arith.constant 0 : i32
        %dma_wait3A_236 = tpu.memref_slice %arg2[%mul3A_231, %dma_wait3A_235] : memref<160000x128xf32, #tpu.memory_space<hbm>> -> memref<128x128xf32, #tpu.memory_space<hbm>>
        tpu.wait_dma2 semaphore(%arg14 : memref<!tpu.dma_semaphore, #tpu.memory_space<semaphore_mem>>) src(%dma_wait3A_236 : memref<128x128xf32, #tpu.memory_space<hbm>>) dst(%arg12 : memref<128x128xf32, #tpu.memory_space<vmem>>)
        "tpu.region"() ({
          %run_scoped3A = tpu.sem_alloc : memref<!tpu.dma_semaphore, #tpu.memory_space<semaphore_mem>>
          %dma_start3A = arith.constant 0 : i32
          %dma_start3A_243 = arith.constant 0 : i32
          %dma_start3A_244 = tpu.memref_slice %arg16[%dma_start3A, %dma_start3A_243] : memref<5200x128xf32, #tpu.memory_space<vmem_shared>> -> memref<5200x128xf32, #tpu.memory_space<vmem_shared>>
          tpu.enqueue_indirect_dma source(%arg12 : memref<128x128xf32, #tpu.memory_space<vmem>>) target(%dma_start3A_244 : memref<5200x128xf32, #tpu.memory_space<vmem_shared>>) offsets(%arg11 : memref<128xi32, #tpu.memory_space<vmem>>) semaphore(%run_scoped3A : memref<!tpu.dma_semaphore, #tpu.memory_space<semaphore_mem>>) {add = true}
          %dma_wait3A_245 = arith.constant 0 : i32
          %dma_wait3A_246 = arith.constant 0 : i32
          %dma_wait3A_247 = tpu.memref_slice %arg16[%dma_wait3A_245, %dma_wait3A_246] : memref<5200x128xf32, #tpu.memory_space<vmem_shared>> -> memref<5200x128xf32, #tpu.memory_space<vmem_shared>>
          tpu.wait_indirect_dma semaphore(%run_scoped3A : memref<!tpu.dma_semaphore, #tpu.memory_space<semaphore_mem>>) src(%arg12 : memref<128x128xf32, #tpu.memory_space<vmem>>) dst(%dma_wait3A_247 : memref<5200x128xf32, #tpu.memory_space<vmem_shared>>)
          tpu.yield
        }) : () -> ()
        %add3A_237 = arith.constant 2 : i32
        %add3A_238 = arith.addi %add3A_222, %add3A_237 : i32
        %lt3A_239 = arith.cmpi slt, %add3A_238, %select_n3A : i32
        %convert_element_type3A_240 = arith.extui %lt3A_239 : i1 to i32
        %cond3A_241 = arith.constant 0 : i32
        %cond3A_242 = arith.cmpi ne, %convert_element_type3A_240, %cond3A_241 : i32
        scf.if %cond3A_242 {
          %add3A_243 = arith.constant 2 : i32
          %add3A_244 = arith.addi %add3A_222, %add3A_243 : i32
          %mul3A_245 = arith.constant 16 : i32
          %mul3A_246 = arith.muli %add3A_244, %mul3A_245 : i32
          %add3A_247 = arith.addi %arg1, %mul3A_246 : i32
          %mul3A_248 = arith.constant 128 : i32
          %mul3A_249 = arith.muli %add3A_247, %mul3A_248 : i32
          %eq3A_250 = arith.constant 0 : i32
          %eq3A_251 = arith.cmpi eq, %arg0, %eq3A_250 : i32
          %convert_element_type3A_252 = arith.extui %eq3A_251 : i1 to i32
          %cond3A_253 = arith.constant 0 : i32
          %cond3A_254 = arith.cmpi ne, %convert_element_type3A_252, %cond3A_253 : i32
          scf.if %cond3A_254 {
            %dma_start3A = tpu.memref_slice %arg5[%mul3A_249] : memref<160000xi32, #tpu.memory_space<hbm>> -> memref<128xi32, #tpu.memory_space<hbm>>
            %dma_start3A_260 = tpu.memref_slice %arg5[%mul3A_249] : memref<160000xi32, #tpu.memory_space<hbm>> -> memref<128xi32, #tpu.memory_space<hbm>>
            tpu.enqueue_dma source(%dma_start3A_260 : memref<128xi32, #tpu.memory_space<hbm>>) target(%arg11 : memref<128xi32, #tpu.memory_space<vmem>>) target_semaphore(%arg14 : memref<!tpu.dma_semaphore, #tpu.memory_space<semaphore_mem>>)
            %dma_start3A_261 = arith.constant 0 : i32
            %dma_start3A_262 = tpu.memref_slice %arg2[%mul3A_249, %dma_start3A_261] : memref<160000x128xf32, #tpu.memory_space<hbm>> -> memref<128x128xf32, #tpu.memory_space<hbm>>
            %dma_start3A_263 = arith.constant 0 : i32
            %dma_start3A_264 = tpu.memref_slice %arg2[%mul3A_249, %dma_start3A_263] : memref<160000x128xf32, #tpu.memory_space<hbm>> -> memref<128x128xf32, #tpu.memory_space<hbm>>
            tpu.enqueue_dma source(%dma_start3A_264 : memref<128x128xf32, #tpu.memory_space<hbm>>) target(%arg12 : memref<128x128xf32, #tpu.memory_space<vmem>>) target_semaphore(%arg14 : memref<!tpu.dma_semaphore, #tpu.memory_space<semaphore_mem>>)
          } else {
          }
          %eq3A_255 = arith.constant 1 : i32
          %eq3A_256 = arith.cmpi eq, %arg0, %eq3A_255 : i32
          %convert_element_type3A_257 = arith.extui %eq3A_256 : i1 to i32
          %cond3A_258 = arith.constant 0 : i32
          %cond3A_259 = arith.cmpi ne, %convert_element_type3A_257, %cond3A_258 : i32
          scf.if %cond3A_259 {
            %dma_start3A = tpu.memref_slice %arg7[%mul3A_249] : memref<160000xi32, #tpu.memory_space<hbm>> -> memref<128xi32, #tpu.memory_space<hbm>>
            %dma_start3A_260 = tpu.memref_slice %arg7[%mul3A_249] : memref<160000xi32, #tpu.memory_space<hbm>> -> memref<128xi32, #tpu.memory_space<hbm>>
            tpu.enqueue_dma source(%dma_start3A_260 : memref<128xi32, #tpu.memory_space<hbm>>) target(%arg11 : memref<128xi32, #tpu.memory_space<vmem>>) target_semaphore(%arg14 : memref<!tpu.dma_semaphore, #tpu.memory_space<semaphore_mem>>)
            %dma_start3A_261 = arith.constant 0 : i32
            %dma_start3A_262 = tpu.memref_slice %arg3[%mul3A_249, %dma_start3A_261] : memref<160000x128xf32, #tpu.memory_space<hbm>> -> memref<128x128xf32, #tpu.memory_space<hbm>>
            %dma_start3A_263 = arith.constant 0 : i32
            %dma_start3A_264 = tpu.memref_slice %arg3[%mul3A_249, %dma_start3A_263] : memref<160000x128xf32, #tpu.memory_space<hbm>> -> memref<128x128xf32, #tpu.memory_space<hbm>>
            tpu.enqueue_dma source(%dma_start3A_264 : memref<128x128xf32, #tpu.memory_space<hbm>>) target(%arg12 : memref<128x128xf32, #tpu.memory_space<vmem>>) target_semaphore(%arg14 : memref<!tpu.dma_semaphore, #tpu.memory_space<semaphore_mem>>)
          } else {
          }
        } else {
        }
      } else {
      }
    }
    %barrier3A_194 = arith.constant 0 : index
    tpu.barrier barrier_id(%barrier3A_194)
    %add3A_195 = arith.constant 0 : i32
    %add3A_196 = arith.addi %arg1, %add3A_195 : i32
    %lt3A_197 = arith.constant 25 : i32
    %lt3A_198 = arith.cmpi slt, %add3A_196, %lt3A_197 : i32
    %convert_element_type3A_199 = arith.extui %lt3A_198 : i1 to i32
    %cond3A_200 = arith.constant 0 : i32
    %cond3A_201 = arith.cmpi ne, %convert_element_type3A_199, %cond3A_200 : i32
    scf.if %cond3A_201 {
      %mul3A_210 = arith.constant 200 : i32
      %mul3A_211 = arith.muli %add3A_196, %mul3A_210 : i32
      %add3A_212 = arith.constant 5000 : i32
      %add3A_213 = arith.addi %add3A_212, %mul3A_211 : i32
      "tpu.region"() ({
        %run_scoped3A = tpu.sem_alloc : memref<!tpu.dma_semaphore, #tpu.memory_space<semaphore_mem>>
        %dma_start3A = arith.constant 0 : i32
        %dma_start3A_214 = tpu.memref_slice %arg8[%arg0, %add3A_213, %dma_start3A] : memref<2x10000x128xf32, #tpu.memory_space<hbm>> -> memref<1x200x128xf32, #tpu.memory_space<hbm>>
        %dma_start3A_215 = tpu.memref_squeeze %dma_start3A_214 : memref<1x200x128xf32, #tpu.memory_space<hbm>> -> memref<200x128xf32, #tpu.memory_space<hbm>>
        %dma_start3A_216 = arith.constant 0 : i32
        %dma_start3A_217 = tpu.memref_slice %arg16[%mul3A_211, %dma_start3A_216] : memref<5200x128xf32, #tpu.memory_space<vmem_shared>> -> memref<200x128xf32, #tpu.memory_space<vmem_shared>>
        tpu.enqueue_dma source(%dma_start3A_217 : memref<200x128xf32, #tpu.memory_space<vmem_shared>>) target(%dma_start3A_215 : memref<200x128xf32, #tpu.memory_space<hbm>>) target_semaphore(%run_scoped3A : memref<!tpu.dma_semaphore, #tpu.memory_space<semaphore_mem>>)
        %dma_wait3A = arith.constant 0 : i32
        %dma_wait3A_218 = tpu.memref_slice %arg8[%arg0, %add3A_213, %dma_wait3A] : memref<2x10000x128xf32, #tpu.memory_space<hbm>> -> memref<1x200x128xf32, #tpu.memory_space<hbm>>
        %dma_wait3A_219 = tpu.memref_squeeze %dma_wait3A_218 : memref<1x200x128xf32, #tpu.memory_space<hbm>> -> memref<200x128xf32, #tpu.memory_space<hbm>>
        %dma_wait3A_220 = arith.constant 0 : i32
        %dma_wait3A_221 = tpu.memref_slice %arg16[%mul3A_211, %dma_wait3A_220] : memref<5200x128xf32, #tpu.memory_space<vmem_shared>> -> memref<200x128xf32, #tpu.memory_space<vmem_shared>>
        tpu.wait_dma2 semaphore(%run_scoped3A : memref<!tpu.dma_semaphore, #tpu.memory_space<semaphore_mem>>) src(%dma_wait3A_221 : memref<200x128xf32, #tpu.memory_space<vmem_shared>>) dst(%dma_wait3A_219 : memref<200x128xf32, #tpu.memory_space<hbm>>)
        tpu.yield
      }) : () -> ()
    } else {
    }
    %add3A_202 = arith.constant 16 : i32
    %add3A_203 = arith.addi %arg1, %add3A_202 : i32
    %lt3A_204 = arith.constant 25 : i32
    %lt3A_205 = arith.cmpi slt, %add3A_203, %lt3A_204 : i32
    %convert_element_type3A_206 = arith.extui %lt3A_205 : i1 to i32
    %cond3A_207 = arith.constant 0 : i32
    %cond3A_208 = arith.cmpi ne, %convert_element_type3A_206, %cond3A_207 : i32
    scf.if %cond3A_208 {
      %mul3A_210 = arith.constant 200 : i32
      %mul3A_211 = arith.muli %add3A_203, %mul3A_210 : i32
      %add3A_212 = arith.constant 5000 : i32
      %add3A_213 = arith.addi %add3A_212, %mul3A_211 : i32
      "tpu.region"() ({
        %run_scoped3A = tpu.sem_alloc : memref<!tpu.dma_semaphore, #tpu.memory_space<semaphore_mem>>
        %dma_start3A = arith.constant 0 : i32
        %dma_start3A_214 = tpu.memref_slice %arg8[%arg0, %add3A_213, %dma_start3A] : memref<2x10000x128xf32, #tpu.memory_space<hbm>> -> memref<1x200x128xf32, #tpu.memory_space<hbm>>
        %dma_start3A_215 = tpu.memref_squeeze %dma_start3A_214 : memref<1x200x128xf32, #tpu.memory_space<hbm>> -> memref<200x128xf32, #tpu.memory_space<hbm>>
        %dma_start3A_216 = arith.constant 0 : i32
        %dma_start3A_217 = tpu.memref_slice %arg16[%mul3A_211, %dma_start3A_216] : memref<5200x128xf32, #tpu.memory_space<vmem_shared>> -> memref<200x128xf32, #tpu.memory_space<vmem_shared>>
        tpu.enqueue_dma source(%dma_start3A_217 : memref<200x128xf32, #tpu.memory_space<vmem_shared>>) target(%dma_start3A_215 : memref<200x128xf32, #tpu.memory_space<hbm>>) target_semaphore(%run_scoped3A : memref<!tpu.dma_semaphore, #tpu.memory_space<semaphore_mem>>)
        %dma_wait3A = arith.constant 0 : i32
        %dma_wait3A_218 = tpu.memref_slice %arg8[%arg0, %add3A_213, %dma_wait3A] : memref<2x10000x128xf32, #tpu.memory_space<hbm>> -> memref<1x200x128xf32, #tpu.memory_space<hbm>>
        %dma_wait3A_219 = tpu.memref_squeeze %dma_wait3A_218 : memref<1x200x128xf32, #tpu.memory_space<hbm>> -> memref<200x128xf32, #tpu.memory_space<hbm>>
        %dma_wait3A_220 = arith.constant 0 : i32
        %dma_wait3A_221 = tpu.memref_slice %arg16[%mul3A_211, %dma_wait3A_220] : memref<5200x128xf32, #tpu.memory_space<vmem_shared>> -> memref<200x128xf32, #tpu.memory_space<vmem_shared>>
        tpu.wait_dma2 semaphore(%run_scoped3A : memref<!tpu.dma_semaphore, #tpu.memory_space<semaphore_mem>>) src(%dma_wait3A_221 : memref<200x128xf32, #tpu.memory_space<vmem_shared>>) dst(%dma_wait3A_219 : memref<200x128xf32, #tpu.memory_space<hbm>>)
        tpu.yield
      }) : () -> ()
    } else {
    }
    %barrier3A_209 = arith.constant 0 : index
    tpu.barrier barrier_id(%barrier3A_209)
    return
  }
}

#map = affine_map<(d0, d1) -> (0, 0)>
#map1 = affine_map<(d0, d1) -> (0)>
#map2 = affine_map<(d0, d1) -> (0, 0, 0)>
module attributes {stable_mosaic.version = 14 : i64} {
  func.func @_scatter_body(%arg0: i32, %arg1: i32, %arg2: memref<160000x128xf32, #tpu.memory_space<hbm>>, %arg3: memref<160000x128xf32, #tpu.memory_space<hbm>>, %arg4: memref<160000xi32, #tpu.memory_space<hbm>>, %arg5: memref<160000xi32, #tpu.memory_space<hbm>>, %arg6: memref<160000xi32, #tpu.memory_space<hbm>>, %arg7: memref<160000xi32, #tpu.memory_space<hbm>>, %arg8: memref<2x10000x128xf32, #tpu.memory_space<hbm>>, %arg9: memref<128xi32, #tpu.memory_space<vmem>>, %arg10: memref<128x128xf32, #tpu.memory_space<vmem>>, %arg11: memref<128xi32, #tpu.memory_space<vmem>>, %arg12: memref<128x128xf32, #tpu.memory_space<vmem>>, %arg13: memref<!tpu.dma_semaphore, #tpu.memory_space<semaphore_mem>>, %arg14: memref<!tpu.dma_semaphore, #tpu.memory_space<semaphore_mem>>, %arg15: memref<200x128xf32, #tpu.memory_space<vmem>>, %arg16: memref<5200x128xf32, #tpu.memory_space<vmem_shared>>) attributes {dimension_semantics = [#tpu.dimension_semantics<core_parallel>, #tpu.dimension_semantics<subcore_parallel>], iteration_bounds = array<i64: 2, 16>, scalar_prefetch = 0 : i64, scratch_operands = 8 : i64, tpu.core_type = #tpu.core_type<sc_vector_subcore>, window_params = [{transform_indices = #map}, {transform_indices = #map}, {transform_indices = #map1}, {transform_indices = #map1}, {transform_indices = #map1}, {transform_indices = #map1}, {transform_indices = #map2}]} {
    %sub3A = arith.constant 1250 : i32
    %sub3A_0 = arith.subi %sub3A, %arg1 : i32
    %add3A = arith.constant 16 : i32
    %add3A_1 = arith.addi %sub3A_0, %add3A : i32
    %sub3A_2 = arith.constant 1 : i32
    %sub3A_3 = arith.subi %add3A_1, %sub3A_2 : i32
    %jit3A = arith.constant 16 : i32
    %div3A = arith.divsi %sub3A_3, %jit3A : i32
    %sign3A = arith.constant 0 : i32
    %sign3A_4 = arith.cmpi sgt, %sub3A_3, %sign3A : i32
    %sign3A_5 = arith.extui %sign3A_4 : i1 to i32
    %sign3A_6 = arith.constant 0 : i32
    %sign3A_7 = arith.cmpi slt, %sub3A_3, %sign3A_6 : i32
    %sign3A_8 = arith.extui %sign3A_7 : i1 to i32
    %sign3A_9 = arith.subi %sign3A_5, %sign3A_8 : i32
    %sign3A_10 = arith.constant 0 : i32
    %sign3A_11 = arith.cmpi sgt, %jit3A, %sign3A_10 : i32
    %sign3A_12 = arith.extui %sign3A_11 : i1 to i32
    %sign3A_13 = arith.constant 0 : i32
    %sign3A_14 = arith.cmpi slt, %jit3A, %sign3A_13 : i32
    %sign3A_15 = arith.extui %sign3A_14 : i1 to i32
    %sign3A_16 = arith.subi %sign3A_12, %sign3A_15 : i32
    %ne3A = arith.cmpi ne, %sign3A_9, %sign3A_16 : i32
    %rem3A = arith.remsi %sub3A_3, %jit3A : i32
    %ne3A_17 = arith.constant 0 : i32
    %ne3A_18 = arith.cmpi ne, %rem3A, %ne3A_17 : i32
    %and3A = arith.andi %ne3A, %ne3A_18 : i1
    %sub3A_19 = arith.constant 1 : i32
    %sub3A_20 = arith.subi %div3A, %sub3A_19 : i32
    %select_n3A = arith.select %and3A, %sub3A_20, %div3A : i32
    %broadcast_in_dim3A = arith.constant 0.000000e+00 : f32
    %broadcast_in_dim3A_21 = vector.broadcast %broadcast_in_dim3A : f32 to vector<16xf32>
    %scan3A = arith.constant 0 : i32
    %scan3A_22 = arith.constant 0 : i32
    %scan3A_23 = arith.constant 200 : i32
    %scan3A_24 = arith.addi %scan3A_22, %scan3A_23 : i32
    %scan3A_25 = arith.constant 1 : i32
    scf.for %scan3A_210 = %scan3A_22 to %scan3A_24 step %scan3A_25  : i32 {
      %swap3A = arith.index_cast %scan3A_210 : i32 to index
      %swap3A_211 = arith.constant 0 : index
      %swap3A_212 = tpu.vector_load %arg15[%swap3A, %swap3A_211] {strides = array<i32>} : memref<200x128xf32, #tpu.memory_space<vmem>>, vector<1x16xf32>,
      %swap3A_213 = vector.shape_cast %swap3A_212 : vector<1x16xf32> to vector<16xf32>
      %swap3A_214 = vector.shape_cast %broadcast_in_dim3A_21 : vector<16xf32> to vector<1x16xf32>
      tpu.vector_store %arg15[%swap3A, %swap3A_211], %swap3A_214 {strides = array<i32>} : memref<200x128xf32, #tpu.memory_space<vmem>>, vector<1x16xf32>,
      %swap3A_215 = arith.index_cast %scan3A_210 : i32 to index
      %swap3A_216 = arith.constant 16 : index
      %swap3A_217 = tpu.vector_load %arg15[%swap3A_215, %swap3A_216] {strides = array<i32>} : memref<200x128xf32, #tpu.memory_space<vmem>>, vector<1x16xf32>,
      %swap3A_218 = vector.shape_cast %swap3A_217 : vector<1x16xf32> to vector<16xf32>
      %swap3A_219 = vector.shape_cast %broadcast_in_dim3A_21 : vector<16xf32> to vector<1x16xf32>
      tpu.vector_store %arg15[%swap3A_215, %swap3A_216], %swap3A_219 {strides = array<i32>} : memref<200x128xf32, #tpu.memory_space<vmem>>, vector<1x16xf32>,
      %swap3A_220 = arith.index_cast %scan3A_210 : i32 to index
      %swap3A_221 = arith.constant 32 : index
      %swap3A_222 = tpu.vector_load %arg15[%swap3A_220, %swap3A_221] {strides = array<i32>} : memref<200x128xf32, #tpu.memory_space<vmem>>, vector<1x16xf32>,
      %swap3A_223 = vector.shape_cast %swap3A_222 : vector<1x16xf32> to vector<16xf32>
      %swap3A_224 = vector.shape_cast %broadcast_in_dim3A_21 : vector<16xf32> to vector<1x16xf32>
      tpu.vector_store %arg15[%swap3A_220, %swap3A_221], %swap3A_224 {strides = array<i32>} : memref<200x128xf32, #tpu.memory_space<vmem>>, vector<1x16xf32>,
      %swap3A_225 = arith.index_cast %scan3A_210 : i32 to index
      %swap3A_226 = arith.constant 48 : index
      %swap3A_227 = tpu.vector_load %arg15[%swap3A_225, %swap3A_226] {strides = array<i32>} : memref<200x128xf32, #tpu.memory_space<vmem>>, vector<1x16xf32>,
      %swap3A_228 = vector.shape_cast %swap3A_227 : vector<1x16xf32> to vector<16xf32>
      %swap3A_229 = vector.shape_cast %broadcast_in_dim3A_21 : vector<16xf32> to vector<1x16xf32>
      tpu.vector_store %arg15[%swap3A_225, %swap3A_226], %swap3A_229 {strides = array<i32>} : memref<200x128xf32, #tpu.memory_space<vmem>>, vector<1x16xf32>,
      %swap3A_230 = arith.index_cast %scan3A_210 : i32 to index
      %swap3A_231 = arith.constant 64 : index
      %swap3A_232 = tpu.vector_load %arg15[%swap3A_230, %swap3A_231] {strides = array<i32>} : memref<200x128xf32, #tpu.memory_space<vmem>>, vector<1x16xf32>,
      %swap3A_233 = vector.shape_cast %swap3A_232 : vector<1x16xf32> to vector<16xf32>
      %swap3A_234 = vector.shape_cast %broadcast_in_dim3A_21 : vector<16xf32> to vector<1x16xf32>
      tpu.vector_store %arg15[%swap3A_230, %swap3A_231], %swap3A_234 {strides = array<i32>} : memref<200x128xf32, #tpu.memory_space<vmem>>, vector<1x16xf32>,
      %swap3A_235 = arith.index_cast %scan3A_210 : i32 to index
      %swap3A_236 = arith.constant 80 : index
      %swap3A_237 = tpu.vector_load %arg15[%swap3A_235, %swap3A_236] {strides = array<i32>} : memref<200x128xf32, #tpu.memory_space<vmem>>, vector<1x16xf32>,
      %swap3A_238 = vector.shape_cast %swap3A_237 : vector<1x16xf32> to vector<16xf32>
      %swap3A_239 = vector.shape_cast %broadcast_in_dim3A_21 : vector<16xf32> to vector<1x16xf32>
      tpu.vector_store %arg15[%swap3A_235, %swap3A_236], %swap3A_239 {strides = array<i32>} : memref<200x128xf32, #tpu.memory_space<vmem>>, vector<1x16xf32>,
      %swap3A_240 = arith.index_cast %scan3A_210 : i32 to index
      %swap3A_241 = arith.constant 96 : index
      %swap3A_242 = tpu.vector_load %arg15[%swap3A_240, %swap3A_241] {strides = array<i32>} : memref<200x128xf32, #tpu.memory_space<vmem>>, vector<1x16xf32>,
      %swap3A_243 = vector.shape_cast %swap3A_242 : vector<1x16xf32> to vector<16xf32>
      %swap3A_244 = vector.shape_cast %broadcast_in_dim3A_21 : vector<16xf32> to vector<1x16xf32>
      tpu.vector_store %arg15[%swap3A_240, %swap3A_241], %swap3A_244 {strides = array<i32>} : memref<200x128xf32, #tpu.memory_space<vmem>>, vector<1x16xf32>,
      %swap3A_245 = arith.index_cast %scan3A_210 : i32 to index
      %swap3A_246 = arith.constant 112 : index
      %swap3A_247 = tpu.vector_load %arg15[%swap3A_245, %swap3A_246] {strides = array<i32>} : memref<200x128xf32, #tpu.memory_space<vmem>>, vector<1x16xf32>,
      %swap3A_248 = vector.shape_cast %swap3A_247 : vector<1x16xf32> to vector<16xf32>
      %swap3A_249 = vector.shape_cast %broadcast_in_dim3A_21 : vector<16xf32> to vector<1x16xf32>
      tpu.vector_store %arg15[%swap3A_245, %swap3A_246], %swap3A_249 {strides = array<i32>} : memref<200x128xf32, #tpu.memory_space<vmem>>, vector<1x16xf32>,
    }
    %scan3A_26 = arith.constant 200 : i32
    %add3A_27 = arith.constant 0 : i32
    %add3A_28 = arith.addi %arg1, %add3A_27 : i32
    %lt3A = arith.constant 26 : i32
    %lt3A_29 = arith.cmpi slt, %add3A_28, %lt3A : i32
    %convert_element_type3A = arith.extui %lt3A_29 : i1 to i32
    %cond3A = arith.constant 0 : i32
    %cond3A_30 = arith.cmpi ne, %convert_element_type3A, %cond3A : i32
    scf.if %cond3A_30 {
      %mul3A_210 = arith.constant 200 : i32
      %mul3A_211 = arith.muli %add3A_28, %mul3A_210 : i32
      "tpu.region"() ({
        %run_scoped3A = tpu.sem_alloc : memref<!tpu.dma_semaphore, #tpu.memory_space<semaphore_mem>>
        %dma_start3A = arith.constant 0 : i32
        %dma_start3A_212 = tpu.memref_slice %arg16[%mul3A_211, %dma_start3A] : memref<5200x128xf32, #tpu.memory_space<vmem_shared>> -> memref<200x128xf32, #tpu.memory_space<vmem_shared>>
        %dma_start3A_213 = arith.constant 0 : i32
        %dma_start3A_214 = tpu.memref_slice %arg16[%mul3A_211, %dma_start3A_213] : memref<5200x128xf32, #tpu.memory_space<vmem_shared>> -> memref<200x128xf32, #tpu.memory_space<vmem_shared>>
        tpu.enqueue_dma source(%arg15 : memref<200x128xf32, #tpu.memory_space<vmem>>) target(%dma_start3A_214 : memref<200x128xf32, #tpu.memory_space<vmem_shared>>) target_semaphore(%run_scoped3A : memref<!tpu.dma_semaphore, #tpu.memory_space<semaphore_mem>>)
        %dma_wait3A = arith.constant 0 : i32
        %dma_wait3A_215 = tpu.memref_slice %arg16[%mul3A_211, %dma_wait3A] : memref<5200x128xf32, #tpu.memory_space<vmem_shared>> -> memref<200x128xf32, #tpu.memory_space<vmem_shared>>
        %dma_wait3A_216 = arith.constant 0 : i32
        %dma_wait3A_217 = tpu.memref_slice %arg16[%mul3A_211, %dma_wait3A_216] : memref<5200x128xf32, #tpu.memory_space<vmem_shared>> -> memref<200x128xf32, #tpu.memory_space<vmem_shared>>
        tpu.wait_dma2 semaphore(%run_scoped3A : memref<!tpu.dma_semaphore, #tpu.memory_space<semaphore_mem>>) src(%arg15 : memref<200x128xf32, #tpu.memory_space<vmem>>) dst(%dma_wait3A_217 : memref<200x128xf32, #tpu.memory_space<vmem_shared>>)
        tpu.yield
      }) : () -> ()
    } else {
    }
    %add3A_31 = arith.constant 16 : i32
    %add3A_32 = arith.addi %arg1, %add3A_31 : i32
    %lt3A_33 = arith.constant 26 : i32
    %lt3A_34 = arith.cmpi slt, %add3A_32, %lt3A_33 : i32
    %convert_element_type3A_35 = arith.extui %lt3A_34 : i1 to i32
    %cond3A_36 = arith.constant 0 : i32
    %cond3A_37 = arith.cmpi ne, %convert_element_type3A_35, %cond3A_36 : i32
    scf.if %cond3A_37 {
      %mul3A_210 = arith.constant 200 : i32
      %mul3A_211 = arith.muli %add3A_32, %mul3A_210 : i32
      "tpu.region"() ({
        %run_scoped3A = tpu.sem_alloc : memref<!tpu.dma_semaphore, #tpu.memory_space<semaphore_mem>>
        %dma_start3A = arith.constant 0 : i32
        %dma_start3A_212 = tpu.memref_slice %arg16[%mul3A_211, %dma_start3A] : memref<5200x128xf32, #tpu.memory_space<vmem_shared>> -> memref<200x128xf32, #tpu.memory_space<vmem_shared>>
        %dma_start3A_213 = arith.constant 0 : i32
        %dma_start3A_214 = tpu.memref_slice %arg16[%mul3A_211, %dma_start3A_213] : memref<5200x128xf32, #tpu.memory_space<vmem_shared>> -> memref<200x128xf32, #tpu.memory_space<vmem_shared>>
        tpu.enqueue_dma source(%arg15 : memref<200x128xf32, #tpu.memory_space<vmem>>) target(%dma_start3A_214 : memref<200x128xf32, #tpu.memory_space<vmem_shared>>) target_semaphore(%run_scoped3A : memref<!tpu.dma_semaphore, #tpu.memory_space<semaphore_mem>>)
        %dma_wait3A = arith.constant 0 : i32
        %dma_wait3A_215 = tpu.memref_slice %arg16[%mul3A_211, %dma_wait3A] : memref<5200x128xf32, #tpu.memory_space<vmem_shared>> -> memref<200x128xf32, #tpu.memory_space<vmem_shared>>
        %dma_wait3A_216 = arith.constant 0 : i32
        %dma_wait3A_217 = tpu.memref_slice %arg16[%mul3A_211, %dma_wait3A_216] : memref<5200x128xf32, #tpu.memory_space<vmem_shared>> -> memref<200x128xf32, #tpu.memory_space<vmem_shared>>
        tpu.wait_dma2 semaphore(%run_scoped3A : memref<!tpu.dma_semaphore, #tpu.memory_space<semaphore_mem>>) src(%arg15 : memref<200x128xf32, #tpu.memory_space<vmem>>) dst(%dma_wait3A_217 : memref<200x128xf32, #tpu.memory_space<vmem_shared>>)
        tpu.yield
      }) : () -> ()
    } else {
    }
    %barrier3A = arith.constant 0 : index
    tpu.barrier barrier_id(%barrier3A)
    %add3A_38 = arith.constant 0 : i32
    %add3A_39 = arith.addi %arg1, %add3A_38 : i32
    %mul3A = arith.constant 128 : i32
    %mul3A_40 = arith.muli %add3A_39, %mul3A : i32
    %eq3A = arith.constant 0 : i32
    %eq3A_41 = arith.cmpi eq, %arg0, %eq3A : i32
    %convert_element_type3A_42 = arith.extui %eq3A_41 : i1 to i32
    %cond3A_43 = arith.constant 0 : i32
    %cond3A_44 = arith.cmpi ne, %convert_element_type3A_42, %cond3A_43 : i32
    scf.if %cond3A_44 {
      %dma_start3A = tpu.memref_slice %arg4[%mul3A_40] : memref<160000xi32, #tpu.memory_space<hbm>> -> memref<128xi32, #tpu.memory_space<hbm>>
      %dma_start3A_210 = tpu.memref_slice %arg4[%mul3A_40] : memref<160000xi32, #tpu.memory_space<hbm>> -> memref<128xi32, #tpu.memory_space<hbm>>
      tpu.enqueue_dma source(%dma_start3A_210 : memref<128xi32, #tpu.memory_space<hbm>>) target(%arg9 : memref<128xi32, #tpu.memory_space<vmem>>) target_semaphore(%arg13 : memref<!tpu.dma_semaphore, #tpu.memory_space<semaphore_mem>>)
      %dma_start3A_211 = arith.constant 0 : i32
      %dma_start3A_212 = tpu.memref_slice %arg2[%mul3A_40, %dma_start3A_211] : memref<160000x128xf32, #tpu.memory_space<hbm>> -> memref<128x128xf32, #tpu.memory_space<hbm>>
      %dma_start3A_213 = arith.constant 0 : i32
      %dma_start3A_214 = tpu.memref_slice %arg2[%mul3A_40, %dma_start3A_213] : memref<160000x128xf32, #tpu.memory_space<hbm>> -> memref<128x128xf32, #tpu.memory_space<hbm>>
      tpu.enqueue_dma source(%dma_start3A_214 : memref<128x128xf32, #tpu.memory_space<hbm>>) target(%arg10 : memref<128x128xf32, #tpu.memory_space<vmem>>) target_semaphore(%arg13 : memref<!tpu.dma_semaphore, #tpu.memory_space<semaphore_mem>>)
    } else {
    }
    %eq3A_45 = arith.constant 1 : i32
    %eq3A_46 = arith.cmpi eq, %arg0, %eq3A_45 : i32
    %convert_element_type3A_47 = arith.extui %eq3A_46 : i1 to i32
    %cond3A_48 = arith.constant 0 : i32
    %cond3A_49 = arith.cmpi ne, %convert_element_type3A_47, %cond3A_48 : i32
    scf.if %cond3A_49 {
      %dma_start3A = tpu.memref_slice %arg6[%mul3A_40] : memref<160000xi32, #tpu.memory_space<hbm>> -> memref<128xi32, #tpu.memory_space<hbm>>
      %dma_start3A_210 = tpu.memref_slice %arg6[%mul3A_40] : memref<160000xi32, #tpu.memory_space<hbm>> -> memref<128xi32, #tpu.memory_space<hbm>>
      tpu.enqueue_dma source(%dma_start3A_210 : memref<128xi32, #tpu.memory_space<hbm>>) target(%arg9 : memref<128xi32, #tpu.memory_space<vmem>>) target_semaphore(%arg13 : memref<!tpu.dma_semaphore, #tpu.memory_space<semaphore_mem>>)
      %dma_start3A_211 = arith.constant 0 : i32
      %dma_start3A_212 = tpu.memref_slice %arg3[%mul3A_40, %dma_start3A_211] : memref<160000x128xf32, #tpu.memory_space<hbm>> -> memref<128x128xf32, #tpu.memory_space<hbm>>
      %dma_start3A_213 = arith.constant 0 : i32
      %dma_start3A_214 = tpu.memref_slice %arg3[%mul3A_40, %dma_start3A_213] : memref<160000x128xf32, #tpu.memory_space<hbm>> -> memref<128x128xf32, #tpu.memory_space<hbm>>
      tpu.enqueue_dma source(%dma_start3A_214 : memref<128x128xf32, #tpu.memory_space<hbm>>) target(%arg10 : memref<128x128xf32, #tpu.memory_space<vmem>>) target_semaphore(%arg13 : memref<!tpu.dma_semaphore, #tpu.memory_space<semaphore_mem>>)
    } else {
    }
    %add3A_50 = arith.constant 16 : i32
    %add3A_51 = arith.addi %arg1, %add3A_50 : i32
    %mul3A_52 = arith.constant 128 : i32
    %mul3A_53 = arith.muli %add3A_51, %mul3A_52 : i32
    %eq3A_54 = arith.constant 0 : i32
    %eq3A_55 = arith.cmpi eq, %arg0, %eq3A_54 : i32
    %convert_element_type3A_56 = arith.extui %eq3A_55 : i1 to i32
    %cond3A_57 = arith.constant 0 : i32
    %cond3A_58 = arith.cmpi ne, %convert_element_type3A_56, %cond3A_57 : i32
    scf.if %cond3A_58 {
      %dma_start3A = tpu.memref_slice %arg4[%mul3A_53] : memref<160000xi32, #tpu.memory_space<hbm>> -> memref<128xi32, #tpu.memory_space<hbm>>
      %dma_start3A_210 = tpu.memref_slice %arg4[%mul3A_53] : memref<160000xi32, #tpu.memory_space<hbm>> -> memref<128xi32, #tpu.memory_space<hbm>>
      tpu.enqueue_dma source(%dma_start3A_210 : memref<128xi32, #tpu.memory_space<hbm>>) target(%arg11 : memref<128xi32, #tpu.memory_space<vmem>>) target_semaphore(%arg14 : memref<!tpu.dma_semaphore, #tpu.memory_space<semaphore_mem>>)
      %dma_start3A_211 = arith.constant 0 : i32
      %dma_start3A_212 = tpu.memref_slice %arg2[%mul3A_53, %dma_start3A_211] : memref<160000x128xf32, #tpu.memory_space<hbm>> -> memref<128x128xf32, #tpu.memory_space<hbm>>
      %dma_start3A_213 = arith.constant 0 : i32
      %dma_start3A_214 = tpu.memref_slice %arg2[%mul3A_53, %dma_start3A_213] : memref<160000x128xf32, #tpu.memory_space<hbm>> -> memref<128x128xf32, #tpu.memory_space<hbm>>
      tpu.enqueue_dma source(%dma_start3A_214 : memref<128x128xf32, #tpu.memory_space<hbm>>) target(%arg12 : memref<128x128xf32, #tpu.memory_space<vmem>>) target_semaphore(%arg14 : memref<!tpu.dma_semaphore, #tpu.memory_space<semaphore_mem>>)
    } else {
    }
    %eq3A_59 = arith.constant 1 : i32
    %eq3A_60 = arith.cmpi eq, %arg0, %eq3A_59 : i32
    %convert_element_type3A_61 = arith.extui %eq3A_60 : i1 to i32
    %cond3A_62 = arith.constant 0 : i32
    %cond3A_63 = arith.cmpi ne, %convert_element_type3A_61, %cond3A_62 : i32
    scf.if %cond3A_63 {
      %dma_start3A = tpu.memref_slice %arg6[%mul3A_53] : memref<160000xi32, #tpu.memory_space<hbm>> -> memref<128xi32, #tpu.memory_space<hbm>>
      %dma_start3A_210 = tpu.memref_slice %arg6[%mul3A_53] : memref<160000xi32, #tpu.memory_space<hbm>> -> memref<128xi32, #tpu.memory_space<hbm>>
      tpu.enqueue_dma source(%dma_start3A_210 : memref<128xi32, #tpu.memory_space<hbm>>) target(%arg11 : memref<128xi32, #tpu.memory_space<vmem>>) target_semaphore(%arg14 : memref<!tpu.dma_semaphore, #tpu.memory_space<semaphore_mem>>)
      %dma_start3A_211 = arith.constant 0 : i32
      %dma_start3A_212 = tpu.memref_slice %arg3[%mul3A_53, %dma_start3A_211] : memref<160000x128xf32, #tpu.memory_space<hbm>> -> memref<128x128xf32, #tpu.memory_space<hbm>>
      %dma_start3A_213 = arith.constant 0 : i32
      %dma_start3A_214 = tpu.memref_slice %arg3[%mul3A_53, %dma_start3A_213] : memref<160000x128xf32, #tpu.memory_space<hbm>> -> memref<128x128xf32, #tpu.memory_space<hbm>>
      tpu.enqueue_dma source(%dma_start3A_214 : memref<128x128xf32, #tpu.memory_space<hbm>>) target(%arg12 : memref<128x128xf32, #tpu.memory_space<vmem>>) target_semaphore(%arg14 : memref<!tpu.dma_semaphore, #tpu.memory_space<semaphore_mem>>)
    } else {
    }
    %add3A_64 = arith.constant 1 : i32
    %add3A_65 = arith.addi %select_n3A, %add3A_64 : i32
    %jit3A_66 = arith.constant 2 : i32
    %div3A_67 = arith.divsi %add3A_65, %jit3A_66 : i32
    %sign3A_68 = arith.constant 0 : i32
    %sign3A_69 = arith.cmpi sgt, %add3A_65, %sign3A_68 : i32
    %sign3A_70 = arith.extui %sign3A_69 : i1 to i32
    %sign3A_71 = arith.constant 0 : i32
    %sign3A_72 = arith.cmpi slt, %add3A_65, %sign3A_71 : i32
    %sign3A_73 = arith.extui %sign3A_72 : i1 to i32
    %sign3A_74 = arith.subi %sign3A_70, %sign3A_73 : i32
    %sign3A_75 = arith.constant 0 : i32
    %sign3A_76 = arith.cmpi sgt, %jit3A_66, %sign3A_75 : i32
    %sign3A_77 = arith.extui %sign3A_76 : i1 to i32
    %sign3A_78 = arith.constant 0 : i32
    %sign3A_79 = arith.cmpi slt, %jit3A_66, %sign3A_78 : i32
    %sign3A_80 = arith.extui %sign3A_79 : i1 to i32
    %sign3A_81 = arith.subi %sign3A_77, %sign3A_80 : i32
    %ne3A_82 = arith.cmpi ne, %sign3A_74, %sign3A_81 : i32
    %rem3A_83 = arith.remsi %add3A_65, %jit3A_66 : i32
    %ne3A_84 = arith.constant 0 : i32
    %ne3A_85 = arith.cmpi ne, %rem3A_83, %ne3A_84 : i32
    %and3A_86 = arith.andi %ne3A_82, %ne3A_85 : i1
    %sub3A_87 = arith.constant 1 : i32
    %sub3A_88 = arith.subi %div3A_67, %sub3A_87 : i32
    %select_n3A_89 = arith.select %and3A_86, %sub3A_88, %div3A_67 : i32
    %while3A = arith.constant 0 : i32
    %while3A_90 = arith.constant 0 : i32
    %while3A_91 = arith.subi %select_n3A_89, %while3A_90 : i32
    %while3A_92 = arith.addi %while3A_90, %while3A_91 : i32
    %while3A_93 = arith.constant 1 : i32
    %while3A_94 = arith.divsi %while3A_91, %while3A_93 : i32
    %while3A_95 = arith.muli %while3A_94, %while3A_93 : i32
    %while3A_96 = arith.addi %while3A_90, %while3A_95 : i32
    %while3A_97 = arith.constant 1 : i32
    scf.for %while3A_210 = %while3A_90 to %while3A_96 step %while3A_97  : i32 {
      %mul3A_211 = arith.constant 2 : i32
      %mul3A_212 = arith.muli %while3A_210, %mul3A_211 : i32
      %add3A_213 = arith.constant 0 : i32
      %add3A_214 = arith.addi %mul3A_212, %add3A_213 : i32
      %lt3A_215 = arith.cmpi slt, %add3A_214, %select_n3A : i32
      %convert_element_type3A_216 = arith.extui %lt3A_215 : i1 to i32
      %cond3A_217 = arith.constant 0 : i32
      %cond3A_218 = arith.cmpi ne, %convert_element_type3A_216, %cond3A_217 : i32
      scf.if %cond3A_218 {
        %mul3A_227 = arith.constant 16 : i32
        %mul3A_228 = arith.muli %add3A_214, %mul3A_227 : i32
        %add3A_229 = arith.addi %arg1, %mul3A_228 : i32
        %mul3A_230 = arith.constant 128 : i32
        %mul3A_231 = arith.muli %add3A_229, %mul3A_230 : i32
        %dma_wait3A = tpu.memref_slice %arg4[%mul3A_231] : memref<160000xi32, #tpu.memory_space<hbm>> -> memref<128xi32, #tpu.memory_space<hbm>>
        %dma_wait3A_232 = tpu.memref_slice %arg4[%mul3A_231] : memref<160000xi32, #tpu.memory_space<hbm>> -> memref<128xi32, #tpu.memory_space<hbm>>
        tpu.wait_dma2 semaphore(%arg13 : memref<!tpu.dma_semaphore, #tpu.memory_space<semaphore_mem>>) src(%dma_wait3A_232 : memref<128xi32, #tpu.memory_space<hbm>>) dst(%arg9 : memref<128xi32, #tpu.memory_space<vmem>>)
        %dma_wait3A_233 = arith.constant 0 : i32
        %dma_wait3A_234 = tpu.memref_slice %arg2[%mul3A_231, %dma_wait3A_233] : memref<160000x128xf32, #tpu.memory_space<hbm>> -> memref<128x128xf32, #tpu.memory_space<hbm>>
        %dma_wait3A_235 = arith.constant 0 : i32
        %dma_wait3A_236 = tpu.memref_slice %arg2[%mul3A_231, %dma_wait3A_235] : memref<160000x128xf32, #tpu.memory_space<hbm>> -> memref<128x128xf32, #tpu.memory_space<hbm>>
        tpu.wait_dma2 semaphore(%arg13 : memref<!tpu.dma_semaphore, #tpu.memory_space<semaphore_mem>>) src(%dma_wait3A_236 : memref<128x128xf32, #tpu.memory_space<hbm>>) dst(%arg10 : memref<128x128xf32, #tpu.memory_space<vmem>>)
        "tpu.region"() ({
          %run_scoped3A = tpu.sem_alloc : memref<!tpu.dma_semaphore, #tpu.memory_space<semaphore_mem>>
          %dma_start3A = arith.constant 0 : i32
          %dma_start3A_243 = arith.constant 0 : i32
          %dma_start3A_244 = tpu.memref_slice %arg16[%dma_start3A, %dma_start3A_243] : memref<5200x128xf32, #tpu.memory_space<vmem_shared>> -> memref<5200x128xf32, #tpu.memory_space<vmem_shared>>
          tpu.enqueue_indirect_dma source(%arg10 : memref<128x128xf32, #tpu.memory_space<vmem>>) target(%dma_start3A_244 : memref<5200x128xf32, #tpu.memory_space<vmem_shared>>) offsets(%arg9 : memref<128xi32, #tpu.memory_space<vmem>>) semaphore(%run_scoped3A : memref<!tpu.dma_semaphore, #tpu.memory_space<semaphore_mem>>) {add = true}
          %dma_wait3A_245 = arith.constant 0 : i32
          %dma_wait3A_246 = arith.constant 0 : i32
          %dma_wait3A_247 = tpu.memref_slice %arg16[%dma_wait3A_245, %dma_wait3A_246] : memref<5200x128xf32, #tpu.memory_space<vmem_shared>> -> memref<5200x128xf32, #tpu.memory_space<vmem_shared>>
          tpu.wait_indirect_dma semaphore(%run_scoped3A : memref<!tpu.dma_semaphore, #tpu.memory_space<semaphore_mem>>) src(%arg10 : memref<128x128xf32, #tpu.memory_space<vmem>>) dst(%dma_wait3A_247 : memref<5200x128xf32, #tpu.memory_space<vmem_shared>>)
          tpu.yield
        }) : () -> ()
        %add3A_237 = arith.constant 2 : i32
        %add3A_238 = arith.addi %add3A_214, %add3A_237 : i32
        %lt3A_239 = arith.cmpi slt, %add3A_238, %select_n3A : i32
        %convert_element_type3A_240 = arith.extui %lt3A_239 : i1 to i32
        %cond3A_241 = arith.constant 0 : i32
        %cond3A_242 = arith.cmpi ne, %convert_element_type3A_240, %cond3A_241 : i32
        scf.if %cond3A_242 {
          %add3A_243 = arith.constant 2 : i32
          %add3A_244 = arith.addi %add3A_214, %add3A_243 : i32
          %mul3A_245 = arith.constant 16 : i32
          %mul3A_246 = arith.muli %add3A_244, %mul3A_245 : i32
          %add3A_247 = arith.addi %arg1, %mul3A_246 : i32
          %mul3A_248 = arith.constant 128 : i32
          %mul3A_249 = arith.muli %add3A_247, %mul3A_248 : i32
          %eq3A_250 = arith.constant 0 : i32
          %eq3A_251 = arith.cmpi eq, %arg0, %eq3A_250 : i32
          %convert_element_type3A_252 = arith.extui %eq3A_251 : i1 to i32
          %cond3A_253 = arith.constant 0 : i32
          %cond3A_254 = arith.cmpi ne, %convert_element_type3A_252, %cond3A_253 : i32
          scf.if %cond3A_254 {
            %dma_start3A = tpu.memref_slice %arg4[%mul3A_249] : memref<160000xi32, #tpu.memory_space<hbm>> -> memref<128xi32, #tpu.memory_space<hbm>>
            %dma_start3A_260 = tpu.memref_slice %arg4[%mul3A_249] : memref<160000xi32, #tpu.memory_space<hbm>> -> memref<128xi32, #tpu.memory_space<hbm>>
            tpu.enqueue_dma source(%dma_start3A_260 : memref<128xi32, #tpu.memory_space<hbm>>) target(%arg9 : memref<128xi32, #tpu.memory_space<vmem>>) target_semaphore(%arg13 : memref<!tpu.dma_semaphore, #tpu.memory_space<semaphore_mem>>)
            %dma_start3A_261 = arith.constant 0 : i32
            %dma_start3A_262 = tpu.memref_slice %arg2[%mul3A_249, %dma_start3A_261] : memref<160000x128xf32, #tpu.memory_space<hbm>> -> memref<128x128xf32, #tpu.memory_space<hbm>>
            %dma_start3A_263 = arith.constant 0 : i32
            %dma_start3A_264 = tpu.memref_slice %arg2[%mul3A_249, %dma_start3A_263] : memref<160000x128xf32, #tpu.memory_space<hbm>> -> memref<128x128xf32, #tpu.memory_space<hbm>>
            tpu.enqueue_dma source(%dma_start3A_264 : memref<128x128xf32, #tpu.memory_space<hbm>>) target(%arg10 : memref<128x128xf32, #tpu.memory_space<vmem>>) target_semaphore(%arg13 : memref<!tpu.dma_semaphore, #tpu.memory_space<semaphore_mem>>)
          } else {
          }
          %eq3A_255 = arith.constant 1 : i32
          %eq3A_256 = arith.cmpi eq, %arg0, %eq3A_255 : i32
          %convert_element_type3A_257 = arith.extui %eq3A_256 : i1 to i32
          %cond3A_258 = arith.constant 0 : i32
          %cond3A_259 = arith.cmpi ne, %convert_element_type3A_257, %cond3A_258 : i32
          scf.if %cond3A_259 {
            %dma_start3A = tpu.memref_slice %arg6[%mul3A_249] : memref<160000xi32, #tpu.memory_space<hbm>> -> memref<128xi32, #tpu.memory_space<hbm>>
            %dma_start3A_260 = tpu.memref_slice %arg6[%mul3A_249] : memref<160000xi32, #tpu.memory_space<hbm>> -> memref<128xi32, #tpu.memory_space<hbm>>
            tpu.enqueue_dma source(%dma_start3A_260 : memref<128xi32, #tpu.memory_space<hbm>>) target(%arg9 : memref<128xi32, #tpu.memory_space<vmem>>) target_semaphore(%arg13 : memref<!tpu.dma_semaphore, #tpu.memory_space<semaphore_mem>>)
            %dma_start3A_261 = arith.constant 0 : i32
            %dma_start3A_262 = tpu.memref_slice %arg3[%mul3A_249, %dma_start3A_261] : memref<160000x128xf32, #tpu.memory_space<hbm>> -> memref<128x128xf32, #tpu.memory_space<hbm>>
            %dma_start3A_263 = arith.constant 0 : i32
            %dma_start3A_264 = tpu.memref_slice %arg3[%mul3A_249, %dma_start3A_263] : memref<160000x128xf32, #tpu.memory_space<hbm>> -> memref<128x128xf32, #tpu.memory_space<hbm>>
            tpu.enqueue_dma source(%dma_start3A_264 : memref<128x128xf32, #tpu.memory_space<hbm>>) target(%arg10 : memref<128x128xf32, #tpu.memory_space<vmem>>) target_semaphore(%arg13 : memref<!tpu.dma_semaphore, #tpu.memory_space<semaphore_mem>>)
          } else {
          }
        } else {
        }
      } else {
      }
      %mul3A_219 = arith.constant 2 : i32
      %mul3A_220 = arith.muli %while3A_210, %mul3A_219 : i32
      %add3A_221 = arith.constant 1 : i32
      %add3A_222 = arith.addi %mul3A_220, %add3A_221 : i32
      %lt3A_223 = arith.cmpi slt, %add3A_222, %select_n3A : i32
      %convert_element_type3A_224 = arith.extui %lt3A_223 : i1 to i32
      %cond3A_225 = arith.constant 0 : i32
      %cond3A_226 = arith.cmpi ne, %convert_element_type3A_224, %cond3A_225 : i32
      scf.if %cond3A_226 {
        %mul3A_227 = arith.constant 16 : i32
        %mul3A_228 = arith.muli %add3A_222, %mul3A_227 : i32
        %add3A_229 = arith.addi %arg1, %mul3A_228 : i32
        %mul3A_230 = arith.constant 128 : i32
        %mul3A_231 = arith.muli %add3A_229, %mul3A_230 : i32
        %dma_wait3A = tpu.memref_slice %arg4[%mul3A_231] : memref<160000xi32, #tpu.memory_space<hbm>> -> memref<128xi32, #tpu.memory_space<hbm>>
        %dma_wait3A_232 = tpu.memref_slice %arg4[%mul3A_231] : memref<160000xi32, #tpu.memory_space<hbm>> -> memref<128xi32, #tpu.memory_space<hbm>>
        tpu.wait_dma2 semaphore(%arg14 : memref<!tpu.dma_semaphore, #tpu.memory_space<semaphore_mem>>) src(%dma_wait3A_232 : memref<128xi32, #tpu.memory_space<hbm>>) dst(%arg11 : memref<128xi32, #tpu.memory_space<vmem>>)
        %dma_wait3A_233 = arith.constant 0 : i32
        %dma_wait3A_234 = tpu.memref_slice %arg2[%mul3A_231, %dma_wait3A_233] : memref<160000x128xf32, #tpu.memory_space<hbm>> -> memref<128x128xf32, #tpu.memory_space<hbm>>
        %dma_wait3A_235 = arith.constant 0 : i32
        %dma_wait3A_236 = tpu.memref_slice %arg2[%mul3A_231, %dma_wait3A_235] : memref<160000x128xf32, #tpu.memory_space<hbm>> -> memref<128x128xf32, #tpu.memory_space<hbm>>
        tpu.wait_dma2 semaphore(%arg14 : memref<!tpu.dma_semaphore, #tpu.memory_space<semaphore_mem>>) src(%dma_wait3A_236 : memref<128x128xf32, #tpu.memory_space<hbm>>) dst(%arg12 : memref<128x128xf32, #tpu.memory_space<vmem>>)
        "tpu.region"() ({
          %run_scoped3A = tpu.sem_alloc : memref<!tpu.dma_semaphore, #tpu.memory_space<semaphore_mem>>
          %dma_start3A = arith.constant 0 : i32
          %dma_start3A_243 = arith.constant 0 : i32
          %dma_start3A_244 = tpu.memref_slice %arg16[%dma_start3A, %dma_start3A_243] : memref<5200x128xf32, #tpu.memory_space<vmem_shared>> -> memref<5200x128xf32, #tpu.memory_space<vmem_shared>>
          tpu.enqueue_indirect_dma source(%arg12 : memref<128x128xf32, #tpu.memory_space<vmem>>) target(%dma_start3A_244 : memref<5200x128xf32, #tpu.memory_space<vmem_shared>>) offsets(%arg11 : memref<128xi32, #tpu.memory_space<vmem>>) semaphore(%run_scoped3A : memref<!tpu.dma_semaphore, #tpu.memory_space<semaphore_mem>>) {add = true}
          %dma_wait3A_245 = arith.constant 0 : i32
          %dma_wait3A_246 = arith.constant 0 : i32
          %dma_wait3A_247 = tpu.memref_slice %arg16[%dma_wait3A_245, %dma_wait3A_246] : memref<5200x128xf32, #tpu.memory_space<vmem_shared>> -> memref<5200x128xf32, #tpu.memory_space<vmem_shared>>
          tpu.wait_indirect_dma semaphore(%run_scoped3A : memref<!tpu.dma_semaphore, #tpu.memory_space<semaphore_mem>>) src(%arg12 : memref<128x128xf32, #tpu.memory_space<vmem>>) dst(%dma_wait3A_247 : memref<5200x128xf32, #tpu.memory_space<vmem_shared>>)
          tpu.yield
        }) : () -> ()
        %add3A_237 = arith.constant 2 : i32
        %add3A_238 = arith.addi %add3A_222, %add3A_237 : i32
        %lt3A_239 = arith.cmpi slt, %add3A_238, %select_n3A : i32
        %convert_element_type3A_240 = arith.extui %lt3A_239 : i1 to i32
        %cond3A_241 = arith.constant 0 : i32
        %cond3A_242 = arith.cmpi ne, %convert_element_type3A_240, %cond3A_241 : i32
        scf.if %cond3A_242 {
          %add3A_243 = arith.constant 2 : i32
          %add3A_244 = arith.addi %add3A_222, %add3A_243 : i32
          %mul3A_245 = arith.constant 16 : i32
          %mul3A_246 = arith.muli %add3A_244, %mul3A_245 : i32
          %add3A_247 = arith.addi %arg1, %mul3A_246 : i32
          %mul3A_248 = arith.constant 128 : i32
          %mul3A_249 = arith.muli %add3A_247, %mul3A_248 : i32
          %eq3A_250 = arith.constant 0 : i32
          %eq3A_251 = arith.cmpi eq, %arg0, %eq3A_250 : i32
          %convert_element_type3A_252 = arith.extui %eq3A_251 : i1 to i32
          %cond3A_253 = arith.constant 0 : i32
          %cond3A_254 = arith.cmpi ne, %convert_element_type3A_252, %cond3A_253 : i32
          scf.if %cond3A_254 {
            %dma_start3A = tpu.memref_slice %arg4[%mul3A_249] : memref<160000xi32, #tpu.memory_space<hbm>> -> memref<128xi32, #tpu.memory_space<hbm>>
            %dma_start3A_260 = tpu.memref_slice %arg4[%mul3A_249] : memref<160000xi32, #tpu.memory_space<hbm>> -> memref<128xi32, #tpu.memory_space<hbm>>
            tpu.enqueue_dma source(%dma_start3A_260 : memref<128xi32, #tpu.memory_space<hbm>>) target(%arg11 : memref<128xi32, #tpu.memory_space<vmem>>) target_semaphore(%arg14 : memref<!tpu.dma_semaphore, #tpu.memory_space<semaphore_mem>>)
            %dma_start3A_261 = arith.constant 0 : i32
            %dma_start3A_262 = tpu.memref_slice %arg2[%mul3A_249, %dma_start3A_261] : memref<160000x128xf32, #tpu.memory_space<hbm>> -> memref<128x128xf32, #tpu.memory_space<hbm>>
            %dma_start3A_263 = arith.constant 0 : i32
            %dma_start3A_264 = tpu.memref_slice %arg2[%mul3A_249, %dma_start3A_263] : memref<160000x128xf32, #tpu.memory_space<hbm>> -> memref<128x128xf32, #tpu.memory_space<hbm>>
            tpu.enqueue_dma source(%dma_start3A_264 : memref<128x128xf32, #tpu.memory_space<hbm>>) target(%arg12 : memref<128x128xf32, #tpu.memory_space<vmem>>) target_semaphore(%arg14 : memref<!tpu.dma_semaphore, #tpu.memory_space<semaphore_mem>>)
          } else {
          }
          %eq3A_255 = arith.constant 1 : i32
          %eq3A_256 = arith.cmpi eq, %arg0, %eq3A_255 : i32
          %convert_element_type3A_257 = arith.extui %eq3A_256 : i1 to i32
          %cond3A_258 = arith.constant 0 : i32
          %cond3A_259 = arith.cmpi ne, %convert_element_type3A_257, %cond3A_258 : i32
          scf.if %cond3A_259 {
            %dma_start3A = tpu.memref_slice %arg6[%mul3A_249] : memref<160000xi32, #tpu.memory_space<hbm>> -> memref<128xi32, #tpu.memory_space<hbm>>
            %dma_start3A_260 = tpu.memref_slice %arg6[%mul3A_249] : memref<160000xi32, #tpu.memory_space<hbm>> -> memref<128xi32, #tpu.memory_space<hbm>>
            tpu.enqueue_dma source(%dma_start3A_260 : memref<128xi32, #tpu.memory_space<hbm>>) target(%arg11 : memref<128xi32, #tpu.memory_space<vmem>>) target_semaphore(%arg14 : memref<!tpu.dma_semaphore, #tpu.memory_space<semaphore_mem>>)
            %dma_start3A_261 = arith.constant 0 : i32
            %dma_start3A_262 = tpu.memref_slice %arg3[%mul3A_249, %dma_start3A_261] : memref<160000x128xf32, #tpu.memory_space<hbm>> -> memref<128x128xf32, #tpu.memory_space<hbm>>
            %dma_start3A_263 = arith.constant 0 : i32
            %dma_start3A_264 = tpu.memref_slice %arg3[%mul3A_249, %dma_start3A_263] : memref<160000x128xf32, #tpu.memory_space<hbm>> -> memref<128x128xf32, #tpu.memory_space<hbm>>
            tpu.enqueue_dma source(%dma_start3A_264 : memref<128x128xf32, #tpu.memory_space<hbm>>) target(%arg12 : memref<128x128xf32, #tpu.memory_space<vmem>>) target_semaphore(%arg14 : memref<!tpu.dma_semaphore, #tpu.memory_space<semaphore_mem>>)
          } else {
          }
        } else {
        }
      } else {
      }
    }
    %while3A_98 = arith.constant 1 : i32
    scf.for %while3A_210 = %while3A_96 to %while3A_92 step %while3A_98  : i32 {
      %mul3A_211 = arith.constant 2 : i32
      %mul3A_212 = arith.muli %while3A_210, %mul3A_211 : i32
      %add3A_213 = arith.constant 0 : i32
      %add3A_214 = arith.addi %mul3A_212, %add3A_213 : i32
      %lt3A_215 = arith.cmpi slt, %add3A_214, %select_n3A : i32
      %convert_element_type3A_216 = arith.extui %lt3A_215 : i1 to i32
      %cond3A_217 = arith.constant 0 : i32
      %cond3A_218 = arith.cmpi ne, %convert_element_type3A_216, %cond3A_217 : i32
      scf.if %cond3A_218 {
        %mul3A_227 = arith.constant 16 : i32
        %mul3A_228 = arith.muli %add3A_214, %mul3A_227 : i32
        %add3A_229 = arith.addi %arg1, %mul3A_228 : i32
        %mul3A_230 = arith.constant 128 : i32
        %mul3A_231 = arith.muli %add3A_229, %mul3A_230 : i32
        %dma_wait3A = tpu.memref_slice %arg4[%mul3A_231] : memref<160000xi32, #tpu.memory_space<hbm>> -> memref<128xi32, #tpu.memory_space<hbm>>
        %dma_wait3A_232 = tpu.memref_slice %arg4[%mul3A_231] : memref<160000xi32, #tpu.memory_space<hbm>> -> memref<128xi32, #tpu.memory_space<hbm>>
        tpu.wait_dma2 semaphore(%arg13 : memref<!tpu.dma_semaphore, #tpu.memory_space<semaphore_mem>>) src(%dma_wait3A_232 : memref<128xi32, #tpu.memory_space<hbm>>) dst(%arg9 : memref<128xi32, #tpu.memory_space<vmem>>)
        %dma_wait3A_233 = arith.constant 0 : i32
        %dma_wait3A_234 = tpu.memref_slice %arg2[%mul3A_231, %dma_wait3A_233] : memref<160000x128xf32, #tpu.memory_space<hbm>> -> memref<128x128xf32, #tpu.memory_space<hbm>>
        %dma_wait3A_235 = arith.constant 0 : i32
        %dma_wait3A_236 = tpu.memref_slice %arg2[%mul3A_231, %dma_wait3A_235] : memref<160000x128xf32, #tpu.memory_space<hbm>> -> memref<128x128xf32, #tpu.memory_space<hbm>>
        tpu.wait_dma2 semaphore(%arg13 : memref<!tpu.dma_semaphore, #tpu.memory_space<semaphore_mem>>) src(%dma_wait3A_236 : memref<128x128xf32, #tpu.memory_space<hbm>>) dst(%arg10 : memref<128x128xf32, #tpu.memory_space<vmem>>)
        "tpu.region"() ({
          %run_scoped3A = tpu.sem_alloc : memref<!tpu.dma_semaphore, #tpu.memory_space<semaphore_mem>>
          %dma_start3A = arith.constant 0 : i32
          %dma_start3A_243 = arith.constant 0 : i32
          %dma_start3A_244 = tpu.memref_slice %arg16[%dma_start3A, %dma_start3A_243] : memref<5200x128xf32, #tpu.memory_space<vmem_shared>> -> memref<5200x128xf32, #tpu.memory_space<vmem_shared>>
          tpu.enqueue_indirect_dma source(%arg10 : memref<128x128xf32, #tpu.memory_space<vmem>>) target(%dma_start3A_244 : memref<5200x128xf32, #tpu.memory_space<vmem_shared>>) offsets(%arg9 : memref<128xi32, #tpu.memory_space<vmem>>) semaphore(%run_scoped3A : memref<!tpu.dma_semaphore, #tpu.memory_space<semaphore_mem>>) {add = true}
          %dma_wait3A_245 = arith.constant 0 : i32
          %dma_wait3A_246 = arith.constant 0 : i32
          %dma_wait3A_247 = tpu.memref_slice %arg16[%dma_wait3A_245, %dma_wait3A_246] : memref<5200x128xf32, #tpu.memory_space<vmem_shared>> -> memref<5200x128xf32, #tpu.memory_space<vmem_shared>>
          tpu.wait_indirect_dma semaphore(%run_scoped3A : memref<!tpu.dma_semaphore, #tpu.memory_space<semaphore_mem>>) src(%arg10 : memref<128x128xf32, #tpu.memory_space<vmem>>) dst(%dma_wait3A_247 : memref<5200x128xf32, #tpu.memory_space<vmem_shared>>)
          tpu.yield
        }) : () -> ()
        %add3A_237 = arith.constant 2 : i32
        %add3A_238 = arith.addi %add3A_214, %add3A_237 : i32
        %lt3A_239 = arith.cmpi slt, %add3A_238, %select_n3A : i32
        %convert_element_type3A_240 = arith.extui %lt3A_239 : i1 to i32
        %cond3A_241 = arith.constant 0 : i32
        %cond3A_242 = arith.cmpi ne, %convert_element_type3A_240, %cond3A_241 : i32
        scf.if %cond3A_242 {
          %add3A_243 = arith.constant 2 : i32
          %add3A_244 = arith.addi %add3A_214, %add3A_243 : i32
          %mul3A_245 = arith.constant 16 : i32
          %mul3A_246 = arith.muli %add3A_244, %mul3A_245 : i32
          %add3A_247 = arith.addi %arg1, %mul3A_246 : i32
          %mul3A_248 = arith.constant 128 : i32
          %mul3A_249 = arith.muli %add3A_247, %mul3A_248 : i32
          %eq3A_250 = arith.constant 0 : i32
          %eq3A_251 = arith.cmpi eq, %arg0, %eq3A_250 : i32
          %convert_element_type3A_252 = arith.extui %eq3A_251 : i1 to i32
          %cond3A_253 = arith.constant 0 : i32
          %cond3A_254 = arith.cmpi ne, %convert_element_type3A_252, %cond3A_253 : i32
          scf.if %cond3A_254 {
            %dma_start3A = tpu.memref_slice %arg4[%mul3A_249] : memref<160000xi32, #tpu.memory_space<hbm>> -> memref<128xi32, #tpu.memory_space<hbm>>
            %dma_start3A_260 = tpu.memref_slice %arg4[%mul3A_249] : memref<160000xi32, #tpu.memory_space<hbm>> -> memref<128xi32, #tpu.memory_space<hbm>>
            tpu.enqueue_dma source(%dma_start3A_260 : memref<128xi32, #tpu.memory_space<hbm>>) target(%arg9 : memref<128xi32, #tpu.memory_space<vmem>>) target_semaphore(%arg13 : memref<!tpu.dma_semaphore, #tpu.memory_space<semaphore_mem>>)
            %dma_start3A_261 = arith.constant 0 : i32
            %dma_start3A_262 = tpu.memref_slice %arg2[%mul3A_249, %dma_start3A_261] : memref<160000x128xf32, #tpu.memory_space<hbm>> -> memref<128x128xf32, #tpu.memory_space<hbm>>
            %dma_start3A_263 = arith.constant 0 : i32
            %dma_start3A_264 = tpu.memref_slice %arg2[%mul3A_249, %dma_start3A_263] : memref<160000x128xf32, #tpu.memory_space<hbm>> -> memref<128x128xf32, #tpu.memory_space<hbm>>
            tpu.enqueue_dma source(%dma_start3A_264 : memref<128x128xf32, #tpu.memory_space<hbm>>) target(%arg10 : memref<128x128xf32, #tpu.memory_space<vmem>>) target_semaphore(%arg13 : memref<!tpu.dma_semaphore, #tpu.memory_space<semaphore_mem>>)
          } else {
          }
          %eq3A_255 = arith.constant 1 : i32
          %eq3A_256 = arith.cmpi eq, %arg0, %eq3A_255 : i32
          %convert_element_type3A_257 = arith.extui %eq3A_256 : i1 to i32
          %cond3A_258 = arith.constant 0 : i32
          %cond3A_259 = arith.cmpi ne, %convert_element_type3A_257, %cond3A_258 : i32
          scf.if %cond3A_259 {
            %dma_start3A = tpu.memref_slice %arg6[%mul3A_249] : memref<160000xi32, #tpu.memory_space<hbm>> -> memref<128xi32, #tpu.memory_space<hbm>>
            %dma_start3A_260 = tpu.memref_slice %arg6[%mul3A_249] : memref<160000xi32, #tpu.memory_space<hbm>> -> memref<128xi32, #tpu.memory_space<hbm>>
            tpu.enqueue_dma source(%dma_start3A_260 : memref<128xi32, #tpu.memory_space<hbm>>) target(%arg9 : memref<128xi32, #tpu.memory_space<vmem>>) target_semaphore(%arg13 : memref<!tpu.dma_semaphore, #tpu.memory_space<semaphore_mem>>)
            %dma_start3A_261 = arith.constant 0 : i32
            %dma_start3A_262 = tpu.memref_slice %arg3[%mul3A_249, %dma_start3A_261] : memref<160000x128xf32, #tpu.memory_space<hbm>> -> memref<128x128xf32, #tpu.memory_space<hbm>>
            %dma_start3A_263 = arith.constant 0 : i32
            %dma_start3A_264 = tpu.memref_slice %arg3[%mul3A_249, %dma_start3A_263] : memref<160000x128xf32, #tpu.memory_space<hbm>> -> memref<128x128xf32, #tpu.memory_space<hbm>>
            tpu.enqueue_dma source(%dma_start3A_264 : memref<128x128xf32, #tpu.memory_space<hbm>>) target(%arg10 : memref<128x128xf32, #tpu.memory_space<vmem>>) target_semaphore(%arg13 : memref<!tpu.dma_semaphore, #tpu.memory_space<semaphore_mem>>)
          } else {
          }
        } else {
        }
      } else {
      }
      %mul3A_219 = arith.constant 2 : i32
      %mul3A_220 = arith.muli %while3A_210, %mul3A_219 : i32
      %add3A_221 = arith.constant 1 : i32
      %add3A_222 = arith.addi %mul3A_220, %add3A_221 : i32
      %lt3A_223 = arith.cmpi slt, %add3A_222, %select_n3A : i32
      %convert_element_type3A_224 = arith.extui %lt3A_223 : i1 to i32
      %cond3A_225 = arith.constant 0 : i32
      %cond3A_226 = arith.cmpi ne, %convert_element_type3A_224, %cond3A_225 : i32
      scf.if %cond3A_226 {
        %mul3A_227 = arith.constant 16 : i32
        %mul3A_228 = arith.muli %add3A_222, %mul3A_227 : i32
        %add3A_229 = arith.addi %arg1, %mul3A_228 : i32
        %mul3A_230 = arith.constant 128 : i32
        %mul3A_231 = arith.muli %add3A_229, %mul3A_230 : i32
        %dma_wait3A = tpu.memref_slice %arg4[%mul3A_231] : memref<160000xi32, #tpu.memory_space<hbm>> -> memref<128xi32, #tpu.memory_space<hbm>>
        %dma_wait3A_232 = tpu.memref_slice %arg4[%mul3A_231] : memref<160000xi32, #tpu.memory_space<hbm>> -> memref<128xi32, #tpu.memory_space<hbm>>
        tpu.wait_dma2 semaphore(%arg14 : memref<!tpu.dma_semaphore, #tpu.memory_space<semaphore_mem>>) src(%dma_wait3A_232 : memref<128xi32, #tpu.memory_space<hbm>>) dst(%arg11 : memref<128xi32, #tpu.memory_space<vmem>>)
        %dma_wait3A_233 = arith.constant 0 : i32
        %dma_wait3A_234 = tpu.memref_slice %arg2[%mul3A_231, %dma_wait3A_233] : memref<160000x128xf32, #tpu.memory_space<hbm>> -> memref<128x128xf32, #tpu.memory_space<hbm>>
        %dma_wait3A_235 = arith.constant 0 : i32
        %dma_wait3A_236 = tpu.memref_slice %arg2[%mul3A_231, %dma_wait3A_235] : memref<160000x128xf32, #tpu.memory_space<hbm>> -> memref<128x128xf32, #tpu.memory_space<hbm>>
        tpu.wait_dma2 semaphore(%arg14 : memref<!tpu.dma_semaphore, #tpu.memory_space<semaphore_mem>>) src(%dma_wait3A_236 : memref<128x128xf32, #tpu.memory_space<hbm>>) dst(%arg12 : memref<128x128xf32, #tpu.memory_space<vmem>>)
        "tpu.region"() ({
          %run_scoped3A = tpu.sem_alloc : memref<!tpu.dma_semaphore, #tpu.memory_space<semaphore_mem>>
          %dma_start3A = arith.constant 0 : i32
          %dma_start3A_243 = arith.constant 0 : i32
          %dma_start3A_244 = tpu.memref_slice %arg16[%dma_start3A, %dma_start3A_243] : memref<5200x128xf32, #tpu.memory_space<vmem_shared>> -> memref<5200x128xf32, #tpu.memory_space<vmem_shared>>
          tpu.enqueue_indirect_dma source(%arg12 : memref<128x128xf32, #tpu.memory_space<vmem>>) target(%dma_start3A_244 : memref<5200x128xf32, #tpu.memory_space<vmem_shared>>) offsets(%arg11 : memref<128xi32, #tpu.memory_space<vmem>>) semaphore(%run_scoped3A : memref<!tpu.dma_semaphore, #tpu.memory_space<semaphore_mem>>) {add = true}
          %dma_wait3A_245 = arith.constant 0 : i32
          %dma_wait3A_246 = arith.constant 0 : i32
          %dma_wait3A_247 = tpu.memref_slice %arg16[%dma_wait3A_245, %dma_wait3A_246] : memref<5200x128xf32, #tpu.memory_space<vmem_shared>> -> memref<5200x128xf32, #tpu.memory_space<vmem_shared>>
          tpu.wait_indirect_dma semaphore(%run_scoped3A : memref<!tpu.dma_semaphore, #tpu.memory_space<semaphore_mem>>) src(%arg12 : memref<128x128xf32, #tpu.memory_space<vmem>>) dst(%dma_wait3A_247 : memref<5200x128xf32, #tpu.memory_space<vmem_shared>>)
          tpu.yield
        }) : () -> ()
        %add3A_237 = arith.constant 2 : i32
        %add3A_238 = arith.addi %add3A_222, %add3A_237 : i32
        %lt3A_239 = arith.cmpi slt, %add3A_238, %select_n3A : i32
        %convert_element_type3A_240 = arith.extui %lt3A_239 : i1 to i32
        %cond3A_241 = arith.constant 0 : i32
        %cond3A_242 = arith.cmpi ne, %convert_element_type3A_240, %cond3A_241 : i32
        scf.if %cond3A_242 {
          %add3A_243 = arith.constant 2 : i32
          %add3A_244 = arith.addi %add3A_222, %add3A_243 : i32
          %mul3A_245 = arith.constant 16 : i32
          %mul3A_246 = arith.muli %add3A_244, %mul3A_245 : i32
          %add3A_247 = arith.addi %arg1, %mul3A_246 : i32
          %mul3A_248 = arith.constant 128 : i32
          %mul3A_249 = arith.muli %add3A_247, %mul3A_248 : i32
          %eq3A_250 = arith.constant 0 : i32
          %eq3A_251 = arith.cmpi eq, %arg0, %eq3A_250 : i32
          %convert_element_type3A_252 = arith.extui %eq3A_251 : i1 to i32
          %cond3A_253 = arith.constant 0 : i32
          %cond3A_254 = arith.cmpi ne, %convert_element_type3A_252, %cond3A_253 : i32
          scf.if %cond3A_254 {
            %dma_start3A = tpu.memref_slice %arg4[%mul3A_249] : memref<160000xi32, #tpu.memory_space<hbm>> -> memref<128xi32, #tpu.memory_space<hbm>>
            %dma_start3A_260 = tpu.memref_slice %arg4[%mul3A_249] : memref<160000xi32, #tpu.memory_space<hbm>> -> memref<128xi32, #tpu.memory_space<hbm>>
            tpu.enqueue_dma source(%dma_start3A_260 : memref<128xi32, #tpu.memory_space<hbm>>) target(%arg11 : memref<128xi32, #tpu.memory_space<vmem>>) target_semaphore(%arg14 : memref<!tpu.dma_semaphore, #tpu.memory_space<semaphore_mem>>)
            %dma_start3A_261 = arith.constant 0 : i32
            %dma_start3A_262 = tpu.memref_slice %arg2[%mul3A_249, %dma_start3A_261] : memref<160000x128xf32, #tpu.memory_space<hbm>> -> memref<128x128xf32, #tpu.memory_space<hbm>>
            %dma_start3A_263 = arith.constant 0 : i32
            %dma_start3A_264 = tpu.memref_slice %arg2[%mul3A_249, %dma_start3A_263] : memref<160000x128xf32, #tpu.memory_space<hbm>> -> memref<128x128xf32, #tpu.memory_space<hbm>>
            tpu.enqueue_dma source(%dma_start3A_264 : memref<128x128xf32, #tpu.memory_space<hbm>>) target(%arg12 : memref<128x128xf32, #tpu.memory_space<vmem>>) target_semaphore(%arg14 : memref<!tpu.dma_semaphore, #tpu.memory_space<semaphore_mem>>)
          } else {
          }
          %eq3A_255 = arith.constant 1 : i32
          %eq3A_256 = arith.cmpi eq, %arg0, %eq3A_255 : i32
          %convert_element_type3A_257 = arith.extui %eq3A_256 : i1 to i32
          %cond3A_258 = arith.constant 0 : i32
          %cond3A_259 = arith.cmpi ne, %convert_element_type3A_257, %cond3A_258 : i32
          scf.if %cond3A_259 {
            %dma_start3A = tpu.memref_slice %arg6[%mul3A_249] : memref<160000xi32, #tpu.memory_space<hbm>> -> memref<128xi32, #tpu.memory_space<hbm>>
            %dma_start3A_260 = tpu.memref_slice %arg6[%mul3A_249] : memref<160000xi32, #tpu.memory_space<hbm>> -> memref<128xi32, #tpu.memory_space<hbm>>
            tpu.enqueue_dma source(%dma_start3A_260 : memref<128xi32, #tpu.memory_space<hbm>>) target(%arg11 : memref<128xi32, #tpu.memory_space<vmem>>) target_semaphore(%arg14 : memref<!tpu.dma_semaphore, #tpu.memory_space<semaphore_mem>>)
            %dma_start3A_261 = arith.constant 0 : i32
            %dma_start3A_262 = tpu.memref_slice %arg3[%mul3A_249, %dma_start3A_261] : memref<160000x128xf32, #tpu.memory_space<hbm>> -> memref<128x128xf32, #tpu.memory_space<hbm>>
            %dma_start3A_263 = arith.constant 0 : i32
            %dma_start3A_264 = tpu.memref_slice %arg3[%mul3A_249, %dma_start3A_263] : memref<160000x128xf32, #tpu.memory_space<hbm>> -> memref<128x128xf32, #tpu.memory_space<hbm>>
            tpu.enqueue_dma source(%dma_start3A_264 : memref<128x128xf32, #tpu.memory_space<hbm>>) target(%arg12 : memref<128x128xf32, #tpu.memory_space<vmem>>) target_semaphore(%arg14 : memref<!tpu.dma_semaphore, #tpu.memory_space<semaphore_mem>>)
          } else {
          }
        } else {
        }
      } else {
      }
    }
    %barrier3A_99 = arith.constant 0 : index
    tpu.barrier barrier_id(%barrier3A_99)
    %add3A_100 = arith.constant 0 : i32
    %add3A_101 = arith.addi %arg1, %add3A_100 : i32
    %lt3A_102 = arith.constant 25 : i32
    %lt3A_103 = arith.cmpi slt, %add3A_101, %lt3A_102 : i32
    %convert_element_type3A_104 = arith.extui %lt3A_103 : i1 to i32
    %cond3A_105 = arith.constant 0 : i32
    %cond3A_106 = arith.cmpi ne, %convert_element_type3A_104, %cond3A_105 : i32
    scf.if %cond3A_106 {
      %mul3A_210 = arith.constant 200 : i32
      %mul3A_211 = arith.muli %add3A_101, %mul3A_210 : i32
      %add3A_212 = arith.constant 0 : i32
      %add3A_213 = arith.addi %add3A_212, %mul3A_211 : i32
      "tpu.region"() ({
        %run_scoped3A = tpu.sem_alloc : memref<!tpu.dma_semaphore, #tpu.memory_space<semaphore_mem>>
        %dma_start3A = arith.constant 0 : i32
        %dma_start3A_214 = tpu.memref_slice %arg8[%arg0, %add3A_213, %dma_start3A] : memref<2x10000x128xf32, #tpu.memory_space<hbm>> -> memref<1x200x128xf32, #tpu.memory_space<hbm>>
        %dma_start3A_215 = tpu.memref_squeeze %dma_start3A_214 : memref<1x200x128xf32, #tpu.memory_space<hbm>> -> memref<200x128xf32, #tpu.memory_space<hbm>>
        %dma_start3A_216 = arith.constant 0 : i32
        %dma_start3A_217 = tpu.memref_slice %arg16[%mul3A_211, %dma_start3A_216] : memref<5200x128xf32, #tpu.memory_space<vmem_shared>> -> memref<200x128xf32, #tpu.memory_space<vmem_shared>>
        tpu.enqueue_dma source(%dma_start3A_217 : memref<200x128xf32, #tpu.memory_space<vmem_shared>>) target(%dma_start3A_215 : memref<200x128xf32, #tpu.memory_space<hbm>>) target_semaphore(%run_scoped3A : memref<!tpu.dma_semaphore, #tpu.memory_space<semaphore_mem>>)
        %dma_wait3A = arith.constant 0 : i32
        %dma_wait3A_218 = tpu.memref_slice %arg8[%arg0, %add3A_213, %dma_wait3A] : memref<2x10000x128xf32, #tpu.memory_space<hbm>> -> memref<1x200x128xf32, #tpu.memory_space<hbm>>
        %dma_wait3A_219 = tpu.memref_squeeze %dma_wait3A_218 : memref<1x200x128xf32, #tpu.memory_space<hbm>> -> memref<200x128xf32, #tpu.memory_space<hbm>>
        %dma_wait3A_220 = arith.constant 0 : i32
        %dma_wait3A_221 = tpu.memref_slice %arg16[%mul3A_211, %dma_wait3A_220] : memref<5200x128xf32, #tpu.memory_space<vmem_shared>> -> memref<200x128xf32, #tpu.memory_space<vmem_shared>>
        tpu.wait_dma2 semaphore(%run_scoped3A : memref<!tpu.dma_semaphore, #tpu.memory_space<semaphore_mem>>) src(%dma_wait3A_221 : memref<200x128xf32, #tpu.memory_space<vmem_shared>>) dst(%dma_wait3A_219 : memref<200x128xf32, #tpu.memory_space<hbm>>)
        tpu.yield
      }) : () -> ()
    } else {
    }
    %add3A_107 = arith.constant 16 : i32
    %add3A_108 = arith.addi %arg1, %add3A_107 : i32
    %lt3A_109 = arith.constant 25 : i32
    %lt3A_110 = arith.cmpi slt, %add3A_108, %lt3A_109 : i32
    %convert_element_type3A_111 = arith.extui %lt3A_110 : i1 to i32
    %cond3A_112 = arith.constant 0 : i32
    %cond3A_113 = arith.cmpi ne, %convert_element_type3A_111, %cond3A_112 : i32
    scf.if %cond3A_113 {
      %mul3A_210 = arith.constant 200 : i32
      %mul3A_211 = arith.muli %add3A_108, %mul3A_210 : i32
      %add3A_212 = arith.constant 0 : i32
      %add3A_213 = arith.addi %add3A_212, %mul3A_211 : i32
      "tpu.region"() ({
        %run_scoped3A = tpu.sem_alloc : memref<!tpu.dma_semaphore, #tpu.memory_space<semaphore_mem>>
        %dma_start3A = arith.constant 0 : i32
        %dma_start3A_214 = tpu.memref_slice %arg8[%arg0, %add3A_213, %dma_start3A] : memref<2x10000x128xf32, #tpu.memory_space<hbm>> -> memref<1x200x128xf32, #tpu.memory_space<hbm>>
        %dma_start3A_215 = tpu.memref_squeeze %dma_start3A_214 : memref<1x200x128xf32, #tpu.memory_space<hbm>> -> memref<200x128xf32, #tpu.memory_space<hbm>>
        %dma_start3A_216 = arith.constant 0 : i32
        %dma_start3A_217 = tpu.memref_slice %arg16[%mul3A_211, %dma_start3A_216] : memref<5200x128xf32, #tpu.memory_space<vmem_shared>> -> memref<200x128xf32, #tpu.memory_space<vmem_shared>>
        tpu.enqueue_dma source(%dma_start3A_217 : memref<200x128xf32, #tpu.memory_space<vmem_shared>>) target(%dma_start3A_215 : memref<200x128xf32, #tpu.memory_space<hbm>>) target_semaphore(%run_scoped3A : memref<!tpu.dma_semaphore, #tpu.memory_space<semaphore_mem>>)
        %dma_wait3A = arith.constant 0 : i32
        %dma_wait3A_218 = tpu.memref_slice %arg8[%arg0, %add3A_213, %dma_wait3A] : memref<2x10000x128xf32, #tpu.memory_space<hbm>> -> memref<1x200x128xf32, #tpu.memory_space<hbm>>
        %dma_wait3A_219 = tpu.memref_squeeze %dma_wait3A_218 : memref<1x200x128xf32, #tpu.memory_space<hbm>> -> memref<200x128xf32, #tpu.memory_space<hbm>>
        %dma_wait3A_220 = arith.constant 0 : i32
        %dma_wait3A_221 = tpu.memref_slice %arg16[%mul3A_211, %dma_wait3A_220] : memref<5200x128xf32, #tpu.memory_space<vmem_shared>> -> memref<200x128xf32, #tpu.memory_space<vmem_shared>>
        tpu.wait_dma2 semaphore(%run_scoped3A : memref<!tpu.dma_semaphore, #tpu.memory_space<semaphore_mem>>) src(%dma_wait3A_221 : memref<200x128xf32, #tpu.memory_space<vmem_shared>>) dst(%dma_wait3A_219 : memref<200x128xf32, #tpu.memory_space<hbm>>)
        tpu.yield
      }) : () -> ()
    } else {
    }
    %barrier3A_114 = arith.constant 0 : index
    tpu.barrier barrier_id(%barrier3A_114)
    %add3A_115 = arith.constant 0 : i32
    %add3A_116 = arith.addi %arg1, %add3A_115 : i32
    %lt3A_117 = arith.constant 26 : i32
    %lt3A_118 = arith.cmpi slt, %add3A_116, %lt3A_117 : i32
    %convert_element_type3A_119 = arith.extui %lt3A_118 : i1 to i32
    %cond3A_120 = arith.constant 0 : i32
    %cond3A_121 = arith.cmpi ne, %convert_element_type3A_119, %cond3A_120 : i32
    scf.if %cond3A_121 {
      %mul3A_210 = arith.constant 200 : i32
      %mul3A_211 = arith.muli %add3A_116, %mul3A_210 : i32
      "tpu.region"() ({
        %run_scoped3A = tpu.sem_alloc : memref<!tpu.dma_semaphore, #tpu.memory_space<semaphore_mem>>
        %dma_start3A = arith.constant 0 : i32
        %dma_start3A_212 = tpu.memref_slice %arg16[%mul3A_211, %dma_start3A] : memref<5200x128xf32, #tpu.memory_space<vmem_shared>> -> memref<200x128xf32, #tpu.memory_space<vmem_shared>>
        %dma_start3A_213 = arith.constant 0 : i32
        %dma_start3A_214 = tpu.memref_slice %arg16[%mul3A_211, %dma_start3A_213] : memref<5200x128xf32, #tpu.memory_space<vmem_shared>> -> memref<200x128xf32, #tpu.memory_space<vmem_shared>>
        tpu.enqueue_dma source(%arg15 : memref<200x128xf32, #tpu.memory_space<vmem>>) target(%dma_start3A_214 : memref<200x128xf32, #tpu.memory_space<vmem_shared>>) target_semaphore(%run_scoped3A : memref<!tpu.dma_semaphore, #tpu.memory_space<semaphore_mem>>)
        %dma_wait3A = arith.constant 0 : i32
        %dma_wait3A_215 = tpu.memref_slice %arg16[%mul3A_211, %dma_wait3A] : memref<5200x128xf32, #tpu.memory_space<vmem_shared>> -> memref<200x128xf32, #tpu.memory_space<vmem_shared>>
        %dma_wait3A_216 = arith.constant 0 : i32
        %dma_wait3A_217 = tpu.memref_slice %arg16[%mul3A_211, %dma_wait3A_216] : memref<5200x128xf32, #tpu.memory_space<vmem_shared>> -> memref<200x128xf32, #tpu.memory_space<vmem_shared>>
        tpu.wait_dma2 semaphore(%run_scoped3A : memref<!tpu.dma_semaphore, #tpu.memory_space<semaphore_mem>>) src(%arg15 : memref<200x128xf32, #tpu.memory_space<vmem>>) dst(%dma_wait3A_217 : memref<200x128xf32, #tpu.memory_space<vmem_shared>>)
        tpu.yield
      }) : () -> ()
    } else {
    }
    %add3A_122 = arith.constant 16 : i32
    %add3A_123 = arith.addi %arg1, %add3A_122 : i32
    %lt3A_124 = arith.constant 26 : i32
    %lt3A_125 = arith.cmpi slt, %add3A_123, %lt3A_124 : i32
    %convert_element_type3A_126 = arith.extui %lt3A_125 : i1 to i32
    %cond3A_127 = arith.constant 0 : i32
    %cond3A_128 = arith.cmpi ne, %convert_element_type3A_126, %cond3A_127 : i32
    scf.if %cond3A_128 {
      %mul3A_210 = arith.constant 200 : i32
      %mul3A_211 = arith.muli %add3A_123, %mul3A_210 : i32
      "tpu.region"() ({
        %run_scoped3A = tpu.sem_alloc : memref<!tpu.dma_semaphore, #tpu.memory_space<semaphore_mem>>
        %dma_start3A = arith.constant 0 : i32
        %dma_start3A_212 = tpu.memref_slice %arg16[%mul3A_211, %dma_start3A] : memref<5200x128xf32, #tpu.memory_space<vmem_shared>> -> memref<200x128xf32, #tpu.memory_space<vmem_shared>>
        %dma_start3A_213 = arith.constant 0 : i32
        %dma_start3A_214 = tpu.memref_slice %arg16[%mul3A_211, %dma_start3A_213] : memref<5200x128xf32, #tpu.memory_space<vmem_shared>> -> memref<200x128xf32, #tpu.memory_space<vmem_shared>>
        tpu.enqueue_dma source(%arg15 : memref<200x128xf32, #tpu.memory_space<vmem>>) target(%dma_start3A_214 : memref<200x128xf32, #tpu.memory_space<vmem_shared>>) target_semaphore(%run_scoped3A : memref<!tpu.dma_semaphore, #tpu.memory_space<semaphore_mem>>)
        %dma_wait3A = arith.constant 0 : i32
        %dma_wait3A_215 = tpu.memref_slice %arg16[%mul3A_211, %dma_wait3A] : memref<5200x128xf32, #tpu.memory_space<vmem_shared>> -> memref<200x128xf32, #tpu.memory_space<vmem_shared>>
        %dma_wait3A_216 = arith.constant 0 : i32
        %dma_wait3A_217 = tpu.memref_slice %arg16[%mul3A_211, %dma_wait3A_216] : memref<5200x128xf32, #tpu.memory_space<vmem_shared>> -> memref<200x128xf32, #tpu.memory_space<vmem_shared>>
        tpu.wait_dma2 semaphore(%run_scoped3A : memref<!tpu.dma_semaphore, #tpu.memory_space<semaphore_mem>>) src(%arg15 : memref<200x128xf32, #tpu.memory_space<vmem>>) dst(%dma_wait3A_217 : memref<200x128xf32, #tpu.memory_space<vmem_shared>>)
        tpu.yield
      }) : () -> ()
    } else {
    }
    %barrier3A_129 = arith.constant 0 : index
    tpu.barrier barrier_id(%barrier3A_129)
    %add3A_130 = arith.constant 0 : i32
    %add3A_131 = arith.addi %arg1, %add3A_130 : i32
    %mul3A_132 = arith.constant 128 : i32
    %mul3A_133 = arith.muli %add3A_131, %mul3A_132 : i32
    %eq3A_134 = arith.constant 0 : i32
    %eq3A_135 = arith.cmpi eq, %arg0, %eq3A_134 : i32
    %convert_element_type3A_136 = arith.extui %eq3A_135 : i1 to i32
    %cond3A_137 = arith.constant 0 : i32
    %cond3A_138 = arith.cmpi ne, %convert_element_type3A_136, %cond3A_137 : i32
    scf.if %cond3A_138 {
      %dma_start3A = tpu.memref_slice %arg5[%mul3A_133] : memref<160000xi32, #tpu.memory_space<hbm>> -> memref<128xi32, #tpu.memory_space<hbm>>
      %dma_start3A_210 = tpu.memref_slice %arg5[%mul3A_133] : memref<160000xi32, #tpu.memory_space<hbm>> -> memref<128xi32, #tpu.memory_space<hbm>>
      tpu.enqueue_dma source(%dma_start3A_210 : memref<128xi32, #tpu.memory_space<hbm>>) target(%arg9 : memref<128xi32, #tpu.memory_space<vmem>>) target_semaphore(%arg13 : memref<!tpu.dma_semaphore, #tpu.memory_space<semaphore_mem>>)
      %dma_start3A_211 = arith.constant 0 : i32
      %dma_start3A_212 = tpu.memref_slice %arg2[%mul3A_133, %dma_start3A_211] : memref<160000x128xf32, #tpu.memory_space<hbm>> -> memref<128x128xf32, #tpu.memory_space<hbm>>
      %dma_start3A_213 = arith.constant 0 : i32
      %dma_start3A_214 = tpu.memref_slice %arg2[%mul3A_133, %dma_start3A_213] : memref<160000x128xf32, #tpu.memory_space<hbm>> -> memref<128x128xf32, #tpu.memory_space<hbm>>
      tpu.enqueue_dma source(%dma_start3A_214 : memref<128x128xf32, #tpu.memory_space<hbm>>) target(%arg10 : memref<128x128xf32, #tpu.memory_space<vmem>>) target_semaphore(%arg13 : memref<!tpu.dma_semaphore, #tpu.memory_space<semaphore_mem>>)
    } else {
    }
    %eq3A_139 = arith.constant 1 : i32
    %eq3A_140 = arith.cmpi eq, %arg0, %eq3A_139 : i32
    %convert_element_type3A_141 = arith.extui %eq3A_140 : i1 to i32
    %cond3A_142 = arith.constant 0 : i32
    %cond3A_143 = arith.cmpi ne, %convert_element_type3A_141, %cond3A_142 : i32
    scf.if %cond3A_143 {
      %dma_start3A = tpu.memref_slice %arg7[%mul3A_133] : memref<160000xi32, #tpu.memory_space<hbm>> -> memref<128xi32, #tpu.memory_space<hbm>>
      %dma_start3A_210 = tpu.memref_slice %arg7[%mul3A_133] : memref<160000xi32, #tpu.memory_space<hbm>> -> memref<128xi32, #tpu.memory_space<hbm>>
      tpu.enqueue_dma source(%dma_start3A_210 : memref<128xi32, #tpu.memory_space<hbm>>) target(%arg9 : memref<128xi32, #tpu.memory_space<vmem>>) target_semaphore(%arg13 : memref<!tpu.dma_semaphore, #tpu.memory_space<semaphore_mem>>)
      %dma_start3A_211 = arith.constant 0 : i32
      %dma_start3A_212 = tpu.memref_slice %arg3[%mul3A_133, %dma_start3A_211] : memref<160000x128xf32, #tpu.memory_space<hbm>> -> memref<128x128xf32, #tpu.memory_space<hbm>>
      %dma_start3A_213 = arith.constant 0 : i32
      %dma_start3A_214 = tpu.memref_slice %arg3[%mul3A_133, %dma_start3A_213] : memref<160000x128xf32, #tpu.memory_space<hbm>> -> memref<128x128xf32, #tpu.memory_space<hbm>>
      tpu.enqueue_dma source(%dma_start3A_214 : memref<128x128xf32, #tpu.memory_space<hbm>>) target(%arg10 : memref<128x128xf32, #tpu.memory_space<vmem>>) target_semaphore(%arg13 : memref<!tpu.dma_semaphore, #tpu.memory_space<semaphore_mem>>)
    } else {
    }
    %add3A_144 = arith.constant 16 : i32
    %add3A_145 = arith.addi %arg1, %add3A_144 : i32
    %mul3A_146 = arith.constant 128 : i32
    %mul3A_147 = arith.muli %add3A_145, %mul3A_146 : i32
    %eq3A_148 = arith.constant 0 : i32
    %eq3A_149 = arith.cmpi eq, %arg0, %eq3A_148 : i32
    %convert_element_type3A_150 = arith.extui %eq3A_149 : i1 to i32
    %cond3A_151 = arith.constant 0 : i32
    %cond3A_152 = arith.cmpi ne, %convert_element_type3A_150, %cond3A_151 : i32
    scf.if %cond3A_152 {
      %dma_start3A = tpu.memref_slice %arg5[%mul3A_147] : memref<160000xi32, #tpu.memory_space<hbm>> -> memref<128xi32, #tpu.memory_space<hbm>>
      %dma_start3A_210 = tpu.memref_slice %arg5[%mul3A_147] : memref<160000xi32, #tpu.memory_space<hbm>> -> memref<128xi32, #tpu.memory_space<hbm>>
      tpu.enqueue_dma source(%dma_start3A_210 : memref<128xi32, #tpu.memory_space<hbm>>) target(%arg11 : memref<128xi32, #tpu.memory_space<vmem>>) target_semaphore(%arg14 : memref<!tpu.dma_semaphore, #tpu.memory_space<semaphore_mem>>)
      %dma_start3A_211 = arith.constant 0 : i32
      %dma_start3A_212 = tpu.memref_slice %arg2[%mul3A_147, %dma_start3A_211] : memref<160000x128xf32, #tpu.memory_space<hbm>> -> memref<128x128xf32, #tpu.memory_space<hbm>>
      %dma_start3A_213 = arith.constant 0 : i32
      %dma_start3A_214 = tpu.memref_slice %arg2[%mul3A_147, %dma_start3A_213] : memref<160000x128xf32, #tpu.memory_space<hbm>> -> memref<128x128xf32, #tpu.memory_space<hbm>>
      tpu.enqueue_dma source(%dma_start3A_214 : memref<128x128xf32, #tpu.memory_space<hbm>>) target(%arg12 : memref<128x128xf32, #tpu.memory_space<vmem>>) target_semaphore(%arg14 : memref<!tpu.dma_semaphore, #tpu.memory_space<semaphore_mem>>)
    } else {
    }
    %eq3A_153 = arith.constant 1 : i32
    %eq3A_154 = arith.cmpi eq, %arg0, %eq3A_153 : i32
    %convert_element_type3A_155 = arith.extui %eq3A_154 : i1 to i32
    %cond3A_156 = arith.constant 0 : i32
    %cond3A_157 = arith.cmpi ne, %convert_element_type3A_155, %cond3A_156 : i32
    scf.if %cond3A_157 {
      %dma_start3A = tpu.memref_slice %arg7[%mul3A_147] : memref<160000xi32, #tpu.memory_space<hbm>> -> memref<128xi32, #tpu.memory_space<hbm>>
      %dma_start3A_210 = tpu.memref_slice %arg7[%mul3A_147] : memref<160000xi32, #tpu.memory_space<hbm>> -> memref<128xi32, #tpu.memory_space<hbm>>
      tpu.enqueue_dma source(%dma_start3A_210 : memref<128xi32, #tpu.memory_space<hbm>>) target(%arg11 : memref<128xi32, #tpu.memory_space<vmem>>) target_semaphore(%arg14 : memref<!tpu.dma_semaphore, #tpu.memory_space<semaphore_mem>>)
      %dma_start3A_211 = arith.constant 0 : i32
      %dma_start3A_212 = tpu.memref_slice %arg3[%mul3A_147, %dma_start3A_211] : memref<160000x128xf32, #tpu.memory_space<hbm>> -> memref<128x128xf32, #tpu.memory_space<hbm>>
      %dma_start3A_213 = arith.constant 0 : i32
      %dma_start3A_214 = tpu.memref_slice %arg3[%mul3A_147, %dma_start3A_213] : memref<160000x128xf32, #tpu.memory_space<hbm>> -> memref<128x128xf32, #tpu.memory_space<hbm>>
      tpu.enqueue_dma source(%dma_start3A_214 : memref<128x128xf32, #tpu.memory_space<hbm>>) target(%arg12 : memref<128x128xf32, #tpu.memory_space<vmem>>) target_semaphore(%arg14 : memref<!tpu.dma_semaphore, #tpu.memory_space<semaphore_mem>>)
    } else {
    }
    %add3A_158 = arith.constant 1 : i32
    %add3A_159 = arith.addi %select_n3A, %add3A_158 : i32
    %jit3A_160 = arith.constant 2 : i32
    %div3A_161 = arith.divsi %add3A_159, %jit3A_160 : i32
    %sign3A_162 = arith.constant 0 : i32
    %sign3A_163 = arith.cmpi sgt, %add3A_159, %sign3A_162 : i32
    %sign3A_164 = arith.extui %sign3A_163 : i1 to i32
    %sign3A_165 = arith.constant 0 : i32
    %sign3A_166 = arith.cmpi slt, %add3A_159, %sign3A_165 : i32
    %sign3A_167 = arith.extui %sign3A_166 : i1 to i32
    %sign3A_168 = arith.subi %sign3A_164, %sign3A_167 : i32
    %sign3A_169 = arith.constant 0 : i32
    %sign3A_170 = arith.cmpi sgt, %jit3A_160, %sign3A_169 : i32
    %sign3A_171 = arith.extui %sign3A_170 : i1 to i32
    %sign3A_172 = arith.constant 0 : i32
    %sign3A_173 = arith.cmpi slt, %jit3A_160, %sign3A_172 : i32
    %sign3A_174 = arith.extui %sign3A_173 : i1 to i32
    %sign3A_175 = arith.subi %sign3A_171, %sign3A_174 : i32
    %ne3A_176 = arith.cmpi ne, %sign3A_168, %sign3A_175 : i32
    %rem3A_177 = arith.remsi %add3A_159, %jit3A_160 : i32
    %ne3A_178 = arith.constant 0 : i32
    %ne3A_179 = arith.cmpi ne, %rem3A_177, %ne3A_178 : i32
    %and3A_180 = arith.andi %ne3A_176, %ne3A_179 : i1
    %sub3A_181 = arith.constant 1 : i32
    %sub3A_182 = arith.subi %div3A_161, %sub3A_181 : i32
    %select_n3A_183 = arith.select %and3A_180, %sub3A_182, %div3A_161 : i32
    %while3A_184 = arith.constant 0 : i32
    %while3A_185 = arith.constant 0 : i32
    %while3A_186 = arith.subi %select_n3A_183, %while3A_185 : i32
    %while3A_187 = arith.addi %while3A_185, %while3A_186 : i32
    %while3A_188 = arith.constant 1 : i32
    %while3A_189 = arith.divsi %while3A_186, %while3A_188 : i32
    %while3A_190 = arith.muli %while3A_189, %while3A_188 : i32
    %while3A_191 = arith.addi %while3A_185, %while3A_190 : i32
    %while3A_192 = arith.constant 1 : i32
    scf.for %while3A_210 = %while3A_185 to %while3A_191 step %while3A_192  : i32 {
      %mul3A_211 = arith.constant 2 : i32
      %mul3A_212 = arith.muli %while3A_210, %mul3A_211 : i32
      %add3A_213 = arith.constant 0 : i32
      %add3A_214 = arith.addi %mul3A_212, %add3A_213 : i32
      %lt3A_215 = arith.cmpi slt, %add3A_214, %select_n3A : i32
      %convert_element_type3A_216 = arith.extui %lt3A_215 : i1 to i32
      %cond3A_217 = arith.constant 0 : i32
      %cond3A_218 = arith.cmpi ne, %convert_element_type3A_216, %cond3A_217 : i32
      scf.if %cond3A_218 {
        %mul3A_227 = arith.constant 16 : i32
        %mul3A_228 = arith.muli %add3A_214, %mul3A_227 : i32
        %add3A_229 = arith.addi %arg1, %mul3A_228 : i32
        %mul3A_230 = arith.constant 128 : i32
        %mul3A_231 = arith.muli %add3A_229, %mul3A_230 : i32
        %dma_wait3A = tpu.memref_slice %arg5[%mul3A_231] : memref<160000xi32, #tpu.memory_space<hbm>> -> memref<128xi32, #tpu.memory_space<hbm>>
        %dma_wait3A_232 = tpu.memref_slice %arg5[%mul3A_231] : memref<160000xi32, #tpu.memory_space<hbm>> -> memref<128xi32, #tpu.memory_space<hbm>>
        tpu.wait_dma2 semaphore(%arg13 : memref<!tpu.dma_semaphore, #tpu.memory_space<semaphore_mem>>) src(%dma_wait3A_232 : memref<128xi32, #tpu.memory_space<hbm>>) dst(%arg9 : memref<128xi32, #tpu.memory_space<vmem>>)
        %dma_wait3A_233 = arith.constant 0 : i32
        %dma_wait3A_234 = tpu.memref_slice %arg2[%mul3A_231, %dma_wait3A_233] : memref<160000x128xf32, #tpu.memory_space<hbm>> -> memref<128x128xf32, #tpu.memory_space<hbm>>
        %dma_wait3A_235 = arith.constant 0 : i32
        %dma_wait3A_236 = tpu.memref_slice %arg2[%mul3A_231, %dma_wait3A_235] : memref<160000x128xf32, #tpu.memory_space<hbm>> -> memref<128x128xf32, #tpu.memory_space<hbm>>
        tpu.wait_dma2 semaphore(%arg13 : memref<!tpu.dma_semaphore, #tpu.memory_space<semaphore_mem>>) src(%dma_wait3A_236 : memref<128x128xf32, #tpu.memory_space<hbm>>) dst(%arg10 : memref<128x128xf32, #tpu.memory_space<vmem>>)
        "tpu.region"() ({
          %run_scoped3A = tpu.sem_alloc : memref<!tpu.dma_semaphore, #tpu.memory_space<semaphore_mem>>
          %dma_start3A = arith.constant 0 : i32
          %dma_start3A_243 = arith.constant 0 : i32
          %dma_start3A_244 = tpu.memref_slice %arg16[%dma_start3A, %dma_start3A_243] : memref<5200x128xf32, #tpu.memory_space<vmem_shared>> -> memref<5200x128xf32, #tpu.memory_space<vmem_shared>>
          tpu.enqueue_indirect_dma source(%arg10 : memref<128x128xf32, #tpu.memory_space<vmem>>) target(%dma_start3A_244 : memref<5200x128xf32, #tpu.memory_space<vmem_shared>>) offsets(%arg9 : memref<128xi32, #tpu.memory_space<vmem>>) semaphore(%run_scoped3A : memref<!tpu.dma_semaphore, #tpu.memory_space<semaphore_mem>>) {add = true}
          %dma_wait3A_245 = arith.constant 0 : i32
          %dma_wait3A_246 = arith.constant 0 : i32
          %dma_wait3A_247 = tpu.memref_slice %arg16[%dma_wait3A_245, %dma_wait3A_246] : memref<5200x128xf32, #tpu.memory_space<vmem_shared>> -> memref<5200x128xf32, #tpu.memory_space<vmem_shared>>
          tpu.wait_indirect_dma semaphore(%run_scoped3A : memref<!tpu.dma_semaphore, #tpu.memory_space<semaphore_mem>>) src(%arg10 : memref<128x128xf32, #tpu.memory_space<vmem>>) dst(%dma_wait3A_247 : memref<5200x128xf32, #tpu.memory_space<vmem_shared>>)
          tpu.yield
        }) : () -> ()
        %add3A_237 = arith.constant 2 : i32
        %add3A_238 = arith.addi %add3A_214, %add3A_237 : i32
        %lt3A_239 = arith.cmpi slt, %add3A_238, %select_n3A : i32
        %convert_element_type3A_240 = arith.extui %lt3A_239 : i1 to i32
        %cond3A_241 = arith.constant 0 : i32
        %cond3A_242 = arith.cmpi ne, %convert_element_type3A_240, %cond3A_241 : i32
        scf.if %cond3A_242 {
          %add3A_243 = arith.constant 2 : i32
          %add3A_244 = arith.addi %add3A_214, %add3A_243 : i32
          %mul3A_245 = arith.constant 16 : i32
          %mul3A_246 = arith.muli %add3A_244, %mul3A_245 : i32
          %add3A_247 = arith.addi %arg1, %mul3A_246 : i32
          %mul3A_248 = arith.constant 128 : i32
          %mul3A_249 = arith.muli %add3A_247, %mul3A_248 : i32
          %eq3A_250 = arith.constant 0 : i32
          %eq3A_251 = arith.cmpi eq, %arg0, %eq3A_250 : i32
          %convert_element_type3A_252 = arith.extui %eq3A_251 : i1 to i32
          %cond3A_253 = arith.constant 0 : i32
          %cond3A_254 = arith.cmpi ne, %convert_element_type3A_252, %cond3A_253 : i32
          scf.if %cond3A_254 {
            %dma_start3A = tpu.memref_slice %arg5[%mul3A_249] : memref<160000xi32, #tpu.memory_space<hbm>> -> memref<128xi32, #tpu.memory_space<hbm>>
            %dma_start3A_260 = tpu.memref_slice %arg5[%mul3A_249] : memref<160000xi32, #tpu.memory_space<hbm>> -> memref<128xi32, #tpu.memory_space<hbm>>
            tpu.enqueue_dma source(%dma_start3A_260 : memref<128xi32, #tpu.memory_space<hbm>>) target(%arg9 : memref<128xi32, #tpu.memory_space<vmem>>) target_semaphore(%arg13 : memref<!tpu.dma_semaphore, #tpu.memory_space<semaphore_mem>>)
            %dma_start3A_261 = arith.constant 0 : i32
            %dma_start3A_262 = tpu.memref_slice %arg2[%mul3A_249, %dma_start3A_261] : memref<160000x128xf32, #tpu.memory_space<hbm>> -> memref<128x128xf32, #tpu.memory_space<hbm>>
            %dma_start3A_263 = arith.constant 0 : i32
            %dma_start3A_264 = tpu.memref_slice %arg2[%mul3A_249, %dma_start3A_263] : memref<160000x128xf32, #tpu.memory_space<hbm>> -> memref<128x128xf32, #tpu.memory_space<hbm>>
            tpu.enqueue_dma source(%dma_start3A_264 : memref<128x128xf32, #tpu.memory_space<hbm>>) target(%arg10 : memref<128x128xf32, #tpu.memory_space<vmem>>) target_semaphore(%arg13 : memref<!tpu.dma_semaphore, #tpu.memory_space<semaphore_mem>>)
          } else {
          }
          %eq3A_255 = arith.constant 1 : i32
          %eq3A_256 = arith.cmpi eq, %arg0, %eq3A_255 : i32
          %convert_element_type3A_257 = arith.extui %eq3A_256 : i1 to i32
          %cond3A_258 = arith.constant 0 : i32
          %cond3A_259 = arith.cmpi ne, %convert_element_type3A_257, %cond3A_258 : i32
          scf.if %cond3A_259 {
            %dma_start3A = tpu.memref_slice %arg7[%mul3A_249] : memref<160000xi32, #tpu.memory_space<hbm>> -> memref<128xi32, #tpu.memory_space<hbm>>
            %dma_start3A_260 = tpu.memref_slice %arg7[%mul3A_249] : memref<160000xi32, #tpu.memory_space<hbm>> -> memref<128xi32, #tpu.memory_space<hbm>>
            tpu.enqueue_dma source(%dma_start3A_260 : memref<128xi32, #tpu.memory_space<hbm>>) target(%arg9 : memref<128xi32, #tpu.memory_space<vmem>>) target_semaphore(%arg13 : memref<!tpu.dma_semaphore, #tpu.memory_space<semaphore_mem>>)
            %dma_start3A_261 = arith.constant 0 : i32
            %dma_start3A_262 = tpu.memref_slice %arg3[%mul3A_249, %dma_start3A_261] : memref<160000x128xf32, #tpu.memory_space<hbm>> -> memref<128x128xf32, #tpu.memory_space<hbm>>
            %dma_start3A_263 = arith.constant 0 : i32
            %dma_start3A_264 = tpu.memref_slice %arg3[%mul3A_249, %dma_start3A_263] : memref<160000x128xf32, #tpu.memory_space<hbm>> -> memref<128x128xf32, #tpu.memory_space<hbm>>
            tpu.enqueue_dma source(%dma_start3A_264 : memref<128x128xf32, #tpu.memory_space<hbm>>) target(%arg10 : memref<128x128xf32, #tpu.memory_space<vmem>>) target_semaphore(%arg13 : memref<!tpu.dma_semaphore, #tpu.memory_space<semaphore_mem>>)
          } else {
          }
        } else {
        }
      } else {
      }
      %mul3A_219 = arith.constant 2 : i32
      %mul3A_220 = arith.muli %while3A_210, %mul3A_219 : i32
      %add3A_221 = arith.constant 1 : i32
      %add3A_222 = arith.addi %mul3A_220, %add3A_221 : i32
      %lt3A_223 = arith.cmpi slt, %add3A_222, %select_n3A : i32
      %convert_element_type3A_224 = arith.extui %lt3A_223 : i1 to i32
      %cond3A_225 = arith.constant 0 : i32
      %cond3A_226 = arith.cmpi ne, %convert_element_type3A_224, %cond3A_225 : i32
      scf.if %cond3A_226 {
        %mul3A_227 = arith.constant 16 : i32
        %mul3A_228 = arith.muli %add3A_222, %mul3A_227 : i32
        %add3A_229 = arith.addi %arg1, %mul3A_228 : i32
        %mul3A_230 = arith.constant 128 : i32
        %mul3A_231 = arith.muli %add3A_229, %mul3A_230 : i32
        %dma_wait3A = tpu.memref_slice %arg5[%mul3A_231] : memref<160000xi32, #tpu.memory_space<hbm>> -> memref<128xi32, #tpu.memory_space<hbm>>
        %dma_wait3A_232 = tpu.memref_slice %arg5[%mul3A_231] : memref<160000xi32, #tpu.memory_space<hbm>> -> memref<128xi32, #tpu.memory_space<hbm>>
        tpu.wait_dma2 semaphore(%arg14 : memref<!tpu.dma_semaphore, #tpu.memory_space<semaphore_mem>>) src(%dma_wait3A_232 : memref<128xi32, #tpu.memory_space<hbm>>) dst(%arg11 : memref<128xi32, #tpu.memory_space<vmem>>)
        %dma_wait3A_233 = arith.constant 0 : i32
        %dma_wait3A_234 = tpu.memref_slice %arg2[%mul3A_231, %dma_wait3A_233] : memref<160000x128xf32, #tpu.memory_space<hbm>> -> memref<128x128xf32, #tpu.memory_space<hbm>>
        %dma_wait3A_235 = arith.constant 0 : i32
        %dma_wait3A_236 = tpu.memref_slice %arg2[%mul3A_231, %dma_wait3A_235] : memref<160000x128xf32, #tpu.memory_space<hbm>> -> memref<128x128xf32, #tpu.memory_space<hbm>>
        tpu.wait_dma2 semaphore(%arg14 : memref<!tpu.dma_semaphore, #tpu.memory_space<semaphore_mem>>) src(%dma_wait3A_236 : memref<128x128xf32, #tpu.memory_space<hbm>>) dst(%arg12 : memref<128x128xf32, #tpu.memory_space<vmem>>)
        "tpu.region"() ({
          %run_scoped3A = tpu.sem_alloc : memref<!tpu.dma_semaphore, #tpu.memory_space<semaphore_mem>>
          %dma_start3A = arith.constant 0 : i32
          %dma_start3A_243 = arith.constant 0 : i32
          %dma_start3A_244 = tpu.memref_slice %arg16[%dma_start3A, %dma_start3A_243] : memref<5200x128xf32, #tpu.memory_space<vmem_shared>> -> memref<5200x128xf32, #tpu.memory_space<vmem_shared>>
          tpu.enqueue_indirect_dma source(%arg12 : memref<128x128xf32, #tpu.memory_space<vmem>>) target(%dma_start3A_244 : memref<5200x128xf32, #tpu.memory_space<vmem_shared>>) offsets(%arg11 : memref<128xi32, #tpu.memory_space<vmem>>) semaphore(%run_scoped3A : memref<!tpu.dma_semaphore, #tpu.memory_space<semaphore_mem>>) {add = true}
          %dma_wait3A_245 = arith.constant 0 : i32
          %dma_wait3A_246 = arith.constant 0 : i32
          %dma_wait3A_247 = tpu.memref_slice %arg16[%dma_wait3A_245, %dma_wait3A_246] : memref<5200x128xf32, #tpu.memory_space<vmem_shared>> -> memref<5200x128xf32, #tpu.memory_space<vmem_shared>>
          tpu.wait_indirect_dma semaphore(%run_scoped3A : memref<!tpu.dma_semaphore, #tpu.memory_space<semaphore_mem>>) src(%arg12 : memref<128x128xf32, #tpu.memory_space<vmem>>) dst(%dma_wait3A_247 : memref<5200x128xf32, #tpu.memory_space<vmem_shared>>)
          tpu.yield
        }) : () -> ()
        %add3A_237 = arith.constant 2 : i32
        %add3A_238 = arith.addi %add3A_222, %add3A_237 : i32
        %lt3A_239 = arith.cmpi slt, %add3A_238, %select_n3A : i32
        %convert_element_type3A_240 = arith.extui %lt3A_239 : i1 to i32
        %cond3A_241 = arith.constant 0 : i32
        %cond3A_242 = arith.cmpi ne, %convert_element_type3A_240, %cond3A_241 : i32
        scf.if %cond3A_242 {
          %add3A_243 = arith.constant 2 : i32
          %add3A_244 = arith.addi %add3A_222, %add3A_243 : i32
          %mul3A_245 = arith.constant 16 : i32
          %mul3A_246 = arith.muli %add3A_244, %mul3A_245 : i32
          %add3A_247 = arith.addi %arg1, %mul3A_246 : i32
          %mul3A_248 = arith.constant 128 : i32
          %mul3A_249 = arith.muli %add3A_247, %mul3A_248 : i32
          %eq3A_250 = arith.constant 0 : i32
          %eq3A_251 = arith.cmpi eq, %arg0, %eq3A_250 : i32
          %convert_element_type3A_252 = arith.extui %eq3A_251 : i1 to i32
          %cond3A_253 = arith.constant 0 : i32
          %cond3A_254 = arith.cmpi ne, %convert_element_type3A_252, %cond3A_253 : i32
          scf.if %cond3A_254 {
            %dma_start3A = tpu.memref_slice %arg5[%mul3A_249] : memref<160000xi32, #tpu.memory_space<hbm>> -> memref<128xi32, #tpu.memory_space<hbm>>
            %dma_start3A_260 = tpu.memref_slice %arg5[%mul3A_249] : memref<160000xi32, #tpu.memory_space<hbm>> -> memref<128xi32, #tpu.memory_space<hbm>>
            tpu.enqueue_dma source(%dma_start3A_260 : memref<128xi32, #tpu.memory_space<hbm>>) target(%arg11 : memref<128xi32, #tpu.memory_space<vmem>>) target_semaphore(%arg14 : memref<!tpu.dma_semaphore, #tpu.memory_space<semaphore_mem>>)
            %dma_start3A_261 = arith.constant 0 : i32
            %dma_start3A_262 = tpu.memref_slice %arg2[%mul3A_249, %dma_start3A_261] : memref<160000x128xf32, #tpu.memory_space<hbm>> -> memref<128x128xf32, #tpu.memory_space<hbm>>
            %dma_start3A_263 = arith.constant 0 : i32
            %dma_start3A_264 = tpu.memref_slice %arg2[%mul3A_249, %dma_start3A_263] : memref<160000x128xf32, #tpu.memory_space<hbm>> -> memref<128x128xf32, #tpu.memory_space<hbm>>
            tpu.enqueue_dma source(%dma_start3A_264 : memref<128x128xf32, #tpu.memory_space<hbm>>) target(%arg12 : memref<128x128xf32, #tpu.memory_space<vmem>>) target_semaphore(%arg14 : memref<!tpu.dma_semaphore, #tpu.memory_space<semaphore_mem>>)
          } else {
          }
          %eq3A_255 = arith.constant 1 : i32
          %eq3A_256 = arith.cmpi eq, %arg0, %eq3A_255 : i32
          %convert_element_type3A_257 = arith.extui %eq3A_256 : i1 to i32
          %cond3A_258 = arith.constant 0 : i32
          %cond3A_259 = arith.cmpi ne, %convert_element_type3A_257, %cond3A_258 : i32
          scf.if %cond3A_259 {
            %dma_start3A = tpu.memref_slice %arg7[%mul3A_249] : memref<160000xi32, #tpu.memory_space<hbm>> -> memref<128xi32, #tpu.memory_space<hbm>>
            %dma_start3A_260 = tpu.memref_slice %arg7[%mul3A_249] : memref<160000xi32, #tpu.memory_space<hbm>> -> memref<128xi32, #tpu.memory_space<hbm>>
            tpu.enqueue_dma source(%dma_start3A_260 : memref<128xi32, #tpu.memory_space<hbm>>) target(%arg11 : memref<128xi32, #tpu.memory_space<vmem>>) target_semaphore(%arg14 : memref<!tpu.dma_semaphore, #tpu.memory_space<semaphore_mem>>)
            %dma_start3A_261 = arith.constant 0 : i32
            %dma_start3A_262 = tpu.memref_slice %arg3[%mul3A_249, %dma_start3A_261] : memref<160000x128xf32, #tpu.memory_space<hbm>> -> memref<128x128xf32, #tpu.memory_space<hbm>>
            %dma_start3A_263 = arith.constant 0 : i32
            %dma_start3A_264 = tpu.memref_slice %arg3[%mul3A_249, %dma_start3A_263] : memref<160000x128xf32, #tpu.memory_space<hbm>> -> memref<128x128xf32, #tpu.memory_space<hbm>>
            tpu.enqueue_dma source(%dma_start3A_264 : memref<128x128xf32, #tpu.memory_space<hbm>>) target(%arg12 : memref<128x128xf32, #tpu.memory_space<vmem>>) target_semaphore(%arg14 : memref<!tpu.dma_semaphore, #tpu.memory_space<semaphore_mem>>)
          } else {
          }
        } else {
        }
      } else {
      }
    }
    %while3A_193 = arith.constant 1 : i32
    scf.for %while3A_210 = %while3A_191 to %while3A_187 step %while3A_193  : i32 {
      %mul3A_211 = arith.constant 2 : i32
      %mul3A_212 = arith.muli %while3A_210, %mul3A_211 : i32
      %add3A_213 = arith.constant 0 : i32
      %add3A_214 = arith.addi %mul3A_212, %add3A_213 : i32
      %lt3A_215 = arith.cmpi slt, %add3A_214, %select_n3A : i32
      %convert_element_type3A_216 = arith.extui %lt3A_215 : i1 to i32
      %cond3A_217 = arith.constant 0 : i32
      %cond3A_218 = arith.cmpi ne, %convert_element_type3A_216, %cond3A_217 : i32
      scf.if %cond3A_218 {
        %mul3A_227 = arith.constant 16 : i32
        %mul3A_228 = arith.muli %add3A_214, %mul3A_227 : i32
        %add3A_229 = arith.addi %arg1, %mul3A_228 : i32
        %mul3A_230 = arith.constant 128 : i32
        %mul3A_231 = arith.muli %add3A_229, %mul3A_230 : i32
        %dma_wait3A = tpu.memref_slice %arg5[%mul3A_231] : memref<160000xi32, #tpu.memory_space<hbm>> -> memref<128xi32, #tpu.memory_space<hbm>>
        %dma_wait3A_232 = tpu.memref_slice %arg5[%mul3A_231] : memref<160000xi32, #tpu.memory_space<hbm>> -> memref<128xi32, #tpu.memory_space<hbm>>
        tpu.wait_dma2 semaphore(%arg13 : memref<!tpu.dma_semaphore, #tpu.memory_space<semaphore_mem>>) src(%dma_wait3A_232 : memref<128xi32, #tpu.memory_space<hbm>>) dst(%arg9 : memref<128xi32, #tpu.memory_space<vmem>>)
        %dma_wait3A_233 = arith.constant 0 : i32
        %dma_wait3A_234 = tpu.memref_slice %arg2[%mul3A_231, %dma_wait3A_233] : memref<160000x128xf32, #tpu.memory_space<hbm>> -> memref<128x128xf32, #tpu.memory_space<hbm>>
        %dma_wait3A_235 = arith.constant 0 : i32
        %dma_wait3A_236 = tpu.memref_slice %arg2[%mul3A_231, %dma_wait3A_235] : memref<160000x128xf32, #tpu.memory_space<hbm>> -> memref<128x128xf32, #tpu.memory_space<hbm>>
        tpu.wait_dma2 semaphore(%arg13 : memref<!tpu.dma_semaphore, #tpu.memory_space<semaphore_mem>>) src(%dma_wait3A_236 : memref<128x128xf32, #tpu.memory_space<hbm>>) dst(%arg10 : memref<128x128xf32, #tpu.memory_space<vmem>>)
        "tpu.region"() ({
          %run_scoped3A = tpu.sem_alloc : memref<!tpu.dma_semaphore, #tpu.memory_space<semaphore_mem>>
          %dma_start3A = arith.constant 0 : i32
          %dma_start3A_243 = arith.constant 0 : i32
          %dma_start3A_244 = tpu.memref_slice %arg16[%dma_start3A, %dma_start3A_243] : memref<5200x128xf32, #tpu.memory_space<vmem_shared>> -> memref<5200x128xf32, #tpu.memory_space<vmem_shared>>
          tpu.enqueue_indirect_dma source(%arg10 : memref<128x128xf32, #tpu.memory_space<vmem>>) target(%dma_start3A_244 : memref<5200x128xf32, #tpu.memory_space<vmem_shared>>) offsets(%arg9 : memref<128xi32, #tpu.memory_space<vmem>>) semaphore(%run_scoped3A : memref<!tpu.dma_semaphore, #tpu.memory_space<semaphore_mem>>) {add = true}
          %dma_wait3A_245 = arith.constant 0 : i32
          %dma_wait3A_246 = arith.constant 0 : i32
          %dma_wait3A_247 = tpu.memref_slice %arg16[%dma_wait3A_245, %dma_wait3A_246] : memref<5200x128xf32, #tpu.memory_space<vmem_shared>> -> memref<5200x128xf32, #tpu.memory_space<vmem_shared>>
          tpu.wait_indirect_dma semaphore(%run_scoped3A : memref<!tpu.dma_semaphore, #tpu.memory_space<semaphore_mem>>) src(%arg10 : memref<128x128xf32, #tpu.memory_space<vmem>>) dst(%dma_wait3A_247 : memref<5200x128xf32, #tpu.memory_space<vmem_shared>>)
          tpu.yield
        }) : () -> ()
        %add3A_237 = arith.constant 2 : i32
        %add3A_238 = arith.addi %add3A_214, %add3A_237 : i32
        %lt3A_239 = arith.cmpi slt, %add3A_238, %select_n3A : i32
        %convert_element_type3A_240 = arith.extui %lt3A_239 : i1 to i32
        %cond3A_241 = arith.constant 0 : i32
        %cond3A_242 = arith.cmpi ne, %convert_element_type3A_240, %cond3A_241 : i32
        scf.if %cond3A_242 {
          %add3A_243 = arith.constant 2 : i32
          %add3A_244 = arith.addi %add3A_214, %add3A_243 : i32
          %mul3A_245 = arith.constant 16 : i32
          %mul3A_246 = arith.muli %add3A_244, %mul3A_245 : i32
          %add3A_247 = arith.addi %arg1, %mul3A_246 : i32
          %mul3A_248 = arith.constant 128 : i32
          %mul3A_249 = arith.muli %add3A_247, %mul3A_248 : i32
          %eq3A_250 = arith.constant 0 : i32
          %eq3A_251 = arith.cmpi eq, %arg0, %eq3A_250 : i32
          %convert_element_type3A_252 = arith.extui %eq3A_251 : i1 to i32
          %cond3A_253 = arith.constant 0 : i32
          %cond3A_254 = arith.cmpi ne, %convert_element_type3A_252, %cond3A_253 : i32
          scf.if %cond3A_254 {
            %dma_start3A = tpu.memref_slice %arg5[%mul3A_249] : memref<160000xi32, #tpu.memory_space<hbm>> -> memref<128xi32, #tpu.memory_space<hbm>>
            %dma_start3A_260 = tpu.memref_slice %arg5[%mul3A_249] : memref<160000xi32, #tpu.memory_space<hbm>> -> memref<128xi32, #tpu.memory_space<hbm>>
            tpu.enqueue_dma source(%dma_start3A_260 : memref<128xi32, #tpu.memory_space<hbm>>) target(%arg9 : memref<128xi32, #tpu.memory_space<vmem>>) target_semaphore(%arg13 : memref<!tpu.dma_semaphore, #tpu.memory_space<semaphore_mem>>)
            %dma_start3A_261 = arith.constant 0 : i32
            %dma_start3A_262 = tpu.memref_slice %arg2[%mul3A_249, %dma_start3A_261] : memref<160000x128xf32, #tpu.memory_space<hbm>> -> memref<128x128xf32, #tpu.memory_space<hbm>>
            %dma_start3A_263 = arith.constant 0 : i32
            %dma_start3A_264 = tpu.memref_slice %arg2[%mul3A_249, %dma_start3A_263] : memref<160000x128xf32, #tpu.memory_space<hbm>> -> memref<128x128xf32, #tpu.memory_space<hbm>>
            tpu.enqueue_dma source(%dma_start3A_264 : memref<128x128xf32, #tpu.memory_space<hbm>>) target(%arg10 : memref<128x128xf32, #tpu.memory_space<vmem>>) target_semaphore(%arg13 : memref<!tpu.dma_semaphore, #tpu.memory_space<semaphore_mem>>)
          } else {
          }
          %eq3A_255 = arith.constant 1 : i32
          %eq3A_256 = arith.cmpi eq, %arg0, %eq3A_255 : i32
          %convert_element_type3A_257 = arith.extui %eq3A_256 : i1 to i32
          %cond3A_258 = arith.constant 0 : i32
          %cond3A_259 = arith.cmpi ne, %convert_element_type3A_257, %cond3A_258 : i32
          scf.if %cond3A_259 {
            %dma_start3A = tpu.memref_slice %arg7[%mul3A_249] : memref<160000xi32, #tpu.memory_space<hbm>> -> memref<128xi32, #tpu.memory_space<hbm>>
            %dma_start3A_260 = tpu.memref_slice %arg7[%mul3A_249] : memref<160000xi32, #tpu.memory_space<hbm>> -> memref<128xi32, #tpu.memory_space<hbm>>
            tpu.enqueue_dma source(%dma_start3A_260 : memref<128xi32, #tpu.memory_space<hbm>>) target(%arg9 : memref<128xi32, #tpu.memory_space<vmem>>) target_semaphore(%arg13 : memref<!tpu.dma_semaphore, #tpu.memory_space<semaphore_mem>>)
            %dma_start3A_261 = arith.constant 0 : i32
            %dma_start3A_262 = tpu.memref_slice %arg3[%mul3A_249, %dma_start3A_261] : memref<160000x128xf32, #tpu.memory_space<hbm>> -> memref<128x128xf32, #tpu.memory_space<hbm>>
            %dma_start3A_263 = arith.constant 0 : i32
            %dma_start3A_264 = tpu.memref_slice %arg3[%mul3A_249, %dma_start3A_263] : memref<160000x128xf32, #tpu.memory_space<hbm>> -> memref<128x128xf32, #tpu.memory_space<hbm>>
            tpu.enqueue_dma source(%dma_start3A_264 : memref<128x128xf32, #tpu.memory_space<hbm>>) target(%arg10 : memref<128x128xf32, #tpu.memory_space<vmem>>) target_semaphore(%arg13 : memref<!tpu.dma_semaphore, #tpu.memory_space<semaphore_mem>>)
          } else {
          }
        } else {
        }
      } else {
      }
      %mul3A_219 = arith.constant 2 : i32
      %mul3A_220 = arith.muli %while3A_210, %mul3A_219 : i32
      %add3A_221 = arith.constant 1 : i32
      %add3A_222 = arith.addi %mul3A_220, %add3A_221 : i32
      %lt3A_223 = arith.cmpi slt, %add3A_222, %select_n3A : i32
      %convert_element_type3A_224 = arith.extui %lt3A_223 : i1 to i32
      %cond3A_225 = arith.constant 0 : i32
      %cond3A_226 = arith.cmpi ne, %convert_element_type3A_224, %cond3A_225 : i32
      scf.if %cond3A_226 {
        %mul3A_227 = arith.constant 16 : i32
        %mul3A_228 = arith.muli %add3A_222, %mul3A_227 : i32
        %add3A_229 = arith.addi %arg1, %mul3A_228 : i32
        %mul3A_230 = arith.constant 128 : i32
        %mul3A_231 = arith.muli %add3A_229, %mul3A_230 : i32
        %dma_wait3A = tpu.memref_slice %arg5[%mul3A_231] : memref<160000xi32, #tpu.memory_space<hbm>> -> memref<128xi32, #tpu.memory_space<hbm>>
        %dma_wait3A_232 = tpu.memref_slice %arg5[%mul3A_231] : memref<160000xi32, #tpu.memory_space<hbm>> -> memref<128xi32, #tpu.memory_space<hbm>>
        tpu.wait_dma2 semaphore(%arg14 : memref<!tpu.dma_semaphore, #tpu.memory_space<semaphore_mem>>) src(%dma_wait3A_232 : memref<128xi32, #tpu.memory_space<hbm>>) dst(%arg11 : memref<128xi32, #tpu.memory_space<vmem>>)
        %dma_wait3A_233 = arith.constant 0 : i32
        %dma_wait3A_234 = tpu.memref_slice %arg2[%mul3A_231, %dma_wait3A_233] : memref<160000x128xf32, #tpu.memory_space<hbm>> -> memref<128x128xf32, #tpu.memory_space<hbm>>
        %dma_wait3A_235 = arith.constant 0 : i32
        %dma_wait3A_236 = tpu.memref_slice %arg2[%mul3A_231, %dma_wait3A_235] : memref<160000x128xf32, #tpu.memory_space<hbm>> -> memref<128x128xf32, #tpu.memory_space<hbm>>
        tpu.wait_dma2 semaphore(%arg14 : memref<!tpu.dma_semaphore, #tpu.memory_space<semaphore_mem>>) src(%dma_wait3A_236 : memref<128x128xf32, #tpu.memory_space<hbm>>) dst(%arg12 : memref<128x128xf32, #tpu.memory_space<vmem>>)
        "tpu.region"() ({
          %run_scoped3A = tpu.sem_alloc : memref<!tpu.dma_semaphore, #tpu.memory_space<semaphore_mem>>
          %dma_start3A = arith.constant 0 : i32
          %dma_start3A_243 = arith.constant 0 : i32
          %dma_start3A_244 = tpu.memref_slice %arg16[%dma_start3A, %dma_start3A_243] : memref<5200x128xf32, #tpu.memory_space<vmem_shared>> -> memref<5200x128xf32, #tpu.memory_space<vmem_shared>>
          tpu.enqueue_indirect_dma source(%arg12 : memref<128x128xf32, #tpu.memory_space<vmem>>) target(%dma_start3A_244 : memref<5200x128xf32, #tpu.memory_space<vmem_shared>>) offsets(%arg11 : memref<128xi32, #tpu.memory_space<vmem>>) semaphore(%run_scoped3A : memref<!tpu.dma_semaphore, #tpu.memory_space<semaphore_mem>>) {add = true}
          %dma_wait3A_245 = arith.constant 0 : i32
          %dma_wait3A_246 = arith.constant 0 : i32
          %dma_wait3A_247 = tpu.memref_slice %arg16[%dma_wait3A_245, %dma_wait3A_246] : memref<5200x128xf32, #tpu.memory_space<vmem_shared>> -> memref<5200x128xf32, #tpu.memory_space<vmem_shared>>
          tpu.wait_indirect_dma semaphore(%run_scoped3A : memref<!tpu.dma_semaphore, #tpu.memory_space<semaphore_mem>>) src(%arg12 : memref<128x128xf32, #tpu.memory_space<vmem>>) dst(%dma_wait3A_247 : memref<5200x128xf32, #tpu.memory_space<vmem_shared>>)
          tpu.yield
        }) : () -> ()
        %add3A_237 = arith.constant 2 : i32
        %add3A_238 = arith.addi %add3A_222, %add3A_237 : i32
        %lt3A_239 = arith.cmpi slt, %add3A_238, %select_n3A : i32
        %convert_element_type3A_240 = arith.extui %lt3A_239 : i1 to i32
        %cond3A_241 = arith.constant 0 : i32
        %cond3A_242 = arith.cmpi ne, %convert_element_type3A_240, %cond3A_241 : i32
        scf.if %cond3A_242 {
          %add3A_243 = arith.constant 2 : i32
          %add3A_244 = arith.addi %add3A_222, %add3A_243 : i32
          %mul3A_245 = arith.constant 16 : i32
          %mul3A_246 = arith.muli %add3A_244, %mul3A_245 : i32
          %add3A_247 = arith.addi %arg1, %mul3A_246 : i32
          %mul3A_248 = arith.constant 128 : i32
          %mul3A_249 = arith.muli %add3A_247, %mul3A_248 : i32
          %eq3A_250 = arith.constant 0 : i32
          %eq3A_251 = arith.cmpi eq, %arg0, %eq3A_250 : i32
          %convert_element_type3A_252 = arith.extui %eq3A_251 : i1 to i32
          %cond3A_253 = arith.constant 0 : i32
          %cond3A_254 = arith.cmpi ne, %convert_element_type3A_252, %cond3A_253 : i32
          scf.if %cond3A_254 {
            %dma_start3A = tpu.memref_slice %arg5[%mul3A_249] : memref<160000xi32, #tpu.memory_space<hbm>> -> memref<128xi32, #tpu.memory_space<hbm>>
            %dma_start3A_260 = tpu.memref_slice %arg5[%mul3A_249] : memref<160000xi32, #tpu.memory_space<hbm>> -> memref<128xi32, #tpu.memory_space<hbm>>
            tpu.enqueue_dma source(%dma_start3A_260 : memref<128xi32, #tpu.memory_space<hbm>>) target(%arg11 : memref<128xi32, #tpu.memory_space<vmem>>) target_semaphore(%arg14 : memref<!tpu.dma_semaphore, #tpu.memory_space<semaphore_mem>>)
            %dma_start3A_261 = arith.constant 0 : i32
            %dma_start3A_262 = tpu.memref_slice %arg2[%mul3A_249, %dma_start3A_261] : memref<160000x128xf32, #tpu.memory_space<hbm>> -> memref<128x128xf32, #tpu.memory_space<hbm>>
            %dma_start3A_263 = arith.constant 0 : i32
            %dma_start3A_264 = tpu.memref_slice %arg2[%mul3A_249, %dma_start3A_263] : memref<160000x128xf32, #tpu.memory_space<hbm>> -> memref<128x128xf32, #tpu.memory_space<hbm>>
            tpu.enqueue_dma source(%dma_start3A_264 : memref<128x128xf32, #tpu.memory_space<hbm>>) target(%arg12 : memref<128x128xf32, #tpu.memory_space<vmem>>) target_semaphore(%arg14 : memref<!tpu.dma_semaphore, #tpu.memory_space<semaphore_mem>>)
          } else {
          }
          %eq3A_255 = arith.constant 1 : i32
          %eq3A_256 = arith.cmpi eq, %arg0, %eq3A_255 : i32
          %convert_element_type3A_257 = arith.extui %eq3A_256 : i1 to i32
          %cond3A_258 = arith.constant 0 : i32
          %cond3A_259 = arith.cmpi ne, %convert_element_type3A_257, %cond3A_258 : i32
          scf.if %cond3A_259 {
            %dma_start3A = tpu.memref_slice %arg7[%mul3A_249] : memref<160000xi32, #tpu.memory_space<hbm>> -> memref<128xi32, #tpu.memory_space<hbm>>
            %dma_start3A_260 = tpu.memref_slice %arg7[%mul3A_249] : memref<160000xi32, #tpu.memory_space<hbm>> -> memref<128xi32, #tpu.memory_space<hbm>>
            tpu.enqueue_dma source(%dma_start3A_260 : memref<128xi32, #tpu.memory_space<hbm>>) target(%arg11 : memref<128xi32, #tpu.memory_space<vmem>>) target_semaphore(%arg14 : memref<!tpu.dma_semaphore, #tpu.memory_space<semaphore_mem>>)
            %dma_start3A_261 = arith.constant 0 : i32
            %dma_start3A_262 = tpu.memref_slice %arg3[%mul3A_249, %dma_start3A_261] : memref<160000x128xf32, #tpu.memory_space<hbm>> -> memref<128x128xf32, #tpu.memory_space<hbm>>
            %dma_start3A_263 = arith.constant 0 : i32
            %dma_start3A_264 = tpu.memref_slice %arg3[%mul3A_249, %dma_start3A_263] : memref<160000x128xf32, #tpu.memory_space<hbm>> -> memref<128x128xf32, #tpu.memory_space<hbm>>
            tpu.enqueue_dma source(%dma_start3A_264 : memref<128x128xf32, #tpu.memory_space<hbm>>) target(%arg12 : memref<128x128xf32, #tpu.memory_space<vmem>>) target_semaphore(%arg14 : memref<!tpu.dma_semaphore, #tpu.memory_space<semaphore_mem>>)
          } else {
          }
        } else {
        }
      } else {
      }
    }
    %barrier3A_194 = arith.constant 0 : index
    tpu.barrier barrier_id(%barrier3A_194)
    %add3A_195 = arith.constant 0 : i32
    %add3A_196 = arith.addi %arg1, %add3A_195 : i32
    %lt3A_197 = arith.constant 25 : i32
    %lt3A_198 = arith.cmpi slt, %add3A_196, %lt3A_197 : i32
    %convert_element_type3A_199 = arith.extui %lt3A_198 : i1 to i32
    %cond3A_200 = arith.constant 0 : i32
    %cond3A_201 = arith.cmpi ne, %convert_element_type3A_199, %cond3A_200 : i32
    scf.if %cond3A_201 {
      %mul3A_210 = arith.constant 200 : i32
      %mul3A_211 = arith.muli %add3A_196, %mul3A_210 : i32
      %add3A_212 = arith.constant 5000 : i32
      %add3A_213 = arith.addi %add3A_212, %mul3A_211 : i32
      "tpu.region"() ({
        %run_scoped3A = tpu.sem_alloc : memref<!tpu.dma_semaphore, #tpu.memory_space<semaphore_mem>>
        %dma_start3A = arith.constant 0 : i32
        %dma_start3A_214 = tpu.memref_slice %arg8[%arg0, %add3A_213, %dma_start3A] : memref<2x10000x128xf32, #tpu.memory_space<hbm>> -> memref<1x200x128xf32, #tpu.memory_space<hbm>>
        %dma_start3A_215 = tpu.memref_squeeze %dma_start3A_214 : memref<1x200x128xf32, #tpu.memory_space<hbm>> -> memref<200x128xf32, #tpu.memory_space<hbm>>
        %dma_start3A_216 = arith.constant 0 : i32
        %dma_start3A_217 = tpu.memref_slice %arg16[%mul3A_211, %dma_start3A_216] : memref<5200x128xf32, #tpu.memory_space<vmem_shared>> -> memref<200x128xf32, #tpu.memory_space<vmem_shared>>
        tpu.enqueue_dma source(%dma_start3A_217 : memref<200x128xf32, #tpu.memory_space<vmem_shared>>) target(%dma_start3A_215 : memref<200x128xf32, #tpu.memory_space<hbm>>) target_semaphore(%run_scoped3A : memref<!tpu.dma_semaphore, #tpu.memory_space<semaphore_mem>>)
        %dma_wait3A = arith.constant 0 : i32
        %dma_wait3A_218 = tpu.memref_slice %arg8[%arg0, %add3A_213, %dma_wait3A] : memref<2x10000x128xf32, #tpu.memory_space<hbm>> -> memref<1x200x128xf32, #tpu.memory_space<hbm>>
        %dma_wait3A_219 = tpu.memref_squeeze %dma_wait3A_218 : memref<1x200x128xf32, #tpu.memory_space<hbm>> -> memref<200x128xf32, #tpu.memory_space<hbm>>
        %dma_wait3A_220 = arith.constant 0 : i32
        %dma_wait3A_221 = tpu.memref_slice %arg16[%mul3A_211, %dma_wait3A_220] : memref<5200x128xf32, #tpu.memory_space<vmem_shared>> -> memref<200x128xf32, #tpu.memory_space<vmem_shared>>
        tpu.wait_dma2 semaphore(%run_scoped3A : memref<!tpu.dma_semaphore, #tpu.memory_space<semaphore_mem>>) src(%dma_wait3A_221 : memref<200x128xf32, #tpu.memory_space<vmem_shared>>) dst(%dma_wait3A_219 : memref<200x128xf32, #tpu.memory_space<hbm>>)
        tpu.yield
      }) : () -> ()
    } else {
    }
    %add3A_202 = arith.constant 16 : i32
    %add3A_203 = arith.addi %arg1, %add3A_202 : i32
    %lt3A_204 = arith.constant 25 : i32
    %lt3A_205 = arith.cmpi slt, %add3A_203, %lt3A_204 : i32
    %convert_element_type3A_206 = arith.extui %lt3A_205 : i1 to i32
    %cond3A_207 = arith.constant 0 : i32
    %cond3A_208 = arith.cmpi ne, %convert_element_type3A_206, %cond3A_207 : i32
    scf.if %cond3A_208 {
      %mul3A_210 = arith.constant 200 : i32
      %mul3A_211 = arith.muli %add3A_203, %mul3A_210 : i32
      %add3A_212 = arith.constant 5000 : i32
      %add3A_213 = arith.addi %add3A_212, %mul3A_211 : i32
      "tpu.region"() ({
        %run_scoped3A = tpu.sem_alloc : memref<!tpu.dma_semaphore, #tpu.memory_space<semaphore_mem>>
        %dma_start3A = arith.constant 0 : i32
        %dma_start3A_214 = tpu.memref_slice %arg8[%arg0, %add3A_213, %dma_start3A] : memref<2x10000x128xf32, #tpu.memory_space<hbm>> -> memref<1x200x128xf32, #tpu.memory_space<hbm>>
        %dma_start3A_215 = tpu.memref_squeeze %dma_start3A_214 : memref<1x200x128xf32, #tpu.memory_space<hbm>> -> memref<200x128xf32, #tpu.memory_space<hbm>>
        %dma_start3A_216 = arith.constant 0 : i32
        %dma_start3A_217 = tpu.memref_slice %arg16[%mul3A_211, %dma_start3A_216] : memref<5200x128xf32, #tpu.memory_space<vmem_shared>> -> memref<200x128xf32, #tpu.memory_space<vmem_shared>>
        tpu.enqueue_dma source(%dma_start3A_217 : memref<200x128xf32, #tpu.memory_space<vmem_shared>>) target(%dma_start3A_215 : memref<200x128xf32, #tpu.memory_space<hbm>>) target_semaphore(%run_scoped3A : memref<!tpu.dma_semaphore, #tpu.memory_space<semaphore_mem>>)
        %dma_wait3A = arith.constant 0 : i32
        %dma_wait3A_218 = tpu.memref_slice %arg8[%arg0, %add3A_213, %dma_wait3A] : memref<2x10000x128xf32, #tpu.memory_space<hbm>> -> memref<1x200x128xf32, #tpu.memory_space<hbm>>
        %dma_wait3A_219 = tpu.memref_squeeze %dma_wait3A_218 : memref<1x200x128xf32, #tpu.memory_space<hbm>> -> memref<200x128xf32, #tpu.memory_space<hbm>>
        %dma_wait3A_220 = arith.constant 0 : i32
        %dma_wait3A_221 = tpu.memref_slice %arg16[%mul3A_211, %dma_wait3A_220] : memref<5200x128xf32, #tpu.memory_space<vmem_shared>> -> memref<200x128xf32, #tpu.memory_space<vmem_shared>>
        tpu.wait_dma2 semaphore(%run_scoped3A : memref<!tpu.dma_semaphore, #tpu.memory_space<semaphore_mem>>) src(%dma_wait3A_221 : memref<200x128xf32, #tpu.memory_space<vmem_shared>>) dst(%dma_wait3A_219 : memref<200x128xf32, #tpu.memory_space<hbm>>)
        tpu.yield
      }) : () -> ()
    } else {
    }
    %barrier3A_209 = arith.constant 0 : index
    tpu.barrier barrier_id(%barrier3A_209)
    return
  }
}

#map = affine_map<(d0, d1) -> (0, 0)>
#map1 = affine_map<(d0, d1) -> (0)>
module attributes {stable_mosaic.version = 14 : i64} {
  func.func @_gather_body(%arg0: i32, %arg1: i32, %arg2: memref<10000x128xf32, #tpu.memory_space<hbm>>, %arg3: memref<10000x128xf32, #tpu.memory_space<hbm>>, %arg4: memref<160000xi32, #tpu.memory_space<hbm>>, %arg5: memref<160000xi32, #tpu.memory_space<hbm>>, %arg6: memref<160000x128xf32, #tpu.memory_space<hbm>>, %arg7: memref<128xi32, #tpu.memory_space<vmem>>, %arg8: memref<128xi32, #tpu.memory_space<vmem>>, %arg9: memref<128x128xf32, #tpu.memory_space<vmem>>, %arg10: memref<128xi32, #tpu.memory_space<vmem>>, %arg11: memref<128xi32, #tpu.memory_space<vmem>>, %arg12: memref<128x128xf32, #tpu.memory_space<vmem>>, %arg13: memref<!tpu.dma_semaphore, #tpu.memory_space<semaphore_mem>>, %arg14: memref<!tpu.dma_semaphore, #tpu.memory_space<semaphore_mem>>, %arg15: memref<!tpu.dma_semaphore, #tpu.memory_space<semaphore_mem>>, %arg16: memref<!tpu.dma_semaphore, #tpu.memory_space<semaphore_mem>>, %arg17: memref<!tpu.dma_semaphore, #tpu.memory_space<semaphore_mem>>, %arg18: memref<!tpu.dma_semaphore, #tpu.memory_space<semaphore_mem>>) attributes {dimension_semantics = [#tpu.dimension_semantics<core_parallel>, #tpu.dimension_semantics<subcore_parallel>], iteration_bounds = array<i64: 2, 16>, scalar_prefetch = 0 : i64, scratch_operands = 12 : i64, tpu.core_type = #tpu.core_type<sc_vector_subcore>, window_params = [{transform_indices = #map}, {transform_indices = #map}, {transform_indices = #map1}, {transform_indices = #map1}, {transform_indices = #map}]} {
    %mul3A = arith.constant 2 : i32
    %mul3A_0 = arith.muli %arg1, %mul3A : i32
    %add3A = arith.addi %mul3A_0, %arg0 : i32
    %sub3A = arith.constant 1250 : i32
    %sub3A_1 = arith.subi %sub3A, %add3A : i32
    %add3A_2 = arith.constant 32 : i32
    %add3A_3 = arith.addi %sub3A_1, %add3A_2 : i32
    %sub3A_4 = arith.constant 1 : i32
    %sub3A_5 = arith.subi %add3A_3, %sub3A_4 : i32
    %jit3A = arith.constant 32 : i32
    %div3A = arith.divsi %sub3A_5, %jit3A : i32
    %sign3A = arith.constant 0 : i32
    %sign3A_6 = arith.cmpi sgt, %sub3A_5, %sign3A : i32
    %sign3A_7 = arith.extui %sign3A_6 : i1 to i32
    %sign3A_8 = arith.constant 0 : i32
    %sign3A_9 = arith.cmpi slt, %sub3A_5, %sign3A_8 : i32
    %sign3A_10 = arith.extui %sign3A_9 : i1 to i32
    %sign3A_11 = arith.subi %sign3A_7, %sign3A_10 : i32
    %sign3A_12 = arith.constant 0 : i32
    %sign3A_13 = arith.cmpi sgt, %jit3A, %sign3A_12 : i32
    %sign3A_14 = arith.extui %sign3A_13 : i1 to i32
    %sign3A_15 = arith.constant 0 : i32
    %sign3A_16 = arith.cmpi slt, %jit3A, %sign3A_15 : i32
    %sign3A_17 = arith.extui %sign3A_16 : i1 to i32
    %sign3A_18 = arith.subi %sign3A_14, %sign3A_17 : i32
    %ne3A = arith.cmpi ne, %sign3A_11, %sign3A_18 : i32
    %rem3A = arith.remsi %sub3A_5, %jit3A : i32
    %ne3A_19 = arith.constant 0 : i32
    %ne3A_20 = arith.cmpi ne, %rem3A, %ne3A_19 : i32
    %and3A = arith.andi %ne3A, %ne3A_20 : i1
    %sub3A_21 = arith.constant 1 : i32
    %sub3A_22 = arith.subi %div3A, %sub3A_21 : i32
    %select_n3A = arith.select %and3A, %sub3A_22, %div3A : i32
    %add3A_23 = arith.constant 0 : i32
    %add3A_24 = arith.addi %add3A, %add3A_23 : i32
    %mul3A_25 = arith.constant 128 : i32
    %mul3A_26 = arith.muli %add3A_24, %mul3A_25 : i32
    %dma_start3A = tpu.memref_slice %arg4[%mul3A_26] : memref<160000xi32, #tpu.memory_space<hbm>> -> memref<128xi32, #tpu.memory_space<hbm>>
    %dma_start3A_27 = tpu.memref_slice %arg4[%mul3A_26] : memref<160000xi32, #tpu.memory_space<hbm>> -> memref<128xi32, #tpu.memory_space<hbm>>
    tpu.enqueue_dma source(%dma_start3A_27 : memref<128xi32, #tpu.memory_space<hbm>>) target(%arg7 : memref<128xi32, #tpu.memory_space<vmem>>) target_semaphore(%arg13 : memref<!tpu.dma_semaphore, #tpu.memory_space<semaphore_mem>>)
    %dma_start3A_28 = tpu.memref_slice %arg5[%mul3A_26] : memref<160000xi32, #tpu.memory_space<hbm>> -> memref<128xi32, #tpu.memory_space<hbm>>
    %dma_start3A_29 = tpu.memref_slice %arg5[%mul3A_26] : memref<160000xi32, #tpu.memory_space<hbm>> -> memref<128xi32, #tpu.memory_space<hbm>>
    tpu.enqueue_dma source(%dma_start3A_29 : memref<128xi32, #tpu.memory_space<hbm>>) target(%arg8 : memref<128xi32, #tpu.memory_space<vmem>>) target_semaphore(%arg13 : memref<!tpu.dma_semaphore, #tpu.memory_space<semaphore_mem>>)
    %add3A_30 = arith.constant 32 : i32
    %add3A_31 = arith.addi %add3A, %add3A_30 : i32
    %mul3A_32 = arith.constant 128 : i32
    %mul3A_33 = arith.muli %add3A_31, %mul3A_32 : i32
    %dma_start3A_34 = tpu.memref_slice %arg4[%mul3A_33] : memref<160000xi32, #tpu.memory_space<hbm>> -> memref<128xi32, #tpu.memory_space<hbm>>
    %dma_start3A_35 = tpu.memref_slice %arg4[%mul3A_33] : memref<160000xi32, #tpu.memory_space<hbm>> -> memref<128xi32, #tpu.memory_space<hbm>>
    tpu.enqueue_dma source(%dma_start3A_35 : memref<128xi32, #tpu.memory_space<hbm>>) target(%arg10 : memref<128xi32, #tpu.memory_space<vmem>>) target_semaphore(%arg16 : memref<!tpu.dma_semaphore, #tpu.memory_space<semaphore_mem>>)
    %dma_start3A_36 = tpu.memref_slice %arg5[%mul3A_33] : memref<160000xi32, #tpu.memory_space<hbm>> -> memref<128xi32, #tpu.memory_space<hbm>>
    %dma_start3A_37 = tpu.memref_slice %arg5[%mul3A_33] : memref<160000xi32, #tpu.memory_space<hbm>> -> memref<128xi32, #tpu.memory_space<hbm>>
    tpu.enqueue_dma source(%dma_start3A_37 : memref<128xi32, #tpu.memory_space<hbm>>) target(%arg11 : memref<128xi32, #tpu.memory_space<vmem>>) target_semaphore(%arg16 : memref<!tpu.dma_semaphore, #tpu.memory_space<semaphore_mem>>)
    %add3A_38 = arith.constant 1 : i32
    %add3A_39 = arith.addi %select_n3A, %add3A_38 : i32
    %jit3A_40 = arith.constant 2 : i32
    %div3A_41 = arith.divsi %add3A_39, %jit3A_40 : i32
    %sign3A_42 = arith.constant 0 : i32
    %sign3A_43 = arith.cmpi sgt, %add3A_39, %sign3A_42 : i32
    %sign3A_44 = arith.extui %sign3A_43 : i1 to i32
    %sign3A_45 = arith.constant 0 : i32
    %sign3A_46 = arith.cmpi slt, %add3A_39, %sign3A_45 : i32
    %sign3A_47 = arith.extui %sign3A_46 : i1 to i32
    %sign3A_48 = arith.subi %sign3A_44, %sign3A_47 : i32
    %sign3A_49 = arith.constant 0 : i32
    %sign3A_50 = arith.cmpi sgt, %jit3A_40, %sign3A_49 : i32
    %sign3A_51 = arith.extui %sign3A_50 : i1 to i32
    %sign3A_52 = arith.constant 0 : i32
    %sign3A_53 = arith.cmpi slt, %jit3A_40, %sign3A_52 : i32
    %sign3A_54 = arith.extui %sign3A_53 : i1 to i32
    %sign3A_55 = arith.subi %sign3A_51, %sign3A_54 : i32
    %ne3A_56 = arith.cmpi ne, %sign3A_48, %sign3A_55 : i32
    %rem3A_57 = arith.remsi %add3A_39, %jit3A_40 : i32
    %ne3A_58 = arith.constant 0 : i32
    %ne3A_59 = arith.cmpi ne, %rem3A_57, %ne3A_58 : i32
    %and3A_60 = arith.andi %ne3A_56, %ne3A_59 : i1
    %sub3A_61 = arith.constant 1 : i32
    %sub3A_62 = arith.subi %div3A_41, %sub3A_61 : i32
    %select_n3A_63 = arith.select %and3A_60, %sub3A_62, %div3A_41 : i32
    %while3A = arith.constant 0 : i32
    %while3A_64 = arith.constant 0 : i32
    %while3A_65 = arith.subi %select_n3A_63, %while3A_64 : i32
    %while3A_66 = arith.addi %while3A_64, %while3A_65 : i32
    %while3A_67 = arith.constant 1 : i32
    %while3A_68 = arith.divsi %while3A_65, %while3A_67 : i32
    %while3A_69 = arith.muli %while3A_68, %while3A_67 : i32
    %while3A_70 = arith.addi %while3A_64, %while3A_69 : i32
    %while3A_71 = arith.constant 1 : i32
    scf.for %while3A_84 = %while3A_64 to %while3A_70 step %while3A_71  : i32 {
      %mul3A_85 = arith.constant 2 : i32
      %mul3A_86 = arith.muli %while3A_84, %mul3A_85 : i32
      %add3A_87 = arith.constant 0 : i32
      %add3A_88 = arith.addi %mul3A_86, %add3A_87 : i32
      %lt3A = arith.cmpi slt, %add3A_88, %select_n3A : i32
      %convert_element_type3A = arith.extui %lt3A : i1 to i32
      %cond3A = arith.constant 0 : i32
      %cond3A_89 = arith.cmpi ne, %convert_element_type3A, %cond3A : i32
      scf.if %cond3A_89 {
        %mul3A_98 = arith.constant 32 : i32
        %mul3A_99 = arith.muli %add3A_88, %mul3A_98 : i32
        %add3A_100 = arith.addi %add3A, %mul3A_99 : i32
        %mul3A_101 = arith.constant 128 : i32
        %mul3A_102 = arith.muli %add3A_100, %mul3A_101 : i32
        %dma_wait3A_103 = tpu.memref_slice %arg4[%mul3A_102] : memref<160000xi32, #tpu.memory_space<hbm>> -> memref<128xi32, #tpu.memory_space<hbm>>
        %dma_wait3A_104 = tpu.memref_slice %arg4[%mul3A_102] : memref<160000xi32, #tpu.memory_space<hbm>> -> memref<128xi32, #tpu.memory_space<hbm>>
        tpu.wait_dma2 semaphore(%arg13 : memref<!tpu.dma_semaphore, #tpu.memory_space<semaphore_mem>>) src(%dma_wait3A_104 : memref<128xi32, #tpu.memory_space<hbm>>) dst(%arg7 : memref<128xi32, #tpu.memory_space<vmem>>)
        %dma_wait3A_105 = tpu.memref_slice %arg5[%mul3A_102] : memref<160000xi32, #tpu.memory_space<hbm>> -> memref<128xi32, #tpu.memory_space<hbm>>
        %dma_wait3A_106 = tpu.memref_slice %arg5[%mul3A_102] : memref<160000xi32, #tpu.memory_space<hbm>> -> memref<128xi32, #tpu.memory_space<hbm>>
        tpu.wait_dma2 semaphore(%arg13 : memref<!tpu.dma_semaphore, #tpu.memory_space<semaphore_mem>>) src(%dma_wait3A_106 : memref<128xi32, #tpu.memory_space<hbm>>) dst(%arg8 : memref<128xi32, #tpu.memory_space<vmem>>)
        %ge3A = arith.constant 2 : i32
        %ge3A_107 = arith.cmpi sge, %add3A_88, %ge3A : i32
        %convert_element_type3A_108 = arith.extui %ge3A_107 : i1 to i32
        %cond3A_109 = arith.constant 0 : i32
        %cond3A_110 = arith.cmpi ne, %convert_element_type3A_108, %cond3A_109 : i32
        scf.if %cond3A_110 {
          %dma_wait3A_133 = arith.constant 0 : i32
          %dma_wait3A_134 = tpu.memref_slice %arg6[%mul3A_102, %dma_wait3A_133] : memref<160000x128xf32, #tpu.memory_space<hbm>> -> memref<128x128xf32, #tpu.memory_space<hbm>>
          %dma_wait3A_135 = arith.constant 0 : i32
          %dma_wait3A_136 = tpu.memref_slice %arg6[%mul3A_102, %dma_wait3A_135] : memref<160000x128xf32, #tpu.memory_space<hbm>> -> memref<128x128xf32, #tpu.memory_space<hbm>>
          tpu.wait_dma2 semaphore(%arg15 : memref<!tpu.dma_semaphore, #tpu.memory_space<semaphore_mem>>) src(%arg9 : memref<128x128xf32, #tpu.memory_space<vmem>>) dst(%dma_wait3A_136 : memref<128x128xf32, #tpu.memory_space<hbm>>)
        } else {
        }
        %dma_start3A_111 = arith.constant 0 : i32
        %dma_start3A_112 = arith.constant 0 : i32
        %dma_start3A_113 = tpu.memref_slice %arg2[%dma_start3A_111, %dma_start3A_112] : memref<10000x128xf32, #tpu.memory_space<hbm>> -> memref<10000x128xf32, #tpu.memory_space<hbm>>
        tpu.enqueue_indirect_dma source(%dma_start3A_113 : memref<10000x128xf32, #tpu.memory_space<hbm>>) target(%arg9 : memref<128x128xf32, #tpu.memory_space<vmem>>) offsets(%arg7 : memref<128xi32, #tpu.memory_space<vmem>>) semaphore(%arg14 : memref<!tpu.dma_semaphore, #tpu.memory_space<semaphore_mem>>)
        %dma_wait3A_114 = arith.constant 0 : i32
        %dma_wait3A_115 = arith.constant 0 : i32
        %dma_wait3A_116 = tpu.memref_slice %arg2[%dma_wait3A_114, %dma_wait3A_115] : memref<10000x128xf32, #tpu.memory_space<hbm>> -> memref<10000x128xf32, #tpu.memory_space<hbm>>
        tpu.wait_indirect_dma semaphore(%arg14 : memref<!tpu.dma_semaphore, #tpu.memory_space<semaphore_mem>>) src(%dma_wait3A_116 : memref<10000x128xf32, #tpu.memory_space<hbm>>) dst(%arg9 : memref<128x128xf32, #tpu.memory_space<vmem>>)
        %dma_start3A_117 = arith.constant 0 : i32
        %dma_start3A_118 = arith.constant 0 : i32
        %dma_start3A_119 = tpu.memref_slice %arg3[%dma_start3A_117, %dma_start3A_118] : memref<10000x128xf32, #tpu.memory_space<hbm>> -> memref<10000x128xf32, #tpu.memory_space<hbm>>
        tpu.enqueue_indirect_dma source(%dma_start3A_119 : memref<10000x128xf32, #tpu.memory_space<hbm>>) target(%arg9 : memref<128x128xf32, #tpu.memory_space<vmem>>) offsets(%arg8 : memref<128xi32, #tpu.memory_space<vmem>>) semaphore(%arg14 : memref<!tpu.dma_semaphore, #tpu.memory_space<semaphore_mem>>) {add = true}
        %dma_wait3A_120 = arith.constant 0 : i32
        %dma_wait3A_121 = arith.constant 0 : i32
        %dma_wait3A_122 = tpu.memref_slice %arg3[%dma_wait3A_120, %dma_wait3A_121] : memref<10000x128xf32, #tpu.memory_space<hbm>> -> memref<10000x128xf32, #tpu.memory_space<hbm>>
        tpu.wait_indirect_dma semaphore(%arg14 : memref<!tpu.dma_semaphore, #tpu.memory_space<semaphore_mem>>) src(%dma_wait3A_122 : memref<10000x128xf32, #tpu.memory_space<hbm>>) dst(%arg9 : memref<128x128xf32, #tpu.memory_space<vmem>>)
        %dma_start3A_123 = arith.constant 0 : i32
        %dma_start3A_124 = tpu.memref_slice %arg6[%mul3A_102, %dma_start3A_123] : memref<160000x128xf32, #tpu.memory_space<hbm>> -> memref<128x128xf32, #tpu.memory_space<hbm>>
        %dma_start3A_125 = arith.constant 0 : i32
        %dma_start3A_126 = tpu.memref_slice %arg6[%mul3A_102, %dma_start3A_125] : memref<160000x128xf32, #tpu.memory_space<hbm>> -> memref<128x128xf32, #tpu.memory_space<hbm>>
        tpu.enqueue_dma source(%arg9 : memref<128x128xf32, #tpu.memory_space<vmem>>) target(%dma_start3A_126 : memref<128x128xf32, #tpu.memory_space<hbm>>) target_semaphore(%arg15 : memref<!tpu.dma_semaphore, #tpu.memory_space<semaphore_mem>>)
        %add3A_127 = arith.constant 2 : i32
        %add3A_128 = arith.addi %add3A_88, %add3A_127 : i32
        %lt3A_129 = arith.cmpi slt, %add3A_128, %select_n3A : i32
        %convert_element_type3A_130 = arith.extui %lt3A_129 : i1 to i32
        %cond3A_131 = arith.constant 0 : i32
        %cond3A_132 = arith.cmpi ne, %convert_element_type3A_130, %cond3A_131 : i32
        scf.if %cond3A_132 {
          %add3A_133 = arith.constant 2 : i32
          %add3A_134 = arith.addi %add3A_88, %add3A_133 : i32
          %mul3A_135 = arith.constant 32 : i32
          %mul3A_136 = arith.muli %add3A_134, %mul3A_135 : i32
          %add3A_137 = arith.addi %add3A, %mul3A_136 : i32
          %mul3A_138 = arith.constant 128 : i32
          %mul3A_139 = arith.muli %add3A_137, %mul3A_138 : i32
          %dma_start3A_140 = tpu.memref_slice %arg4[%mul3A_139] : memref<160000xi32, #tpu.memory_space<hbm>> -> memref<128xi32, #tpu.memory_space<hbm>>
          %dma_start3A_141 = tpu.memref_slice %arg4[%mul3A_139] : memref<160000xi32, #tpu.memory_space<hbm>> -> memref<128xi32, #tpu.memory_space<hbm>>
          tpu.enqueue_dma source(%dma_start3A_141 : memref<128xi32, #tpu.memory_space<hbm>>) target(%arg7 : memref<128xi32, #tpu.memory_space<vmem>>) target_semaphore(%arg13 : memref<!tpu.dma_semaphore, #tpu.memory_space<semaphore_mem>>)
          %dma_start3A_142 = tpu.memref_slice %arg5[%mul3A_139] : memref<160000xi32, #tpu.memory_space<hbm>> -> memref<128xi32, #tpu.memory_space<hbm>>
          %dma_start3A_143 = tpu.memref_slice %arg5[%mul3A_139] : memref<160000xi32, #tpu.memory_space<hbm>> -> memref<128xi32, #tpu.memory_space<hbm>>
          tpu.enqueue_dma source(%dma_start3A_143 : memref<128xi32, #tpu.memory_space<hbm>>) target(%arg8 : memref<128xi32, #tpu.memory_space<vmem>>) target_semaphore(%arg13 : memref<!tpu.dma_semaphore, #tpu.memory_space<semaphore_mem>>)
        } else {
        }
      } else {
      }
      %mul3A_90 = arith.constant 2 : i32
      %mul3A_91 = arith.muli %while3A_84, %mul3A_90 : i32
      %add3A_92 = arith.constant 1 : i32
      %add3A_93 = arith.addi %mul3A_91, %add3A_92 : i32
      %lt3A_94 = arith.cmpi slt, %add3A_93, %select_n3A : i32
      %convert_element_type3A_95 = arith.extui %lt3A_94 : i1 to i32
      %cond3A_96 = arith.constant 0 : i32
      %cond3A_97 = arith.cmpi ne, %convert_element_type3A_95, %cond3A_96 : i32
      scf.if %cond3A_97 {
        %mul3A_98 = arith.constant 32 : i32
        %mul3A_99 = arith.muli %add3A_93, %mul3A_98 : i32
        %add3A_100 = arith.addi %add3A, %mul3A_99 : i32
        %mul3A_101 = arith.constant 128 : i32
        %mul3A_102 = arith.muli %add3A_100, %mul3A_101 : i32
        %dma_wait3A_103 = tpu.memref_slice %arg4[%mul3A_102] : memref<160000xi32, #tpu.memory_space<hbm>> -> memref<128xi32, #tpu.memory_space<hbm>>
        %dma_wait3A_104 = tpu.memref_slice %arg4[%mul3A_102] : memref<160000xi32, #tpu.memory_space<hbm>> -> memref<128xi32, #tpu.memory_space<hbm>>
        tpu.wait_dma2 semaphore(%arg16 : memref<!tpu.dma_semaphore, #tpu.memory_space<semaphore_mem>>) src(%dma_wait3A_104 : memref<128xi32, #tpu.memory_space<hbm>>) dst(%arg10 : memref<128xi32, #tpu.memory_space<vmem>>)
        %dma_wait3A_105 = tpu.memref_slice %arg5[%mul3A_102] : memref<160000xi32, #tpu.memory_space<hbm>> -> memref<128xi32, #tpu.memory_space<hbm>>
        %dma_wait3A_106 = tpu.memref_slice %arg5[%mul3A_102] : memref<160000xi32, #tpu.memory_space<hbm>> -> memref<128xi32, #tpu.memory_space<hbm>>
        tpu.wait_dma2 semaphore(%arg16 : memref<!tpu.dma_semaphore, #tpu.memory_space<semaphore_mem>>) src(%dma_wait3A_106 : memref<128xi32, #tpu.memory_space<hbm>>) dst(%arg11 : memref<128xi32, #tpu.memory_space<vmem>>)
        %ge3A = arith.constant 2 : i32
        %ge3A_107 = arith.cmpi sge, %add3A_93, %ge3A : i32
        %convert_element_type3A_108 = arith.extui %ge3A_107 : i1 to i32
        %cond3A_109 = arith.constant 0 : i32
        %cond3A_110 = arith.cmpi ne, %convert_element_type3A_108, %cond3A_109 : i32
        scf.if %cond3A_110 {
          %dma_wait3A_133 = arith.constant 0 : i32
          %dma_wait3A_134 = tpu.memref_slice %arg6[%mul3A_102, %dma_wait3A_133] : memref<160000x128xf32, #tpu.memory_space<hbm>> -> memref<128x128xf32, #tpu.memory_space<hbm>>
          %dma_wait3A_135 = arith.constant 0 : i32
          %dma_wait3A_136 = tpu.memref_slice %arg6[%mul3A_102, %dma_wait3A_135] : memref<160000x128xf32, #tpu.memory_space<hbm>> -> memref<128x128xf32, #tpu.memory_space<hbm>>
          tpu.wait_dma2 semaphore(%arg18 : memref<!tpu.dma_semaphore, #tpu.memory_space<semaphore_mem>>) src(%arg12 : memref<128x128xf32, #tpu.memory_space<vmem>>) dst(%dma_wait3A_136 : memref<128x128xf32, #tpu.memory_space<hbm>>)
        } else {
        }
        %dma_start3A_111 = arith.constant 0 : i32
        %dma_start3A_112 = arith.constant 0 : i32
        %dma_start3A_113 = tpu.memref_slice %arg2[%dma_start3A_111, %dma_start3A_112] : memref<10000x128xf32, #tpu.memory_space<hbm>> -> memref<10000x128xf32, #tpu.memory_space<hbm>>
        tpu.enqueue_indirect_dma source(%dma_start3A_113 : memref<10000x128xf32, #tpu.memory_space<hbm>>) target(%arg12 : memref<128x128xf32, #tpu.memory_space<vmem>>) offsets(%arg10 : memref<128xi32, #tpu.memory_space<vmem>>) semaphore(%arg17 : memref<!tpu.dma_semaphore, #tpu.memory_space<semaphore_mem>>)
        %dma_wait3A_114 = arith.constant 0 : i32
        %dma_wait3A_115 = arith.constant 0 : i32
        %dma_wait3A_116 = tpu.memref_slice %arg2[%dma_wait3A_114, %dma_wait3A_115] : memref<10000x128xf32, #tpu.memory_space<hbm>> -> memref<10000x128xf32, #tpu.memory_space<hbm>>
        tpu.wait_indirect_dma semaphore(%arg17 : memref<!tpu.dma_semaphore, #tpu.memory_space<semaphore_mem>>) src(%dma_wait3A_116 : memref<10000x128xf32, #tpu.memory_space<hbm>>) dst(%arg12 : memref<128x128xf32, #tpu.memory_space<vmem>>)
        %dma_start3A_117 = arith.constant 0 : i32
        %dma_start3A_118 = arith.constant 0 : i32
        %dma_start3A_119 = tpu.memref_slice %arg3[%dma_start3A_117, %dma_start3A_118] : memref<10000x128xf32, #tpu.memory_space<hbm>> -> memref<10000x128xf32, #tpu.memory_space<hbm>>
        tpu.enqueue_indirect_dma source(%dma_start3A_119 : memref<10000x128xf32, #tpu.memory_space<hbm>>) target(%arg12 : memref<128x128xf32, #tpu.memory_space<vmem>>) offsets(%arg11 : memref<128xi32, #tpu.memory_space<vmem>>) semaphore(%arg17 : memref<!tpu.dma_semaphore, #tpu.memory_space<semaphore_mem>>) {add = true}
        %dma_wait3A_120 = arith.constant 0 : i32
        %dma_wait3A_121 = arith.constant 0 : i32
        %dma_wait3A_122 = tpu.memref_slice %arg3[%dma_wait3A_120, %dma_wait3A_121] : memref<10000x128xf32, #tpu.memory_space<hbm>> -> memref<10000x128xf32, #tpu.memory_space<hbm>>
        tpu.wait_indirect_dma semaphore(%arg17 : memref<!tpu.dma_semaphore, #tpu.memory_space<semaphore_mem>>) src(%dma_wait3A_122 : memref<10000x128xf32, #tpu.memory_space<hbm>>) dst(%arg12 : memref<128x128xf32, #tpu.memory_space<vmem>>)
        %dma_start3A_123 = arith.constant 0 : i32
        %dma_start3A_124 = tpu.memref_slice %arg6[%mul3A_102, %dma_start3A_123] : memref<160000x128xf32, #tpu.memory_space<hbm>> -> memref<128x128xf32, #tpu.memory_space<hbm>>
        %dma_start3A_125 = arith.constant 0 : i32
        %dma_start3A_126 = tpu.memref_slice %arg6[%mul3A_102, %dma_start3A_125] : memref<160000x128xf32, #tpu.memory_space<hbm>> -> memref<128x128xf32, #tpu.memory_space<hbm>>
        tpu.enqueue_dma source(%arg12 : memref<128x128xf32, #tpu.memory_space<vmem>>) target(%dma_start3A_126 : memref<128x128xf32, #tpu.memory_space<hbm>>) target_semaphore(%arg18 : memref<!tpu.dma_semaphore, #tpu.memory_space<semaphore_mem>>)
        %add3A_127 = arith.constant 2 : i32
        %add3A_128 = arith.addi %add3A_93, %add3A_127 : i32
        %lt3A_129 = arith.cmpi slt, %add3A_128, %select_n3A : i32
        %convert_element_type3A_130 = arith.extui %lt3A_129 : i1 to i32
        %cond3A_131 = arith.constant 0 : i32
        %cond3A_132 = arith.cmpi ne, %convert_element_type3A_130, %cond3A_131 : i32
        scf.if %cond3A_132 {
          %add3A_133 = arith.constant 2 : i32
          %add3A_134 = arith.addi %add3A_93, %add3A_133 : i32
          %mul3A_135 = arith.constant 32 : i32
          %mul3A_136 = arith.muli %add3A_134, %mul3A_135 : i32
          %add3A_137 = arith.addi %add3A, %mul3A_136 : i32
          %mul3A_138 = arith.constant 128 : i32
          %mul3A_139 = arith.muli %add3A_137, %mul3A_138 : i32
          %dma_start3A_140 = tpu.memref_slice %arg4[%mul3A_139] : memref<160000xi32, #tpu.memory_space<hbm>> -> memref<128xi32, #tpu.memory_space<hbm>>
          %dma_start3A_141 = tpu.memref_slice %arg4[%mul3A_139] : memref<160000xi32, #tpu.memory_space<hbm>> -> memref<128xi32, #tpu.memory_space<hbm>>
          tpu.enqueue_dma source(%dma_start3A_141 : memref<128xi32, #tpu.memory_space<hbm>>) target(%arg10 : memref<128xi32, #tpu.memory_space<vmem>>) target_semaphore(%arg16 : memref<!tpu.dma_semaphore, #tpu.memory_space<semaphore_mem>>)
          %dma_start3A_142 = tpu.memref_slice %arg5[%mul3A_139] : memref<160000xi32, #tpu.memory_space<hbm>> -> memref<128xi32, #tpu.memory_space<hbm>>
          %dma_start3A_143 = tpu.memref_slice %arg5[%mul3A_139] : memref<160000xi32, #tpu.memory_space<hbm>> -> memref<128xi32, #tpu.memory_space<hbm>>
          tpu.enqueue_dma source(%dma_start3A_143 : memref<128xi32, #tpu.memory_space<hbm>>) target(%arg11 : memref<128xi32, #tpu.memory_space<vmem>>) target_semaphore(%arg16 : memref<!tpu.dma_semaphore, #tpu.memory_space<semaphore_mem>>)
        } else {
        }
      } else {
      }
    }
    %while3A_72 = arith.constant 1 : i32
    scf.for %while3A_84 = %while3A_70 to %while3A_66 step %while3A_72  : i32 {
      %mul3A_85 = arith.constant 2 : i32
      %mul3A_86 = arith.muli %while3A_84, %mul3A_85 : i32
      %add3A_87 = arith.constant 0 : i32
      %add3A_88 = arith.addi %mul3A_86, %add3A_87 : i32
      %lt3A = arith.cmpi slt, %add3A_88, %select_n3A : i32
      %convert_element_type3A = arith.extui %lt3A : i1 to i32
      %cond3A = arith.constant 0 : i32
      %cond3A_89 = arith.cmpi ne, %convert_element_type3A, %cond3A : i32
      scf.if %cond3A_89 {
        %mul3A_98 = arith.constant 32 : i32
        %mul3A_99 = arith.muli %add3A_88, %mul3A_98 : i32
        %add3A_100 = arith.addi %add3A, %mul3A_99 : i32
        %mul3A_101 = arith.constant 128 : i32
        %mul3A_102 = arith.muli %add3A_100, %mul3A_101 : i32
        %dma_wait3A_103 = tpu.memref_slice %arg4[%mul3A_102] : memref<160000xi32, #tpu.memory_space<hbm>> -> memref<128xi32, #tpu.memory_space<hbm>>
        %dma_wait3A_104 = tpu.memref_slice %arg4[%mul3A_102] : memref<160000xi32, #tpu.memory_space<hbm>> -> memref<128xi32, #tpu.memory_space<hbm>>
        tpu.wait_dma2 semaphore(%arg13 : memref<!tpu.dma_semaphore, #tpu.memory_space<semaphore_mem>>) src(%dma_wait3A_104 : memref<128xi32, #tpu.memory_space<hbm>>) dst(%arg7 : memref<128xi32, #tpu.memory_space<vmem>>)
        %dma_wait3A_105 = tpu.memref_slice %arg5[%mul3A_102] : memref<160000xi32, #tpu.memory_space<hbm>> -> memref<128xi32, #tpu.memory_space<hbm>>
        %dma_wait3A_106 = tpu.memref_slice %arg5[%mul3A_102] : memref<160000xi32, #tpu.memory_space<hbm>> -> memref<128xi32, #tpu.memory_space<hbm>>
        tpu.wait_dma2 semaphore(%arg13 : memref<!tpu.dma_semaphore, #tpu.memory_space<semaphore_mem>>) src(%dma_wait3A_106 : memref<128xi32, #tpu.memory_space<hbm>>) dst(%arg8 : memref<128xi32, #tpu.memory_space<vmem>>)
        %ge3A = arith.constant 2 : i32
        %ge3A_107 = arith.cmpi sge, %add3A_88, %ge3A : i32
        %convert_element_type3A_108 = arith.extui %ge3A_107 : i1 to i32
        %cond3A_109 = arith.constant 0 : i32
        %cond3A_110 = arith.cmpi ne, %convert_element_type3A_108, %cond3A_109 : i32
        scf.if %cond3A_110 {
          %dma_wait3A_133 = arith.constant 0 : i32
          %dma_wait3A_134 = tpu.memref_slice %arg6[%mul3A_102, %dma_wait3A_133] : memref<160000x128xf32, #tpu.memory_space<hbm>> -> memref<128x128xf32, #tpu.memory_space<hbm>>
          %dma_wait3A_135 = arith.constant 0 : i32
          %dma_wait3A_136 = tpu.memref_slice %arg6[%mul3A_102, %dma_wait3A_135] : memref<160000x128xf32, #tpu.memory_space<hbm>> -> memref<128x128xf32, #tpu.memory_space<hbm>>
          tpu.wait_dma2 semaphore(%arg15 : memref<!tpu.dma_semaphore, #tpu.memory_space<semaphore_mem>>) src(%arg9 : memref<128x128xf32, #tpu.memory_space<vmem>>) dst(%dma_wait3A_136 : memref<128x128xf32, #tpu.memory_space<hbm>>)
        } else {
        }
        %dma_start3A_111 = arith.constant 0 : i32
        %dma_start3A_112 = arith.constant 0 : i32
        %dma_start3A_113 = tpu.memref_slice %arg2[%dma_start3A_111, %dma_start3A_112] : memref<10000x128xf32, #tpu.memory_space<hbm>> -> memref<10000x128xf32, #tpu.memory_space<hbm>>
        tpu.enqueue_indirect_dma source(%dma_start3A_113 : memref<10000x128xf32, #tpu.memory_space<hbm>>) target(%arg9 : memref<128x128xf32, #tpu.memory_space<vmem>>) offsets(%arg7 : memref<128xi32, #tpu.memory_space<vmem>>) semaphore(%arg14 : memref<!tpu.dma_semaphore, #tpu.memory_space<semaphore_mem>>)
        %dma_wait3A_114 = arith.constant 0 : i32
        %dma_wait3A_115 = arith.constant 0 : i32
        %dma_wait3A_116 = tpu.memref_slice %arg2[%dma_wait3A_114, %dma_wait3A_115] : memref<10000x128xf32, #tpu.memory_space<hbm>> -> memref<10000x128xf32, #tpu.memory_space<hbm>>
        tpu.wait_indirect_dma semaphore(%arg14 : memref<!tpu.dma_semaphore, #tpu.memory_space<semaphore_mem>>) src(%dma_wait3A_116 : memref<10000x128xf32, #tpu.memory_space<hbm>>) dst(%arg9 : memref<128x128xf32, #tpu.memory_space<vmem>>)
        %dma_start3A_117 = arith.constant 0 : i32
        %dma_start3A_118 = arith.constant 0 : i32
        %dma_start3A_119 = tpu.memref_slice %arg3[%dma_start3A_117, %dma_start3A_118] : memref<10000x128xf32, #tpu.memory_space<hbm>> -> memref<10000x128xf32, #tpu.memory_space<hbm>>
        tpu.enqueue_indirect_dma source(%dma_start3A_119 : memref<10000x128xf32, #tpu.memory_space<hbm>>) target(%arg9 : memref<128x128xf32, #tpu.memory_space<vmem>>) offsets(%arg8 : memref<128xi32, #tpu.memory_space<vmem>>) semaphore(%arg14 : memref<!tpu.dma_semaphore, #tpu.memory_space<semaphore_mem>>) {add = true}
        %dma_wait3A_120 = arith.constant 0 : i32
        %dma_wait3A_121 = arith.constant 0 : i32
        %dma_wait3A_122 = tpu.memref_slice %arg3[%dma_wait3A_120, %dma_wait3A_121] : memref<10000x128xf32, #tpu.memory_space<hbm>> -> memref<10000x128xf32, #tpu.memory_space<hbm>>
        tpu.wait_indirect_dma semaphore(%arg14 : memref<!tpu.dma_semaphore, #tpu.memory_space<semaphore_mem>>) src(%dma_wait3A_122 : memref<10000x128xf32, #tpu.memory_space<hbm>>) dst(%arg9 : memref<128x128xf32, #tpu.memory_space<vmem>>)
        %dma_start3A_123 = arith.constant 0 : i32
        %dma_start3A_124 = tpu.memref_slice %arg6[%mul3A_102, %dma_start3A_123] : memref<160000x128xf32, #tpu.memory_space<hbm>> -> memref<128x128xf32, #tpu.memory_space<hbm>>
        %dma_start3A_125 = arith.constant 0 : i32
        %dma_start3A_126 = tpu.memref_slice %arg6[%mul3A_102, %dma_start3A_125] : memref<160000x128xf32, #tpu.memory_space<hbm>> -> memref<128x128xf32, #tpu.memory_space<hbm>>
        tpu.enqueue_dma source(%arg9 : memref<128x128xf32, #tpu.memory_space<vmem>>) target(%dma_start3A_126 : memref<128x128xf32, #tpu.memory_space<hbm>>) target_semaphore(%arg15 : memref<!tpu.dma_semaphore, #tpu.memory_space<semaphore_mem>>)
        %add3A_127 = arith.constant 2 : i32
        %add3A_128 = arith.addi %add3A_88, %add3A_127 : i32
        %lt3A_129 = arith.cmpi slt, %add3A_128, %select_n3A : i32
        %convert_element_type3A_130 = arith.extui %lt3A_129 : i1 to i32
        %cond3A_131 = arith.constant 0 : i32
        %cond3A_132 = arith.cmpi ne, %convert_element_type3A_130, %cond3A_131 : i32
        scf.if %cond3A_132 {
          %add3A_133 = arith.constant 2 : i32
          %add3A_134 = arith.addi %add3A_88, %add3A_133 : i32
          %mul3A_135 = arith.constant 32 : i32
          %mul3A_136 = arith.muli %add3A_134, %mul3A_135 : i32
          %add3A_137 = arith.addi %add3A, %mul3A_136 : i32
          %mul3A_138 = arith.constant 128 : i32
          %mul3A_139 = arith.muli %add3A_137, %mul3A_138 : i32
          %dma_start3A_140 = tpu.memref_slice %arg4[%mul3A_139] : memref<160000xi32, #tpu.memory_space<hbm>> -> memref<128xi32, #tpu.memory_space<hbm>>
          %dma_start3A_141 = tpu.memref_slice %arg4[%mul3A_139] : memref<160000xi32, #tpu.memory_space<hbm>> -> memref<128xi32, #tpu.memory_space<hbm>>
          tpu.enqueue_dma source(%dma_start3A_141 : memref<128xi32, #tpu.memory_space<hbm>>) target(%arg7 : memref<128xi32, #tpu.memory_space<vmem>>) target_semaphore(%arg13 : memref<!tpu.dma_semaphore, #tpu.memory_space<semaphore_mem>>)
          %dma_start3A_142 = tpu.memref_slice %arg5[%mul3A_139] : memref<160000xi32, #tpu.memory_space<hbm>> -> memref<128xi32, #tpu.memory_space<hbm>>
          %dma_start3A_143 = tpu.memref_slice %arg5[%mul3A_139] : memref<160000xi32, #tpu.memory_space<hbm>> -> memref<128xi32, #tpu.memory_space<hbm>>
          tpu.enqueue_dma source(%dma_start3A_143 : memref<128xi32, #tpu.memory_space<hbm>>) target(%arg8 : memref<128xi32, #tpu.memory_space<vmem>>) target_semaphore(%arg13 : memref<!tpu.dma_semaphore, #tpu.memory_space<semaphore_mem>>)
        } else {
        }
      } else {
      }
      %mul3A_90 = arith.constant 2 : i32
      %mul3A_91 = arith.muli %while3A_84, %mul3A_90 : i32
      %add3A_92 = arith.constant 1 : i32
      %add3A_93 = arith.addi %mul3A_91, %add3A_92 : i32
      %lt3A_94 = arith.cmpi slt, %add3A_93, %select_n3A : i32
      %convert_element_type3A_95 = arith.extui %lt3A_94 : i1 to i32
      %cond3A_96 = arith.constant 0 : i32
      %cond3A_97 = arith.cmpi ne, %convert_element_type3A_95, %cond3A_96 : i32
      scf.if %cond3A_97 {
        %mul3A_98 = arith.constant 32 : i32
        %mul3A_99 = arith.muli %add3A_93, %mul3A_98 : i32
        %add3A_100 = arith.addi %add3A, %mul3A_99 : i32
        %mul3A_101 = arith.constant 128 : i32
        %mul3A_102 = arith.muli %add3A_100, %mul3A_101 : i32
        %dma_wait3A_103 = tpu.memref_slice %arg4[%mul3A_102] : memref<160000xi32, #tpu.memory_space<hbm>> -> memref<128xi32, #tpu.memory_space<hbm>>
        %dma_wait3A_104 = tpu.memref_slice %arg4[%mul3A_102] : memref<160000xi32, #tpu.memory_space<hbm>> -> memref<128xi32, #tpu.memory_space<hbm>>
        tpu.wait_dma2 semaphore(%arg16 : memref<!tpu.dma_semaphore, #tpu.memory_space<semaphore_mem>>) src(%dma_wait3A_104 : memref<128xi32, #tpu.memory_space<hbm>>) dst(%arg10 : memref<128xi32, #tpu.memory_space<vmem>>)
        %dma_wait3A_105 = tpu.memref_slice %arg5[%mul3A_102] : memref<160000xi32, #tpu.memory_space<hbm>> -> memref<128xi32, #tpu.memory_space<hbm>>
        %dma_wait3A_106 = tpu.memref_slice %arg5[%mul3A_102] : memref<160000xi32, #tpu.memory_space<hbm>> -> memref<128xi32, #tpu.memory_space<hbm>>
        tpu.wait_dma2 semaphore(%arg16 : memref<!tpu.dma_semaphore, #tpu.memory_space<semaphore_mem>>) src(%dma_wait3A_106 : memref<128xi32, #tpu.memory_space<hbm>>) dst(%arg11 : memref<128xi32, #tpu.memory_space<vmem>>)
        %ge3A = arith.constant 2 : i32
        %ge3A_107 = arith.cmpi sge, %add3A_93, %ge3A : i32
        %convert_element_type3A_108 = arith.extui %ge3A_107 : i1 to i32
        %cond3A_109 = arith.constant 0 : i32
        %cond3A_110 = arith.cmpi ne, %convert_element_type3A_108, %cond3A_109 : i32
        scf.if %cond3A_110 {
          %dma_wait3A_133 = arith.constant 0 : i32
          %dma_wait3A_134 = tpu.memref_slice %arg6[%mul3A_102, %dma_wait3A_133] : memref<160000x128xf32, #tpu.memory_space<hbm>> -> memref<128x128xf32, #tpu.memory_space<hbm>>
          %dma_wait3A_135 = arith.constant 0 : i32
          %dma_wait3A_136 = tpu.memref_slice %arg6[%mul3A_102, %dma_wait3A_135] : memref<160000x128xf32, #tpu.memory_space<hbm>> -> memref<128x128xf32, #tpu.memory_space<hbm>>
          tpu.wait_dma2 semaphore(%arg18 : memref<!tpu.dma_semaphore, #tpu.memory_space<semaphore_mem>>) src(%arg12 : memref<128x128xf32, #tpu.memory_space<vmem>>) dst(%dma_wait3A_136 : memref<128x128xf32, #tpu.memory_space<hbm>>)
        } else {
        }
        %dma_start3A_111 = arith.constant 0 : i32
        %dma_start3A_112 = arith.constant 0 : i32
        %dma_start3A_113 = tpu.memref_slice %arg2[%dma_start3A_111, %dma_start3A_112] : memref<10000x128xf32, #tpu.memory_space<hbm>> -> memref<10000x128xf32, #tpu.memory_space<hbm>>
        tpu.enqueue_indirect_dma source(%dma_start3A_113 : memref<10000x128xf32, #tpu.memory_space<hbm>>) target(%arg12 : memref<128x128xf32, #tpu.memory_space<vmem>>) offsets(%arg10 : memref<128xi32, #tpu.memory_space<vmem>>) semaphore(%arg17 : memref<!tpu.dma_semaphore, #tpu.memory_space<semaphore_mem>>)
        %dma_wait3A_114 = arith.constant 0 : i32
        %dma_wait3A_115 = arith.constant 0 : i32
        %dma_wait3A_116 = tpu.memref_slice %arg2[%dma_wait3A_114, %dma_wait3A_115] : memref<10000x128xf32, #tpu.memory_space<hbm>> -> memref<10000x128xf32, #tpu.memory_space<hbm>>
        tpu.wait_indirect_dma semaphore(%arg17 : memref<!tpu.dma_semaphore, #tpu.memory_space<semaphore_mem>>) src(%dma_wait3A_116 : memref<10000x128xf32, #tpu.memory_space<hbm>>) dst(%arg12 : memref<128x128xf32, #tpu.memory_space<vmem>>)
        %dma_start3A_117 = arith.constant 0 : i32
        %dma_start3A_118 = arith.constant 0 : i32
        %dma_start3A_119 = tpu.memref_slice %arg3[%dma_start3A_117, %dma_start3A_118] : memref<10000x128xf32, #tpu.memory_space<hbm>> -> memref<10000x128xf32, #tpu.memory_space<hbm>>
        tpu.enqueue_indirect_dma source(%dma_start3A_119 : memref<10000x128xf32, #tpu.memory_space<hbm>>) target(%arg12 : memref<128x128xf32, #tpu.memory_space<vmem>>) offsets(%arg11 : memref<128xi32, #tpu.memory_space<vmem>>) semaphore(%arg17 : memref<!tpu.dma_semaphore, #tpu.memory_space<semaphore_mem>>) {add = true}
        %dma_wait3A_120 = arith.constant 0 : i32
        %dma_wait3A_121 = arith.constant 0 : i32
        %dma_wait3A_122 = tpu.memref_slice %arg3[%dma_wait3A_120, %dma_wait3A_121] : memref<10000x128xf32, #tpu.memory_space<hbm>> -> memref<10000x128xf32, #tpu.memory_space<hbm>>
        tpu.wait_indirect_dma semaphore(%arg17 : memref<!tpu.dma_semaphore, #tpu.memory_space<semaphore_mem>>) src(%dma_wait3A_122 : memref<10000x128xf32, #tpu.memory_space<hbm>>) dst(%arg12 : memref<128x128xf32, #tpu.memory_space<vmem>>)
        %dma_start3A_123 = arith.constant 0 : i32
        %dma_start3A_124 = tpu.memref_slice %arg6[%mul3A_102, %dma_start3A_123] : memref<160000x128xf32, #tpu.memory_space<hbm>> -> memref<128x128xf32, #tpu.memory_space<hbm>>
        %dma_start3A_125 = arith.constant 0 : i32
        %dma_start3A_126 = tpu.memref_slice %arg6[%mul3A_102, %dma_start3A_125] : memref<160000x128xf32, #tpu.memory_space<hbm>> -> memref<128x128xf32, #tpu.memory_space<hbm>>
        tpu.enqueue_dma source(%arg12 : memref<128x128xf32, #tpu.memory_space<vmem>>) target(%dma_start3A_126 : memref<128x128xf32, #tpu.memory_space<hbm>>) target_semaphore(%arg18 : memref<!tpu.dma_semaphore, #tpu.memory_space<semaphore_mem>>)
        %add3A_127 = arith.constant 2 : i32
        %add3A_128 = arith.addi %add3A_93, %add3A_127 : i32
        %lt3A_129 = arith.cmpi slt, %add3A_128, %select_n3A : i32
        %convert_element_type3A_130 = arith.extui %lt3A_129 : i1 to i32
        %cond3A_131 = arith.constant 0 : i32
        %cond3A_132 = arith.cmpi ne, %convert_element_type3A_130, %cond3A_131 : i32
        scf.if %cond3A_132 {
          %add3A_133 = arith.constant 2 : i32
          %add3A_134 = arith.addi %add3A_93, %add3A_133 : i32
          %mul3A_135 = arith.constant 32 : i32
          %mul3A_136 = arith.muli %add3A_134, %mul3A_135 : i32
          %add3A_137 = arith.addi %add3A, %mul3A_136 : i32
          %mul3A_138 = arith.constant 128 : i32
          %mul3A_139 = arith.muli %add3A_137, %mul3A_138 : i32
          %dma_start3A_140 = tpu.memref_slice %arg4[%mul3A_139] : memref<160000xi32, #tpu.memory_space<hbm>> -> memref<128xi32, #tpu.memory_space<hbm>>
          %dma_start3A_141 = tpu.memref_slice %arg4[%mul3A_139] : memref<160000xi32, #tpu.memory_space<hbm>> -> memref<128xi32, #tpu.memory_space<hbm>>
          tpu.enqueue_dma source(%dma_start3A_141 : memref<128xi32, #tpu.memory_space<hbm>>) target(%arg10 : memref<128xi32, #tpu.memory_space<vmem>>) target_semaphore(%arg16 : memref<!tpu.dma_semaphore, #tpu.memory_space<semaphore_mem>>)
          %dma_start3A_142 = tpu.memref_slice %arg5[%mul3A_139] : memref<160000xi32, #tpu.memory_space<hbm>> -> memref<128xi32, #tpu.memory_space<hbm>>
          %dma_start3A_143 = tpu.memref_slice %arg5[%mul3A_139] : memref<160000xi32, #tpu.memory_space<hbm>> -> memref<128xi32, #tpu.memory_space<hbm>>
          tpu.enqueue_dma source(%dma_start3A_143 : memref<128xi32, #tpu.memory_space<hbm>>) target(%arg11 : memref<128xi32, #tpu.memory_space<vmem>>) target_semaphore(%arg16 : memref<!tpu.dma_semaphore, #tpu.memory_space<semaphore_mem>>)
        } else {
        }
      } else {
      }
    }
    %dma_wait3A = arith.constant 0 : i32
    %dma_wait3A_73 = arith.constant 0 : i32
    %dma_wait3A_74 = tpu.memref_slice %arg6[%dma_wait3A, %dma_wait3A_73] : memref<160000x128xf32, #tpu.memory_space<hbm>> -> memref<128x128xf32, #tpu.memory_space<hbm>>
    %dma_wait3A_75 = arith.constant 0 : i32
    %dma_wait3A_76 = arith.constant 0 : i32
    %dma_wait3A_77 = tpu.memref_slice %arg6[%dma_wait3A_75, %dma_wait3A_76] : memref<160000x128xf32, #tpu.memory_space<hbm>> -> memref<128x128xf32, #tpu.memory_space<hbm>>
    tpu.wait_dma2 semaphore(%arg15 : memref<!tpu.dma_semaphore, #tpu.memory_space<semaphore_mem>>) src(%arg9 : memref<128x128xf32, #tpu.memory_space<vmem>>) dst(%dma_wait3A_77 : memref<128x128xf32, #tpu.memory_space<hbm>>)
    %dma_wait3A_78 = arith.constant 0 : i32
    %dma_wait3A_79 = arith.constant 0 : i32
    %dma_wait3A_80 = tpu.memref_slice %arg6[%dma_wait3A_78, %dma_wait3A_79] : memref<160000x128xf32, #tpu.memory_space<hbm>> -> memref<128x128xf32, #tpu.memory_space<hbm>>
    %dma_wait3A_81 = arith.constant 0 : i32
    %dma_wait3A_82 = arith.constant 0 : i32
    %dma_wait3A_83 = tpu.memref_slice %arg6[%dma_wait3A_81, %dma_wait3A_82] : memref<160000x128xf32, #tpu.memory_space<hbm>> -> memref<128x128xf32, #tpu.memory_space<hbm>>
    tpu.wait_dma2 semaphore(%arg18 : memref<!tpu.dma_semaphore, #tpu.memory_space<semaphore_mem>>) src(%arg12 : memref<128x128xf32, #tpu.memory_space<vmem>>) dst(%dma_wait3A_83 : memref<128x128xf32, #tpu.memory_space<hbm>>)
    return
  }
}

#map = affine_map<(d0, d1) -> (0, 0)>
#map1 = affine_map<(d0, d1) -> (0)>
module attributes {stable_mosaic.version = 14 : i64} {
  func.func @_gather_body(%arg0: i32, %arg1: i32, %arg2: memref<10000x128xf32, #tpu.memory_space<hbm>>, %arg3: memref<10000x128xf32, #tpu.memory_space<hbm>>, %arg4: memref<160000xi32, #tpu.memory_space<hbm>>, %arg5: memref<160000xi32, #tpu.memory_space<hbm>>, %arg6: memref<160000x128xf32, #tpu.memory_space<hbm>>, %arg7: memref<128xi32, #tpu.memory_space<vmem>>, %arg8: memref<128xi32, #tpu.memory_space<vmem>>, %arg9: memref<128x128xf32, #tpu.memory_space<vmem>>, %arg10: memref<128xi32, #tpu.memory_space<vmem>>, %arg11: memref<128xi32, #tpu.memory_space<vmem>>, %arg12: memref<128x128xf32, #tpu.memory_space<vmem>>, %arg13: memref<!tpu.dma_semaphore, #tpu.memory_space<semaphore_mem>>, %arg14: memref<!tpu.dma_semaphore, #tpu.memory_space<semaphore_mem>>, %arg15: memref<!tpu.dma_semaphore, #tpu.memory_space<semaphore_mem>>, %arg16: memref<!tpu.dma_semaphore, #tpu.memory_space<semaphore_mem>>, %arg17: memref<!tpu.dma_semaphore, #tpu.memory_space<semaphore_mem>>, %arg18: memref<!tpu.dma_semaphore, #tpu.memory_space<semaphore_mem>>) attributes {dimension_semantics = [#tpu.dimension_semantics<core_parallel>, #tpu.dimension_semantics<subcore_parallel>], iteration_bounds = array<i64: 2, 16>, scalar_prefetch = 0 : i64, scratch_operands = 12 : i64, tpu.core_type = #tpu.core_type<sc_vector_subcore>, window_params = [{transform_indices = #map}, {transform_indices = #map}, {transform_indices = #map1}, {transform_indices = #map1}, {transform_indices = #map}]} {
    %mul3A = arith.constant 2 : i32
    %mul3A_0 = arith.muli %arg1, %mul3A : i32
    %add3A = arith.addi %mul3A_0, %arg0 : i32
    %sub3A = arith.constant 1250 : i32
    %sub3A_1 = arith.subi %sub3A, %add3A : i32
    %add3A_2 = arith.constant 32 : i32
    %add3A_3 = arith.addi %sub3A_1, %add3A_2 : i32
    %sub3A_4 = arith.constant 1 : i32
    %sub3A_5 = arith.subi %add3A_3, %sub3A_4 : i32
    %jit3A = arith.constant 32 : i32
    %div3A = arith.divsi %sub3A_5, %jit3A : i32
    %sign3A = arith.constant 0 : i32
    %sign3A_6 = arith.cmpi sgt, %sub3A_5, %sign3A : i32
    %sign3A_7 = arith.extui %sign3A_6 : i1 to i32
    %sign3A_8 = arith.constant 0 : i32
    %sign3A_9 = arith.cmpi slt, %sub3A_5, %sign3A_8 : i32
    %sign3A_10 = arith.extui %sign3A_9 : i1 to i32
    %sign3A_11 = arith.subi %sign3A_7, %sign3A_10 : i32
    %sign3A_12 = arith.constant 0 : i32
    %sign3A_13 = arith.cmpi sgt, %jit3A, %sign3A_12 : i32
    %sign3A_14 = arith.extui %sign3A_13 : i1 to i32
    %sign3A_15 = arith.constant 0 : i32
    %sign3A_16 = arith.cmpi slt, %jit3A, %sign3A_15 : i32
    %sign3A_17 = arith.extui %sign3A_16 : i1 to i32
    %sign3A_18 = arith.subi %sign3A_14, %sign3A_17 : i32
    %ne3A = arith.cmpi ne, %sign3A_11, %sign3A_18 : i32
    %rem3A = arith.remsi %sub3A_5, %jit3A : i32
    %ne3A_19 = arith.constant 0 : i32
    %ne3A_20 = arith.cmpi ne, %rem3A, %ne3A_19 : i32
    %and3A = arith.andi %ne3A, %ne3A_20 : i1
    %sub3A_21 = arith.constant 1 : i32
    %sub3A_22 = arith.subi %div3A, %sub3A_21 : i32
    %select_n3A = arith.select %and3A, %sub3A_22, %div3A : i32
    %add3A_23 = arith.constant 0 : i32
    %add3A_24 = arith.addi %add3A, %add3A_23 : i32
    %mul3A_25 = arith.constant 128 : i32
    %mul3A_26 = arith.muli %add3A_24, %mul3A_25 : i32
    %dma_start3A = tpu.memref_slice %arg4[%mul3A_26] : memref<160000xi32, #tpu.memory_space<hbm>> -> memref<128xi32, #tpu.memory_space<hbm>>
    %dma_start3A_27 = tpu.memref_slice %arg4[%mul3A_26] : memref<160000xi32, #tpu.memory_space<hbm>> -> memref<128xi32, #tpu.memory_space<hbm>>
    tpu.enqueue_dma source(%dma_start3A_27 : memref<128xi32, #tpu.memory_space<hbm>>) target(%arg7 : memref<128xi32, #tpu.memory_space<vmem>>) target_semaphore(%arg13 : memref<!tpu.dma_semaphore, #tpu.memory_space<semaphore_mem>>)
    %dma_start3A_28 = tpu.memref_slice %arg5[%mul3A_26] : memref<160000xi32, #tpu.memory_space<hbm>> -> memref<128xi32, #tpu.memory_space<hbm>>
    %dma_start3A_29 = tpu.memref_slice %arg5[%mul3A_26] : memref<160000xi32, #tpu.memory_space<hbm>> -> memref<128xi32, #tpu.memory_space<hbm>>
    tpu.enqueue_dma source(%dma_start3A_29 : memref<128xi32, #tpu.memory_space<hbm>>) target(%arg8 : memref<128xi32, #tpu.memory_space<vmem>>) target_semaphore(%arg13 : memref<!tpu.dma_semaphore, #tpu.memory_space<semaphore_mem>>)
    %add3A_30 = arith.constant 32 : i32
    %add3A_31 = arith.addi %add3A, %add3A_30 : i32
    %mul3A_32 = arith.constant 128 : i32
    %mul3A_33 = arith.muli %add3A_31, %mul3A_32 : i32
    %dma_start3A_34 = tpu.memref_slice %arg4[%mul3A_33] : memref<160000xi32, #tpu.memory_space<hbm>> -> memref<128xi32, #tpu.memory_space<hbm>>
    %dma_start3A_35 = tpu.memref_slice %arg4[%mul3A_33] : memref<160000xi32, #tpu.memory_space<hbm>> -> memref<128xi32, #tpu.memory_space<hbm>>
    tpu.enqueue_dma source(%dma_start3A_35 : memref<128xi32, #tpu.memory_space<hbm>>) target(%arg10 : memref<128xi32, #tpu.memory_space<vmem>>) target_semaphore(%arg16 : memref<!tpu.dma_semaphore, #tpu.memory_space<semaphore_mem>>)
    %dma_start3A_36 = tpu.memref_slice %arg5[%mul3A_33] : memref<160000xi32, #tpu.memory_space<hbm>> -> memref<128xi32, #tpu.memory_space<hbm>>
    %dma_start3A_37 = tpu.memref_slice %arg5[%mul3A_33] : memref<160000xi32, #tpu.memory_space<hbm>> -> memref<128xi32, #tpu.memory_space<hbm>>
    tpu.enqueue_dma source(%dma_start3A_37 : memref<128xi32, #tpu.memory_space<hbm>>) target(%arg11 : memref<128xi32, #tpu.memory_space<vmem>>) target_semaphore(%arg16 : memref<!tpu.dma_semaphore, #tpu.memory_space<semaphore_mem>>)
    %add3A_38 = arith.constant 1 : i32
    %add3A_39 = arith.addi %select_n3A, %add3A_38 : i32
    %jit3A_40 = arith.constant 2 : i32
    %div3A_41 = arith.divsi %add3A_39, %jit3A_40 : i32
    %sign3A_42 = arith.constant 0 : i32
    %sign3A_43 = arith.cmpi sgt, %add3A_39, %sign3A_42 : i32
    %sign3A_44 = arith.extui %sign3A_43 : i1 to i32
    %sign3A_45 = arith.constant 0 : i32
    %sign3A_46 = arith.cmpi slt, %add3A_39, %sign3A_45 : i32
    %sign3A_47 = arith.extui %sign3A_46 : i1 to i32
    %sign3A_48 = arith.subi %sign3A_44, %sign3A_47 : i32
    %sign3A_49 = arith.constant 0 : i32
    %sign3A_50 = arith.cmpi sgt, %jit3A_40, %sign3A_49 : i32
    %sign3A_51 = arith.extui %sign3A_50 : i1 to i32
    %sign3A_52 = arith.constant 0 : i32
    %sign3A_53 = arith.cmpi slt, %jit3A_40, %sign3A_52 : i32
    %sign3A_54 = arith.extui %sign3A_53 : i1 to i32
    %sign3A_55 = arith.subi %sign3A_51, %sign3A_54 : i32
    %ne3A_56 = arith.cmpi ne, %sign3A_48, %sign3A_55 : i32
    %rem3A_57 = arith.remsi %add3A_39, %jit3A_40 : i32
    %ne3A_58 = arith.constant 0 : i32
    %ne3A_59 = arith.cmpi ne, %rem3A_57, %ne3A_58 : i32
    %and3A_60 = arith.andi %ne3A_56, %ne3A_59 : i1
    %sub3A_61 = arith.constant 1 : i32
    %sub3A_62 = arith.subi %div3A_41, %sub3A_61 : i32
    %select_n3A_63 = arith.select %and3A_60, %sub3A_62, %div3A_41 : i32
    %while3A = arith.constant 0 : i32
    %while3A_64 = arith.constant 0 : i32
    %while3A_65 = arith.subi %select_n3A_63, %while3A_64 : i32
    %while3A_66 = arith.addi %while3A_64, %while3A_65 : i32
    %while3A_67 = arith.constant 1 : i32
    %while3A_68 = arith.divsi %while3A_65, %while3A_67 : i32
    %while3A_69 = arith.muli %while3A_68, %while3A_67 : i32
    %while3A_70 = arith.addi %while3A_64, %while3A_69 : i32
    %while3A_71 = arith.constant 1 : i32
    scf.for %while3A_84 = %while3A_64 to %while3A_70 step %while3A_71  : i32 {
      %mul3A_85 = arith.constant 2 : i32
      %mul3A_86 = arith.muli %while3A_84, %mul3A_85 : i32
      %add3A_87 = arith.constant 0 : i32
      %add3A_88 = arith.addi %mul3A_86, %add3A_87 : i32
      %lt3A = arith.cmpi slt, %add3A_88, %select_n3A : i32
      %convert_element_type3A = arith.extui %lt3A : i1 to i32
      %cond3A = arith.constant 0 : i32
      %cond3A_89 = arith.cmpi ne, %convert_element_type3A, %cond3A : i32
      scf.if %cond3A_89 {
        %mul3A_98 = arith.constant 32 : i32
        %mul3A_99 = arith.muli %add3A_88, %mul3A_98 : i32
        %add3A_100 = arith.addi %add3A, %mul3A_99 : i32
        %mul3A_101 = arith.constant 128 : i32
        %mul3A_102 = arith.muli %add3A_100, %mul3A_101 : i32
        %dma_wait3A_103 = tpu.memref_slice %arg4[%mul3A_102] : memref<160000xi32, #tpu.memory_space<hbm>> -> memref<128xi32, #tpu.memory_space<hbm>>
        %dma_wait3A_104 = tpu.memref_slice %arg4[%mul3A_102] : memref<160000xi32, #tpu.memory_space<hbm>> -> memref<128xi32, #tpu.memory_space<hbm>>
        tpu.wait_dma2 semaphore(%arg13 : memref<!tpu.dma_semaphore, #tpu.memory_space<semaphore_mem>>) src(%dma_wait3A_104 : memref<128xi32, #tpu.memory_space<hbm>>) dst(%arg7 : memref<128xi32, #tpu.memory_space<vmem>>)
        %dma_wait3A_105 = tpu.memref_slice %arg5[%mul3A_102] : memref<160000xi32, #tpu.memory_space<hbm>> -> memref<128xi32, #tpu.memory_space<hbm>>
        %dma_wait3A_106 = tpu.memref_slice %arg5[%mul3A_102] : memref<160000xi32, #tpu.memory_space<hbm>> -> memref<128xi32, #tpu.memory_space<hbm>>
        tpu.wait_dma2 semaphore(%arg13 : memref<!tpu.dma_semaphore, #tpu.memory_space<semaphore_mem>>) src(%dma_wait3A_106 : memref<128xi32, #tpu.memory_space<hbm>>) dst(%arg8 : memref<128xi32, #tpu.memory_space<vmem>>)
        %ge3A = arith.constant 2 : i32
        %ge3A_107 = arith.cmpi sge, %add3A_88, %ge3A : i32
        %convert_element_type3A_108 = arith.extui %ge3A_107 : i1 to i32
        %cond3A_109 = arith.constant 0 : i32
        %cond3A_110 = arith.cmpi ne, %convert_element_type3A_108, %cond3A_109 : i32
        scf.if %cond3A_110 {
          %dma_wait3A_133 = arith.constant 0 : i32
          %dma_wait3A_134 = tpu.memref_slice %arg6[%mul3A_102, %dma_wait3A_133] : memref<160000x128xf32, #tpu.memory_space<hbm>> -> memref<128x128xf32, #tpu.memory_space<hbm>>
          %dma_wait3A_135 = arith.constant 0 : i32
          %dma_wait3A_136 = tpu.memref_slice %arg6[%mul3A_102, %dma_wait3A_135] : memref<160000x128xf32, #tpu.memory_space<hbm>> -> memref<128x128xf32, #tpu.memory_space<hbm>>
          tpu.wait_dma2 semaphore(%arg15 : memref<!tpu.dma_semaphore, #tpu.memory_space<semaphore_mem>>) src(%arg9 : memref<128x128xf32, #tpu.memory_space<vmem>>) dst(%dma_wait3A_136 : memref<128x128xf32, #tpu.memory_space<hbm>>)
        } else {
        }
        %dma_start3A_111 = arith.constant 0 : i32
        %dma_start3A_112 = arith.constant 0 : i32
        %dma_start3A_113 = tpu.memref_slice %arg2[%dma_start3A_111, %dma_start3A_112] : memref<10000x128xf32, #tpu.memory_space<hbm>> -> memref<10000x128xf32, #tpu.memory_space<hbm>>
        tpu.enqueue_indirect_dma source(%dma_start3A_113 : memref<10000x128xf32, #tpu.memory_space<hbm>>) target(%arg9 : memref<128x128xf32, #tpu.memory_space<vmem>>) offsets(%arg7 : memref<128xi32, #tpu.memory_space<vmem>>) semaphore(%arg14 : memref<!tpu.dma_semaphore, #tpu.memory_space<semaphore_mem>>)
        %dma_wait3A_114 = arith.constant 0 : i32
        %dma_wait3A_115 = arith.constant 0 : i32
        %dma_wait3A_116 = tpu.memref_slice %arg2[%dma_wait3A_114, %dma_wait3A_115] : memref<10000x128xf32, #tpu.memory_space<hbm>> -> memref<10000x128xf32, #tpu.memory_space<hbm>>
        tpu.wait_indirect_dma semaphore(%arg14 : memref<!tpu.dma_semaphore, #tpu.memory_space<semaphore_mem>>) src(%dma_wait3A_116 : memref<10000x128xf32, #tpu.memory_space<hbm>>) dst(%arg9 : memref<128x128xf32, #tpu.memory_space<vmem>>)
        %dma_start3A_117 = arith.constant 0 : i32
        %dma_start3A_118 = arith.constant 0 : i32
        %dma_start3A_119 = tpu.memref_slice %arg3[%dma_start3A_117, %dma_start3A_118] : memref<10000x128xf32, #tpu.memory_space<hbm>> -> memref<10000x128xf32, #tpu.memory_space<hbm>>
        tpu.enqueue_indirect_dma source(%dma_start3A_119 : memref<10000x128xf32, #tpu.memory_space<hbm>>) target(%arg9 : memref<128x128xf32, #tpu.memory_space<vmem>>) offsets(%arg8 : memref<128xi32, #tpu.memory_space<vmem>>) semaphore(%arg14 : memref<!tpu.dma_semaphore, #tpu.memory_space<semaphore_mem>>) {add = true}
        %dma_wait3A_120 = arith.constant 0 : i32
        %dma_wait3A_121 = arith.constant 0 : i32
        %dma_wait3A_122 = tpu.memref_slice %arg3[%dma_wait3A_120, %dma_wait3A_121] : memref<10000x128xf32, #tpu.memory_space<hbm>> -> memref<10000x128xf32, #tpu.memory_space<hbm>>
        tpu.wait_indirect_dma semaphore(%arg14 : memref<!tpu.dma_semaphore, #tpu.memory_space<semaphore_mem>>) src(%dma_wait3A_122 : memref<10000x128xf32, #tpu.memory_space<hbm>>) dst(%arg9 : memref<128x128xf32, #tpu.memory_space<vmem>>)
        %dma_start3A_123 = arith.constant 0 : i32
        %dma_start3A_124 = tpu.memref_slice %arg6[%mul3A_102, %dma_start3A_123] : memref<160000x128xf32, #tpu.memory_space<hbm>> -> memref<128x128xf32, #tpu.memory_space<hbm>>
        %dma_start3A_125 = arith.constant 0 : i32
        %dma_start3A_126 = tpu.memref_slice %arg6[%mul3A_102, %dma_start3A_125] : memref<160000x128xf32, #tpu.memory_space<hbm>> -> memref<128x128xf32, #tpu.memory_space<hbm>>
        tpu.enqueue_dma source(%arg9 : memref<128x128xf32, #tpu.memory_space<vmem>>) target(%dma_start3A_126 : memref<128x128xf32, #tpu.memory_space<hbm>>) target_semaphore(%arg15 : memref<!tpu.dma_semaphore, #tpu.memory_space<semaphore_mem>>)
        %add3A_127 = arith.constant 2 : i32
        %add3A_128 = arith.addi %add3A_88, %add3A_127 : i32
        %lt3A_129 = arith.cmpi slt, %add3A_128, %select_n3A : i32
        %convert_element_type3A_130 = arith.extui %lt3A_129 : i1 to i32
        %cond3A_131 = arith.constant 0 : i32
        %cond3A_132 = arith.cmpi ne, %convert_element_type3A_130, %cond3A_131 : i32
        scf.if %cond3A_132 {
          %add3A_133 = arith.constant 2 : i32
          %add3A_134 = arith.addi %add3A_88, %add3A_133 : i32
          %mul3A_135 = arith.constant 32 : i32
          %mul3A_136 = arith.muli %add3A_134, %mul3A_135 : i32
          %add3A_137 = arith.addi %add3A, %mul3A_136 : i32
          %mul3A_138 = arith.constant 128 : i32
          %mul3A_139 = arith.muli %add3A_137, %mul3A_138 : i32
          %dma_start3A_140 = tpu.memref_slice %arg4[%mul3A_139] : memref<160000xi32, #tpu.memory_space<hbm>> -> memref<128xi32, #tpu.memory_space<hbm>>
          %dma_start3A_141 = tpu.memref_slice %arg4[%mul3A_139] : memref<160000xi32, #tpu.memory_space<hbm>> -> memref<128xi32, #tpu.memory_space<hbm>>
          tpu.enqueue_dma source(%dma_start3A_141 : memref<128xi32, #tpu.memory_space<hbm>>) target(%arg7 : memref<128xi32, #tpu.memory_space<vmem>>) target_semaphore(%arg13 : memref<!tpu.dma_semaphore, #tpu.memory_space<semaphore_mem>>)
          %dma_start3A_142 = tpu.memref_slice %arg5[%mul3A_139] : memref<160000xi32, #tpu.memory_space<hbm>> -> memref<128xi32, #tpu.memory_space<hbm>>
          %dma_start3A_143 = tpu.memref_slice %arg5[%mul3A_139] : memref<160000xi32, #tpu.memory_space<hbm>> -> memref<128xi32, #tpu.memory_space<hbm>>
          tpu.enqueue_dma source(%dma_start3A_143 : memref<128xi32, #tpu.memory_space<hbm>>) target(%arg8 : memref<128xi32, #tpu.memory_space<vmem>>) target_semaphore(%arg13 : memref<!tpu.dma_semaphore, #tpu.memory_space<semaphore_mem>>)
        } else {
        }
      } else {
      }
      %mul3A_90 = arith.constant 2 : i32
      %mul3A_91 = arith.muli %while3A_84, %mul3A_90 : i32
      %add3A_92 = arith.constant 1 : i32
      %add3A_93 = arith.addi %mul3A_91, %add3A_92 : i32
      %lt3A_94 = arith.cmpi slt, %add3A_93, %select_n3A : i32
      %convert_element_type3A_95 = arith.extui %lt3A_94 : i1 to i32
      %cond3A_96 = arith.constant 0 : i32
      %cond3A_97 = arith.cmpi ne, %convert_element_type3A_95, %cond3A_96 : i32
      scf.if %cond3A_97 {
        %mul3A_98 = arith.constant 32 : i32
        %mul3A_99 = arith.muli %add3A_93, %mul3A_98 : i32
        %add3A_100 = arith.addi %add3A, %mul3A_99 : i32
        %mul3A_101 = arith.constant 128 : i32
        %mul3A_102 = arith.muli %add3A_100, %mul3A_101 : i32
        %dma_wait3A_103 = tpu.memref_slice %arg4[%mul3A_102] : memref<160000xi32, #tpu.memory_space<hbm>> -> memref<128xi32, #tpu.memory_space<hbm>>
        %dma_wait3A_104 = tpu.memref_slice %arg4[%mul3A_102] : memref<160000xi32, #tpu.memory_space<hbm>> -> memref<128xi32, #tpu.memory_space<hbm>>
        tpu.wait_dma2 semaphore(%arg16 : memref<!tpu.dma_semaphore, #tpu.memory_space<semaphore_mem>>) src(%dma_wait3A_104 : memref<128xi32, #tpu.memory_space<hbm>>) dst(%arg10 : memref<128xi32, #tpu.memory_space<vmem>>)
        %dma_wait3A_105 = tpu.memref_slice %arg5[%mul3A_102] : memref<160000xi32, #tpu.memory_space<hbm>> -> memref<128xi32, #tpu.memory_space<hbm>>
        %dma_wait3A_106 = tpu.memref_slice %arg5[%mul3A_102] : memref<160000xi32, #tpu.memory_space<hbm>> -> memref<128xi32, #tpu.memory_space<hbm>>
        tpu.wait_dma2 semaphore(%arg16 : memref<!tpu.dma_semaphore, #tpu.memory_space<semaphore_mem>>) src(%dma_wait3A_106 : memref<128xi32, #tpu.memory_space<hbm>>) dst(%arg11 : memref<128xi32, #tpu.memory_space<vmem>>)
        %ge3A = arith.constant 2 : i32
        %ge3A_107 = arith.cmpi sge, %add3A_93, %ge3A : i32
        %convert_element_type3A_108 = arith.extui %ge3A_107 : i1 to i32
        %cond3A_109 = arith.constant 0 : i32
        %cond3A_110 = arith.cmpi ne, %convert_element_type3A_108, %cond3A_109 : i32
        scf.if %cond3A_110 {
          %dma_wait3A_133 = arith.constant 0 : i32
          %dma_wait3A_134 = tpu.memref_slice %arg6[%mul3A_102, %dma_wait3A_133] : memref<160000x128xf32, #tpu.memory_space<hbm>> -> memref<128x128xf32, #tpu.memory_space<hbm>>
          %dma_wait3A_135 = arith.constant 0 : i32
          %dma_wait3A_136 = tpu.memref_slice %arg6[%mul3A_102, %dma_wait3A_135] : memref<160000x128xf32, #tpu.memory_space<hbm>> -> memref<128x128xf32, #tpu.memory_space<hbm>>
          tpu.wait_dma2 semaphore(%arg18 : memref<!tpu.dma_semaphore, #tpu.memory_space<semaphore_mem>>) src(%arg12 : memref<128x128xf32, #tpu.memory_space<vmem>>) dst(%dma_wait3A_136 : memref<128x128xf32, #tpu.memory_space<hbm>>)
        } else {
        }
        %dma_start3A_111 = arith.constant 0 : i32
        %dma_start3A_112 = arith.constant 0 : i32
        %dma_start3A_113 = tpu.memref_slice %arg2[%dma_start3A_111, %dma_start3A_112] : memref<10000x128xf32, #tpu.memory_space<hbm>> -> memref<10000x128xf32, #tpu.memory_space<hbm>>
        tpu.enqueue_indirect_dma source(%dma_start3A_113 : memref<10000x128xf32, #tpu.memory_space<hbm>>) target(%arg12 : memref<128x128xf32, #tpu.memory_space<vmem>>) offsets(%arg10 : memref<128xi32, #tpu.memory_space<vmem>>) semaphore(%arg17 : memref<!tpu.dma_semaphore, #tpu.memory_space<semaphore_mem>>)
        %dma_wait3A_114 = arith.constant 0 : i32
        %dma_wait3A_115 = arith.constant 0 : i32
        %dma_wait3A_116 = tpu.memref_slice %arg2[%dma_wait3A_114, %dma_wait3A_115] : memref<10000x128xf32, #tpu.memory_space<hbm>> -> memref<10000x128xf32, #tpu.memory_space<hbm>>
        tpu.wait_indirect_dma semaphore(%arg17 : memref<!tpu.dma_semaphore, #tpu.memory_space<semaphore_mem>>) src(%dma_wait3A_116 : memref<10000x128xf32, #tpu.memory_space<hbm>>) dst(%arg12 : memref<128x128xf32, #tpu.memory_space<vmem>>)
        %dma_start3A_117 = arith.constant 0 : i32
        %dma_start3A_118 = arith.constant 0 : i32
        %dma_start3A_119 = tpu.memref_slice %arg3[%dma_start3A_117, %dma_start3A_118] : memref<10000x128xf32, #tpu.memory_space<hbm>> -> memref<10000x128xf32, #tpu.memory_space<hbm>>
        tpu.enqueue_indirect_dma source(%dma_start3A_119 : memref<10000x128xf32, #tpu.memory_space<hbm>>) target(%arg12 : memref<128x128xf32, #tpu.memory_space<vmem>>) offsets(%arg11 : memref<128xi32, #tpu.memory_space<vmem>>) semaphore(%arg17 : memref<!tpu.dma_semaphore, #tpu.memory_space<semaphore_mem>>) {add = true}
        %dma_wait3A_120 = arith.constant 0 : i32
        %dma_wait3A_121 = arith.constant 0 : i32
        %dma_wait3A_122 = tpu.memref_slice %arg3[%dma_wait3A_120, %dma_wait3A_121] : memref<10000x128xf32, #tpu.memory_space<hbm>> -> memref<10000x128xf32, #tpu.memory_space<hbm>>
        tpu.wait_indirect_dma semaphore(%arg17 : memref<!tpu.dma_semaphore, #tpu.memory_space<semaphore_mem>>) src(%dma_wait3A_122 : memref<10000x128xf32, #tpu.memory_space<hbm>>) dst(%arg12 : memref<128x128xf32, #tpu.memory_space<vmem>>)
        %dma_start3A_123 = arith.constant 0 : i32
        %dma_start3A_124 = tpu.memref_slice %arg6[%mul3A_102, %dma_start3A_123] : memref<160000x128xf32, #tpu.memory_space<hbm>> -> memref<128x128xf32, #tpu.memory_space<hbm>>
        %dma_start3A_125 = arith.constant 0 : i32
        %dma_start3A_126 = tpu.memref_slice %arg6[%mul3A_102, %dma_start3A_125] : memref<160000x128xf32, #tpu.memory_space<hbm>> -> memref<128x128xf32, #tpu.memory_space<hbm>>
        tpu.enqueue_dma source(%arg12 : memref<128x128xf32, #tpu.memory_space<vmem>>) target(%dma_start3A_126 : memref<128x128xf32, #tpu.memory_space<hbm>>) target_semaphore(%arg18 : memref<!tpu.dma_semaphore, #tpu.memory_space<semaphore_mem>>)
        %add3A_127 = arith.constant 2 : i32
        %add3A_128 = arith.addi %add3A_93, %add3A_127 : i32
        %lt3A_129 = arith.cmpi slt, %add3A_128, %select_n3A : i32
        %convert_element_type3A_130 = arith.extui %lt3A_129 : i1 to i32
        %cond3A_131 = arith.constant 0 : i32
        %cond3A_132 = arith.cmpi ne, %convert_element_type3A_130, %cond3A_131 : i32
        scf.if %cond3A_132 {
          %add3A_133 = arith.constant 2 : i32
          %add3A_134 = arith.addi %add3A_93, %add3A_133 : i32
          %mul3A_135 = arith.constant 32 : i32
          %mul3A_136 = arith.muli %add3A_134, %mul3A_135 : i32
          %add3A_137 = arith.addi %add3A, %mul3A_136 : i32
          %mul3A_138 = arith.constant 128 : i32
          %mul3A_139 = arith.muli %add3A_137, %mul3A_138 : i32
          %dma_start3A_140 = tpu.memref_slice %arg4[%mul3A_139] : memref<160000xi32, #tpu.memory_space<hbm>> -> memref<128xi32, #tpu.memory_space<hbm>>
          %dma_start3A_141 = tpu.memref_slice %arg4[%mul3A_139] : memref<160000xi32, #tpu.memory_space<hbm>> -> memref<128xi32, #tpu.memory_space<hbm>>
          tpu.enqueue_dma source(%dma_start3A_141 : memref<128xi32, #tpu.memory_space<hbm>>) target(%arg10 : memref<128xi32, #tpu.memory_space<vmem>>) target_semaphore(%arg16 : memref<!tpu.dma_semaphore, #tpu.memory_space<semaphore_mem>>)
          %dma_start3A_142 = tpu.memref_slice %arg5[%mul3A_139] : memref<160000xi32, #tpu.memory_space<hbm>> -> memref<128xi32, #tpu.memory_space<hbm>>
          %dma_start3A_143 = tpu.memref_slice %arg5[%mul3A_139] : memref<160000xi32, #tpu.memory_space<hbm>> -> memref<128xi32, #tpu.memory_space<hbm>>
          tpu.enqueue_dma source(%dma_start3A_143 : memref<128xi32, #tpu.memory_space<hbm>>) target(%arg11 : memref<128xi32, #tpu.memory_space<vmem>>) target_semaphore(%arg16 : memref<!tpu.dma_semaphore, #tpu.memory_space<semaphore_mem>>)
        } else {
        }
      } else {
      }
    }
    %while3A_72 = arith.constant 1 : i32
    scf.for %while3A_84 = %while3A_70 to %while3A_66 step %while3A_72  : i32 {
      %mul3A_85 = arith.constant 2 : i32
      %mul3A_86 = arith.muli %while3A_84, %mul3A_85 : i32
      %add3A_87 = arith.constant 0 : i32
      %add3A_88 = arith.addi %mul3A_86, %add3A_87 : i32
      %lt3A = arith.cmpi slt, %add3A_88, %select_n3A : i32
      %convert_element_type3A = arith.extui %lt3A : i1 to i32
      %cond3A = arith.constant 0 : i32
      %cond3A_89 = arith.cmpi ne, %convert_element_type3A, %cond3A : i32
      scf.if %cond3A_89 {
        %mul3A_98 = arith.constant 32 : i32
        %mul3A_99 = arith.muli %add3A_88, %mul3A_98 : i32
        %add3A_100 = arith.addi %add3A, %mul3A_99 : i32
        %mul3A_101 = arith.constant 128 : i32
        %mul3A_102 = arith.muli %add3A_100, %mul3A_101 : i32
        %dma_wait3A_103 = tpu.memref_slice %arg4[%mul3A_102] : memref<160000xi32, #tpu.memory_space<hbm>> -> memref<128xi32, #tpu.memory_space<hbm>>
        %dma_wait3A_104 = tpu.memref_slice %arg4[%mul3A_102] : memref<160000xi32, #tpu.memory_space<hbm>> -> memref<128xi32, #tpu.memory_space<hbm>>
        tpu.wait_dma2 semaphore(%arg13 : memref<!tpu.dma_semaphore, #tpu.memory_space<semaphore_mem>>) src(%dma_wait3A_104 : memref<128xi32, #tpu.memory_space<hbm>>) dst(%arg7 : memref<128xi32, #tpu.memory_space<vmem>>)
        %dma_wait3A_105 = tpu.memref_slice %arg5[%mul3A_102] : memref<160000xi32, #tpu.memory_space<hbm>> -> memref<128xi32, #tpu.memory_space<hbm>>
        %dma_wait3A_106 = tpu.memref_slice %arg5[%mul3A_102] : memref<160000xi32, #tpu.memory_space<hbm>> -> memref<128xi32, #tpu.memory_space<hbm>>
        tpu.wait_dma2 semaphore(%arg13 : memref<!tpu.dma_semaphore, #tpu.memory_space<semaphore_mem>>) src(%dma_wait3A_106 : memref<128xi32, #tpu.memory_space<hbm>>) dst(%arg8 : memref<128xi32, #tpu.memory_space<vmem>>)
        %ge3A = arith.constant 2 : i32
        %ge3A_107 = arith.cmpi sge, %add3A_88, %ge3A : i32
        %convert_element_type3A_108 = arith.extui %ge3A_107 : i1 to i32
        %cond3A_109 = arith.constant 0 : i32
        %cond3A_110 = arith.cmpi ne, %convert_element_type3A_108, %cond3A_109 : i32
        scf.if %cond3A_110 {
          %dma_wait3A_133 = arith.constant 0 : i32
          %dma_wait3A_134 = tpu.memref_slice %arg6[%mul3A_102, %dma_wait3A_133] : memref<160000x128xf32, #tpu.memory_space<hbm>> -> memref<128x128xf32, #tpu.memory_space<hbm>>
          %dma_wait3A_135 = arith.constant 0 : i32
          %dma_wait3A_136 = tpu.memref_slice %arg6[%mul3A_102, %dma_wait3A_135] : memref<160000x128xf32, #tpu.memory_space<hbm>> -> memref<128x128xf32, #tpu.memory_space<hbm>>
          tpu.wait_dma2 semaphore(%arg15 : memref<!tpu.dma_semaphore, #tpu.memory_space<semaphore_mem>>) src(%arg9 : memref<128x128xf32, #tpu.memory_space<vmem>>) dst(%dma_wait3A_136 : memref<128x128xf32, #tpu.memory_space<hbm>>)
        } else {
        }
        %dma_start3A_111 = arith.constant 0 : i32
        %dma_start3A_112 = arith.constant 0 : i32
        %dma_start3A_113 = tpu.memref_slice %arg2[%dma_start3A_111, %dma_start3A_112] : memref<10000x128xf32, #tpu.memory_space<hbm>> -> memref<10000x128xf32, #tpu.memory_space<hbm>>
        tpu.enqueue_indirect_dma source(%dma_start3A_113 : memref<10000x128xf32, #tpu.memory_space<hbm>>) target(%arg9 : memref<128x128xf32, #tpu.memory_space<vmem>>) offsets(%arg7 : memref<128xi32, #tpu.memory_space<vmem>>) semaphore(%arg14 : memref<!tpu.dma_semaphore, #tpu.memory_space<semaphore_mem>>)
        %dma_wait3A_114 = arith.constant 0 : i32
        %dma_wait3A_115 = arith.constant 0 : i32
        %dma_wait3A_116 = tpu.memref_slice %arg2[%dma_wait3A_114, %dma_wait3A_115] : memref<10000x128xf32, #tpu.memory_space<hbm>> -> memref<10000x128xf32, #tpu.memory_space<hbm>>
        tpu.wait_indirect_dma semaphore(%arg14 : memref<!tpu.dma_semaphore, #tpu.memory_space<semaphore_mem>>) src(%dma_wait3A_116 : memref<10000x128xf32, #tpu.memory_space<hbm>>) dst(%arg9 : memref<128x128xf32, #tpu.memory_space<vmem>>)
        %dma_start3A_117 = arith.constant 0 : i32
        %dma_start3A_118 = arith.constant 0 : i32
        %dma_start3A_119 = tpu.memref_slice %arg3[%dma_start3A_117, %dma_start3A_118] : memref<10000x128xf32, #tpu.memory_space<hbm>> -> memref<10000x128xf32, #tpu.memory_space<hbm>>
        tpu.enqueue_indirect_dma source(%dma_start3A_119 : memref<10000x128xf32, #tpu.memory_space<hbm>>) target(%arg9 : memref<128x128xf32, #tpu.memory_space<vmem>>) offsets(%arg8 : memref<128xi32, #tpu.memory_space<vmem>>) semaphore(%arg14 : memref<!tpu.dma_semaphore, #tpu.memory_space<semaphore_mem>>) {add = true}
        %dma_wait3A_120 = arith.constant 0 : i32
        %dma_wait3A_121 = arith.constant 0 : i32
        %dma_wait3A_122 = tpu.memref_slice %arg3[%dma_wait3A_120, %dma_wait3A_121] : memref<10000x128xf32, #tpu.memory_space<hbm>> -> memref<10000x128xf32, #tpu.memory_space<hbm>>
        tpu.wait_indirect_dma semaphore(%arg14 : memref<!tpu.dma_semaphore, #tpu.memory_space<semaphore_mem>>) src(%dma_wait3A_122 : memref<10000x128xf32, #tpu.memory_space<hbm>>) dst(%arg9 : memref<128x128xf32, #tpu.memory_space<vmem>>)
        %dma_start3A_123 = arith.constant 0 : i32
        %dma_start3A_124 = tpu.memref_slice %arg6[%mul3A_102, %dma_start3A_123] : memref<160000x128xf32, #tpu.memory_space<hbm>> -> memref<128x128xf32, #tpu.memory_space<hbm>>
        %dma_start3A_125 = arith.constant 0 : i32
        %dma_start3A_126 = tpu.memref_slice %arg6[%mul3A_102, %dma_start3A_125] : memref<160000x128xf32, #tpu.memory_space<hbm>> -> memref<128x128xf32, #tpu.memory_space<hbm>>
        tpu.enqueue_dma source(%arg9 : memref<128x128xf32, #tpu.memory_space<vmem>>) target(%dma_start3A_126 : memref<128x128xf32, #tpu.memory_space<hbm>>) target_semaphore(%arg15 : memref<!tpu.dma_semaphore, #tpu.memory_space<semaphore_mem>>)
        %add3A_127 = arith.constant 2 : i32
        %add3A_128 = arith.addi %add3A_88, %add3A_127 : i32
        %lt3A_129 = arith.cmpi slt, %add3A_128, %select_n3A : i32
        %convert_element_type3A_130 = arith.extui %lt3A_129 : i1 to i32
        %cond3A_131 = arith.constant 0 : i32
        %cond3A_132 = arith.cmpi ne, %convert_element_type3A_130, %cond3A_131 : i32
        scf.if %cond3A_132 {
          %add3A_133 = arith.constant 2 : i32
          %add3A_134 = arith.addi %add3A_88, %add3A_133 : i32
          %mul3A_135 = arith.constant 32 : i32
          %mul3A_136 = arith.muli %add3A_134, %mul3A_135 : i32
          %add3A_137 = arith.addi %add3A, %mul3A_136 : i32
          %mul3A_138 = arith.constant 128 : i32
          %mul3A_139 = arith.muli %add3A_137, %mul3A_138 : i32
          %dma_start3A_140 = tpu.memref_slice %arg4[%mul3A_139] : memref<160000xi32, #tpu.memory_space<hbm>> -> memref<128xi32, #tpu.memory_space<hbm>>
          %dma_start3A_141 = tpu.memref_slice %arg4[%mul3A_139] : memref<160000xi32, #tpu.memory_space<hbm>> -> memref<128xi32, #tpu.memory_space<hbm>>
          tpu.enqueue_dma source(%dma_start3A_141 : memref<128xi32, #tpu.memory_space<hbm>>) target(%arg7 : memref<128xi32, #tpu.memory_space<vmem>>) target_semaphore(%arg13 : memref<!tpu.dma_semaphore, #tpu.memory_space<semaphore_mem>>)
          %dma_start3A_142 = tpu.memref_slice %arg5[%mul3A_139] : memref<160000xi32, #tpu.memory_space<hbm>> -> memref<128xi32, #tpu.memory_space<hbm>>
          %dma_start3A_143 = tpu.memref_slice %arg5[%mul3A_139] : memref<160000xi32, #tpu.memory_space<hbm>> -> memref<128xi32, #tpu.memory_space<hbm>>
          tpu.enqueue_dma source(%dma_start3A_143 : memref<128xi32, #tpu.memory_space<hbm>>) target(%arg8 : memref<128xi32, #tpu.memory_space<vmem>>) target_semaphore(%arg13 : memref<!tpu.dma_semaphore, #tpu.memory_space<semaphore_mem>>)
        } else {
        }
      } else {
      }
      %mul3A_90 = arith.constant 2 : i32
      %mul3A_91 = arith.muli %while3A_84, %mul3A_90 : i32
      %add3A_92 = arith.constant 1 : i32
      %add3A_93 = arith.addi %mul3A_91, %add3A_92 : i32
      %lt3A_94 = arith.cmpi slt, %add3A_93, %select_n3A : i32
      %convert_element_type3A_95 = arith.extui %lt3A_94 : i1 to i32
      %cond3A_96 = arith.constant 0 : i32
      %cond3A_97 = arith.cmpi ne, %convert_element_type3A_95, %cond3A_96 : i32
      scf.if %cond3A_97 {
        %mul3A_98 = arith.constant 32 : i32
        %mul3A_99 = arith.muli %add3A_93, %mul3A_98 : i32
        %add3A_100 = arith.addi %add3A, %mul3A_99 : i32
        %mul3A_101 = arith.constant 128 : i32
        %mul3A_102 = arith.muli %add3A_100, %mul3A_101 : i32
        %dma_wait3A_103 = tpu.memref_slice %arg4[%mul3A_102] : memref<160000xi32, #tpu.memory_space<hbm>> -> memref<128xi32, #tpu.memory_space<hbm>>
        %dma_wait3A_104 = tpu.memref_slice %arg4[%mul3A_102] : memref<160000xi32, #tpu.memory_space<hbm>> -> memref<128xi32, #tpu.memory_space<hbm>>
        tpu.wait_dma2 semaphore(%arg16 : memref<!tpu.dma_semaphore, #tpu.memory_space<semaphore_mem>>) src(%dma_wait3A_104 : memref<128xi32, #tpu.memory_space<hbm>>) dst(%arg10 : memref<128xi32, #tpu.memory_space<vmem>>)
        %dma_wait3A_105 = tpu.memref_slice %arg5[%mul3A_102] : memref<160000xi32, #tpu.memory_space<hbm>> -> memref<128xi32, #tpu.memory_space<hbm>>
        %dma_wait3A_106 = tpu.memref_slice %arg5[%mul3A_102] : memref<160000xi32, #tpu.memory_space<hbm>> -> memref<128xi32, #tpu.memory_space<hbm>>
        tpu.wait_dma2 semaphore(%arg16 : memref<!tpu.dma_semaphore, #tpu.memory_space<semaphore_mem>>) src(%dma_wait3A_106 : memref<128xi32, #tpu.memory_space<hbm>>) dst(%arg11 : memref<128xi32, #tpu.memory_space<vmem>>)
        %ge3A = arith.constant 2 : i32
        %ge3A_107 = arith.cmpi sge, %add3A_93, %ge3A : i32
        %convert_element_type3A_108 = arith.extui %ge3A_107 : i1 to i32
        %cond3A_109 = arith.constant 0 : i32
        %cond3A_110 = arith.cmpi ne, %convert_element_type3A_108, %cond3A_109 : i32
        scf.if %cond3A_110 {
          %dma_wait3A_133 = arith.constant 0 : i32
          %dma_wait3A_134 = tpu.memref_slice %arg6[%mul3A_102, %dma_wait3A_133] : memref<160000x128xf32, #tpu.memory_space<hbm>> -> memref<128x128xf32, #tpu.memory_space<hbm>>
          %dma_wait3A_135 = arith.constant 0 : i32
          %dma_wait3A_136 = tpu.memref_slice %arg6[%mul3A_102, %dma_wait3A_135] : memref<160000x128xf32, #tpu.memory_space<hbm>> -> memref<128x128xf32, #tpu.memory_space<hbm>>
          tpu.wait_dma2 semaphore(%arg18 : memref<!tpu.dma_semaphore, #tpu.memory_space<semaphore_mem>>) src(%arg12 : memref<128x128xf32, #tpu.memory_space<vmem>>) dst(%dma_wait3A_136 : memref<128x128xf32, #tpu.memory_space<hbm>>)
        } else {
        }
        %dma_start3A_111 = arith.constant 0 : i32
        %dma_start3A_112 = arith.constant 0 : i32
        %dma_start3A_113 = tpu.memref_slice %arg2[%dma_start3A_111, %dma_start3A_112] : memref<10000x128xf32, #tpu.memory_space<hbm>> -> memref<10000x128xf32, #tpu.memory_space<hbm>>
        tpu.enqueue_indirect_dma source(%dma_start3A_113 : memref<10000x128xf32, #tpu.memory_space<hbm>>) target(%arg12 : memref<128x128xf32, #tpu.memory_space<vmem>>) offsets(%arg10 : memref<128xi32, #tpu.memory_space<vmem>>) semaphore(%arg17 : memref<!tpu.dma_semaphore, #tpu.memory_space<semaphore_mem>>)
        %dma_wait3A_114 = arith.constant 0 : i32
        %dma_wait3A_115 = arith.constant 0 : i32
        %dma_wait3A_116 = tpu.memref_slice %arg2[%dma_wait3A_114, %dma_wait3A_115] : memref<10000x128xf32, #tpu.memory_space<hbm>> -> memref<10000x128xf32, #tpu.memory_space<hbm>>
        tpu.wait_indirect_dma semaphore(%arg17 : memref<!tpu.dma_semaphore, #tpu.memory_space<semaphore_mem>>) src(%dma_wait3A_116 : memref<10000x128xf32, #tpu.memory_space<hbm>>) dst(%arg12 : memref<128x128xf32, #tpu.memory_space<vmem>>)
        %dma_start3A_117 = arith.constant 0 : i32
        %dma_start3A_118 = arith.constant 0 : i32
        %dma_start3A_119 = tpu.memref_slice %arg3[%dma_start3A_117, %dma_start3A_118] : memref<10000x128xf32, #tpu.memory_space<hbm>> -> memref<10000x128xf32, #tpu.memory_space<hbm>>
        tpu.enqueue_indirect_dma source(%dma_start3A_119 : memref<10000x128xf32, #tpu.memory_space<hbm>>) target(%arg12 : memref<128x128xf32, #tpu.memory_space<vmem>>) offsets(%arg11 : memref<128xi32, #tpu.memory_space<vmem>>) semaphore(%arg17 : memref<!tpu.dma_semaphore, #tpu.memory_space<semaphore_mem>>) {add = true}
        %dma_wait3A_120 = arith.constant 0 : i32
        %dma_wait3A_121 = arith.constant 0 : i32
        %dma_wait3A_122 = tpu.memref_slice %arg3[%dma_wait3A_120, %dma_wait3A_121] : memref<10000x128xf32, #tpu.memory_space<hbm>> -> memref<10000x128xf32, #tpu.memory_space<hbm>>
        tpu.wait_indirect_dma semaphore(%arg17 : memref<!tpu.dma_semaphore, #tpu.memory_space<semaphore_mem>>) src(%dma_wait3A_122 : memref<10000x128xf32, #tpu.memory_space<hbm>>) dst(%arg12 : memref<128x128xf32, #tpu.memory_space<vmem>>)
        %dma_start3A_123 = arith.constant 0 : i32
        %dma_start3A_124 = tpu.memref_slice %arg6[%mul3A_102, %dma_start3A_123] : memref<160000x128xf32, #tpu.memory_space<hbm>> -> memref<128x128xf32, #tpu.memory_space<hbm>>
        %dma_start3A_125 = arith.constant 0 : i32
        %dma_start3A_126 = tpu.memref_slice %arg6[%mul3A_102, %dma_start3A_125] : memref<160000x128xf32, #tpu.memory_space<hbm>> -> memref<128x128xf32, #tpu.memory_space<hbm>>
        tpu.enqueue_dma source(%arg12 : memref<128x128xf32, #tpu.memory_space<vmem>>) target(%dma_start3A_126 : memref<128x128xf32, #tpu.memory_space<hbm>>) target_semaphore(%arg18 : memref<!tpu.dma_semaphore, #tpu.memory_space<semaphore_mem>>)
        %add3A_127 = arith.constant 2 : i32
        %add3A_128 = arith.addi %add3A_93, %add3A_127 : i32
        %lt3A_129 = arith.cmpi slt, %add3A_128, %select_n3A : i32
        %convert_element_type3A_130 = arith.extui %lt3A_129 : i1 to i32
        %cond3A_131 = arith.constant 0 : i32
        %cond3A_132 = arith.cmpi ne, %convert_element_type3A_130, %cond3A_131 : i32
        scf.if %cond3A_132 {
          %add3A_133 = arith.constant 2 : i32
          %add3A_134 = arith.addi %add3A_93, %add3A_133 : i32
          %mul3A_135 = arith.constant 32 : i32
          %mul3A_136 = arith.muli %add3A_134, %mul3A_135 : i32
          %add3A_137 = arith.addi %add3A, %mul3A_136 : i32
          %mul3A_138 = arith.constant 128 : i32
          %mul3A_139 = arith.muli %add3A_137, %mul3A_138 : i32
          %dma_start3A_140 = tpu.memref_slice %arg4[%mul3A_139] : memref<160000xi32, #tpu.memory_space<hbm>> -> memref<128xi32, #tpu.memory_space<hbm>>
          %dma_start3A_141 = tpu.memref_slice %arg4[%mul3A_139] : memref<160000xi32, #tpu.memory_space<hbm>> -> memref<128xi32, #tpu.memory_space<hbm>>
          tpu.enqueue_dma source(%dma_start3A_141 : memref<128xi32, #tpu.memory_space<hbm>>) target(%arg10 : memref<128xi32, #tpu.memory_space<vmem>>) target_semaphore(%arg16 : memref<!tpu.dma_semaphore, #tpu.memory_space<semaphore_mem>>)
          %dma_start3A_142 = tpu.memref_slice %arg5[%mul3A_139] : memref<160000xi32, #tpu.memory_space<hbm>> -> memref<128xi32, #tpu.memory_space<hbm>>
          %dma_start3A_143 = tpu.memref_slice %arg5[%mul3A_139] : memref<160000xi32, #tpu.memory_space<hbm>> -> memref<128xi32, #tpu.memory_space<hbm>>
          tpu.enqueue_dma source(%dma_start3A_143 : memref<128xi32, #tpu.memory_space<hbm>>) target(%arg11 : memref<128xi32, #tpu.memory_space<vmem>>) target_semaphore(%arg16 : memref<!tpu.dma_semaphore, #tpu.memory_space<semaphore_mem>>)
        } else {
        }
      } else {
      }
    }
    %dma_wait3A = arith.constant 0 : i32
    %dma_wait3A_73 = arith.constant 0 : i32
    %dma_wait3A_74 = tpu.memref_slice %arg6[%dma_wait3A, %dma_wait3A_73] : memref<160000x128xf32, #tpu.memory_space<hbm>> -> memref<128x128xf32, #tpu.memory_space<hbm>>
    %dma_wait3A_75 = arith.constant 0 : i32
    %dma_wait3A_76 = arith.constant 0 : i32
    %dma_wait3A_77 = tpu.memref_slice %arg6[%dma_wait3A_75, %dma_wait3A_76] : memref<160000x128xf32, #tpu.memory_space<hbm>> -> memref<128x128xf32, #tpu.memory_space<hbm>>
    tpu.wait_dma2 semaphore(%arg15 : memref<!tpu.dma_semaphore, #tpu.memory_space<semaphore_mem>>) src(%arg9 : memref<128x128xf32, #tpu.memory_space<vmem>>) dst(%dma_wait3A_77 : memref<128x128xf32, #tpu.memory_space<hbm>>)
    %dma_wait3A_78 = arith.constant 0 : i32
    %dma_wait3A_79 = arith.constant 0 : i32
    %dma_wait3A_80 = tpu.memref_slice %arg6[%dma_wait3A_78, %dma_wait3A_79] : memref<160000x128xf32, #tpu.memory_space<hbm>> -> memref<128x128xf32, #tpu.memory_space<hbm>>
    %dma_wait3A_81 = arith.constant 0 : i32
    %dma_wait3A_82 = arith.constant 0 : i32
    %dma_wait3A_83 = tpu.memref_slice %arg6[%dma_wait3A_81, %dma_wait3A_82] : memref<160000x128xf32, #tpu.memory_space<hbm>> -> memref<128x128xf32, #tpu.memory_space<hbm>>
    tpu.wait_dma2 semaphore(%arg18 : memref<!tpu.dma_semaphore, #tpu.memory_space<semaphore_mem>>) src(%arg12 : memref<128x128xf32, #tpu.memory_space<vmem>>) dst(%dma_wait3A_83 : memref<128x128xf32, #tpu.memory_space<hbm>>)
    return
  }
}

module attributes {stable_mosaic.version = 14 : i64} {
  func.func @_preproj_body(%arg0: i32, %arg1: memref<2000x128xf32, #tpu.memory_space<vmem>>, %arg2: memref<128x256xf32, #tpu.memory_space<vmem>>, %arg3: memref<2000x128xf32, #tpu.memory_space<vmem>>, %arg4: memref<2000x128xf32, #tpu.memory_space<vmem>>) attributes {dimension_semantics = [#tpu.dimension_semantics<arbitrary>], iteration_bounds = array<i64: 5>, scalar_prefetch = 0 : i64, scratch_operands = 0 : i64, tpu.core_type = #tpu.core_type<tc>, window_params = [{transform_indices = @transform_0, window_bounds = array<i64: 2000, 128>}, {pipeline_mode = #tpu.pipeline_mode<synchronous>, transform_indices = @transform_1, window_bounds = array<i64: 128, 256>}, {transform_indices = @transform_2, window_bounds = array<i64: 2000, 128>}, {transform_indices = @transform_3, window_bounds = array<i64: 2000, 128>}]} {
    %get3A = arith.constant 0 : index
    %get3A_0 = arith.constant 0 : index
    %get3A_1 = vector.load %arg1[%get3A, %get3A_0] : memref<2000x128xf32, #tpu.memory_space<vmem>>, vector<2000x128xf32>
    %get3A_2 = arith.constant 0 : index
    %get3A_3 = arith.constant 0 : index
    %get3A_4 = vector.load %arg2[%get3A_2, %get3A_3] : memref<128x256xf32, #tpu.memory_space<vmem>>, vector<128x256xf32>
    %dot_general3A = arith.constant dense<0.000000e+00> : vector<2000x256xf32>
    %dot_general3A_5 = tpu.matmul %get3A_1, %get3A_4, %dot_general3A {dimension_numbers = #tpu.dot_dimension_numbers<[1], [0], [0], [1], [0, 0, 1, 1], [], []>, transpose_lhs_hint = false} : vector<2000x128xf32>, vector<128x256xf32>, vector<2000x256xf32> -> vector<2000x256xf32>
    %slice3A = vector.extract_strided_slice %dot_general3A_5 {offsets = [0, 0], sizes = [2000, 128], strides = [1, 1]} : vector<2000x256xf32> to vector<2000x128xf32>
    %swap3A = arith.constant 0 : index
    %swap3A_6 = arith.constant 0 : index
    %swap3A_7 = vector.load %arg3[%swap3A, %swap3A_6] : memref<2000x128xf32, #tpu.memory_space<vmem>>, vector<2000x128xf32>
    tpu.vector_store %arg3[%swap3A, %swap3A_6], %slice3A {strides = array<i32>} : memref<2000x128xf32, #tpu.memory_space<vmem>>, vector<2000x128xf32>,
    %slice3A_8 = vector.extract_strided_slice %dot_general3A_5 {offsets = [0, 128], sizes = [2000, 128], strides = [1, 1]} : vector<2000x256xf32> to vector<2000x128xf32>
    %swap3A_9 = arith.constant 0 : index
    %swap3A_10 = arith.constant 0 : index
    %swap3A_11 = vector.load %arg4[%swap3A_9, %swap3A_10] : memref<2000x128xf32, #tpu.memory_space<vmem>>, vector<2000x128xf32>
    tpu.vector_store %arg4[%swap3A_9, %swap3A_10], %slice3A_8 {strides = array<i32>} : memref<2000x128xf32, #tpu.memory_space<vmem>>, vector<2000x128xf32>,
    return
  }
  func.func @transform_0(%arg0: i32) -> (i32, i32) {
    %c0_i32 = arith.constant 0 : i32
    %c0_i32_0 = arith.constant 0 : i32
    return %arg0, %c0_i32 : i32, i32
  }
  func.func @transform_1(%arg0: i32) -> (i32, i32) {
    %c0_i32 = arith.constant 0 : i32
    %c0_i32_0 = arith.constant 0 : i32
    %c0_i32_1 = arith.constant 0 : i32
    return %c0_i32, %c0_i32_0 : i32, i32
  }
  func.func @transform_2(%arg0: i32) -> (i32, i32) {
    %c0_i32 = arith.constant 0 : i32
    %c0_i32_0 = arith.constant 0 : i32
    return %arg0, %c0_i32 : i32, i32
  }
  func.func @transform_3(%arg0: i32) -> (i32, i32) {
    %c0_i32 = arith.constant 0 : i32
    %c0_i32_0 = arith.constant 0 : i32
    return %arg0, %c0_i32 : i32, i32
  }
}

module attributes {stable_mosaic.version = 14 : i64} {
  func.func @_remap_body(%arg0: memref<2500x128xi32, #tpu.memory_space<vmem>>, %arg1: memref<2500x128xi32, #tpu.memory_space<vmem>>, %arg2: memref<2500x128xi32, #tpu.memory_space<vmem>>, %arg3: memref<2500x128xi32, #tpu.memory_space<vmem>>, %arg4: memref<2500x128xi32, #tpu.memory_space<vmem>>, %arg5: memref<2500x128xi32, #tpu.memory_space<vmem>>) attributes {dimension_semantics = [], scalar_prefetch = 0 : i64, scratch_operands = 0 : i64, tpu.core_type = #tpu.core_type<tc>} {
    %get3A = arith.constant 0 : index
    %get3A_0 = arith.constant 0 : index
    %get3A_1 = vector.load %arg0[%get3A, %get3A_0] : memref<2500x128xi32, #tpu.memory_space<vmem>>, vector<2500x128xi32>
    %get3A_2 = arith.constant 0 : index
    %get3A_3 = arith.constant 0 : index
    %get3A_4 = vector.load %arg1[%get3A_2, %get3A_3] : memref<2500x128xi32, #tpu.memory_space<vmem>>, vector<2500x128xi32>
    %lt3A = arith.constant 5000 : i32
    %lt3A_5 = vector.broadcast %lt3A : i32 to vector<2500x128xi32>
    %lt3A_6 = arith.cmpi slt, %get3A_1, %lt3A_5 : vector<2500x128xi32>
    %jit3A = arith.constant 5000 : i32
    %broadcast_in_dim3A = vector.broadcast %jit3A : i32 to vector<2500x128xi32>
    %select_n3A = arith.select %lt3A_6, %get3A_1, %broadcast_in_dim3A : vector<2500x128xi1>, vector<2500x128xi32>
    %swap3A = arith.constant 0 : index
    %swap3A_7 = arith.constant 0 : index
    %swap3A_8 = vector.load %arg2[%swap3A, %swap3A_7] : memref<2500x128xi32, #tpu.memory_space<vmem>>, vector<2500x128xi32>
    tpu.vector_store %arg2[%swap3A, %swap3A_7], %select_n3A {strides = array<i32>} : memref<2500x128xi32, #tpu.memory_space<vmem>>, vector<2500x128xi32>,
    %ge3A = arith.constant 5000 : i32
    %ge3A_9 = vector.broadcast %ge3A : i32 to vector<2500x128xi32>
    %ge3A_10 = arith.cmpi sge, %get3A_1, %ge3A_9 : vector<2500x128xi32>
    %sub3A = arith.constant 5000 : i32
    %sub3A_11 = vector.broadcast %sub3A : i32 to vector<2500x128xi32>
    %sub3A_12 = arith.subi %get3A_1, %sub3A_11 : vector<2500x128xi32>
    %jit3A_13 = arith.constant 5000 : i32
    %broadcast_in_dim3A_14 = vector.broadcast %jit3A_13 : i32 to vector<2500x128xi32>
    %select_n3A_15 = arith.select %ge3A_10, %sub3A_12, %broadcast_in_dim3A_14 : vector<2500x128xi1>, vector<2500x128xi32>
    %swap3A_16 = arith.constant 0 : index
    %swap3A_17 = arith.constant 0 : index
    %swap3A_18 = vector.load %arg3[%swap3A_16, %swap3A_17] : memref<2500x128xi32, #tpu.memory_space<vmem>>, vector<2500x128xi32>
    tpu.vector_store %arg3[%swap3A_16, %swap3A_17], %select_n3A_15 {strides = array<i32>} : memref<2500x128xi32, #tpu.memory_space<vmem>>, vector<2500x128xi32>,
    %lt3A_19 = arith.constant 5000 : i32
    %lt3A_20 = vector.broadcast %lt3A_19 : i32 to vector<2500x128xi32>
    %lt3A_21 = arith.cmpi slt, %get3A_4, %lt3A_20 : vector<2500x128xi32>
    %jit3A_22 = arith.constant 5000 : i32
    %broadcast_in_dim3A_23 = vector.broadcast %jit3A_22 : i32 to vector<2500x128xi32>
    %select_n3A_24 = arith.select %lt3A_21, %get3A_4, %broadcast_in_dim3A_23 : vector<2500x128xi1>, vector<2500x128xi32>
    %swap3A_25 = arith.constant 0 : index
    %swap3A_26 = arith.constant 0 : index
    %swap3A_27 = vector.load %arg4[%swap3A_25, %swap3A_26] : memref<2500x128xi32, #tpu.memory_space<vmem>>, vector<2500x128xi32>
    tpu.vector_store %arg4[%swap3A_25, %swap3A_26], %select_n3A_24 {strides = array<i32>} : memref<2500x128xi32, #tpu.memory_space<vmem>>, vector<2500x128xi32>,
    %ge3A_28 = arith.constant 5000 : i32
    %ge3A_29 = vector.broadcast %ge3A_28 : i32 to vector<2500x128xi32>
    %ge3A_30 = arith.cmpi sge, %get3A_4, %ge3A_29 : vector<2500x128xi32>
    %sub3A_31 = arith.constant 5000 : i32
    %sub3A_32 = vector.broadcast %sub3A_31 : i32 to vector<2500x128xi32>
    %sub3A_33 = arith.subi %get3A_4, %sub3A_32 : vector<2500x128xi32>
    %jit3A_34 = arith.constant 5000 : i32
    %broadcast_in_dim3A_35 = vector.broadcast %jit3A_34 : i32 to vector<2500x128xi32>
    %select_n3A_36 = arith.select %ge3A_30, %sub3A_33, %broadcast_in_dim3A_35 : vector<2500x128xi1>, vector<2500x128xi32>
    %swap3A_37 = arith.constant 0 : index
    %swap3A_38 = arith.constant 0 : index
    %swap3A_39 = vector.load %arg5[%swap3A_37, %swap3A_38] : memref<2500x128xi32, #tpu.memory_space<vmem>>, vector<2500x128xi32>
    tpu.vector_store %arg5[%swap3A_37, %swap3A_38], %select_n3A_36 {strides = array<i32>} : memref<2500x128xi32, #tpu.memory_space<vmem>>, vector<2500x128xi32>,
    return
  }
}

module attributes {stable_mosaic.version = 14 : i64} {
  func.func @_edge_mlp_body(%arg0: i32, %arg1: memref<1280x128xf32, #tpu.memory_space<vmem>>, %arg2: memref<1280x128xf32, #tpu.memory_space<vmem>>, %arg3: memref<128x128xf32, #tpu.memory_space<vmem>>, %arg4: memref<1x128xf32, #tpu.memory_space<vmem>>, %arg5: memref<128x128xf32, #tpu.memory_space<vmem>>, %arg6: memref<1x128xf32, #tpu.memory_space<vmem>>, %arg7: memref<1280x128xf32, #tpu.memory_space<vmem>>, %arg8: memref<1280x128xf32, #tpu.memory_space<vmem>>, %arg9: memref<1280x128xf32, #tpu.memory_space<vmem>>) attributes {dimension_semantics = [#tpu.dimension_semantics<arbitrary>], iteration_bounds = array<i64: 125>, scalar_prefetch = 0 : i64, scratch_operands = 0 : i64, tpu.core_type = #tpu.core_type<tc>, window_params = [{transform_indices = @transform_0, window_bounds = array<i64: 1280, 128>}, {transform_indices = @transform_1, window_bounds = array<i64: 1280, 128>}, {pipeline_mode = #tpu.pipeline_mode<synchronous>, transform_indices = @transform_2, window_bounds = array<i64: 128, 128>}, {pipeline_mode = #tpu.pipeline_mode<synchronous>, transform_indices = @transform_3, window_bounds = array<i64: 1, 128>}, {pipeline_mode = #tpu.pipeline_mode<synchronous>, transform_indices = @transform_4, window_bounds = array<i64: 128, 128>}, {pipeline_mode = #tpu.pipeline_mode<synchronous>, transform_indices = @transform_5, window_bounds = array<i64: 1, 128>}, {transform_indices = @transform_6, window_bounds = array<i64: 1280, 128>}, {transform_indices = @transform_7, window_bounds = array<i64: 1280, 128>}, {transform_indices = @transform_8, window_bounds = array<i64: 1280, 128>}]} {
    %get3A = arith.constant 0 : index
    %get3A_0 = arith.constant 0 : index
    %get3A_1 = vector.load %arg1[%get3A, %get3A_0] : memref<1280x128xf32, #tpu.memory_space<vmem>>, vector<1280x128xf32>
    %get3A_2 = arith.constant 0 : index
    %get3A_3 = arith.constant 0 : index
    %get3A_4 = vector.load %arg2[%get3A_2, %get3A_3] : memref<1280x128xf32, #tpu.memory_space<vmem>>, vector<1280x128xf32>
    %get3A_5 = arith.constant 0 : index
    %get3A_6 = arith.constant 0 : index
    %get3A_7 = vector.load %arg3[%get3A_5, %get3A_6] : memref<128x128xf32, #tpu.memory_space<vmem>>, vector<128x128xf32>
    %dot_general3A = arith.constant dense<0.000000e+00> : vector<1280x128xf32>
    %dot_general3A_8 = tpu.matmul %get3A_4, %get3A_7, %dot_general3A {dimension_numbers = #tpu.dot_dimension_numbers<[1], [0], [0], [1], [0, 0, 1, 1], [], []>, transpose_lhs_hint = false} : vector<1280x128xf32>, vector<128x128xf32>, vector<1280x128xf32> -> vector<1280x128xf32>
    %add3A = arith.addf %get3A_1, %dot_general3A_8 : vector<1280x128xf32>
    %get3A_9 = arith.constant 0 : index
    %get3A_10 = arith.constant 0 : index
    %get3A_11 = vector.load %arg4[%get3A_9, %get3A_10] : memref<1x128xf32, #tpu.memory_space<vmem>>, vector<1x128xf32>
    %add3A_12 = vector.broadcast %get3A_11 : vector<1x128xf32> to vector<1280x128xf32>
    %add3A_13 = arith.addf %add3A, %add3A_12 : vector<1280x128xf32>
    %logistic3A = arith.negf %add3A_13 : vector<1280x128xf32>
    %logistic3A_14 = math.exp %logistic3A : vector<1280x128xf32>
    %logistic3A_15 = arith.constant 1.000000e+00 : f32
    %logistic3A_16 = vector.broadcast %logistic3A_15 : f32 to vector<1280x128xf32>
    %logistic3A_17 = arith.addf %logistic3A_16, %logistic3A_14 : vector<1280x128xf32>
    %logistic3A_18 = arith.divf %logistic3A_16, %logistic3A_17 : vector<1280x128xf32>
    %mul3A = arith.mulf %add3A_13, %logistic3A_18 : vector<1280x128xf32>
    %get3A_19 = arith.constant 0 : index
    %get3A_20 = arith.constant 0 : index
    %get3A_21 = vector.load %arg5[%get3A_19, %get3A_20] : memref<128x128xf32, #tpu.memory_space<vmem>>, vector<128x128xf32>
    %dot_general3A_22 = arith.constant dense<0.000000e+00> : vector<1280x128xf32>
    %dot_general3A_23 = tpu.matmul %mul3A, %get3A_21, %dot_general3A_22 {dimension_numbers = #tpu.dot_dimension_numbers<[1], [0], [0], [1], [0, 0, 1, 1], [], []>, transpose_lhs_hint = false} : vector<1280x128xf32>, vector<128x128xf32>, vector<1280x128xf32> -> vector<1280x128xf32>
    %get3A_24 = arith.constant 0 : index
    %get3A_25 = arith.constant 0 : index
    %get3A_26 = vector.load %arg6[%get3A_24, %get3A_25] : memref<1x128xf32, #tpu.memory_space<vmem>>, vector<1x128xf32>
    %add3A_27 = vector.broadcast %get3A_26 : vector<1x128xf32> to vector<1280x128xf32>
    %add3A_28 = arith.addf %dot_general3A_23, %add3A_27 : vector<1280x128xf32>
    %swap3A = arith.constant 0 : index
    %swap3A_29 = arith.constant 0 : index
    %swap3A_30 = vector.load %arg7[%swap3A, %swap3A_29] : memref<1280x128xf32, #tpu.memory_space<vmem>>, vector<1280x128xf32>
    tpu.vector_store %arg7[%swap3A, %swap3A_29], %add3A_28 {strides = array<i32>} : memref<1280x128xf32, #tpu.memory_space<vmem>>, vector<1280x128xf32>,
    %broadcast_in_dim3A = arith.constant 1.000000e+00 : f32
    %broadcast_in_dim3A_31 = vector.broadcast %broadcast_in_dim3A : f32 to vector<1280x1xf32>
    %broadcast_in_dim3A_32 = arith.constant 0.000000e+00 : f32
    %broadcast_in_dim3A_33 = vector.broadcast %broadcast_in_dim3A_32 : f32 to vector<1280x63xf32>
    %slice3A = vector.extract_strided_slice %add3A_28 {offsets = [0, 0], sizes = [1280, 64], strides = [1, 1]} : vector<1280x128xf32> to vector<1280x64xf32>
    %concatenate3A = tpu.concatenate %slice3A, %broadcast_in_dim3A_31, %broadcast_in_dim3A_33 in 1 : vector<1280x64xf32>, vector<1280x1xf32>, vector<1280x63xf32> -> vector<1280x128xf32>
    %swap3A_34 = arith.constant 0 : index
    %swap3A_35 = arith.constant 0 : index
    %swap3A_36 = vector.load %arg8[%swap3A_34, %swap3A_35] : memref<1280x128xf32, #tpu.memory_space<vmem>>, vector<1280x128xf32>
    tpu.vector_store %arg8[%swap3A_34, %swap3A_35], %concatenate3A {strides = array<i32>} : memref<1280x128xf32, #tpu.memory_space<vmem>>, vector<1280x128xf32>,
    %slice3A_37 = vector.extract_strided_slice %add3A_28 {offsets = [0, 64], sizes = [1280, 64], strides = [1, 1]} : vector<1280x128xf32> to vector<1280x64xf32>
    %concatenate3A_38 = tpu.concatenate %slice3A_37, %broadcast_in_dim3A_31, %broadcast_in_dim3A_33 in 1 : vector<1280x64xf32>, vector<1280x1xf32>, vector<1280x63xf32> -> vector<1280x128xf32>
    %swap3A_39 = arith.constant 0 : index
    %swap3A_40 = arith.constant 0 : index
    %swap3A_41 = vector.load %arg9[%swap3A_39, %swap3A_40] : memref<1280x128xf32, #tpu.memory_space<vmem>>, vector<1280x128xf32>
    tpu.vector_store %arg9[%swap3A_39, %swap3A_40], %concatenate3A_38 {strides = array<i32>} : memref<1280x128xf32, #tpu.memory_space<vmem>>, vector<1280x128xf32>,
    return
  }
  func.func @transform_0(%arg0: i32) -> (i32, i32) {
    %c0_i32 = arith.constant 0 : i32
    %c0_i32_0 = arith.constant 0 : i32
    return %arg0, %c0_i32 : i32, i32
  }
  func.func @transform_1(%arg0: i32) -> (i32, i32) {
    %add3A = arith.constant 0 : i32
    %add3A_0 = arith.addi %arg0, %add3A : i32
    %c0_i32 = arith.constant 0 : i32
    %c0_i32_1 = arith.constant 0 : i32
    return %add3A_0, %c0_i32 : i32, i32
  }
  func.func @transform_2(%arg0: i32) -> (i32, i32) {
    %c0_i32 = arith.constant 0 : i32
    %c0_i32_0 = arith.constant 0 : i32
    %c0_i32_1 = arith.constant 0 : i32
    return %c0_i32, %c0_i32_0 : i32, i32
  }
  func.func @transform_3(%arg0: i32) -> (i32, i32) {
    %c0_i32 = arith.constant 0 : i32
    %c0_i32_0 = arith.constant 0 : i32
    %c0_i32_1 = arith.constant 0 : i32
    return %c0_i32, %c0_i32_0 : i32, i32
  }
  func.func @transform_4(%arg0: i32) -> (i32, i32) {
    %c0_i32 = arith.constant 0 : i32
    %c0_i32_0 = arith.constant 0 : i32
    %c0_i32_1 = arith.constant 0 : i32
    return %c0_i32, %c0_i32_0 : i32, i32
  }
  func.func @transform_5(%arg0: i32) -> (i32, i32) {
    %c0_i32 = arith.constant 0 : i32
    %c0_i32_0 = arith.constant 0 : i32
    %c0_i32_1 = arith.constant 0 : i32
    return %c0_i32, %c0_i32_0 : i32, i32
  }
  func.func @transform_6(%arg0: i32) -> (i32, i32) {
    %c0_i32 = arith.constant 0 : i32
    %c0_i32_0 = arith.constant 0 : i32
    return %arg0, %c0_i32 : i32, i32
  }
  func.func @transform_7(%arg0: i32) -> (i32, i32) {
    %c0_i32 = arith.constant 0 : i32
    %c0_i32_0 = arith.constant 0 : i32
    return %arg0, %c0_i32 : i32, i32
  }
  func.func @transform_8(%arg0: i32) -> (i32, i32) {
    %c0_i32 = arith.constant 0 : i32
    %c0_i32_0 = arith.constant 0 : i32
    return %arg0, %c0_i32 : i32, i32
  }
}

module attributes {stable_mosaic.version = 14 : i64} {
  func.func @_edge_mlp_body(%arg0: i32, %arg1: memref<1280x128xf32, #tpu.memory_space<vmem>>, %arg2: memref<1280x128xf32, #tpu.memory_space<vmem>>, %arg3: memref<128x128xf32, #tpu.memory_space<vmem>>, %arg4: memref<1x128xf32, #tpu.memory_space<vmem>>, %arg5: memref<128x128xf32, #tpu.memory_space<vmem>>, %arg6: memref<1x128xf32, #tpu.memory_space<vmem>>, %arg7: memref<1280x128xf32, #tpu.memory_space<vmem>>, %arg8: memref<1280x128xf32, #tpu.memory_space<vmem>>, %arg9: memref<1280x128xf32, #tpu.memory_space<vmem>>) attributes {dimension_semantics = [#tpu.dimension_semantics<arbitrary>], iteration_bounds = array<i64: 125>, scalar_prefetch = 0 : i64, scratch_operands = 0 : i64, tpu.core_type = #tpu.core_type<tc>, window_params = [{transform_indices = @transform_0, window_bounds = array<i64: 1280, 128>}, {transform_indices = @transform_1, window_bounds = array<i64: 1280, 128>}, {pipeline_mode = #tpu.pipeline_mode<synchronous>, transform_indices = @transform_2, window_bounds = array<i64: 128, 128>}, {pipeline_mode = #tpu.pipeline_mode<synchronous>, transform_indices = @transform_3, window_bounds = array<i64: 1, 128>}, {pipeline_mode = #tpu.pipeline_mode<synchronous>, transform_indices = @transform_4, window_bounds = array<i64: 128, 128>}, {pipeline_mode = #tpu.pipeline_mode<synchronous>, transform_indices = @transform_5, window_bounds = array<i64: 1, 128>}, {transform_indices = @transform_6, window_bounds = array<i64: 1280, 128>}, {transform_indices = @transform_7, window_bounds = array<i64: 1280, 128>}, {transform_indices = @transform_8, window_bounds = array<i64: 1280, 128>}]} {
    %get3A = arith.constant 0 : index
    %get3A_0 = arith.constant 0 : index
    %get3A_1 = vector.load %arg1[%get3A, %get3A_0] : memref<1280x128xf32, #tpu.memory_space<vmem>>, vector<1280x128xf32>
    %get3A_2 = arith.constant 0 : index
    %get3A_3 = arith.constant 0 : index
    %get3A_4 = vector.load %arg2[%get3A_2, %get3A_3] : memref<1280x128xf32, #tpu.memory_space<vmem>>, vector<1280x128xf32>
    %get3A_5 = arith.constant 0 : index
    %get3A_6 = arith.constant 0 : index
    %get3A_7 = vector.load %arg3[%get3A_5, %get3A_6] : memref<128x128xf32, #tpu.memory_space<vmem>>, vector<128x128xf32>
    %dot_general3A = arith.constant dense<0.000000e+00> : vector<1280x128xf32>
    %dot_general3A_8 = tpu.matmul %get3A_4, %get3A_7, %dot_general3A {dimension_numbers = #tpu.dot_dimension_numbers<[1], [0], [0], [1], [0, 0, 1, 1], [], []>, transpose_lhs_hint = false} : vector<1280x128xf32>, vector<128x128xf32>, vector<1280x128xf32> -> vector<1280x128xf32>
    %add3A = arith.addf %get3A_1, %dot_general3A_8 : vector<1280x128xf32>
    %get3A_9 = arith.constant 0 : index
    %get3A_10 = arith.constant 0 : index
    %get3A_11 = vector.load %arg4[%get3A_9, %get3A_10] : memref<1x128xf32, #tpu.memory_space<vmem>>, vector<1x128xf32>
    %add3A_12 = vector.broadcast %get3A_11 : vector<1x128xf32> to vector<1280x128xf32>
    %add3A_13 = arith.addf %add3A, %add3A_12 : vector<1280x128xf32>
    %logistic3A = arith.negf %add3A_13 : vector<1280x128xf32>
    %logistic3A_14 = math.exp %logistic3A : vector<1280x128xf32>
    %logistic3A_15 = arith.constant 1.000000e+00 : f32
    %logistic3A_16 = vector.broadcast %logistic3A_15 : f32 to vector<1280x128xf32>
    %logistic3A_17 = arith.addf %logistic3A_16, %logistic3A_14 : vector<1280x128xf32>
    %logistic3A_18 = arith.divf %logistic3A_16, %logistic3A_17 : vector<1280x128xf32>
    %mul3A = arith.mulf %add3A_13, %logistic3A_18 : vector<1280x128xf32>
    %get3A_19 = arith.constant 0 : index
    %get3A_20 = arith.constant 0 : index
    %get3A_21 = vector.load %arg5[%get3A_19, %get3A_20] : memref<128x128xf32, #tpu.memory_space<vmem>>, vector<128x128xf32>
    %dot_general3A_22 = arith.constant dense<0.000000e+00> : vector<1280x128xf32>
    %dot_general3A_23 = tpu.matmul %mul3A, %get3A_21, %dot_general3A_22 {dimension_numbers = #tpu.dot_dimension_numbers<[1], [0], [0], [1], [0, 0, 1, 1], [], []>, transpose_lhs_hint = false} : vector<1280x128xf32>, vector<128x128xf32>, vector<1280x128xf32> -> vector<1280x128xf32>
    %get3A_24 = arith.constant 0 : index
    %get3A_25 = arith.constant 0 : index
    %get3A_26 = vector.load %arg6[%get3A_24, %get3A_25] : memref<1x128xf32, #tpu.memory_space<vmem>>, vector<1x128xf32>
    %add3A_27 = vector.broadcast %get3A_26 : vector<1x128xf32> to vector<1280x128xf32>
    %add3A_28 = arith.addf %dot_general3A_23, %add3A_27 : vector<1280x128xf32>
    %swap3A = arith.constant 0 : index
    %swap3A_29 = arith.constant 0 : index
    %swap3A_30 = vector.load %arg7[%swap3A, %swap3A_29] : memref<1280x128xf32, #tpu.memory_space<vmem>>, vector<1280x128xf32>
    tpu.vector_store %arg7[%swap3A, %swap3A_29], %add3A_28 {strides = array<i32>} : memref<1280x128xf32, #tpu.memory_space<vmem>>, vector<1280x128xf32>,
    %broadcast_in_dim3A = arith.constant 1.000000e+00 : f32
    %broadcast_in_dim3A_31 = vector.broadcast %broadcast_in_dim3A : f32 to vector<1280x1xf32>
    %broadcast_in_dim3A_32 = arith.constant 0.000000e+00 : f32
    %broadcast_in_dim3A_33 = vector.broadcast %broadcast_in_dim3A_32 : f32 to vector<1280x63xf32>
    %slice3A = vector.extract_strided_slice %add3A_28 {offsets = [0, 0], sizes = [1280, 64], strides = [1, 1]} : vector<1280x128xf32> to vector<1280x64xf32>
    %concatenate3A = tpu.concatenate %slice3A, %broadcast_in_dim3A_31, %broadcast_in_dim3A_33 in 1 : vector<1280x64xf32>, vector<1280x1xf32>, vector<1280x63xf32> -> vector<1280x128xf32>
    %swap3A_34 = arith.constant 0 : index
    %swap3A_35 = arith.constant 0 : index
    %swap3A_36 = vector.load %arg8[%swap3A_34, %swap3A_35] : memref<1280x128xf32, #tpu.memory_space<vmem>>, vector<1280x128xf32>
    tpu.vector_store %arg8[%swap3A_34, %swap3A_35], %concatenate3A {strides = array<i32>} : memref<1280x128xf32, #tpu.memory_space<vmem>>, vector<1280x128xf32>,
    %slice3A_37 = vector.extract_strided_slice %add3A_28 {offsets = [0, 64], sizes = [1280, 64], strides = [1, 1]} : vector<1280x128xf32> to vector<1280x64xf32>
    %concatenate3A_38 = tpu.concatenate %slice3A_37, %broadcast_in_dim3A_31, %broadcast_in_dim3A_33 in 1 : vector<1280x64xf32>, vector<1280x1xf32>, vector<1280x63xf32> -> vector<1280x128xf32>
    %swap3A_39 = arith.constant 0 : index
    %swap3A_40 = arith.constant 0 : index
    %swap3A_41 = vector.load %arg9[%swap3A_39, %swap3A_40] : memref<1280x128xf32, #tpu.memory_space<vmem>>, vector<1280x128xf32>
    tpu.vector_store %arg9[%swap3A_39, %swap3A_40], %concatenate3A_38 {strides = array<i32>} : memref<1280x128xf32, #tpu.memory_space<vmem>>, vector<1280x128xf32>,
    return
  }
  func.func @transform_0(%arg0: i32) -> (i32, i32) {
    %c0_i32 = arith.constant 0 : i32
    %c0_i32_0 = arith.constant 0 : i32
    return %arg0, %c0_i32 : i32, i32
  }
  func.func @transform_1(%arg0: i32) -> (i32, i32) {
    %add3A = arith.constant 125 : i32
    %add3A_0 = arith.addi %arg0, %add3A : i32
    %c0_i32 = arith.constant 0 : i32
    %c0_i32_1 = arith.constant 0 : i32
    return %add3A_0, %c0_i32 : i32, i32
  }
  func.func @transform_2(%arg0: i32) -> (i32, i32) {
    %c0_i32 = arith.constant 0 : i32
    %c0_i32_0 = arith.constant 0 : i32
    %c0_i32_1 = arith.constant 0 : i32
    return %c0_i32, %c0_i32_0 : i32, i32
  }
  func.func @transform_3(%arg0: i32) -> (i32, i32) {
    %c0_i32 = arith.constant 0 : i32
    %c0_i32_0 = arith.constant 0 : i32
    %c0_i32_1 = arith.constant 0 : i32
    return %c0_i32, %c0_i32_0 : i32, i32
  }
  func.func @transform_4(%arg0: i32) -> (i32, i32) {
    %c0_i32 = arith.constant 0 : i32
    %c0_i32_0 = arith.constant 0 : i32
    %c0_i32_1 = arith.constant 0 : i32
    return %c0_i32, %c0_i32_0 : i32, i32
  }
  func.func @transform_5(%arg0: i32) -> (i32, i32) {
    %c0_i32 = arith.constant 0 : i32
    %c0_i32_0 = arith.constant 0 : i32
    %c0_i32_1 = arith.constant 0 : i32
    return %c0_i32, %c0_i32_0 : i32, i32
  }
  func.func @transform_6(%arg0: i32) -> (i32, i32) {
    %c0_i32 = arith.constant 0 : i32
    %c0_i32_0 = arith.constant 0 : i32
    return %arg0, %c0_i32 : i32, i32
  }
  func.func @transform_7(%arg0: i32) -> (i32, i32) {
    %c0_i32 = arith.constant 0 : i32
    %c0_i32_0 = arith.constant 0 : i32
    return %arg0, %c0_i32 : i32, i32
  }
  func.func @transform_8(%arg0: i32) -> (i32, i32) {
    %c0_i32 = arith.constant 0 : i32
    %c0_i32_0 = arith.constant 0 : i32
    return %arg0, %c0_i32 : i32, i32
  }
}

module attributes {stable_mosaic.version = 14 : i64} {
  func.func @_node_body(%arg0: i32, %arg1: memref<2000x128xf32, #tpu.memory_space<vmem>>, %arg2: memref<4x2000x128xf32, #tpu.memory_space<vmem>>, %arg3: memref<128x128xf32, #tpu.memory_space<vmem>>, %arg4: memref<1x128xf32, #tpu.memory_space<vmem>>, %arg5: memref<256x128xf32, #tpu.memory_space<vmem>>, %arg6: memref<1x128xf32, #tpu.memory_space<vmem>>, %arg7: memref<256x128xf32, #tpu.memory_space<vmem>>, %arg8: memref<1x128xf32, #tpu.memory_space<vmem>>, %arg9: memref<256x256xf32, #tpu.memory_space<vmem>>, %arg10: memref<1x256xf32, #tpu.memory_space<vmem>>, %arg11: memref<256x128xf32, #tpu.memory_space<vmem>>, %arg12: memref<1x128xf32, #tpu.memory_space<vmem>>, %arg13: memref<1x128xf32, #tpu.memory_space<vmem>>, %arg14: memref<1x128xf32, #tpu.memory_space<vmem>>, %arg15: memref<2000x128xf32, #tpu.memory_space<vmem>>) attributes {dimension_semantics = [#tpu.dimension_semantics<arbitrary>], iteration_bounds = array<i64: 5>, scalar_prefetch = 0 : i64, scratch_operands = 0 : i64, tpu.core_type = #tpu.core_type<tc>, window_params = [{transform_indices = @transform_0, window_bounds = array<i64: 2000, 128>}, {transform_indices = @transform_1, window_bounds = array<i64: 4, 2000, 128>}, {pipeline_mode = #tpu.pipeline_mode<synchronous>, transform_indices = @transform_2, window_bounds = array<i64: 128, 128>}, {pipeline_mode = #tpu.pipeline_mode<synchronous>, transform_indices = @transform_3, window_bounds = array<i64: 1, 128>}, {pipeline_mode = #tpu.pipeline_mode<synchronous>, transform_indices = @transform_4, window_bounds = array<i64: 256, 128>}, {pipeline_mode = #tpu.pipeline_mode<synchronous>, transform_indices = @transform_5, window_bounds = array<i64: 1, 128>}, {pipeline_mode = #tpu.pipeline_mode<synchronous>, transform_indices = @transform_6, window_bounds = array<i64: 256, 128>}, {pipeline_mode = #tpu.pipeline_mode<synchronous>, transform_indices = @transform_7, window_bounds = array<i64: 1, 128>}, {pipeline_mode = #tpu.pipeline_mode<synchronous>, transform_indices = @transform_8, window_bounds = array<i64: 256, 256>}, {pipeline_mode = #tpu.pipeline_mode<synchronous>, transform_indices = @transform_9, window_bounds = array<i64: 1, 256>}, {pipeline_mode = #tpu.pipeline_mode<synchronous>, transform_indices = @transform_10, window_bounds = array<i64: 256, 128>}, {pipeline_mode = #tpu.pipeline_mode<synchronous>, transform_indices = @transform_11, window_bounds = array<i64: 1, 128>}, {pipeline_mode = #tpu.pipeline_mode<synchronous>, transform_indices = @transform_12, window_bounds = array<i64: 1, 128>}, {pipeline_mode = #tpu.pipeline_mode<synchronous>, transform_indices = @transform_13, window_bounds = array<i64: 1, 128>}, {transform_indices = @transform_14, window_bounds = array<i64: 2000, 128>}]} {
    %get3A = arith.constant 0 : index
    %get3A_0 = arith.constant 0 : index
    %get3A_1 = vector.load %arg1[%get3A, %get3A_0] : memref<2000x128xf32, #tpu.memory_space<vmem>>, vector<2000x128xf32>
    %get3A_2 = arith.constant 0 : index
    %get3A_3 = arith.constant 0 : index
    %get3A_4 = arith.constant 0 : index
    %get3A_5 = vector.load %arg2[%get3A_2, %get3A_3, %get3A_4] : memref<4x2000x128xf32, #tpu.memory_space<vmem>>, vector<1x2000x128xf32>
    %get3A_6 = vector.shape_cast %get3A_5 : vector<1x2000x128xf32> to vector<2000x128xf32>
    %get3A_7 = arith.constant 1 : index
    %get3A_8 = arith.constant 0 : index
    %get3A_9 = arith.constant 0 : index
    %get3A_10 = vector.load %arg2[%get3A_7, %get3A_8, %get3A_9] : memref<4x2000x128xf32, #tpu.memory_space<vmem>>, vector<1x2000x128xf32>
    %get3A_11 = vector.shape_cast %get3A_10 : vector<1x2000x128xf32> to vector<2000x128xf32>
    %get3A_12 = arith.constant 2 : index
    %get3A_13 = arith.constant 0 : index
    %get3A_14 = arith.constant 0 : index
    %get3A_15 = vector.load %arg2[%get3A_12, %get3A_13, %get3A_14] : memref<4x2000x128xf32, #tpu.memory_space<vmem>>, vector<1x2000x128xf32>
    %get3A_16 = vector.shape_cast %get3A_15 : vector<1x2000x128xf32> to vector<2000x128xf32>
    %add3A = arith.addf %get3A_6, %get3A_16 : vector<2000x128xf32>
    %get3A_17 = arith.constant 3 : index
    %get3A_18 = arith.constant 0 : index
    %get3A_19 = arith.constant 0 : index
    %get3A_20 = vector.load %arg2[%get3A_17, %get3A_18, %get3A_19] : memref<4x2000x128xf32, #tpu.memory_space<vmem>>, vector<1x2000x128xf32>
    %get3A_21 = vector.shape_cast %get3A_20 : vector<1x2000x128xf32> to vector<2000x128xf32>
    %add3A_22 = arith.addf %get3A_11, %get3A_21 : vector<2000x128xf32>
    %slice3A = vector.extract_strided_slice %add3A {offsets = [0, 0], sizes = [2000, 64], strides = [1, 1]} : vector<2000x128xf32> to vector<2000x64xf32>
    %slice3A_23 = vector.extract_strided_slice %add3A {offsets = [0, 64], sizes = [2000, 1], strides = [1, 1]} : vector<2000x128xf32> to vector<2000x1xf32>
    %max3A = arith.constant 1.000000e+00 : f32
    %max3A_24 = vector.broadcast %max3A : f32 to vector<2000x1xf32>
    %max3A_25 = arith.maximumf %slice3A_23, %max3A_24 : vector<2000x1xf32>
    %div3A = vector.broadcast %max3A_25 : vector<2000x1xf32> to vector<2000x64xf32>
    %div3A_26 = arith.divf %slice3A, %div3A : vector<2000x64xf32>
    %slice3A_27 = vector.extract_strided_slice %add3A_22 {offsets = [0, 0], sizes = [2000, 64], strides = [1, 1]} : vector<2000x128xf32> to vector<2000x64xf32>
    %slice3A_28 = vector.extract_strided_slice %add3A_22 {offsets = [0, 64], sizes = [2000, 1], strides = [1, 1]} : vector<2000x128xf32> to vector<2000x1xf32>
    %max3A_29 = arith.constant 1.000000e+00 : f32
    %max3A_30 = vector.broadcast %max3A_29 : f32 to vector<2000x1xf32>
    %max3A_31 = arith.maximumf %slice3A_28, %max3A_30 : vector<2000x1xf32>
    %div3A_32 = vector.broadcast %max3A_31 : vector<2000x1xf32> to vector<2000x64xf32>
    %div3A_33 = arith.divf %slice3A_27, %div3A_32 : vector<2000x64xf32>
    %concatenate3A = tpu.concatenate %div3A_26, %div3A_33 in 1 : vector<2000x64xf32>, vector<2000x64xf32> -> vector<2000x128xf32>
    %get3A_34 = arith.constant 0 : index
    %get3A_35 = arith.constant 0 : index
    %get3A_36 = vector.load %arg3[%get3A_34, %get3A_35] : memref<128x128xf32, #tpu.memory_space<vmem>>, vector<128x128xf32>
    %dot_general3A = arith.constant dense<0.000000e+00> : vector<2000x128xf32>
    %dot_general3A_37 = tpu.matmul %concatenate3A, %get3A_36, %dot_general3A {dimension_numbers = #tpu.dot_dimension_numbers<[1], [0], [0], [1], [0, 0, 1, 1], [], []>, transpose_lhs_hint = false} : vector<2000x128xf32>, vector<128x128xf32>, vector<2000x128xf32> -> vector<2000x128xf32>
    %get3A_38 = arith.constant 0 : index
    %get3A_39 = arith.constant 0 : index
    %get3A_40 = vector.load %arg4[%get3A_38, %get3A_39] : memref<1x128xf32, #tpu.memory_space<vmem>>, vector<1x128xf32>
    %add3A_41 = vector.broadcast %get3A_40 : vector<1x128xf32> to vector<2000x128xf32>
    %add3A_42 = arith.addf %dot_general3A_37, %add3A_41 : vector<2000x128xf32>
    %concatenate3A_43 = tpu.concatenate %get3A_1, %add3A_42 in 1 : vector<2000x128xf32>, vector<2000x128xf32> -> vector<2000x256xf32>
    %get3A_44 = arith.constant 0 : index
    %get3A_45 = arith.constant 0 : index
    %get3A_46 = vector.load %arg5[%get3A_44, %get3A_45] : memref<256x128xf32, #tpu.memory_space<vmem>>, vector<256x128xf32>
    %dot_general3A_47 = arith.constant dense<0.000000e+00> : vector<2000x128xf32>
    %dot_general3A_48 = tpu.matmul %concatenate3A_43, %get3A_46, %dot_general3A_47 {dimension_numbers = #tpu.dot_dimension_numbers<[1], [0], [0], [1], [0, 0, 1, 1], [], []>, transpose_lhs_hint = false} : vector<2000x256xf32>, vector<256x128xf32>, vector<2000x128xf32> -> vector<2000x128xf32>
    %get3A_49 = arith.constant 0 : index
    %get3A_50 = arith.constant 0 : index
    %get3A_51 = vector.load %arg6[%get3A_49, %get3A_50] : memref<1x128xf32, #tpu.memory_space<vmem>>, vector<1x128xf32>
    %add3A_52 = vector.broadcast %get3A_51 : vector<1x128xf32> to vector<2000x128xf32>
    %add3A_53 = arith.addf %dot_general3A_48, %add3A_52 : vector<2000x128xf32>
    %custom_jvp_call3A = arith.constant 0.000000e+00 : f32
    %max3A_54 = vector.broadcast %custom_jvp_call3A : f32 to vector<2000x128xf32>
    %max3A_55 = arith.maximumf %add3A_53, %max3A_54 : vector<2000x128xf32>
    %sub3A = vector.broadcast %custom_jvp_call3A : f32 to vector<2000x128xf32>
    %sub3A_56 = arith.subf %add3A_53, %sub3A : vector<2000x128xf32>
    %ne3A = arith.cmpf one, %sub3A_56, %sub3A_56 : vector<2000x128xf32>
    %add3A_57 = vector.broadcast %custom_jvp_call3A : f32 to vector<2000x128xf32>
    %add3A_58 = arith.addf %add3A_53, %add3A_57 : vector<2000x128xf32>
    %abs3A = math.absf %sub3A_56 : vector<2000x128xf32>
    %neg3A = arith.constant 0.000000e+00 : f32
    %neg3A_59 = vector.broadcast %neg3A : f32 to vector<2000x128xf32>
    %neg3A_60 = arith.subf %neg3A_59, %abs3A : vector<2000x128xf32>
    %exp3A = math.exp %neg3A_60 : vector<2000x128xf32>
    %log1p3A = math.log1p %exp3A : vector<2000x128xf32>
    %add3A_61 = arith.addf %max3A_55, %log1p3A : vector<2000x128xf32>
    %select_n3A = arith.select %ne3A, %add3A_58, %add3A_61 : vector<2000x128xi1>, vector<2000x128xf32>
    %max3A_62 = arith.constant 0.00999999977 : f32
    %max3A_63 = vector.broadcast %max3A_62 : f32 to vector<2000x128xf32>
    %max3A_64 = arith.maximumf %select_n3A, %max3A_63 : vector<2000x128xf32>
    %get3A_65 = arith.constant 0 : index
    %get3A_66 = arith.constant 0 : index
    %get3A_67 = vector.load %arg7[%get3A_65, %get3A_66] : memref<256x128xf32, #tpu.memory_space<vmem>>, vector<256x128xf32>
    %dot_general3A_68 = arith.constant dense<0.000000e+00> : vector<2000x128xf32>
    %dot_general3A_69 = tpu.matmul %concatenate3A_43, %get3A_67, %dot_general3A_68 {dimension_numbers = #tpu.dot_dimension_numbers<[1], [0], [0], [1], [0, 0, 1, 1], [], []>, transpose_lhs_hint = false} : vector<2000x256xf32>, vector<256x128xf32>, vector<2000x128xf32> -> vector<2000x128xf32>
    %get3A_70 = arith.constant 0 : index
    %get3A_71 = arith.constant 0 : index
    %get3A_72 = vector.load %arg8[%get3A_70, %get3A_71] : memref<1x128xf32, #tpu.memory_space<vmem>>, vector<1x128xf32>
    %add3A_73 = vector.broadcast %get3A_72 : vector<1x128xf32> to vector<2000x128xf32>
    %add3A_74 = arith.addf %dot_general3A_69, %add3A_73 : vector<2000x128xf32>
    %logistic3A = arith.negf %add3A_74 : vector<2000x128xf32>
    %logistic3A_75 = math.exp %logistic3A : vector<2000x128xf32>
    %logistic3A_76 = arith.constant 1.000000e+00 : f32
    %logistic3A_77 = vector.broadcast %logistic3A_76 : f32 to vector<2000x128xf32>
    %logistic3A_78 = arith.addf %logistic3A_77, %logistic3A_75 : vector<2000x128xf32>
    %logistic3A_79 = arith.divf %logistic3A_77, %logistic3A_78 : vector<2000x128xf32>
    %get3A_80 = arith.constant 0 : index
    %get3A_81 = arith.constant 0 : index
    %get3A_82 = vector.load %arg9[%get3A_80, %get3A_81] : memref<256x256xf32, #tpu.memory_space<vmem>>, vector<256x256xf32>
    %dot_general3A_83 = arith.constant dense<0.000000e+00> : vector<2000x256xf32>
    %dot_general3A_84 = tpu.matmul %concatenate3A_43, %get3A_82, %dot_general3A_83 {dimension_numbers = #tpu.dot_dimension_numbers<[1], [0], [0], [1], [0, 0, 1, 1], [], []>, transpose_lhs_hint = false} : vector<2000x256xf32>, vector<256x256xf32>, vector<2000x256xf32> -> vector<2000x256xf32>
    %get3A_85 = arith.constant 0 : index
    %get3A_86 = arith.constant 0 : index
    %get3A_87 = vector.load %arg10[%get3A_85, %get3A_86] : memref<1x256xf32, #tpu.memory_space<vmem>>, vector<1x256xf32>
    %add3A_88 = vector.broadcast %get3A_87 : vector<1x256xf32> to vector<2000x256xf32>
    %add3A_89 = arith.addf %dot_general3A_84, %add3A_88 : vector<2000x256xf32>
    %logistic3A_90 = arith.negf %add3A_89 : vector<2000x256xf32>
    %logistic3A_91 = math.exp %logistic3A_90 : vector<2000x256xf32>
    %logistic3A_92 = arith.constant 1.000000e+00 : f32
    %logistic3A_93 = vector.broadcast %logistic3A_92 : f32 to vector<2000x256xf32>
    %logistic3A_94 = arith.addf %logistic3A_93, %logistic3A_91 : vector<2000x256xf32>
    %logistic3A_95 = arith.divf %logistic3A_93, %logistic3A_94 : vector<2000x256xf32>
    %mul3A = arith.mulf %add3A_89, %logistic3A_95 : vector<2000x256xf32>
    %get3A_96 = arith.constant 0 : index
    %get3A_97 = arith.constant 0 : index
    %get3A_98 = vector.load %arg11[%get3A_96, %get3A_97] : memref<256x128xf32, #tpu.memory_space<vmem>>, vector<256x128xf32>
    %dot_general3A_99 = arith.constant dense<0.000000e+00> : vector<2000x128xf32>
    %dot_general3A_100 = tpu.matmul %mul3A, %get3A_98, %dot_general3A_99 {dimension_numbers = #tpu.dot_dimension_numbers<[1], [0], [0], [1], [0, 0, 1, 1], [], []>, transpose_lhs_hint = false} : vector<2000x256xf32>, vector<256x128xf32>, vector<2000x128xf32> -> vector<2000x128xf32>
    %get3A_101 = arith.constant 0 : index
    %get3A_102 = arith.constant 0 : index
    %get3A_103 = vector.load %arg12[%get3A_101, %get3A_102] : memref<1x128xf32, #tpu.memory_space<vmem>>, vector<1x128xf32>
    %add3A_104 = vector.broadcast %get3A_103 : vector<1x128xf32> to vector<2000x128xf32>
    %add3A_105 = arith.addf %dot_general3A_100, %add3A_104 : vector<2000x128xf32>
    %tanh3A = math.tanh %add3A_105 : vector<2000x128xf32>
    %mul3A_106 = arith.mulf %tanh3A, %logistic3A_79 : vector<2000x128xf32>
    %div3A_107 = arith.constant 1.000000e+00 : f32
    %div3A_108 = vector.broadcast %div3A_107 : f32 to vector<2000x128xf32>
    %div3A_109 = arith.divf %div3A_108, %max3A_64 : vector<2000x128xf32>
    %neg3A_110 = arith.constant 0.000000e+00 : f32
    %neg3A_111 = vector.broadcast %neg3A_110 : f32 to vector<2000x128xf32>
    %neg3A_112 = arith.subf %neg3A_111, %get3A_1 : vector<2000x128xf32>
    %add3A_113 = arith.addf %neg3A_112, %mul3A_106 : vector<2000x128xf32>
    %mul3A_114 = arith.mulf %div3A_109, %add3A_113 : vector<2000x128xf32>
    %mul3A_115 = arith.constant 5.000000e-02 : f32
    %mul3A_116 = vector.broadcast %mul3A_115 : f32 to vector<2000x128xf32>
    %mul3A_117 = arith.mulf %mul3A_114, %mul3A_116 : vector<2000x128xf32>
    %add3A_118 = arith.addf %get3A_1, %mul3A_117 : vector<2000x128xf32>
    %reduce_sum3A = arith.constant dense<0.000000e+00> : vector<2000xf32>
    %reduce_sum3A_119 = vector.multi_reduction <add>, %add3A_118, %reduce_sum3A [1] : vector<2000x128xf32> to vector<2000xf32>
    %broadcast_in_dim3A = vector.shape_cast %reduce_sum3A_119 : vector<2000xf32> to vector<2000x1xf32>
    %div3A_120 = arith.constant 1.280000e+02 : f32
    %div3A_121 = vector.broadcast %div3A_120 : f32 to vector<2000x1xf32>
    %div3A_122 = arith.divf %broadcast_in_dim3A, %div3A_121 : vector<2000x1xf32>
    %sub3A_123 = vector.broadcast %div3A_122 : vector<2000x1xf32> to vector<2000x128xf32>
    %sub3A_124 = arith.subf %add3A_118, %sub3A_123 : vector<2000x128xf32>
    %integer_pow3A = arith.mulf %sub3A_124, %sub3A_124 : vector<2000x128xf32>
    %reduce_sum3A_125 = arith.constant dense<0.000000e+00> : vector<2000xf32>
    %reduce_sum3A_126 = vector.multi_reduction <add>, %integer_pow3A, %reduce_sum3A_125 [1] : vector<2000x128xf32> to vector<2000xf32>
    %broadcast_in_dim3A_127 = vector.shape_cast %reduce_sum3A_126 : vector<2000xf32> to vector<2000x1xf32>
    %div3A_128 = arith.constant 1.280000e+02 : f32
    %div3A_129 = vector.broadcast %div3A_128 : f32 to vector<2000x1xf32>
    %div3A_130 = arith.divf %broadcast_in_dim3A_127, %div3A_129 : vector<2000x1xf32>
    %sub3A_131 = vector.broadcast %div3A_122 : vector<2000x1xf32> to vector<2000x128xf32>
    %sub3A_132 = arith.subf %add3A_118, %sub3A_131 : vector<2000x128xf32>
    %add3A_133 = arith.constant 9.99999974E-6 : f32
    %add3A_134 = vector.broadcast %add3A_133 : f32 to vector<2000x1xf32>
    %add3A_135 = arith.addf %div3A_130, %add3A_134 : vector<2000x1xf32>
    %sqrt3A = math.sqrt %add3A_135 : vector<2000x1xf32>
    %div3A_136 = vector.broadcast %sqrt3A : vector<2000x1xf32> to vector<2000x128xf32>
    %div3A_137 = arith.divf %sub3A_132, %div3A_136 : vector<2000x128xf32>
    %get3A_138 = arith.constant 0 : index
    %get3A_139 = arith.constant 0 : index
    %get3A_140 = vector.load %arg13[%get3A_138, %get3A_139] : memref<1x128xf32, #tpu.memory_space<vmem>>, vector<1x128xf32>
    %mul3A_141 = vector.broadcast %get3A_140 : vector<1x128xf32> to vector<2000x128xf32>
    %mul3A_142 = arith.mulf %div3A_137, %mul3A_141 : vector<2000x128xf32>
    %get3A_143 = arith.constant 0 : index
    %get3A_144 = arith.constant 0 : index
    %get3A_145 = vector.load %arg14[%get3A_143, %get3A_144] : memref<1x128xf32, #tpu.memory_space<vmem>>, vector<1x128xf32>
    %add3A_146 = vector.broadcast %get3A_145 : vector<1x128xf32> to vector<2000x128xf32>
    %add3A_147 = arith.addf %mul3A_142, %add3A_146 : vector<2000x128xf32>
    %swap3A = arith.constant 0 : index
    %swap3A_148 = arith.constant 0 : index
    %swap3A_149 = vector.load %arg15[%swap3A, %swap3A_148] : memref<2000x128xf32, #tpu.memory_space<vmem>>, vector<2000x128xf32>
    tpu.vector_store %arg15[%swap3A, %swap3A_148], %add3A_147 {strides = array<i32>} : memref<2000x128xf32, #tpu.memory_space<vmem>>, vector<2000x128xf32>,
    return
  }
  func.func @transform_0(%arg0: i32) -> (i32, i32) {
    %c0_i32 = arith.constant 0 : i32
    %c0_i32_0 = arith.constant 0 : i32
    return %arg0, %c0_i32 : i32, i32
  }
  func.func @transform_1(%arg0: i32) -> (i32, i32, i32) {
    %c0_i32 = arith.constant 0 : i32
    %c0_i32_0 = arith.constant 0 : i32
    %c0_i32_1 = arith.constant 0 : i32
    return %c0_i32, %arg0, %c0_i32_0 : i32, i32, i32
  }
  func.func @transform_2(%arg0: i32) -> (i32, i32) {
    %c0_i32 = arith.constant 0 : i32
    %c0_i32_0 = arith.constant 0 : i32
    %c0_i32_1 = arith.constant 0 : i32
    return %c0_i32, %c0_i32_0 : i32, i32
  }
  func.func @transform_3(%arg0: i32) -> (i32, i32) {
    %c0_i32 = arith.constant 0 : i32
    %c0_i32_0 = arith.constant 0 : i32
    %c0_i32_1 = arith.constant 0 : i32
    return %c0_i32, %c0_i32_0 : i32, i32
  }
  func.func @transform_4(%arg0: i32) -> (i32, i32) {
    %c0_i32 = arith.constant 0 : i32
    %c0_i32_0 = arith.constant 0 : i32
    %c0_i32_1 = arith.constant 0 : i32
    return %c0_i32, %c0_i32_0 : i32, i32
  }
  func.func @transform_5(%arg0: i32) -> (i32, i32) {
    %c0_i32 = arith.constant 0 : i32
    %c0_i32_0 = arith.constant 0 : i32
    %c0_i32_1 = arith.constant 0 : i32
    return %c0_i32, %c0_i32_0 : i32, i32
  }
  func.func @transform_6(%arg0: i32) -> (i32, i32) {
    %c0_i32 = arith.constant 0 : i32
    %c0_i32_0 = arith.constant 0 : i32
    %c0_i32_1 = arith.constant 0 : i32
    return %c0_i32, %c0_i32_0 : i32, i32
  }
  func.func @transform_7(%arg0: i32) -> (i32, i32) {
    %c0_i32 = arith.constant 0 : i32
    %c0_i32_0 = arith.constant 0 : i32
    %c0_i32_1 = arith.constant 0 : i32
    return %c0_i32, %c0_i32_0 : i32, i32
  }
  func.func @transform_8(%arg0: i32) -> (i32, i32) {
    %c0_i32 = arith.constant 0 : i32
    %c0_i32_0 = arith.constant 0 : i32
    %c0_i32_1 = arith.constant 0 : i32
    return %c0_i32, %c0_i32_0 : i32, i32
  }
  func.func @transform_9(%arg0: i32) -> (i32, i32) {
    %c0_i32 = arith.constant 0 : i32
    %c0_i32_0 = arith.constant 0 : i32
    %c0_i32_1 = arith.constant 0 : i32
    return %c0_i32, %c0_i32_0 : i32, i32
  }
  func.func @transform_10(%arg0: i32) -> (i32, i32) {
    %c0_i32 = arith.constant 0 : i32
    %c0_i32_0 = arith.constant 0 : i32
    %c0_i32_1 = arith.constant 0 : i32
    return %c0_i32, %c0_i32_0 : i32, i32
  }
  func.func @transform_11(%arg0: i32) -> (i32, i32) {
    %c0_i32 = arith.constant 0 : i32
    %c0_i32_0 = arith.constant 0 : i32
    %c0_i32_1 = arith.constant 0 : i32
    return %c0_i32, %c0_i32_0 : i32, i32
  }
  func.func @transform_12(%arg0: i32) -> (i32, i32) {
    %c0_i32 = arith.constant 0 : i32
    %c0_i32_0 = arith.constant 0 : i32
    %c0_i32_1 = arith.constant 0 : i32
    return %c0_i32, %c0_i32_0 : i32, i32
  }
  func.func @transform_13(%arg0: i32) -> (i32, i32) {
    %c0_i32 = arith.constant 0 : i32
    %c0_i32_0 = arith.constant 0 : i32
    %c0_i32_1 = arith.constant 0 : i32
    return %c0_i32, %c0_i32_0 : i32, i32
  }
  func.func @transform_14(%arg0: i32) -> (i32, i32) {
    %c0_i32 = arith.constant 0 : i32
    %c0_i32_0 = arith.constant 0 : i32
    return %arg0, %c0_i32 : i32, i32
  }
}

</mosaic_0001>

<sc_bundles>
// kernel: kernel.11.cloned.1.call-start
scs
__scs_entry_jumppad:
0x0: {  	(pc) =	sbr.rel $0x88, $3  }
0x1: {  	(tag) =	ssettag $0x0;
	lr =	simm.s32 $0x1  }
0x2: {  	[smem:$0x3F8E] =	sst lr;
	_ =	strace $0xD0000000  }
0x3: {  	_ = 	snop  }
0x4: {  	_ = 	snop  }
0x5: {  	_ = 	snop  }
0x6: {  	_ = 	snop  }
0x7: {  	_ = 	snop  }
__scs_overlays_trampoline_lowered:
0x8: {  	[smem:$0x3F9D] =	sst s0  }
0x9: {  	[smem:$0x3F9E] =	sst s1  }
0xa: {  	[smem:$0x3F9F] =	sst s2  }
0xb: {  	[smem:$0x3FA0] =	sst s3  }
0xc: {  	[smem:$0x3FA1] =	sst s4  }
0xd: {  	[smem:$0x3FA2] =	sst s5  }
0xe: {  	[smem:$0x3FA3] =	sst s6  }
0xf: {  	[smem:$0x3FA4] =	sst s7  }
0x10: {  	[smem:$0x3FA5] =	sst s8  }
0x11: {  	[smem:$0x3FA6] =	sst s9;
	s0 =	simm.s32 @!p0 $0x0  }
0x12: {  	s1 =	sld [smem:$0x3F8C];
	s0 =	simm.s32 @p0 $0x1  }
0x13: {  	[smem:$0x3FA7] =	sst s0;
	s0 =	simm.s32 @!p1 $0x0  }
0x14: {  	s2 =	sld [smem:$0x3F8B];
	s0 =	simm.s32 @p1 $0x1  }
0x15: {  	[smem:$0x3FA8] =	sst s0;
	s0 =	simm.s32 @!p2 $0x0  }
0x16: {  	s3 =	sld [smem:$0x3FDB];
	s0 =	simm.s32 @p2 $0x1  }
0x17: {  	s4 =	simm.s32 $0x1BF5;
	[smem:$0x3FAA] =	sst s0  }
0x18: {  	s0 =	sld [smem:$0x3F8D];
	_ =	swait.ge [sflag:s4], $0x0  }
0x19: {  	s7 =	sld [smem:$0x3F8E]  }
0x1a: {  	s8 =	sadd.s32 $0xFFFFE003, lr  }
0x1b: {  	s9 =	sadd.s32 $0xFFFFFEF7, lr;
	s5 =	simm.s32 $0xFFFFFFFF;
	p2 =	slt.u32 s8, $0xFFFFF086  }
0x1c: {  	p1 =	slt.u32 s9, $0xF7A;
	s5 =	simm.s32 @!p2 $0x0  }
0x1d: {  	s5 =	simm.s32 @p1 $0x1;
	p0 =	seq.s32 s7, s2  }
0x1e: {  	s7 =	smul.u32 @!p0 $0xF7A, s2;
	p2 =	seq.s32 @!p0 s5, $0x0  }
0x1f: {  	s9 =	smul.u32 $0xF7A, s1;
	s8 =	simm.s32 @!p0 $0x1BF5;
	p2 =	por !p2, p0  }
0x20: {  	[sflag:s8] =	ssyncset.s32 @!p0 $0xFFFFF086;
	s6 =	sadd.s32 @!p0 s3, s7;
	s7 =	simm.s32 @!p0 $0x108  }
0x21: {  	s3 =	sadd.s32 s3, s9;
	s6 =	sadd.s32 @!p0 $0x88, s6;
	s7 =	simm.s32 @p2 $0x1082  }
0x22: {  	[simem:s7], [sflag:s8] =	dma.local @!p0 [hbm:s6], $0xF7A  }
0x23: {  	s9 =	sor.u32 $0xD0000000, s2;
	s6 =	simm.s32 $0x108;
	_ =	swait.ge @!p0 [sflag:s8], $0x0  }
0x24: {  	s3 =	sadd.s32 $0x88, s3;
	s6 =	simm.s32 @!p1 $0x1082;
	[sflag:s4] =	ssyncset.s32 $0xFFFFF086  }
0x25: {  	[simem:s6], [sflag:s4] =	dma.local [hbm:s3], $0xF7A  }
0x26: {  	[smem:$0x3F8E] =	sst s1;
	(tag) =	ssettag s2;
	_ =	strace s9  }
0x27: {  	s1 =	sld [smem:$0x3F9E]  }
0x28: {  	s2 =	sld [smem:$0x3F9F]  }
0x29: {  	s4 =	sld [smem:$0x3FA1]  }
0x2a: {  	p0 =	seq.s32 s5, $0x0;
	s5 =	sld [smem:$0x3FA2]  }
0x2b: {  	s6 =	sld [smem:$0x3FA3]  }
0x2c: {  	s7 =	sld [smem:$0x3FA4]  }
0x2d: {  	s3 =	simm.s32 $0x108;
	s8 =	sld [smem:$0x3FA5]  }
0x2e: {  	s3 =	simm.s32 @!p0 $0x1082;
	s9 =	sld [smem:$0x3FA6]  }
0x2f: {  	lr =	sadd.s32 s0, s3;
	s0 =	sld [smem:$0x3F9D]  }
0x30: {  	s3 =	sld [smem:$0x3FA0]  }
0x31: {  	[smem:$0x3FA9] =	sst s10  }
0x32: {  	s10 =	sld [smem:$0x3FA7];
	_ =	sdelay $0x3  }
0x33: {  	p0 =	seq.s32 s10, $0x1;
	s10 =	sld [smem:$0x3FA9];
	_ =	sdelay $0x3  }
0x34: {  	[smem:$0x3FA9] =	sst s10  }
0x35: {  	s10 =	sld [smem:$0x3FA8];
	_ =	sdelay $0x3  }
0x36: {  	p1 =	seq.s32 s10, $0x1;
	s10 =	sld [smem:$0x3FA9];
	_ =	sdelay $0x3  }
0x37: {  	[smem:$0x3FA9] =	sst s10  }
0x38: {  	s10 =	sld [smem:$0x3FAA]  }
0x39: {  	_ = 	snop;
	(pc) =	sbr.ind lr, $3  }
0x3a: {  	_ = 	snop  }
0x3b: {  	_ = 	snop  }
0x3c: {  	p2 =	seq.s32 s10, $0x1;
	s10 =	sld [smem:$0x3FA9]  }
0x3d: {  	_ =	shalt  }
0x3e: {  	_ =	shalt  }
0x3f: {  	_ =	shalt  }
0x40: {  	_ =	shalt  }
0x41: {  	_ =	shalt  }
0x42: {  	_ =	shalt  }
0x43: {  	_ =	shalt  }
0x44: {  	_ =	shalt  }
0x45: {  	_ =	shalt  }
0x46: {  	_ =	shalt  }
0x47: {  	_ =	shalt  }
0x48: {  	_ =	shalt  }
0x49: {  	_ =	shalt  }
0x4a: {  	_ =	shalt  }
0x4b: {  	_ =	shalt  }
0x4c: {  	_ =	shalt  }
0x4d: {  	_ =	shalt  }
0x4e: {  	_ =	shalt  }
0x4f: {  	_ =	shalt  }
0x50: {  	_ =	shalt  }
0x51: {  	_ =	shalt  }
0x52: {  	_ =	shalt  }
0x53: {  	_ =	shalt  }
0x54: {  	_ =	shalt  }
0x55: {  	_ =	shalt  }
0x56: {  	_ =	shalt  }
0x57: {  	_ =	shalt  }
0x58: {  	_ =	shalt  }
0x59: {  	_ =	shalt  }
0x5a: {  	_ =	shalt  }
0x5b: {  	_ =	shalt  }
0x5c: {  	_ =	shalt  }
0x5d: {  	_ =	shalt  }
0x5e: {  	_ =	shalt  }
0x5f: {  	_ =	shalt  }
0x60: {  	_ =	shalt  }
0x61: {  	_ =	shalt  }
0x62: {  	_ =	shalt  }
0x63: {  	_ =	shalt  }
0x64: {  	_ =	shalt  }
0x65: {  	_ =	shalt  }
0x66: {  	_ =	shalt  }
0x67: {  	_ =	shalt  }
0x68: {  	_ =	shalt  }
0x69: {  	_ =	shalt  }
0x6a: {  	_ =	shalt  }
0x6b: {  	_ =	shalt  }
0x6c: {  	_ =	shalt  }
0x6d: {  	_ =	shalt  }
0x6e: {  	_ =	shalt  }
0x6f: {  	_ =	shalt  }
0x70: {  	_ =	shalt  }
0x71: {  	_ =	shalt  }
0x72: {  	_ =	shalt  }
0x73: {  	_ =	shalt  }
0x74: {  	_ =	shalt  }
0x75: {  	_ =	shalt  }
0x76: {  	_ =	shalt  }
0x77: {  	_ =	shalt  }
0x78: {  	_ =	shalt  }
0x79: {  	_ =	shalt  }
0x7a: {  	_ =	shalt  }
0x7b: {  	_ =	shalt  }
0x7c: {  	_ =	shalt  }
0x7d: {  	_ =	shalt  }
0x7e: {  	_ =	shalt  }
0x7f: {  	_ =	shalt  }
0x80: {  	_ =	shalt  }
0x81: {  	_ =	shalt  }
0x82: {  	_ =	shalt  }
0x83: {  	_ =	shalt  }
0x84: {  	_ =	shalt  }
0x85: {  	_ =	shalt  }
0x86: {  	_ =	shalt  }
0x87: {  	_ =	shalt  }
.Lfunc_end0:
.L_simem_size_0:
called_computation_lowered:
.L_overlay_start_0:
0x88: {  	s2 =	sld [smem:$0x3FD9]  }
0x89: {  	s3 =	sld [smem:$0x3FFE];
	_ =	sdelay $0x1  }
0x8a: {  	s1 =	srdreg.scid  }
0x8b: {  	s0 =	sand.u32 $0x1, s1  }
0x8c: {  	s14 =	sshll.u32 s0, $0xA;
	s2 =	sadd.s32 s3, s2  }
0x8d: {  	s2 =	sadd.s32 s2, s14  }
0x8e: {  	[smem:$0x3FB5] =	sst s2  }
0x8f: {  	_ = 	snop  }
0x90: {  	s2 =	sld [smem:$0x3FD0];
	_ =	sdelay $0x2  }
0x91: {  	s15 =	simm.s32 $0xB;
	s4 =	simm.s32 $0x10  }
0x92: {  	[smem:s4], [sflag:s15] =	dma.local [hbm:s2], $0x1  }
0x93: {  	_ =	swait.eq [sflag:s15], $0x1  }
0x94: {  	[sflag:s15] =	ssyncset.done $0x0  }
0x95: {  	[sflag:s15] =	ssyncadd.s32 $0xFFFFFFFF  }
0x96: {  	s16 =	sld [smem:$0x10];
	(tm) =	ssettm $0x1  }
0x97: {  	s17 =	sld [smem:$0x3FFB];
	_ =	sdelay $0x3  }
0x98: {  	_ =	strace s17  }
0x99: {  	s3 =	sld [smem:$0x3FFC];
	_ =	sdelay $0x3  }
0x9a: {  	_ =	strace s3  }
0x9b: {  	s3 =	sld [smem:$0x3FFD];
	_ =	sdelay $0x3  }
0x9c: {  	_ =	strace s3  }
0x9d: {  	_ =	strace $0x8FFFFFFF  }
0x9e: {  	s18 =	sld [smem:$0x3FDB];
	_ =	sdelay $0x1  }
0x9f: {  	s19 =	simm.s32 $_scs_section_size  }
0xa0: {  	s5 =	simm.s32 $_size__tile_overlayer_lowered;
	s6 =	simm.s32 $_tile_overlayer_lowered  }
0xa1: {  	s22 =	simm.s32 $0x1BFF;
	s21 =	sshll.u32 s6, $0x1;
	s3 =	sadd.s32 s19, s18  }
0xa2: {  	s7 =	simm.s32 $0x0;
	s20 =	sshll.u32 s5, $0x1;
	s5 =	sadd.s32 s21, s3  }
0xa3: {  	[timem:s7], [sflag:s22] =	dma.local [hbm:s5], s20  }
0xa4: {  	_ =	swait.ge [sflag:s22], s20  }
0xa5: {  	s4 =	ssub.s32 $0x0, s20;
	[sflag:s22] =	ssyncset.done $0x0  }
0xa6: {  	[sflag:s22] =	ssyncadd.s32 s4;
	_ =	sdelay $0x1  }
0xa7: {  	s23 =	simm.s32 $0x1B8B  }
0xa8: {  	_ =	swait.ge [sflag:s23], $0x1  }
0xa9: {  	[sflag:s23] =	ssyncset.done $0x0  }
0xaa: {  	s25 =	simm.s32 $0x1B8E;
	s24 =	sld [smem:$0x3FFE];
	[sflag:s23] =	ssyncadd.s32 $0xFFFFFFFF  }
0xab: {  	s26 =	simm.s32 $execute0_lowered;
	[smem:$0x3FD2] =	sst s25  }
0xac: {  	s5 =	sshll.u32 s26, $0x1;
	_ =	strace $0x80000046;
	[dreg:$0x1] =	wrdreg $0xFFFFFFFF  }
0xad: {  	s28 =	simm.s32 $_size_execute0_lowered;
	s3 =	sadd.s32 s3, s5;
	[dreg:$0x0] =	wrdreg $0x0  }
0xae: {  	s5 =	sshll.u32 s28, $0x1;
	[dreg:$0x2] =	wrdreg s3  }
0xaf: {  	[dreg:$0x3] =	wrdreg s5  }
0xb0: {  	[dreg:$0x4] =	wrdreg $0xC0  }
0xb1: {  	_ =	task [dreg:s7], $0x5FFFF  }
0xb2: {  	[dreg:$0x1] =	wrdreg $0xFFFFFFFF  }
0xb3: {  	[dreg:$0x0] =	wrdreg $0x60  }
0xb4: {  	[dreg:$0x2] =	wrdreg s16  }
0xb5: {  	[dreg:$0x3] =	wrdreg s24  }
0xb6: {  	[dreg:$0x4] =	wrdreg $0x9  }
0xb7: {  	_ =	task.clear_ibuf [dreg:s7], $0x5FFFF;
	_ =	strace $0x90000046  }
0xb8: {  	s29 =	simm.s32 $0x9;
	_ =	strace $0x80000048  }
0xb9: {  	_ =	swait.ge [sflag:s29], $0x1  }
0xba: {  	[sflag:s29] =	ssyncadd.s32 $0xFFFFFFFF  }
0xbb: {  	_ =	strace $0x90000048  }
0xbc: {  	_ =	sfence  }
0xbd: {  	s30 =	sld [smem:$0x0];
	_ =	sdelay $0x2  }
0xbe: {  	s31 =	sshll.u32 s1, $0xD;
	s1 =	sshrl.u32 s1, $0x2  }
0xbf: {  	s3 =	sand.u32 $0x4000, s31;
	s1 =	sadd.s32 s1, s30  }
0xc0: {  	s0 =	sor.u32 s3, s0;
	s1 =	sshll.u32 s1, $0x11  }
0xc1: {  	s0 =	sor.u32 s1, s0  }
0xc2: {  	s0 =	sadd.s32 $0x8F2B, s0  }
0xc3: {  	[sflag:s0] =	ssyncadd.remote.s32 $0x1  }
0xc4: {  	_ =	sfence.sel $0xFFFF  }
0xc5: {  	[dreg:$0x0] =	wrdreg $0xFFFFFFFF;
	(pc) =	sbr.abs _section_cstart, $3  }
0xc6: {  	[dreg:$0x1] =	wrdreg $0xFFFFFFFF  }
0xc7: {  	_ =	task.clear_ibuf [dreg:s7], $0x2FFFF;
	_ =	strace $0x9FFFFFFF  }
0xc8: {  	(tm) =	ssettm $0x7FFFFFFF  }
0xc9: {  	_ =	shalt  }
tec
execute0_lowered:
.L_overlay_start_1:
0x0: {  	(tag) =	ssettag $0x1  }
0x1: {  	s1 =	rddreg [dreg:$0x0]  }
0x2: {  	s5 =	rddreg [dreg:$0x1];
	s2 =	simm.s32 $0x0;
	s0 =	stileid.u32  }
0x3: {  	s6 =	srdreg.scid;
	s17 =	simm.s32 $0x1;
	s18 =	simm.s32 $0x100  }
0x4: {  	s19 =	simm.s32 $0x2;
	s20 =	simm.s32 $0x3;
	s21 =	simm.s32 $0x6  }
0x5: {  	s22 =	simm.s32 $0x0;
	[smem:$0x7FF] =	sst s2;
	s4 =	sadd.s32 $0xEC00, s5  }
0x6: {  	s11 =	sadd.s32 $0x9C00, s5;
	s12 =	sadd.s32 $0x4C00, s5;
	s13 =	sand.u32 $0x1, s6  }
0x7: {  	s26 =	sshll.u32 s0, $0x1;
	s7 =	sshll.u32 s0, $0xC;
	s31 =	sshll.u32 s0, $0x5  }
0x8: {  	_ =	strace $0x80000047;
	s8 =	ssub.s32 $0x2, s13;
	s6 =	sor.u32 s13, s26  }
0x9: {  	s14 =	sadd.s32 s7, s5;
	s15 =	sshll.u32 s13, $0xB;
	s16 =	sadd.s32 s31, s11  }
0xa: {  	s13 =	sshll.u32 s13, $0x4;
	s28 =	sshrl.u32 s8, $0x1;
	s29 =	ssub.s32 $0x501, s6  }
0xb: {  	s30 =	sshll.u32 s6, $0x4;
	s14 =	sadd.s32 s15, s14;
	s15 =	sadd.s32 s31, s12  }
0xc: {  	s10 =	ssub.s32 s8, s28;
	s5 =	sshrl.u32 s29, $0x5;
	s9 =	sor.u32 $0x200, s30  }
0xd: {  	s6 =	sadd.s32 s11, s30;
	s7 =	sadd.s32 s12, s30;
	s8 =	sadd.s32 s11, s9  }
0xe: {  	s9 =	sadd.s32 s12, s9;
	s10 =	smax.u32 s10, $0x1;
	s11 =	sadd.s32 $0x35E00, s14  }
0xf: {  	s12 =	sadd.s32 s13, s16;
	s13 =	sadd.s32 s13, s15;
	s14 =	simm.s32 $0x80  }
.LBB2_1:
0x10: {  	[tilespmem:s2], [sflag:$0x1] =	stream.linear.gather [hbm4b:s6+s2], $0x80, $0x38;
	[tilespmem:$0x8200] =	vst v63  }
0x11: {  	_ = 	snop  }
0x12: {  	[tilespmem:s14], [sflag:$0x1] =	stream.linear.gather [hbm4b:s7+s2], $0x80, $0x38;
	[tilespmem:$0x8200] =	vst v63  }
0x13: {  	s0 =	simm.s32 $0x4100  }
0x14: {  	[tilespmem:s0], [sflag:$0x4] =	stream.linear.gather [hbm4b:s8+s2], $0x80, $0x38;
	[tilespmem:$0x8200] =	vst v63  }
0x15: {  	s26 =	simm.s32 $0x4180  }
0x16: {  	[tilespmem:s26], [sflag:$0x4] =	stream.linear.gather [hbm4b:s9+s2], $0x80, $0x38;
	[tilespmem:$0x8200] =	vst v63  }
0x17: {  	_ =	swait.ge [sflag:s17], $0x80  }
0x18: {  	[sflag:s17] =	ssyncset.done $0x0  }
0x19: {  	[sflag:s17] =	ssyncadd.s32 $0xFFFFFF80  }
0x1a: {  	_ =	swait.ge [sflag:s17], $0x80  }
0x1b: {  	p0 =	por $0x1, $0x1;
	[sflag:s17] =	ssyncset.done $0x0  }
0x1c: {  	s23 =	simm.s32 @!p0 $0x3;
	[sflag:s17] =	ssyncadd.s32 $0xFFFFFF80  }
0x1d: {  	_ =	swait.ge @!p0 [sflag:s23], $0x4000  }
0x1e: {  	[sflag:s23] =	ssyncset.done @!p0 $0x0  }
0x1f: {  	[sflag:s23] =	ssyncadd.s32 @!p0 $0xFFFFC000  }
0x20: {  	[tilespmem:s18], [sflag:$0x2] =	stream.indirect.gather [hbm4b:s1+s14], $0x80, s2, s14, $0xb8;
	[tilespmem:$0x8200] =	vst v63  }
0x21: {  	_ =	swait.ge [sflag:s19], $0x4000  }
0x22: {  	[sflag:s19] =	ssyncset.done $0x0  }
0x23: {  	[sflag:s19] =	ssyncadd.s32 $0xFFFFC000  }
0x24: {  	[tilespmem:s18], [sflag:$0x2] =	stream.indirect.gather.add.f32 [hbm:s4], $0x80, s14, s14, $0xb8;
	[tilespmem:$0x8200] =	vst v63  }
0x25: {  	_ =	swait.ge [sflag:s19], $0x4000  }
0x26: {  	p1 =	sle.u32 s5, $0x2;
	[sflag:s19] =	ssyncset.done $0x0  }
0x27: {  	s24 =	simm.s32 @!p1 $0x0;
	s23 =	sadd.s32 @!p1 $0x0, s12;
	[sflag:s19] =	ssyncadd.s32 $0xFFFFC000  }
0x28: {  	[hbm4b:s11+s2] =	stream.linear.scatter [tilespmem:s18], [sflag:$0x3], $0x4000, $0x38;
	[tilespmem:$0x8200] =	vst v63  }
0x29: {  	s25 =	sadd.s32 @!p1 $0x0, s13;
	p0 =	sle.u32 s5, $0x1;
	s23 =	sadd.s32 @!p1 $0x400, s23  }
0x2a: {  	[tilespmem:s24], [sflag:$0x1] =	stream.linear.gather @!p1 [hbm4b:s23+s24], $0x80, $0x38;
	[tilespmem:$0x8200] =	vst v63  }
0x2b: {  	s26 =	simm.s32 @!p0 $0x4;
	s23 =	sadd.s32 @!p1 $0x400, s25;
	s25 =	simm.s32 @!p1 $0x80  }
0x2c: {  	[tilespmem:s25], [sflag:$0x1] =	stream.linear.gather @!p1 [hbm4b:s23+s24], $0x80, $0x38;
	[tilespmem:$0x8200] =	vst v63  }
0x2d: {  	_ =	swait.ge @!p0 [sflag:s26], $0x80  }
0x2e: {  	[sflag:s26] =	ssyncset.done @!p0 $0x0  }
0x2f: {  	[sflag:s26] =	ssyncadd.s32 @!p0 $0xFFFFFF80  }
0x30: {  	p1 =	por @!p0 $0x1, $0x1;
	_ =	swait.ge @!p0 [sflag:s26], $0x80  }
0x31: {  	p1 =	por p1, p0;
	[sflag:s26] =	ssyncset.done @!p0 $0x0  }
0x32: {  	s23 =	simm.s32 @!p1 $0x6;
	[sflag:s26] =	ssyncadd.s32 @!p0 $0xFFFFFF80  }
0x33: {  	_ =	swait.ge @!p1 [sflag:s23], $0x4000  }
0x34: {  	s28 =	simm.s32 @!p0 $0x5;
	s24 =	simm.s32 @!p0 $0x4200;
	[sflag:s23] =	ssyncset.done @!p1 $0x0  }
0x35: {  	s25 =	simm.s32 @!p0 $0x80;
	s26 =	simm.s32 @!p0 $0x4100;
	[sflag:s23] =	ssyncadd.s32 @!p1 $0xFFFFC000  }
0x36: {  	[tilespmem:s24], [sflag:$0x5] =	stream.indirect.gather @!p0 [hbm4b:s1+s25], $0x80, s26, s25, $0xb8;
	[tilespmem:$0x8200] =	vst v63  }
0x37: {  	p1 =	sle.u32 @!p0 s5, $0x3;
	_ =	swait.ge @!p0 [sflag:s28], $0x4000  }
0x38: {  	s23 =	simm.s32 @!p0 $0x4180;
	p2 =	por p1, p0;
	[sflag:s28] =	ssyncset.done @!p0 $0x0  }
0x39: {  	s26 =	sadd.s32 @!p0 $0x10000, s11;
	s29 =	sadd.s32 @!p2 $0x0, s12;
	[sflag:s28] =	ssyncadd.s32 @!p0 $0xFFFFC000  }
0x3a: {  	[tilespmem:s24], [sflag:$0x5] =	stream.indirect.gather.add.f32 @!p0 [hbm:s4], $0x80, s23, s25, $0xb8;
	[tilespmem:$0x8200] =	vst v63  }
0x3b: {  	s31 =	simm.s32 @!p2 $0x4100;
	s30 =	sadd.s32 @!p2 $0x600, s29;
	_ =	swait.ge @!p0 [sflag:s28], $0x4000  }
0x3c: {  	s29 =	simm.s32 @!p2 $0x0;
	s23 =	simm.s32 $0x400;
	[sflag:s28] =	ssyncset.done @!p0 $0x0  }
0x3d: {  	s25 =	simm.s32 @!p0 $0x0;
	[sflag:s28] =	ssyncadd.s32 @!p0 $0xFFFFC000;
	s28 =	simm.s32 @!p2 $0x4180  }
0x3e: {  	[hbm4b:s26+s25] =	stream.linear.scatter @!p0 [tilespmem:s24], [sflag:$0x6], $0x4000, $0x38;
	[tilespmem:$0x8200] =	vst v63  }
0x3f: {  	s24 =	simm.s32 $0x5;
	s25 =	simm.s32 $0x0;
	s26 =	smov.u32 s11  }
.LBB2_2:
0x40: {  	s0 =	sadd.s32 @!p2 s25, s13  }
0x41: {  	s26 =	sadd.s32 $0x20000, s26;
	s25 =	smov.u32 s23;
	s23 =	sadd.s32 $0x400, s23  }
0x42: {  	[tilespmem:s31], [sflag:$0x4] =	stream.linear.gather @!p2 [hbm4b:s30+s29], $0x80, $0x38;
	[tilespmem:$0x8200] =	vst v63  }
0x43: {  	p0 =	sne.s32 s23, $0x5000;
	s0 =	sadd.s32 @!p2 $0x600, s0  }
0x44: {  	[tilespmem:s28], [sflag:$0x4] =	stream.linear.gather @!p2 [hbm4b:s0+s29], $0x80, $0x38;
	[tilespmem:$0x8200] =	vst v63  }
0x45: {  	_ =	swait.ge [sflag:s17], $0x80  }
0x46: {  	[sflag:s17] =	ssyncset.done $0x0  }
0x47: {  	p1 =	seq.s32 s25, $0x0;
	[sflag:s17] =	ssyncadd.s32 $0xFFFFFF80  }
0x48: {  	s0 =	simm.s32 @!p1 $0x3;
	_ =	swait.ge [sflag:s17], $0x80  }
0x49: {  	[sflag:s17] =	ssyncset.done $0x0  }
0x4a: {  	[sflag:s17] =	ssyncadd.s32 $0xFFFFFF80  }
0x4b: {  	_ =	swait.ge @!p1 [sflag:s0], $0x4000  }
0x4c: {  	[sflag:s0] =	ssyncset.done @!p1 $0x0  }
0x4d: {  	[sflag:s0] =	ssyncadd.s32 @!p1 $0xFFFFC000  }
0x4e: {  	[tilespmem:s18], [sflag:$0x2] =	stream.indirect.gather [hbm4b:s1+s14], $0x80, s2, s14, $0xb8;
	[tilespmem:$0x8200] =	vst v63  }
0x4f: {  	_ =	swait.ge [sflag:s19], $0x4000  }
0x50: {  	[sflag:s19] =	ssyncset.done $0x0  }
0x51: {  	s0 =	sadd.s32 $0xFFFFFFFF, s24;
	[sflag:s19] =	ssyncadd.s32 $0xFFFFC000  }
0x52: {  	[tilespmem:s18], [sflag:$0x2] =	stream.indirect.gather.add.f32 [hbm:s4], $0x80, s14, s14, $0xb8;
	[tilespmem:$0x8200] =	vst v63  }
0x53: {  	p3 =	sge.u32 s0, s5;
	s0 =	sadd.s32 $0xFFFFFFFE, s24;
	_ =	swait.ge [sflag:s19], $0x4000  }
0x54: {  	s28 =	sadd.s32 @!p3 s25, s12;
	p1 =	sge.u32 s0, s5;
	[sflag:s19] =	ssyncset.done $0x0  }
0x55: {  	s0 =	simm.s32 @!p3 $0x0;
	s29 =	sadd.s32 @!p3 s25, s13;
	[sflag:s19] =	ssyncadd.s32 $0xFFFFC000  }
0x56: {  	[hbm4b:s26+s2] =	stream.linear.scatter [tilespmem:s18], [sflag:$0x3], $0x4000, $0x38;
	[tilespmem:$0x8200] =	vst v63  }
0x57: {  	s30 =	simm.s32 @!p3 $0x80;
	s28 =	sadd.s32 @!p3 $0x400, s28;
	s29 =	sadd.s32 @!p3 $0x400, s29  }
0x58: {  	[tilespmem:s0], [sflag:$0x1] =	stream.linear.gather @!p3 [hbm4b:s28+s0], $0x80, $0x38;
	[tilespmem:$0x8200] =	vst v63  }
0x59: {  	p4 =	seq.s32 @!p1 s25, $0x0;
	p2 =	sge.u32 @!p1 s24, s5;
	s28 =	simm.s32 @!p1 $0x4  }
0x5a: {  	[tilespmem:s30], [sflag:$0x1] =	stream.linear.gather @!p3 [hbm4b:s29+s0], $0x80, $0x38;
	[tilespmem:$0x8200] =	vst v63  }
0x5b: {  	_ =	swait.ge @!p1 [sflag:s28], $0x80  }
0x5c: {  	[sflag:s28] =	ssyncset.done @!p1 $0x0  }
0x5d: {  	[sflag:s28] =	ssyncadd.s32 @!p1 $0xFFFFFF80  }
0x5e: {  	p3 =	por p4, p1;
	_ =	swait.ge @!p1 [sflag:s28], $0x80  }
0x5f: {  	s0 =	simm.s32 @!p3 $0x6;
	[sflag:s28] =	ssyncset.done @!p1 $0x0  }
0x60: {  	[sflag:s28] =	ssyncadd.s32 @!p1 $0xFFFFFF80  }
0x61: {  	s3 =	simm.s32 @!p1 $0x4200;
	_ =	swait.ge @!p3 [sflag:s0], $0x4000  }
0x62: {  	s29 =	simm.s32 @!p1 $0x4100;
	s28 =	simm.s32 @!p1 $0x80;
	[sflag:s0] =	ssyncset.done @!p3 $0x0  }
0x63: {  	[sflag:s0] =	ssyncadd.s32 @!p3 $0xFFFFC000;
	s0 =	simm.s32 @!p1 $0x5  }
0x64: {  	[tilespmem:s3], [sflag:$0x5] =	stream.indirect.gather @!p1 [hbm4b:s1+s28], $0x80, s29, s28, $0xb8;
	[tilespmem:$0x8200] =	vst v63  }
0x65: {  	_ =	swait.ge @!p1 [sflag:s0], $0x4000  }
0x66: {  	s29 =	simm.s32 @!p1 $0x4180;
	[sflag:s0] =	ssyncset.done @!p1 $0x0  }
0x67: {  	s15 =	simm.s32 @!p1 $0x0;
	[sflag:s0] =	ssyncadd.s32 @!p1 $0xFFFFC000  }
0x68: {  	[tilespmem:s3], [sflag:$0x5] =	stream.indirect.gather.add.f32 @!p1 [hbm:s4], $0x80, s29, s28, $0xb8;
	[tilespmem:$0x8200] =	vst v63  }
.Ltmp0:
0x69: {  	s24 =	sadd.s32 $0x2, s24;
	_ =	swait.ge @!p1 [sflag:s0], $0x4000;
	(pc) =	sbr.rel @p0 .LBB2_2-.Ltmp0, $4  }
0x6a: {  	s16 =	sadd.s32 @!p1 $0x10000, s26;
	p2 =	por p2, p1;
	[sflag:s0] =	ssyncset.done @!p1 $0x0  }
0x6b: {  	s28 =	simm.s32 @!p2 $0x4180;
	[sflag:s0] =	ssyncadd.s32 @!p1 $0xFFFFC000;
	s0 =	sadd.s32 @!p2 s25, s12  }
0x6c: {  	s31 =	simm.s32 @!p2 $0x4100;
	s29 =	simm.s32 @!p2 $0x0;
	s30 =	sadd.s32 @!p2 $0x600, s0  }
0x6d: {  	[hbm4b:s16+s15] =	stream.linear.scatter @!p1 [tilespmem:s3], [sflag:$0x6], $0x4000, $0x38;
	[tilespmem:$0x8200] =	vst v63  }
0x6e: {  	s0 =	sadd.s32 @!p2 s25, s13  }
0x6f: {  	[tilespmem:s31], [sflag:$0x4] =	stream.linear.gather @!p2 [hbm4b:s30+s29], $0x80, $0x38;
	[tilespmem:$0x8200] =	vst v63  }
0x70: {  	s22 =	sadd.s32 $0x1, s22;
	s0 =	sadd.s32 @!p2 $0x600, s0  }
0x71: {  	[tilespmem:s28], [sflag:$0x4] =	stream.linear.gather @!p2 [hbm4b:s0+s29], $0x80, $0x38;
	[tilespmem:$0x8200] =	vst v63  }
0x72: {  	p0 =	sne.s32 s22, s10;
	_ =	swait.ge [sflag:s20], $0x4000  }
.Ltmp1:
0x73: {  	[sflag:s20] =	ssyncset.done $0x0;
	(pc) =	sbr.rel @p0 .LBB2_1-.Ltmp1, $4  }
0x74: {  	[sflag:s20] =	ssyncadd.s32 $0xFFFFC000  }
0x75: {  	_ =	swait.ge [sflag:s21], $0x4000  }
0x76: {  	[sflag:s21] =	ssyncset.done $0x0  }
0x77: {  	[sflag:s21] =	ssyncadd.s32 $0xFFFFC000  }
0x78: {  	_ =	sfence.sel $0x180000  }
0x79: {  	[bflag:$0x0] =	sbarrier.arrive $0xFFFF  }
0x7a: {  	_ =	strace $0x90000047  }
0x7b: {  	s0 =	stileid.u32;
	[bflag:$0x2] =	sbarrier.arrive $0xFFFF  }
0x7c: {  	p0 =	sne.s32 s0, $0x0;
	s0 =	rddreg [dreg:$0x2]  }
0x7d: {  	s0 =	sadd.s32 @!p0 $0x100000, s0  }
0x7e: {  	[sflag:s0] =	ssyncadd.tile.s32 @!p0 $0x1;
	_ =	shalt  }
.Lfunc_end2:
_tile_overlayer_lowered:
.L_overlay_start_2:
0x7f: {  	(tag) =	ssettag $0x2  }
0x80: {  	s0 =	rddreg [dreg:$0x0];
	s2 =	stileid.u32  }
0x81: {  	s1 =	rddreg [dreg:$0x1];
	p0 =	sne.s32 s2, $0x0  }
0x82: {  	s3 =	rddreg [dreg:$0x2];
	[bflag:$0x3] =	sbarrier.arrive $0xFFFF;
	s2 =	simm.s32 @!p0 $0x1C07  }
0x83: {  	[timem:s3], [sflag:s2] =	dma.local @!p0 [hbm:s0], s1  }
0x84: {  	s0 =	simm.s32 @!p0 $0x7  }
0x85: {  	_ =	swait.ge @!p0 [sflag:s0], s1  }
0x86: {  	s1 =	ssub.s32 @!p0 $0x0, s1;
	[sflag:s0] =	ssyncset.done @!p0 $0x0  }
0x87: {  	[sflag:s0] =	ssyncadd.s32 @!p0 s1  }
0x88: {  	[bflag:$0x3] =	sbarrier.arrive $0xFFFF  }
0x89: {  	_ =	shalt  }

// kernel: kernel.14.cloned.1.call-start
scs
__scs_entry_jumppad:
0x0: {  	(pc) =	sbr.rel $0x88, $3  }
0x1: {  	(tag) =	ssettag $0x0;
	lr =	simm.s32 $0x1  }
0x2: {  	[smem:$0x3F8E] =	sst lr;
	_ =	strace $0xD0000000  }
0x3: {  	_ = 	snop  }
0x4: {  	_ = 	snop  }
0x5: {  	_ = 	snop  }
0x6: {  	_ = 	snop  }
0x7: {  	_ = 	snop  }
__scs_overlays_trampoline_lowered:
0x8: {  	[smem:$0x3F9D] =	sst s0  }
0x9: {  	[smem:$0x3F9E] =	sst s1  }
0xa: {  	[smem:$0x3F9F] =	sst s2  }
0xb: {  	[smem:$0x3FA0] =	sst s3  }
0xc: {  	[smem:$0x3FA1] =	sst s4  }
0xd: {  	[smem:$0x3FA2] =	sst s5  }
0xe: {  	[smem:$0x3FA3] =	sst s6  }
0xf: {  	[smem:$0x3FA4] =	sst s7  }
0x10: {  	[smem:$0x3FA5] =	sst s8  }
0x11: {  	[smem:$0x3FA6] =	sst s9;
	s0 =	simm.s32 @!p0 $0x0  }
0x12: {  	s1 =	sld [smem:$0x3F8C];
	s0 =	simm.s32 @p0 $0x1  }
0x13: {  	[smem:$0x3FA7] =	sst s0;
	s0 =	simm.s32 @!p1 $0x0  }
0x14: {  	s2 =	sld [smem:$0x3F8B];
	s0 =	simm.s32 @p1 $0x1  }
0x15: {  	[smem:$0x3FA8] =	sst s0;
	s0 =	simm.s32 @!p2 $0x0  }
0x16: {  	s3 =	sld [smem:$0x3FDB];
	s0 =	simm.s32 @p2 $0x1  }
0x17: {  	s4 =	simm.s32 $0x1BF5;
	[smem:$0x3FAA] =	sst s0  }
0x18: {  	s0 =	sld [smem:$0x3F8D];
	_ =	swait.ge [sflag:s4], $0x0  }
0x19: {  	s7 =	sld [smem:$0x3F8E]  }
0x1a: {  	s8 =	sadd.s32 $0xFFFFE003, lr  }
0x1b: {  	s9 =	sadd.s32 $0xFFFFFEF7, lr;
	s5 =	simm.s32 $0xFFFFFFFF;
	p2 =	slt.u32 s8, $0xFFFFF086  }
0x1c: {  	p1 =	slt.u32 s9, $0xF7A;
	s5 =	simm.s32 @!p2 $0x0  }
0x1d: {  	s5 =	simm.s32 @p1 $0x1;
	p0 =	seq.s32 s7, s2  }
0x1e: {  	s7 =	smul.u32 @!p0 $0xF7A, s2;
	p2 =	seq.s32 @!p0 s5, $0x0  }
0x1f: {  	s9 =	smul.u32 $0xF7A, s1;
	s8 =	simm.s32 @!p0 $0x1BF5;
	p2 =	por !p2, p0  }
0x20: {  	[sflag:s8] =	ssyncset.s32 @!p0 $0xFFFFF086;
	s6 =	sadd.s32 @!p0 s3, s7;
	s7 =	simm.s32 @!p0 $0x108  }
0x21: {  	s3 =	sadd.s32 s3, s9;
	s6 =	sadd.s32 @!p0 $0x88, s6;
	s7 =	simm.s32 @p2 $0x1082  }
0x22: {  	[simem:s7], [sflag:s8] =	dma.local @!p0 [hbm:s6], $0xF7A  }
0x23: {  	s9 =	sor.u32 $0xD0000000, s2;
	s6 =	simm.s32 $0x108;
	_ =	swait.ge @!p0 [sflag:s8], $0x0  }
0x24: {  	s3 =	sadd.s32 $0x88, s3;
	s6 =	simm.s32 @!p1 $0x1082;
	[sflag:s4] =	ssyncset.s32 $0xFFFFF086  }
0x25: {  	[simem:s6], [sflag:s4] =	dma.local [hbm:s3], $0xF7A  }
0x26: {  	[smem:$0x3F8E] =	sst s1;
	(tag) =	ssettag s2;
	_ =	strace s9  }
0x27: {  	s1 =	sld [smem:$0x3F9E]  }
0x28: {  	s2 =	sld [smem:$0x3F9F]  }
0x29: {  	s4 =	sld [smem:$0x3FA1]  }
0x2a: {  	p0 =	seq.s32 s5, $0x0;
	s5 =	sld [smem:$0x3FA2]  }
0x2b: {  	s6 =	sld [smem:$0x3FA3]  }
0x2c: {  	s7 =	sld [smem:$0x3FA4]  }
0x2d: {  	s3 =	simm.s32 $0x108;
	s8 =	sld [smem:$0x3FA5]  }
0x2e: {  	s3 =	simm.s32 @!p0 $0x1082;
	s9 =	sld [smem:$0x3FA6]  }
0x2f: {  	lr =	sadd.s32 s0, s3;
	s0 =	sld [smem:$0x3F9D]  }
0x30: {  	s3 =	sld [smem:$0x3FA0]  }
0x31: {  	[smem:$0x3FA9] =	sst s10  }
0x32: {  	s10 =	sld [smem:$0x3FA7];
	_ =	sdelay $0x3  }
0x33: {  	p0 =	seq.s32 s10, $0x1;
	s10 =	sld [smem:$0x3FA9];
	_ =	sdelay $0x3  }
0x34: {  	[smem:$0x3FA9] =	sst s10  }
0x35: {  	s10 =	sld [smem:$0x3FA8];
	_ =	sdelay $0x3  }
0x36: {  	p1 =	seq.s32 s10, $0x1;
	s10 =	sld [smem:$0x3FA9];
	_ =	sdelay $0x3  }
0x37: {  	[smem:$0x3FA9] =	sst s10  }
0x38: {  	s10 =	sld [smem:$0x3FAA]  }
0x39: {  	_ = 	snop;
	(pc) =	sbr.ind lr, $3  }
0x3a: {  	_ = 	snop  }
0x3b: {  	_ = 	snop  }
0x3c: {  	p2 =	seq.s32 s10, $0x1;
	s10 =	sld [smem:$0x3FA9]  }
0x3d: {  	_ =	shalt  }
0x3e: {  	_ =	shalt  }
0x3f: {  	_ =	shalt  }
0x40: {  	_ =	shalt  }
0x41: {  	_ =	shalt  }
0x42: {  	_ =	shalt  }
0x43: {  	_ =	shalt  }
0x44: {  	_ =	shalt  }
0x45: {  	_ =	shalt  }
0x46: {  	_ =	shalt  }
0x47: {  	_ =	shalt  }
0x48: {  	_ =	shalt  }
0x49: {  	_ =	shalt  }
0x4a: {  	_ =	shalt  }
0x4b: {  	_ =	shalt  }
0x4c: {  	_ =	shalt  }
0x4d: {  	_ =	shalt  }
0x4e: {  	_ =	shalt  }
0x4f: {  	_ =	shalt  }
0x50: {  	_ =	shalt  }
0x51: {  	_ =	shalt  }
0x52: {  	_ =	shalt  }
0x53: {  	_ =	shalt  }
0x54: {  	_ =	shalt  }
0x55: {  	_ =	shalt  }
0x56: {  	_ =	shalt  }
0x57: {  	_ =	shalt  }
0x58: {  	_ =	shalt  }
0x59: {  	_ =	shalt  }
0x5a: {  	_ =	shalt  }
0x5b: {  	_ =	shalt  }
0x5c: {  	_ =	shalt  }
0x5d: {  	_ =	shalt  }
0x5e: {  	_ =	shalt  }
0x5f: {  	_ =	shalt  }
0x60: {  	_ =	shalt  }
0x61: {  	_ =	shalt  }
0x62: {  	_ =	shalt  }
0x63: {  	_ =	shalt  }
0x64: {  	_ =	shalt  }
0x65: {  	_ =	shalt  }
0x66: {  	_ =	shalt  }
0x67: {  	_ =	shalt  }
0x68: {  	_ =	shalt  }
0x69: {  	_ =	shalt  }
0x6a: {  	_ =	shalt  }
0x6b: {  	_ =	shalt  }
0x6c: {  	_ =	shalt  }
0x6d: {  	_ =	shalt  }
0x6e: {  	_ =	shalt  }
0x6f: {  	_ =	shalt  }
0x70: {  	_ =	shalt  }
0x71: {  	_ =	shalt  }
0x72: {  	_ =	shalt  }
0x73: {  	_ =	shalt  }
0x74: {  	_ =	shalt  }
0x75: {  	_ =	shalt  }
0x76: {  	_ =	shalt  }
0x77: {  	_ =	shalt  }
0x78: {  	_ =	shalt  }
0x79: {  	_ =	shalt  }
0x7a: {  	_ =	shalt  }
0x7b: {  	_ =	shalt  }
0x7c: {  	_ =	shalt  }
0x7d: {  	_ =	shalt  }
0x7e: {  	_ =	shalt  }
0x7f: {  	_ =	shalt  }
0x80: {  	_ =	shalt  }
0x81: {  	_ =	shalt  }
0x82: {  	_ =	shalt  }
0x83: {  	_ =	shalt  }
0x84: {  	_ =	shalt  }
0x85: {  	_ =	shalt  }
0x86: {  	_ =	shalt  }
0x87: {  	_ =	shalt  }
.Lfunc_end0:
.L_simem_size_0:
called_computation.1_lowered:
.L_overlay_start_0:
0x88: {  	s2 =	sld [smem:$0x3FD9]  }
0x89: {  	s3 =	sld [smem:$0x3FFE];
	_ =	sdelay $0x1  }
0x8a: {  	s1 =	srdreg.scid  }
0x8b: {  	s0 =	sand.u32 $0x1, s1  }
0x8c: {  	s17 =	sshll.u32 s0, $0xA;
	s2 =	sadd.s32 s3, s2  }
0x8d: {  	s2 =	sadd.s32 s2, s17  }
0x8e: {  	[smem:$0x3FB5] =	sst s2  }
0x8f: {  	_ = 	snop  }
0x90: {  	(tm) =	ssettm $0x1  }
0x91: {  	s18 =	sld [smem:$0x3FFB];
	_ =	sdelay $0x3  }
0x92: {  	_ =	strace s18  }
0x93: {  	s2 =	sld [smem:$0x3FFC];
	_ =	sdelay $0x3  }
0x94: {  	_ =	strace s2  }
0x95: {  	s2 =	sld [smem:$0x3FFD];
	_ =	sdelay $0x3  }
0x96: {  	_ =	strace s2  }
0x97: {  	_ =	strace $0x8FFFFFFF  }
0x98: {  	s19 =	sld [smem:$0x3FDB];
	_ =	sdelay $0x1  }
0x99: {  	s20 =	simm.s32 $_scs_section_size  }
0x9a: {  	s4 =	simm.s32 $_size__tile_overlayer_lowered;
	s5 =	simm.s32 $_tile_overlayer_lowered  }
0x9b: {  	s6 =	simm.s32 $0x1BFF;
	s21 =	sshll.u32 s5, $0x1;
	s3 =	sadd.s32 s20, s19  }
0x9c: {  	s22 =	simm.s32 $0x0;
	s4 =	sshll.u32 s4, $0x1;
	s5 =	sadd.s32 s21, s3  }
0x9d: {  	[timem:s22], [sflag:s6] =	dma.local [hbm:s5], s4  }
0x9e: {  	_ =	swait.ge [sflag:s6], s4  }
0x9f: {  	s4 =	ssub.s32 $0x0, s4;
	[sflag:s6] =	ssyncset.done $0x0  }
0xa0: {  	[sflag:s6] =	ssyncadd.s32 s4;
	_ =	sdelay $0x1  }
0xa1: {  	s23 =	simm.s32 $0x1B8B  }
0xa2: {  	_ =	swait.ge [sflag:s23], $0x1  }
0xa3: {  	[sflag:s23] =	ssyncset.done $0x0  }
0xa4: {  	[sflag:s23] =	ssyncadd.s32 $0xFFFFFFFF  }
0xa5: {  	s4 =	sld [smem:$0x0]  }
0xa6: {  	s5 =	sand.u32 $0xFFFFFFFE, s1  }
0xa7: {  	p0 =	sne.s32 s1, s5  }
0xa8: {  	s5 =	sshll.u32 @p0 s5, $0xE  }
0xa9: {  	s5 =	sadd.s32 @p0 $0x11B8D, s5;
	s6 =	sshll.u32 @p0 s4, $0x11  }
0xaa: {  	s5 =	sor.u32 @p0 s6, s5  }
0xab: {  	[sflag:s5] =	ssyncadd.remote.s32 @p0 $0x1;
	_ =	sdelay $0x1  }
0xac: {  	s5 =	simm.s32 @p0 $0x1B8D  }
0xad: {  	_ =	swait.eq @p0 [sflag:s5], $0x1  }
0xae: {  	[sflag:s5] =	ssyncadd.s32 @p0 $0xFFFFFFFF  }
0xaf: {  	s6 =	sshll.u32 @!p0 s1, $0xE  }
0xb0: {  	s6 =	sor.u32 @!p0 $0x4000, s6;
	s5 =	simm.s32 @!p0 $0x1B8D  }
0xb1: {  	s4 =	sshll.u32 @!p0 s4, $0x11;
	s6 =	sadd.s32 @!p0 $0x11B8D, s6;
	_ =	swait.eq @!p0 [sflag:s5], $0x1  }
0xb2: {  	s4 =	sor.u32 @!p0 s4, s6;
	[sflag:s5] =	ssyncadd.s32 @!p0 $0xFFFFFFFF  }
0xb3: {  	s25 =	simm.s32 $0x1B8E;
	s24 =	sld [smem:$0x3FFE];
	[sflag:s4] =	ssyncadd.remote.s32 @!p0 $0x1  }
0xb4: {  	s26 =	simm.s32 $execute0_lowered;
	[smem:$0x3FD2] =	sst s25  }
0xb5: {  	s5 =	sshll.u32 s26, $0x1;
	_ =	strace $0x8000004C;
	[dreg:$0x1] =	wrdreg $0xFFFFFFFF  }
0xb6: {  	s28 =	simm.s32 $_size_execute0_lowered;
	s3 =	sadd.s32 s3, s5;
	[dreg:$0x0] =	wrdreg $0x0  }
0xb7: {  	s5 =	sshll.u32 s28, $0x1;
	[dreg:$0x2] =	wrdreg s3  }
0xb8: {  	[dreg:$0x3] =	wrdreg s5  }
0xb9: {  	[dreg:$0x4] =	wrdreg $0xC0  }
0xba: {  	_ =	task [dreg:s22], $0x5FFFF  }
0xbb: {  	[dreg:$0x1] =	wrdreg $0xFFFFFFFF  }
0xbc: {  	[dreg:$0x0] =	wrdreg $0x60  }
0xbd: {  	[dreg:$0x2] =	wrdreg s24  }
0xbe: {  	[dreg:$0x3] =	wrdreg $0xE5000  }
0xbf: {  	[dreg:$0x4] =	wrdreg $0x9  }
0xc0: {  	_ =	task.clear_ibuf [dreg:s22], $0x5FFFF;
	_ =	strace $0x9000004C  }
0xc1: {  	s29 =	simm.s32 $0x9;
	_ =	strace $0x8000004E  }
0xc2: {  	_ =	swait.ge [sflag:s29], $0x1  }
0xc3: {  	[sflag:s29] =	ssyncadd.s32 $0xFFFFFFFF  }
0xc4: {  	_ =	strace $0x9000004E  }
0xc5: {  	_ =	sfence  }
0xc6: {  	s30 =	sld [smem:$0x0];
	_ =	sdelay $0x2  }
0xc7: {  	s31 =	sshll.u32 s1, $0xD;
	s1 =	sshrl.u32 s1, $0x2  }
0xc8: {  	s4 =	sand.u32 $0x4000, s31;
	s1 =	sadd.s32 s1, s30  }
0xc9: {  	s0 =	sor.u32 s4, s0;
	s1 =	sshll.u32 s1, $0x11  }
0xca: {  	s0 =	sor.u32 s1, s0  }
0xcb: {  	s0 =	sadd.s32 $0x8F2B, s0  }
0xcc: {  	[sflag:s0] =	ssyncadd.remote.s32 $0x1  }
0xcd: {  	_ =	sfence.sel $0xFFFF  }
0xce: {  	[dreg:$0x0] =	wrdreg $0xFFFFFFFF;
	(pc) =	sbr.abs _section_cstart, $3  }
0xcf: {  	[dreg:$0x1] =	wrdreg $0xFFFFFFFF  }
0xd0: {  	_ =	task.clear_ibuf [dreg:s22], $0x2FFFF;
	_ =	strace $0x9FFFFFFF  }
0xd1: {  	(tm) =	ssettm $0x7FFFFFFF  }
tec
execute0_lowered:
.L_overlay_start_1:
0x0: {  	(tag) =	ssettag $0x1  }
0x1: {  	s0 =	rddreg [dreg:$0x0]  }
0x2: {  	s1 =	rddreg [dreg:$0x1];
	s2 =	simm.s32 $0x0  }
0x3: {  	s28 =	simm.s32 $0x4100;
	[smem:$0x7FF] =	sst s2;
	s3 =	sadd.s32 $0x549E00, s0  }
0x4: {  	s4 =	srdreg.scid;
	s8 =	sadd.s32 $0x7BAE00, s0;
	s9 =	sadd.s32 $0x2B5E00, s0  }
0x5: {  	s23 =	stileid.u32;
	s10 =	sadd.s32 $0x2B0E00, s0;
	s11 =	sadd.s32 $0x2C9E00, s0  }
0x6: {  	s12 =	sadd.s32 $0x2C4E00, s0;
	s7 =	sand.u32 $0x1, s4;
	s5 =	smul.u32 $0x19000, s23  }
0x7: {  	s13 =	sor.u32 $0x10, s23;
	s14 =	ssub.s32 $0x4F1, s23;
	s0 =	sadd.s32 $0x35E00, s0  }
0x8: {  	s31 =	smul.u32 $0x6400, s23;
	s17 =	sshll.u32 s23, $0x4;
	s18 =	sshll.u32 s23, $0xB  }
0x9: {  	p5 =	sgt.u32 s23, $0x9;
	p6 =	sgt.u32 s23, $0x8;
	s15 =	smul.u32 $0x19000, s13  }
0xa: {  	_ =	strace $0x8000004D;
	s4 =	ssub.s32 $0x2, s7;
	s30 =	smul.u32 $0x138800, s7  }
0xb: {  	p0 =	seq.s32 s7, $0x0;
	s19 =	sshll.u32 s13, $0x4;
	s20 =	sshll.u32 s13, $0xB  }
0xc: {  	s13 =	smul.u32 $0x6400, s13;
	s6 =	sshrl.u32 s4, $0x1;
	s5 =	sshrl.u32 s5, $0x2  }
0xd: {  	s11 =	smov.u32 @p0 s9;
	s8 =	smov.u32 @p0 s3;
	s12 =	smov.u32 @p0 s10  }
0xe: {  	s16 =	ssub.s32 s4, s6;
	s4 =	sshrl.u32 s14, $0x4;
	s29 =	sshrl.u32 s15, $0x2  }
0xf: {  	s5 =	sadd.s32 s5, s1;
	s24 =	sadd.s32 s31, s30;
	s25 =	sadd.s32 $0x9C400, s30  }
0x10: {  	s14 =	sadd.s32 s30, s13;
	s30 =	sadd.s32 s11, s19;
	s6 =	sadd.s32 s29, s1  }
0x11: {  	s21 =	sadd.s32 $0x1, s4;
	s22 =	sshrl.u32 s24, $0x3;
	s7 =	sadd.s32 $0xFFFFFFFF, s4  }
0x12: {  	s15 =	sadd.s32 s31, s25;
	s13 =	sadd.s32 s13, s25;
	s14 =	sshrl.u32 s14, $0x3  }
0x13: {  	s29 =	smax.u32 s16, $0x1;
	[dreg:$0x8] =	wrdreg s30;
	s16 =	sadd.s32 s8, s20  }
0x14: {  	s31 =	sadd.s32 s12, s19;
	s24 =	simm.s32 $0x3;
	[dreg:$0x7] =	wrdreg s29  }
0x15: {  	s22 =	sadd.s32 s0, s22;
	s15 =	sshrl.u32 s15, $0x3;
	[dreg:$0x9] =	wrdreg s31  }
0x16: {  	s13 =	sshrl.u32 s13, $0x3;
	s14 =	sadd.s32 s0, s14;
	[dreg:$0x3] =	wrdreg s22  }
0x17: {  	[dreg:$0x4] =	wrdreg s14;
	s26 =	sadd.s32 s0, s15;
	s0 =	sadd.s32 s0, s13  }
0x18: {  	s19 =	sand.u32 $0x5E, s21;
	[dreg:$0x6] =	wrdreg s0;
	s0 =	simm.s32 @!p5 $0x0  }
0x19: {  	s13 =	sadd.s32 s11, s17;
	s14 =	sadd.s32 s8, s18;
	s0 =	simm.s32 @p5 $0x1  }
0x1a: {  	s17 =	sadd.s32 s12, s17;
	[smem:$0x7FC] =	sst s0;
	s0 =	simm.s32 @!p6 $0x0  }
0x1b: {  	[dreg:$0x5] =	wrdreg s26;
	s11 =	sadd.s32 $0x18000, s14;
	s0 =	simm.s32 @p6 $0x1  }
0x1c: {  	v0 =	vimm.f32 $0.0e+00;
	s21 =	sadd.s32 $0x300, s13;
	s22 =	sadd.s32 $0x300, s17;
	[smem:$0x7FD] =	sst s0  }
.LBB2_1:
0x1d: {  	s0 =	simm.s32 $0x0;
	s3 =	simm.s32 $0x200  }
.LBB2_2:
0x1e: {  	p0 =	sne.s32 s3, $0x18E00;
	[tilespmem:s0+$0x8170] =	vst v0  }
0x1f: {  	[tilespmem:s0+$0x8100] =	vst v0  }
0x20: {  	[tilespmem:s0+$0x8110] =	vst v0  }
.Ltmp0:
0x21: {  	[tilespmem:s0+$0x8120] =	vst v0;
	(pc) =	sbr.rel @p0 .LBB2_2-.Ltmp0, $4  }
0x22: {  	[tilespmem:s0+$0x8130] =	vst v0  }
0x23: {  	[tilespmem:s0+$0x8140] =	vst v0  }
0x24: {  	[tilespmem:s0+$0x8150] =	vst v0  }
0x25: {  	[tilespmem:s0+$0x8160] =	vst v0;
	s0 =	sshra.s32 s3, $0x2;
	s3 =	sadd.s32 $0x200, s3  }
0x26: {  	[tilespmem:s0+$0x8170] =	vst v0  }
0x27: {  	[tilespmem:s0+$0x8100] =	vst v0  }
0x28: {  	[tilespmem:s0+$0x8110] =	vst v0  }
0x29: {  	[tilespmem:s0+$0x8120] =	vst v0  }
0x2a: {  	[tilespmem:s0+$0x8130] =	vst v0  }
0x2b: {  	[tilespmem:s0+$0x8140] =	vst v0  }
0x2c: {  	[tilespmem:s0+$0x8150] =	vst v0  }
0x2d: {  	[tilespmem:s0+$0x8160] =	vst v0;
	s25 =	simm.s32 $0x8100  }
0x2e: {  	[spmem:s5] =	stream.linear.scatter [tilespmem:s25], [sflag:$0x3], $0x6400, $0x38;
	[tilespmem:$0x18780] =	vst v63  }
0x2f: {  	s0 =	simm.s32 @!p5 $0x8100;
	s31 =	simm.s32 @!p5 $0x3;
	_ =	swait.ge [sflag:s24], $0x6400  }
0x30: {  	s30 =	simm.s32 $0x0;
	s3 =	simm.s32 $0x80;
	[sflag:s24] =	ssyncset.done $0x0  }
0x31: {  	s8 =	simm.s32 $0x4080;
	p0 =	sle.u32 s4, $0x0;
	[sflag:s24] =	ssyncadd.s32 $0xFFFF9C00  }
0x32: {  	[spmem:s6] =	stream.linear.scatter @!p5 [tilespmem:s0], [sflag:$0x3], $0x6400, $0x38;
	[tilespmem:$0x18780] =	vst v63  }
0x33: {  	s29 =	simm.s32 $0x2;
	p2 =	sne.s32 s19, $0x2;
	_ =	swait.ge @!p5 [sflag:s31], $0x6400  }
0x34: {  	s9 =	simm.s32 $0x0;
	p1 =	sle.u32 @!p0 s4, $0x2;
	[sflag:s31] =	ssyncset.done @!p5 $0x0  }
0x35: {  	p4 =	por p0, p0;
	p0 =	por $0x0, $0x0;
	[sflag:s31] =	ssyncadd.s32 @!p5 $0xFFFF9C00  }
0x36: {  	s10 =	simm.s32 @!p2 $0x0;
	p1 =	por p1, p1;
	[bflag:$0x0] =	sbarrier.arrive $0xFFFF  }
0x37: {  	[tilespmem:s30], [sflag:$0x1] =	stream.linear.gather [hbm4b:s13+s30], $0x80, $0x38;
	[tilespmem:$0x18780] =	vst v63  }
0x38: {  	p3 =	por p4, p4;
	s10 =	simm.s32 @p2 $0x1;
	p6 =	por p1, p1  }
0x39: {  	[tilespmem:s3], [sflag:$0x1] =	stream.linear.gather [hbm4b:s14+s30], $0x4000, $0x38;
	[tilespmem:$0x18780] =	vst v63  }
.Ltmp1:
0x3a: {  	s26 =	rddreg [dreg:$0x8];
	s3 =	simm.s32 @!p0 $0x0;
	(pc) =	sbr.rel @!p2 .LBB2_8-.Ltmp1, $4  }
0x3b: {  	[smem:$0x7FB] =	sst s10;
	s3 =	simm.s32 @p0 $0x1;
	p0 =	por $0x0, $0x0  }
0x3c: {  	[tilespmem:s8], [sflag:$0x2] =	stream.linear.gather [hbm4b:s26+s30], $0x80, $0x38;
	[tilespmem:$0x18780] =	vst v63  }
0x3d: {  	[smem:$0x7FA] =	sst s3;
	s3 =	smov.u32 s21;
	s8 =	smov.u32 s11  }
0x3e: {  	[tilespmem:s28], [sflag:$0x2] =	stream.linear.gather [hbm4b:s16+s30], $0x4000, $0x38;
	[tilespmem:$0x18780] =	vst v63  }
0x3f: {  	s3 =	simm.s32 @!p4 $0x1  }
0x40: {  	_ =	swait.ge @!p4 [sflag:s3], $0x80  }
0x41: {  	[sflag:s3] =	ssyncset.done @!p4 $0x0  }
0x42: {  	[sflag:s3] =	ssyncadd.s32 @!p4 $0xFFFFFF80  }
0x43: {  	_ =	swait.ge @!p4 [sflag:s3], $0x4000  }
0x44: {  	[sflag:s3] =	ssyncset.done @!p4 $0x0  }
0x45: {  	s9 =	simm.s32 @!p4 $0x80;
	[sflag:s3] =	ssyncadd.s32 @!p4 $0xFFFFC000;
	s3 =	simm.s32 @!p4 $0x0  }
0x46: {  	[spmem:s1] =	stream.indirect.scatter.add.f32 @!p4 [tilespmem:s9], [sflag:$0x3], $0x80, s3, s9, $0xb8;
	[tilespmem:$0x18780] =	vst v63  }
0x47: {  	s8 =	simm.s32 @!p4 $0x3;
	s3 =	simm.s32 @!p1 $0x0  }
0x48: {  	_ =	swait.ge @!p4 [sflag:s8], $0x4000;
	s3 =	simm.s32 @p1 $0x1  }
0x49: {  	p0 =	por p1, p4;
	[sflag:s8] =	ssyncset.done @!p4 $0x0;
	[smem:$0x7F9] =	sst s3  }
0x4a: {  	s3 =	sadd.s32 @!p0 $0xFFFFFF00, s21;
	[sflag:s8] =	ssyncadd.s32 @!p4 $0xFFFFC000;
	s8 =	simm.s32 @!p0 $0x0  }
0x4b: {  	[tilespmem:s8], [sflag:$0x1] =	stream.linear.gather @!p0 [hbm4b:s3+s8], $0x80, $0x38;
	[tilespmem:$0x18780] =	vst v63  }
0x4c: {  	s9 =	simm.s32 @!p0 $0x80;
	p1 =	sle.u32 s7, $0x0;
	s3 =	sadd.s32 @!p0 $0xFFFF8000, s11  }
0x4d: {  	[tilespmem:s9], [sflag:$0x1] =	stream.linear.gather @!p0 [hbm4b:s3+s8], $0x4000, $0x38;
	[tilespmem:$0x18780] =	vst v63  }
0x4e: {  	s3 =	simm.s32 @!p1 $0x2  }
0x4f: {  	p2 =	sle.u32 s4, $0x2;
	_ =	swait.ge @!p1 [sflag:s3], $0x80  }
0x50: {  	s10 =	simm.s32 $0x4;
	p3 =	sle.u32 @!p2 s4, $0x4;
	[sflag:s3] =	ssyncset.done @!p1 $0x0  }
0x51: {  	s20 =	smov.u32 s11;
	p6 =	por p3, p3;
	[sflag:s3] =	ssyncadd.s32 @!p1 $0xFFFFFF80  }
0x52: {  	s12 =	simm.s32 @!p1 $0x4080;
	s15 =	simm.s32 @!p1 $0x4100;
	_ =	swait.ge @!p1 [sflag:s3], $0x4000  }
0x53: {  	p5 =	sle.u32 @!p1 s4, $0x3;
	p0 =	sne.s32 s19, $0x4;
	[sflag:s3] =	ssyncset.done @!p1 $0x0  }
0x54: {  	s8 =	simm.s32 @!p1 $0x80;
	s9 =	simm.s32 @!p1 $0x3;
	[sflag:s3] =	ssyncadd.s32 @!p1 $0xFFFFC000  }
0x55: {  	[spmem:s1] =	stream.indirect.scatter.add.f32 @!p1 [tilespmem:s15], [sflag:$0x3], $0x80, s12, s8, $0xb8;
	[tilespmem:$0x18780] =	vst v63  }
.Ltmp2:
0x56: {  	p5 =	por p5, p1;
	_ =	swait.ge @!p1 [sflag:s9], $0x4000;
	(pc) =	sbr.rel @!p0 .LBB2_5-.Ltmp2, $4  }
0x57: {  	p3 =	por p2, p2;
	s23 =	simm.s32 @!p5 $0x4100;
	[sflag:s9] =	ssyncset.done @!p1 $0x0  }
0x58: {  	s3 =	simm.s32 @!p5 $0x4080;
	s15 =	simm.s32 @!p5 $0x0;
	[sflag:s9] =	ssyncadd.s32 @!p1 $0xFFFFC000  }
0x59: {  	[tilespmem:s3], [sflag:$0x2] =	stream.linear.gather @!p5 [hbm4b:s21+s15], $0x80, $0x38;
	[tilespmem:$0x18780] =	vst v63  }
0x5a: {  	s8 =	sadd.s32 $0x10000, s11;
	s9 =	simm.s32 $0x2;
	s3 =	sadd.s32 $0x200, s21  }
.LBB2_6:
0x5b: {  	p1 =	sge.u32 s10, s4;
	s25 =	simm.s32 @!p3 $0x1  }
0x5c: {  	s18 =	smov.u32 s10;
	s10 =	sadd.s32 $0x2, s10;
	s12 =	smov.u32 s3  }
0x5d: {  	[tilespmem:s23], [sflag:$0x2] =	stream.linear.gather @!p5 [hbm4b:s20+s15], $0x4000, $0x38;
	[tilespmem:$0x18780] =	vst v63  }
0x5e: {  	s15 =	sadd.s32 @!p1 $0x2, s18;
	p0 =	sne.s32 s19, s10;
	_ =	swait.ge @!p3 [sflag:s25], $0x80  }
0x5f: {  	s20 =	smov.u32 s8;
	p2 =	sge.u32 @!p1 s15, s4;
	[sflag:s25] =	ssyncset.done @!p3 $0x0  }
0x60: {  	[sflag:s25] =	ssyncadd.s32 @!p3 $0xFFFFFF80  }
0x61: {  	_ =	swait.ge @!p3 [sflag:s25], $0x4000  }
0x62: {  	s15 =	simm.s32 @!p3 $0x3;
	[sflag:s25] =	ssyncset.done @!p3 $0x0  }
0x63: {  	s23 =	simm.s32 @!p3 $0x0;
	[sflag:s25] =	ssyncadd.s32 @!p3 $0xFFFFC000;
	s25 =	simm.s32 @!p3 $0x80  }
0x64: {  	[spmem:s1] =	stream.indirect.scatter.add.f32 @!p3 [tilespmem:s25], [sflag:$0x3], $0x80, s23, s25, $0xb8;
	[tilespmem:$0x18780] =	vst v63  }
0x65: {  	_ =	swait.ge @!p3 [sflag:s15], $0x4000  }
0x66: {  	p5 =	por p6, p3;
	p6 =	por p2, p2;
	[sflag:s15] =	ssyncset.done @!p3 $0x0  }
0x67: {  	s23 =	simm.s32 @!p5 $0x0;
	[sflag:s15] =	ssyncadd.s32 @!p3 $0xFFFFC000;
	s15 =	sadd.s32 @!p5 $0xFFFFFF00, s3  }
0x68: {  	[tilespmem:s23], [sflag:$0x1] =	stream.linear.gather @!p5 [hbm4b:s15+s23], $0x80, $0x38;
	[tilespmem:$0x18780] =	vst v63  }
0x69: {  	p2 =	sge.u32 s9, s7;
	s25 =	simm.s32 @!p5 $0x80;
	s15 =	sadd.s32 @!p5 $0xFFFF8000, s8  }
0x6a: {  	[tilespmem:s25], [sflag:$0x1] =	stream.linear.gather @!p5 [hbm4b:s15+s23], $0x4000, $0x38;
	[tilespmem:$0x18780] =	vst v63  }
0x6b: {  	s15 =	simm.s32 @!p2 $0x2;
	s23 =	sadd.s32 @!p2 $0x3, s9;
	s9 =	smov.u32 s18  }
0x6c: {  	p3 =	por p1, p1;
	p5 =	sge.u32 @!p2 s23, s4;
	_ =	swait.ge @!p2 [sflag:s15], $0x80  }
0x6d: {  	[sflag:s15] =	ssyncset.done @!p2 $0x0  }
0x6e: {  	[sflag:s15] =	ssyncadd.s32 @!p2 $0xFFFFFF80  }
0x6f: {  	s18 =	simm.s32 @!p2 $0x80;
	s23 =	simm.s32 @!p2 $0x3;
	_ =	swait.ge @!p2 [sflag:s15], $0x4000  }
0x70: {  	s26 =	simm.s32 @!p2 $0x4100;
	s25 =	simm.s32 @!p2 $0x4080;
	[sflag:s15] =	ssyncset.done @!p2 $0x0  }
0x71: {  	[sflag:s15] =	ssyncadd.s32 @!p2 $0xFFFFC000  }
0x72: {  	[spmem:s1] =	stream.indirect.scatter.add.f32 @!p2 [tilespmem:s26], [sflag:$0x3], $0x80, s25, s18, $0xb8;
	[tilespmem:$0x18780] =	vst v63  }
.Ltmp3:
0x73: {  	_ = 	snop;
	(pc) =	sbr.rel @p0 .LBB2_6-.Ltmp3, $4  }
0x74: {  	s3 =	sadd.s32 $0x200, s3;
	p5 =	por p5, p2;
	_ =	swait.ge @!p2 [sflag:s23], $0x4000  }
0x75: {  	s15 =	simm.s32 @!p5 $0x0;
	s18 =	simm.s32 @!p5 $0x4080;
	[sflag:s23] =	ssyncset.done @!p2 $0x0  }
0x76: {  	s8 =	sadd.s32 $0x10000, s8;
	[sflag:s23] =	ssyncadd.s32 @!p2 $0xFFFFC000;
	s23 =	simm.s32 @!p5 $0x4100  }
0x77: {  	[tilespmem:s18], [sflag:$0x2] =	stream.linear.gather @!p5 [hbm4b:s12+s15], $0x80, $0x38;
	[tilespmem:$0x18780] =	vst v63  }
0x78: {  	s10 =	sld [smem:$0x7F9];
	_ =	sdelay $0x2  }
0x79: {  	p0 =	por $0x1, $0x1;
	p1 =	seq.s32 s10, $0x1  }
.LBB2_8:
0x7a: {  	p0 =	por p5, !p0;
	s10 =	simm.s32 @!p3 $0x1  }
0x7b: {  	[tilespmem:s23], [sflag:$0x2] =	stream.linear.gather @!p0 [hbm4b:s20+s15], $0x4000, $0x38;
	[tilespmem:$0x18780] =	vst v63  }
0x7c: {  	_ =	swait.ge @!p3 [sflag:s10], $0x80  }
0x7d: {  	[sflag:s10] =	ssyncset.done @!p3 $0x0  }
0x7e: {  	[sflag:s10] =	ssyncadd.s32 @!p3 $0xFFFFFF80  }
0x7f: {  	_ =	swait.ge @!p3 [sflag:s10], $0x4000  }
0x80: {  	s12 =	simm.s32 @!p3 $0x3;
	[sflag:s10] =	ssyncset.done @!p3 $0x0  }
0x81: {  	s15 =	simm.s32 @!p3 $0x80;
	[sflag:s10] =	ssyncadd.s32 @!p3 $0xFFFFC000;
	s10 =	simm.s32 @!p3 $0x0  }
0x82: {  	[spmem:s1] =	stream.indirect.scatter.add.f32 @!p3 [tilespmem:s15], [sflag:$0x3], $0x80, s10, s15, $0xb8;
	[tilespmem:$0x18780] =	vst v63  }
0x83: {  	_ =	swait.ge @!p3 [sflag:s12], $0x4000  }
0x84: {  	p2 =	por p1, p1;
	p1 =	por p6, p3;
	[sflag:s12] =	ssyncset.done @!p3 $0x0  }
0x85: {  	s10 =	sadd.s32 @!p1 $0xFFFFFF00, s3;
	[sflag:s12] =	ssyncadd.s32 @!p3 $0xFFFFC000;
	s12 =	simm.s32 @!p1 $0x0  }
0x86: {  	[tilespmem:s12], [sflag:$0x1] =	stream.linear.gather @!p1 [hbm4b:s10+s12], $0x80, $0x38;
	[tilespmem:$0x18780] =	vst v63  }
0x87: {  	p0 =	sge.u32 s9, s7;
	s15 =	simm.s32 @!p1 $0x80;
	s10 =	sadd.s32 @!p1 $0xFFFF8000, s8  }
0x88: {  	[tilespmem:s15], [sflag:$0x1] =	stream.linear.gather @!p1 [hbm4b:s10+s12], $0x4000, $0x38;
	[tilespmem:$0x18780] =	vst v63  }
0x89: {  	s10 =	simm.s32 @!p0 $0x2  }
0x8a: {  	_ =	swait.ge @!p0 [sflag:s10], $0x80  }
0x8b: {  	[sflag:s10] =	ssyncset.done @!p0 $0x0  }
0x8c: {  	[sflag:s10] =	ssyncadd.s32 @!p0 $0xFFFFFF80  }
0x8d: {  	_ =	swait.ge @!p0 [sflag:s10], $0x4000  }
0x8e: {  	s12 =	simm.s32 @!p0 $0x80;
	[sflag:s10] =	ssyncset.done @!p0 $0x0  }
0x8f: {  	s15 =	simm.s32 @!p0 $0x4080;
	[sflag:s10] =	ssyncadd.s32 @!p0 $0xFFFFC000;
	s10 =	simm.s32 @!p0 $0x4100  }
0x90: {  	[spmem:s1] =	stream.indirect.scatter.add.f32 @!p0 [tilespmem:s10], [sflag:$0x3], $0x80, s15, s12, $0xb8;
	[tilespmem:$0x18780] =	vst v63  }
0x91: {  	s9 =	sadd.s32 @!p0 $0x3, s9;
	s10 =	simm.s32 @!p0 $0x3  }
0x92: {  	p1 =	sge.u32 @!p0 s9, s4;
	_ =	swait.ge @!p0 [sflag:s10], $0x4000  }
0x93: {  	p1 =	por p1, p0;
	[sflag:s10] =	ssyncset.done @!p0 $0x0  }
0x94: {  	s9 =	simm.s32 @!p1 $0x0;
	[sflag:s10] =	ssyncadd.s32 @!p0 $0xFFFFC000;
	s10 =	simm.s32 @!p1 $0x4080  }
0x95: {  	[tilespmem:s10], [sflag:$0x2] =	stream.linear.gather @!p1 [hbm4b:s3+s9], $0x80, $0x38;
	[tilespmem:$0x18780] =	vst v63  }
0x96: {  	s3 =	simm.s32 @!p1 $0x4100;
	s10 =	stileid.u32  }
0x97: {  	[tilespmem:s3], [sflag:$0x2] =	stream.linear.gather @!p1 [hbm4b:s8+s9], $0x4000, $0x38;
	[tilespmem:$0x18780] =	vst v63  }
0x98: {  	s3 =	sshll.u32 s10, $0x6;
	[bflag:$0x0] =	sbarrier.arrive $0xFFFF  }
0x99: {  	s9 =	sshrl.u32 s5, $0x3;
	s3 =	sor.u32 $0x1C03, s3;
	s12 =	rddreg [dreg:$0x3]  }
0x9a: {  	[hbm:s12], [sflag:s3] =	dma.local [spmem:s9], $0xC80  }
0x9b: {  	_ =	swait.ge [sflag:s24], $0xC80  }
0x9c: {  	s15 =	sld [smem:$0x7FD];
	_ =	sdelay $0x2  }
0x9d: {  	[sflag:s24] =	ssyncset.done $0x0;
	p6 =	seq.s32 s15, $0x1  }
0x9e: {  	s8 =	rddreg [dreg:$0x4];
	[sflag:s24] =	ssyncadd.s32 $0xFFFFF380;
	s10 =	sshrl.u32 @!p6 s6, $0x3  }
0x9f: {  	[hbm:s8], [sflag:s3] =	dma.local @!p6 [spmem:s10], $0xC80  }
0xa0: {  	s8 =	simm.s32 @!p6 $0x3  }
0xa1: {  	_ =	swait.ge @!p6 [sflag:s8], $0xC80  }
0xa2: {  	[sflag:s8] =	ssyncset.done @!p6 $0x0  }
0xa3: {  	[sflag:s8] =	ssyncadd.s32 @!p6 $0xFFFFF380  }
0xa4: {  	s18 =	simm.s32 $0x8100;
	[bflag:$0x0] =	sbarrier.arrive $0xFFFF  }
0xa5: {  	[spmem:s5] =	stream.linear.scatter [tilespmem:s18], [sflag:$0x3], $0x6400, $0x38;
	[tilespmem:$0x18780] =	vst v63  }
0xa6: {  	_ =	swait.ge [sflag:s24], $0x6400  }
0xa7: {  	s20 =	sld [smem:$0x7FC];
	_ =	sdelay $0x1  }
0xa8: {  	[sflag:s24] =	ssyncset.done $0x0  }
0xa9: {  	[sflag:s24] =	ssyncadd.s32 $0xFFFF9C00;
	p5 =	seq.s32 s20, $0x1  }
0xaa: {  	[spmem:s6] =	stream.linear.scatter @!p5 [tilespmem:s0], [sflag:$0x3], $0x6400, $0x38;
	[tilespmem:$0x18780] =	vst v63  }
0xab: {  	_ =	swait.ge @!p5 [sflag:s31], $0x6400  }
0xac: {  	[sflag:s31] =	ssyncset.done @!p5 $0x0  }
0xad: {  	[sflag:s31] =	ssyncadd.s32 @!p5 $0xFFFF9C00  }
0xae: {  	[bflag:$0x0] =	sbarrier.arrive $0xFFFF  }
0xaf: {  	[tilespmem:s30], [sflag:$0x1] =	stream.linear.gather [hbm4b:s17+s30], $0x80, $0x38;
	[tilespmem:$0x18780] =	vst v63  }
0xb0: {  	s31 =	sld [smem:$0x7FB]  }
0xb1: {  	s23 =	simm.s32 $0x80  }
0xb2: {  	[tilespmem:s23], [sflag:$0x1] =	stream.linear.gather [hbm4b:s14+s30], $0x4000, $0x38;
	[tilespmem:$0x18780] =	vst v63  }
0xb3: {  	p0 =	seq.s32 s31, $0x1  }
.Ltmp4:
0xb4: {  	_ = 	snop;
	(pc) =	sbr.rel @!p0 .LBB2_9-.Ltmp4, $4  }
0xb5: {  	s26 =	simm.s32 $0x4080;
	s25 =	rddreg [dreg:$0x9]  }
0xb6: {  	[tilespmem:s26], [sflag:$0x2] =	stream.linear.gather [hbm4b:s25+s30], $0x80, $0x38;
	[tilespmem:$0x18780] =	vst v63  }
0xb7: {  	_ = 	snop  }
0xb8: {  	[tilespmem:s28], [sflag:$0x2] =	stream.linear.gather [hbm4b:s16+s30], $0x4000, $0x38;
	[tilespmem:$0x18780] =	vst v63  }
0xb9: {  	s0 =	simm.s32 @!p4 $0x1  }
0xba: {  	_ =	swait.ge @!p4 [sflag:s0], $0x80  }
0xbb: {  	[sflag:s0] =	ssyncset.done @!p4 $0x0  }
0xbc: {  	[sflag:s0] =	ssyncadd.s32 @!p4 $0xFFFFFF80  }
0xbd: {  	_ =	swait.ge @!p4 [sflag:s0], $0x4000  }
0xbe: {  	s12 =	simm.s32 @!p4 $0x3;
	[sflag:s0] =	ssyncset.done @!p4 $0x0  }
0xbf: {  	s15 =	simm.s32 @!p4 $0x80;
	[sflag:s0] =	ssyncadd.s32 @!p4 $0xFFFFC000;
	s0 =	simm.s32 @!p4 $0x0  }
0xc0: {  	[spmem:s1] =	stream.indirect.scatter.add.f32 @!p4 [tilespmem:s15], [sflag:$0x3], $0x80, s0, s15, $0xb8;
	[tilespmem:$0x18780] =	vst v63  }
0xc1: {  	_ =	swait.ge @!p4 [sflag:s12], $0x4000  }
0xc2: {  	p1 =	por p2, p4;
	[sflag:s12] =	ssyncset.done @!p4 $0x0  }
0xc3: {  	s0 =	sadd.s32 @!p1 $0xFFFFFF00, s22;
	[sflag:s12] =	ssyncadd.s32 @!p4 $0xFFFFC000;
	s12 =	simm.s32 @!p1 $0x0  }
0xc4: {  	[tilespmem:s12], [sflag:$0x1] =	stream.linear.gather @!p1 [hbm4b:s0+s12], $0x80, $0x38;
	[tilespmem:$0x18780] =	vst v63  }
0xc5: {  	p0 =	sle.u32 s7, $0x0;
	s15 =	simm.s32 @!p1 $0x80;
	s0 =	sadd.s32 @!p1 $0xFFFF8000, s11  }
0xc6: {  	[tilespmem:s15], [sflag:$0x1] =	stream.linear.gather @!p1 [hbm4b:s0+s12], $0x4000, $0x38;
	[tilespmem:$0x18780] =	vst v63  }
0xc7: {  	s0 =	simm.s32 @!p0 $0x2  }
0xc8: {  	_ =	swait.ge @!p0 [sflag:s0], $0x80  }
0xc9: {  	[sflag:s0] =	ssyncset.done @!p0 $0x0  }
0xca: {  	s30 =	simm.s32 $0x4;
	p2 =	sne.s32 s19, $0x4;
	[sflag:s0] =	ssyncadd.s32 @!p0 $0xFFFFFF80  }
0xcb: {  	s31 =	sadd.s32 $0x10000, s11;
	s18 =	simm.s32 @!p0 $0x3;
	_ =	swait.ge @!p0 [sflag:s0], $0x4000  }
0xcc: {  	s20 =	simm.s32 @!p0 $0x4100;
	p3 =	sle.u32 @!p0 s4, $0x3;
	[sflag:s0] =	ssyncset.done @!p0 $0x0  }
0xcd: {  	s12 =	simm.s32 @!p0 $0x80;
	s15 =	simm.s32 @!p0 $0x4080;
	[sflag:s0] =	ssyncadd.s32 @!p0 $0xFFFFC000  }
0xce: {  	[spmem:s1] =	stream.indirect.scatter.add.f32 @!p0 [tilespmem:s20], [sflag:$0x3], $0x80, s15, s12, $0xb8;
	[tilespmem:$0x18780] =	vst v63  }
0xcf: {  	p3 =	por p3, p0;
	p1 =	sle.u32 s4, $0x2;
	_ =	swait.ge @!p0 [sflag:s18], $0x4000  }
0xd0: {  	s0 =	simm.s32 @!p3 $0x4080;
	s15 =	simm.s32 @!p3 $0x0;
	[sflag:s18] =	ssyncset.done @!p0 $0x0  }
.Ltmp5:
0xd1: {  	[sflag:s18] =	ssyncadd.s32 @!p0 $0xFFFFC000;
	p0 =	por $0x1, $0x1;
	(pc) =	sbr.rel @!p2 .LBB2_11-.Ltmp5, $4  }
0xd2: {  	[tilespmem:s0], [sflag:$0x2] =	stream.linear.gather @!p3 [hbm4b:s22+s15], $0x80, $0x38;
	[tilespmem:$0x18780] =	vst v63  }
0xd3: {  	s23 =	simm.s32 @!p3 $0x4100;
	p4 =	sle.u32 @!p1 s4, $0x4;
	s12 =	simm.s32 @!p0 $0x0  }
0xd4: {  	p5 =	por p4, p4;
	p4 =	por p1, p1;
	s12 =	simm.s32 @p0 $0x1  }
0xd5: {  	s20 =	smov.u32 s11;
	s0 =	sadd.s32 $0x200, s22;
	[smem:$0x7FA] =	sst s12  }
.LBB2_12:
0xd6: {  	p1 =	sge.u32 s30, s4;
	s18 =	simm.s32 @!p4 $0x1  }
0xd7: {  	s25 =	smov.u32 s30;
	s30 =	sadd.s32 $0x2, s30;
	s12 =	smov.u32 s0  }
0xd8: {  	[tilespmem:s23], [sflag:$0x2] =	stream.linear.gather @!p3 [hbm4b:s20+s15], $0x4000, $0x38;
	[tilespmem:$0x18780] =	vst v63  }
0xd9: {  	s15 =	sadd.s32 @!p1 $0x2, s25;
	p0 =	sne.s32 s19, s30;
	_ =	swait.ge @!p4 [sflag:s18], $0x80  }
0xda: {  	s20 =	smov.u32 s31;
	p2 =	sge.u32 @!p1 s15, s4;
	[sflag:s18] =	ssyncset.done @!p4 $0x0  }
0xdb: {  	[sflag:s18] =	ssyncadd.s32 @!p4 $0xFFFFFF80  }
0xdc: {  	_ =	swait.ge @!p4 [sflag:s18], $0x4000  }
0xdd: {  	s15 =	simm.s32 @!p4 $0x3;
	[sflag:s18] =	ssyncset.done @!p4 $0x0  }
0xde: {  	s23 =	simm.s32 @!p4 $0x80;
	[sflag:s18] =	ssyncadd.s32 @!p4 $0xFFFFC000;
	s18 =	simm.s32 @!p4 $0x0  }
0xdf: {  	[spmem:s1] =	stream.indirect.scatter.add.f32 @!p4 [tilespmem:s23], [sflag:$0x3], $0x80, s18, s23, $0xb8;
	[tilespmem:$0x18780] =	vst v63  }
0xe0: {  	_ =	swait.ge @!p4 [sflag:s15], $0x4000  }
0xe1: {  	p3 =	por p5, p4;
	p5 =	por p2, p2;
	[sflag:s15] =	ssyncset.done @!p4 $0x0  }
0xe2: {  	s18 =	simm.s32 @!p3 $0x0;
	[sflag:s15] =	ssyncadd.s32 @!p4 $0xFFFFC000;
	s15 =	sadd.s32 @!p3 $0xFFFFFF00, s0  }
0xe3: {  	[tilespmem:s18], [sflag:$0x1] =	stream.linear.gather @!p3 [hbm4b:s15+s18], $0x80, $0x38;
	[tilespmem:$0x18780] =	vst v63  }
0xe4: {  	p2 =	sge.u32 s29, s7;
	s23 =	simm.s32 @!p3 $0x80;
	s15 =	sadd.s32 @!p3 $0xFFFF8000, s31  }
0xe5: {  	[tilespmem:s23], [sflag:$0x1] =	stream.linear.gather @!p3 [hbm4b:s15+s18], $0x4000, $0x38;
	[tilespmem:$0x18780] =	vst v63  }
0xe6: {  	s15 =	simm.s32 @!p2 $0x2;
	s18 =	sadd.s32 @!p2 $0x3, s29;
	s29 =	smov.u32 s25  }
0xe7: {  	p4 =	por p1, p1;
	p3 =	sge.u32 @!p2 s18, s4;
	_ =	swait.ge @!p2 [sflag:s15], $0x80  }
0xe8: {  	[sflag:s15] =	ssyncset.done @!p2 $0x0  }
0xe9: {  	[sflag:s15] =	ssyncadd.s32 @!p2 $0xFFFFFF80  }
0xea: {  	s23 =	simm.s32 @!p2 $0x3;
	s18 =	simm.s32 @!p2 $0x80;
	_ =	swait.ge @!p2 [sflag:s15], $0x4000  }
0xeb: {  	s26 =	simm.s32 @!p2 $0x4100;
	s25 =	simm.s32 @!p2 $0x4080;
	[sflag:s15] =	ssyncset.done @!p2 $0x0  }
0xec: {  	[sflag:s15] =	ssyncadd.s32 @!p2 $0xFFFFC000  }
0xed: {  	[spmem:s1] =	stream.indirect.scatter.add.f32 @!p2 [tilespmem:s26], [sflag:$0x3], $0x80, s25, s18, $0xb8;
	[tilespmem:$0x18780] =	vst v63  }
.Ltmp6:
0xee: {  	_ = 	snop;
	(pc) =	sbr.rel @p0 .LBB2_12-.Ltmp6, $4  }
0xef: {  	s0 =	sadd.s32 $0x200, s0;
	p3 =	por p3, p2;
	_ =	swait.ge @!p2 [sflag:s23], $0x4000  }
0xf0: {  	s15 =	simm.s32 @!p3 $0x0;
	s18 =	simm.s32 @!p3 $0x4080;
	[sflag:s23] =	ssyncset.done @!p2 $0x0  }
0xf1: {  	s31 =	sadd.s32 $0x10000, s31;
	[sflag:s23] =	ssyncadd.s32 @!p2 $0xFFFFC000;
	s23 =	simm.s32 @!p3 $0x4100  }
0xf2: {  	[tilespmem:s18], [sflag:$0x2] =	stream.linear.gather @!p3 [hbm4b:s12+s15], $0x80, $0x38;
	[tilespmem:$0x18780] =	vst v63  }
0xf3: {  	s12 =	sld [smem:$0x7FC];
	_ =	sdelay $0x2  }
0xf4: {  	s30 =	smov.u32 s29;
	p1 =	por p5, p5;
	p5 =	seq.s32 s12, $0x1  }
.LBB2_14:
0xf5: {  	s18 =	sld [smem:$0x7FA];
	_ =	sdelay $0x2  }
0xf6: {  	p0 =	seq.s32 s18, $0x1  }
0xf7: {  	s12 =	simm.s32 @!p4 $0x1;
	p0 =	por p3, !p0  }
0xf8: {  	[tilespmem:s23], [sflag:$0x2] =	stream.linear.gather @!p0 [hbm4b:s20+s15], $0x4000, $0x38;
	[tilespmem:$0x18780] =	vst v63  }
0xf9: {  	_ =	swait.ge @!p4 [sflag:s12], $0x80  }
0xfa: {  	[sflag:s12] =	ssyncset.done @!p4 $0x0  }
0xfb: {  	[sflag:s12] =	ssyncadd.s32 @!p4 $0xFFFFFF80  }
0xfc: {  	_ =	swait.ge @!p4 [sflag:s12], $0x4000  }
0xfd: {  	s18 =	simm.s32 @!p4 $0x80;
	[sflag:s12] =	ssyncset.done @!p4 $0x0  }
0xfe: {  	s15 =	simm.s32 @!p4 $0x3;
	[sflag:s12] =	ssyncadd.s32 @!p4 $0xFFFFC000;
	s12 =	simm.s32 @!p4 $0x0  }
0xff: {  	[spmem:s1] =	stream.indirect.scatter.add.f32 @!p4 [tilespmem:s18], [sflag:$0x3], $0x80, s12, s18, $0xb8;
	[tilespmem:$0x18780] =	vst v63  }
0x100: {  	_ =	swait.ge @!p4 [sflag:s15], $0x4000  }
0x101: {  	p1 =	por p1, p4;
	[sflag:s15] =	ssyncset.done @!p4 $0x0  }
0x102: {  	s12 =	sadd.s32 @!p1 $0xFFFFFF00, s0;
	[sflag:s15] =	ssyncadd.s32 @!p4 $0xFFFFC000;
	s15 =	simm.s32 @!p1 $0x0  }
0x103: {  	[tilespmem:s15], [sflag:$0x1] =	stream.linear.gather @!p1 [hbm4b:s12+s15], $0x80, $0x38;
	[tilespmem:$0x18780] =	vst v63  }
0x104: {  	p0 =	sge.u32 s30, s7;
	s18 =	simm.s32 @!p1 $0x80;
	s12 =	sadd.s32 @!p1 $0xFFFF8000, s31  }
0x105: {  	[tilespmem:s18], [sflag:$0x1] =	stream.linear.gather @!p1 [hbm4b:s12+s15], $0x4000, $0x38;
	[tilespmem:$0x18780] =	vst v63  }
0x106: {  	s12 =	simm.s32 @!p0 $0x2  }
0x107: {  	_ =	swait.ge @!p0 [sflag:s12], $0x80  }
0x108: {  	[sflag:s12] =	ssyncset.done @!p0 $0x0  }
0x109: {  	[sflag:s12] =	ssyncadd.s32 @!p0 $0xFFFFFF80  }
0x10a: {  	s20 =	simm.s32 @!p0 $0x3;
	_ =	swait.ge @!p0 [sflag:s12], $0x4000  }
0x10b: {  	s23 =	simm.s32 @!p0 $0x4080;
	s15 =	sadd.s32 @!p0 $0x3, s30;
	[sflag:s12] =	ssyncset.done @!p0 $0x0  }
0x10c: {  	s18 =	simm.s32 @!p0 $0x80;
	[sflag:s12] =	ssyncadd.s32 @!p0 $0xFFFFC000;
	s12 =	simm.s32 @!p0 $0x4100  }
0x10d: {  	[spmem:s1] =	stream.indirect.scatter.add.f32 @!p0 [tilespmem:s12], [sflag:$0x3], $0x80, s23, s18, $0xb8;
	[tilespmem:$0x18780] =	vst v63  }
0x10e: {  	p1 =	sge.u32 @!p0 s15, s4;
	_ =	swait.ge @!p0 [sflag:s20], $0x4000  }
0x10f: {  	p1 =	por p1, p0;
	[sflag:s20] =	ssyncset.done @!p0 $0x0  }
0x110: {  	s15 =	simm.s32 @!p1 $0x4080;
	s12 =	simm.s32 @!p1 $0x0;
	[sflag:s20] =	ssyncadd.s32 @!p0 $0xFFFFC000  }
0x111: {  	[tilespmem:s15], [sflag:$0x2] =	stream.linear.gather @!p1 [hbm4b:s0+s12], $0x80, $0x38;
	[tilespmem:$0x18780] =	vst v63  }
0x112: {  	s0 =	simm.s32 @!p1 $0x4100  }
0x113: {  	[tilespmem:s0], [sflag:$0x2] =	stream.linear.gather @!p1 [hbm4b:s31+s12], $0x4000, $0x38;
	[tilespmem:$0x18780] =	vst v63  }
0x114: {  	[bflag:$0x0] =	sbarrier.arrive $0xFFFF  }
0x115: {  	s30 =	rddreg [dreg:$0x5]  }
0x116: {  	[hbm:s30], [sflag:s3] =	dma.local [spmem:s9], $0xC80  }
0x117: {  	_ =	swait.ge [sflag:s24], $0xC80  }
0x118: {  	[sflag:s24] =	ssyncset.done $0x0  }
0x119: {  	s0 =	rddreg [dreg:$0x6];
	[sflag:s24] =	ssyncadd.s32 $0xFFFFF380  }
0x11a: {  	[hbm:s0], [sflag:s3] =	dma.local @!p6 [spmem:s10], $0xC80  }
0x11b: {  	_ =	swait.ge @!p6 [sflag:s8], $0xC80  }
0x11c: {  	s2 =	sadd.s32 $0x1, s2;
	s31 =	rddreg [dreg:$0x7]  }
0x11d: {  	p0 =	sne.s32 s2, s31  }
.Ltmp7:
0x11e: {  	_ = 	snop;
	(pc) =	sbr.rel @p0 .LBB2_1-.Ltmp7, $4  }
.Ltmp8:
0x11f: {  	[sflag:s8] =	ssyncset.done @!p6 $0x0;
	(pc) =	sbr.rel @!p0 .LBB2_15-.Ltmp8, $4  }
0x120: {  	[sflag:s8] =	ssyncadd.s32 @!p6 $0xFFFFF380  }
0x121: {  	[bflag:$0x0] =	sbarrier.arrive $0xFFFF  }
0x122: {  	_ = 	snop  }
0x123: {  	_ = 	snop  }
.LBB2_9:
.Ltmp9:
0x124: {  	(pc) =	sbr.rel .LBB2_14-.Ltmp9, $2  }
0x125: {  	_ =	sdelay $0x2  }
0x126: {  	s0 =	smov.u32 s22;
	s31 =	smov.u32 s11;
	p1 =	por p2, p2  }
.LBB2_5:
.Ltmp10:
0x127: {  	(pc) =	sbr.rel .LBB2_8-.Ltmp10, $3  }
0x128: {  	s10 =	sld [smem:$0x7F9];
	_ =	sdelay $0x1  }
0x129: {  	s20 =	smov.u32 s11  }
0x12a: {  	s9 =	simm.s32 $0x2;
	p0 =	por $0x1, $0x1;
	p1 =	seq.s32 s10, $0x1  }
.LBB2_11:
.Ltmp11:
0x12b: {  	(pc) =	sbr.rel .LBB2_14-.Ltmp11, $3  }
0x12c: {  	s12 =	sld [smem:$0x7FC];
	_ =	sdelay $0x1  }
0x12d: {  	s20 =	smov.u32 s11  }
0x12e: {  	s30 =	simm.s32 $0x2;
	p1 =	por p5, p5;
	p5 =	seq.s32 s12, $0x1  }
.LBB2_15:
0x12f: {  	_ =	sfence.sel $0x180000  }
0x130: {  	[bflag:$0x0] =	sbarrier.arrive $0xFFFF  }
0x131: {  	_ =	strace $0x9000004D  }
0x132: {  	s0 =	stileid.u32;
	[bflag:$0x2] =	sbarrier.arrive $0xFFFF  }
0x133: {  	p0 =	sne.s32 s0, $0x0;
	s0 =	rddreg [dreg:$0x2]  }
0x134: {  	s0 =	sadd.s32 @!p0 $0x100000, s0  }
0x135: {  	[sflag:s0] =	ssyncadd.tile.s32 @!p0 $0x1;
	_ =	shalt  }
.Lfunc_end2:
_tile_overlayer_lowered:
.L_overlay_start_2:
0x136: {  	(tag) =	ssettag $0x2  }
0x137: {  	s0 =	rddreg [dreg:$0x0];
	s2 =	stileid.u32  }
0x138: {  	s1 =	rddreg [dreg:$0x1];
	p0 =	sne.s32 s2, $0x0  }
0x139: {  	s3 =	rddreg [dreg:$0x2];
	[bflag:$0x3] =	sbarrier.arrive $0xFFFF;
	s2 =	simm.s32 @!p0 $0x1C03  }
0x13a: {  	[timem:s3], [sflag:s2] =	dma.local @!p0 [hbm:s0], s1  }
0x13b: {  	s0 =	simm.s32 @!p0 $0x3  }
0x13c: {  	_ =	swait.ge @!p0 [sflag:s0], s1  }
0x13d: {  	s1 =	ssub.s32 @!p0 $0x0, s1;
	[sflag:s0] =	ssyncset.done @!p0 $0x0  }
0x13e: {  	[sflag:s0] =	ssyncadd.s32 @!p0 s1  }
0x13f: {  	[bflag:$0x3] =	sbarrier.arrive $0xFFFF  }
0x140: {  	_ =	shalt  }

// kernel: kernel.17.cloned.1.call-start
scs
__scs_entry_jumppad:
0x0: {  	(pc) =	sbr.rel $0x88, $3  }
0x1: {  	(tag) =	ssettag $0x0;
	lr =	simm.s32 $0x1  }
0x2: {  	[smem:$0x3F8E] =	sst lr;
	_ =	strace $0xD0000000  }
0x3: {  	_ = 	snop  }
0x4: {  	_ = 	snop  }
0x5: {  	_ = 	snop  }
0x6: {  	_ = 	snop  }
0x7: {  	_ = 	snop  }
__scs_overlays_trampoline_lowered:
0x8: {  	[smem:$0x3F9D] =	sst s0  }
0x9: {  	[smem:$0x3F9E] =	sst s1  }
0xa: {  	[smem:$0x3F9F] =	sst s2  }
0xb: {  	[smem:$0x3FA0] =	sst s3  }
0xc: {  	[smem:$0x3FA1] =	sst s4  }
0xd: {  	[smem:$0x3FA2] =	sst s5  }
0xe: {  	[smem:$0x3FA3] =	sst s6  }
0xf: {  	[smem:$0x3FA4] =	sst s7  }
0x10: {  	[smem:$0x3FA5] =	sst s8  }
0x11: {  	[smem:$0x3FA6] =	sst s9;
	s0 =	simm.s32 @!p0 $0x0  }
0x12: {  	s1 =	sld [smem:$0x3F8C];
	s0 =	simm.s32 @p0 $0x1  }
0x13: {  	[smem:$0x3FA7] =	sst s0;
	s0 =	simm.s32 @!p1 $0x0  }
0x14: {  	s2 =	sld [smem:$0x3F8B];
	s0 =	simm.s32 @p1 $0x1  }
0x15: {  	[smem:$0x3FA8] =	sst s0;
	s0 =	simm.s32 @!p2 $0x0  }
0x16: {  	s3 =	sld [smem:$0x3FDB];
	s0 =	simm.s32 @p2 $0x1  }
0x17: {  	s4 =	simm.s32 $0x1BF5;
	[smem:$0x3FAA] =	sst s0  }
0x18: {  	s0 =	sld [smem:$0x3F8D];
	_ =	swait.ge [sflag:s4], $0x0  }
0x19: {  	s7 =	sld [smem:$0x3F8E]  }
0x1a: {  	s8 =	sadd.s32 $0xFFFFE003, lr  }
0x1b: {  	s9 =	sadd.s32 $0xFFFFFEF7, lr;
	s5 =	simm.s32 $0xFFFFFFFF;
	p2 =	slt.u32 s8, $0xFFFFF086  }
0x1c: {  	p1 =	slt.u32 s9, $0xF7A;
	s5 =	simm.s32 @!p2 $0x0  }
0x1d: {  	s5 =	simm.s32 @p1 $0x1;
	p0 =	seq.s32 s7, s2  }
0x1e: {  	s7 =	smul.u32 @!p0 $0xF7A, s2;
	p2 =	seq.s32 @!p0 s5, $0x0  }
0x1f: {  	s9 =	smul.u32 $0xF7A, s1;
	s8 =	simm.s32 @!p0 $0x1BF5;
	p2 =	por !p2, p0  }
0x20: {  	[sflag:s8] =	ssyncset.s32 @!p0 $0xFFFFF086;
	s6 =	sadd.s32 @!p0 s3, s7;
	s7 =	simm.s32 @!p0 $0x108  }
0x21: {  	s3 =	sadd.s32 s3, s9;
	s6 =	sadd.s32 @!p0 $0x88, s6;
	s7 =	simm.s32 @p2 $0x1082  }
0x22: {  	[simem:s7], [sflag:s8] =	dma.local @!p0 [hbm:s6], $0xF7A  }
0x23: {  	s9 =	sor.u32 $0xD0000000, s2;
	s6 =	simm.s32 $0x108;
	_ =	swait.ge @!p0 [sflag:s8], $0x0  }
0x24: {  	s3 =	sadd.s32 $0x88, s3;
	s6 =	simm.s32 @!p1 $0x1082;
	[sflag:s4] =	ssyncset.s32 $0xFFFFF086  }
0x25: {  	[simem:s6], [sflag:s4] =	dma.local [hbm:s3], $0xF7A  }
0x26: {  	[smem:$0x3F8E] =	sst s1;
	(tag) =	ssettag s2;
	_ =	strace s9  }
0x27: {  	s1 =	sld [smem:$0x3F9E]  }
0x28: {  	s2 =	sld [smem:$0x3F9F]  }
0x29: {  	s4 =	sld [smem:$0x3FA1]  }
0x2a: {  	p0 =	seq.s32 s5, $0x0;
	s5 =	sld [smem:$0x3FA2]  }
0x2b: {  	s6 =	sld [smem:$0x3FA3]  }
0x2c: {  	s7 =	sld [smem:$0x3FA4]  }
0x2d: {  	s3 =	simm.s32 $0x108;
	s8 =	sld [smem:$0x3FA5]  }
0x2e: {  	s3 =	simm.s32 @!p0 $0x1082;
	s9 =	sld [smem:$0x3FA6]  }
0x2f: {  	lr =	sadd.s32 s0, s3;
	s0 =	sld [smem:$0x3F9D]  }
0x30: {  	s3 =	sld [smem:$0x3FA0]  }
0x31: {  	[smem:$0x3FA9] =	sst s10  }
0x32: {  	s10 =	sld [smem:$0x3FA7];
	_ =	sdelay $0x3  }
0x33: {  	p0 =	seq.s32 s10, $0x1;
	s10 =	sld [smem:$0x3FA9];
	_ =	sdelay $0x3  }
0x34: {  	[smem:$0x3FA9] =	sst s10  }
0x35: {  	s10 =	sld [smem:$0x3FA8];
	_ =	sdelay $0x3  }
0x36: {  	p1 =	seq.s32 s10, $0x1;
	s10 =	sld [smem:$0x3FA9];
	_ =	sdelay $0x3  }
0x37: {  	[smem:$0x3FA9] =	sst s10  }
0x38: {  	s10 =	sld [smem:$0x3FAA]  }
0x39: {  	_ = 	snop;
	(pc) =	sbr.ind lr, $3  }
0x3a: {  	_ = 	snop  }
0x3b: {  	_ = 	snop  }
0x3c: {  	p2 =	seq.s32 s10, $0x1;
	s10 =	sld [smem:$0x3FA9]  }
0x3d: {  	_ =	shalt  }
0x3e: {  	_ =	shalt  }
0x3f: {  	_ =	shalt  }
0x40: {  	_ =	shalt  }
0x41: {  	_ =	shalt  }
0x42: {  	_ =	shalt  }
0x43: {  	_ =	shalt  }
0x44: {  	_ =	shalt  }
0x45: {  	_ =	shalt  }
0x46: {  	_ =	shalt  }
0x47: {  	_ =	shalt  }
0x48: {  	_ =	shalt  }
0x49: {  	_ =	shalt  }
0x4a: {  	_ =	shalt  }
0x4b: {  	_ =	shalt  }
0x4c: {  	_ =	shalt  }
0x4d: {  	_ =	shalt  }
0x4e: {  	_ =	shalt  }
0x4f: {  	_ =	shalt  }
0x50: {  	_ =	shalt  }
0x51: {  	_ =	shalt  }
0x52: {  	_ =	shalt  }
0x53: {  	_ =	shalt  }
0x54: {  	_ =	shalt  }
0x55: {  	_ =	shalt  }
0x56: {  	_ =	shalt  }
0x57: {  	_ =	shalt  }
0x58: {  	_ =	shalt  }
0x59: {  	_ =	shalt  }
0x5a: {  	_ =	shalt  }
0x5b: {  	_ =	shalt  }
0x5c: {  	_ =	shalt  }
0x5d: {  	_ =	shalt  }
0x5e: {  	_ =	shalt  }
0x5f: {  	_ =	shalt  }
0x60: {  	_ =	shalt  }
0x61: {  	_ =	shalt  }
0x62: {  	_ =	shalt  }
0x63: {  	_ =	shalt  }
0x64: {  	_ =	shalt  }
0x65: {  	_ =	shalt  }
0x66: {  	_ =	shalt  }
0x67: {  	_ =	shalt  }
0x68: {  	_ =	shalt  }
0x69: {  	_ =	shalt  }
0x6a: {  	_ =	shalt  }
0x6b: {  	_ =	shalt  }
0x6c: {  	_ =	shalt  }
0x6d: {  	_ =	shalt  }
0x6e: {  	_ =	shalt  }
0x6f: {  	_ =	shalt  }
0x70: {  	_ =	shalt  }
0x71: {  	_ =	shalt  }
0x72: {  	_ =	shalt  }
0x73: {  	_ =	shalt  }
0x74: {  	_ =	shalt  }
0x75: {  	_ =	shalt  }
0x76: {  	_ =	shalt  }
0x77: {  	_ =	shalt  }
0x78: {  	_ =	shalt  }
0x79: {  	_ =	shalt  }
0x7a: {  	_ =	shalt  }
0x7b: {  	_ =	shalt  }
0x7c: {  	_ =	shalt  }
0x7d: {  	_ =	shalt  }
0x7e: {  	_ =	shalt  }
0x7f: {  	_ =	shalt  }
0x80: {  	_ =	shalt  }
0x81: {  	_ =	shalt  }
0x82: {  	_ =	shalt  }
0x83: {  	_ =	shalt  }
0x84: {  	_ =	shalt  }
0x85: {  	_ =	shalt  }
0x86: {  	_ =	shalt  }
0x87: {  	_ =	shalt  }
.Lfunc_end0:
.L_simem_size_0:
called_computation.2_lowered:
.L_overlay_start_0:
0x88: {  	s2 =	sld [smem:$0x3FD9]  }
0x89: {  	s3 =	sld [smem:$0x3FFE];
	_ =	sdelay $0x1  }
0x8a: {  	s1 =	srdreg.scid  }
0x8b: {  	s0 =	sand.u32 $0x1, s1  }
0x8c: {  	s15 =	sshll.u32 s0, $0xA;
	s2 =	sadd.s32 s3, s2  }
0x8d: {  	s2 =	sadd.s32 s2, s15  }
0x8e: {  	[smem:$0x3FB5] =	sst s2  }
0x8f: {  	_ = 	snop  }
0x90: {  	s2 =	sld [smem:$0x3FD0];
	_ =	sdelay $0x2  }
0x91: {  	s16 =	simm.s32 $0xB;
	s4 =	simm.s32 $0x10  }
0x92: {  	[smem:s4], [sflag:s16] =	dma.local [hbm:s2], $0x1  }
0x93: {  	_ =	swait.eq [sflag:s16], $0x1  }
0x94: {  	[sflag:s16] =	ssyncset.done $0x0  }
0x95: {  	s17 =	sld [smem:$0x10];
	[sflag:s16] =	ssyncadd.s32 $0xFFFFFFFF  }
0x96: {  	s18 =	sld [smem:$0x11];
	(tm) =	ssettm $0x1  }
0x97: {  	s19 =	sld [smem:$0x3FFB];
	_ =	sdelay $0x3  }
0x98: {  	_ =	strace s19  }
0x99: {  	s2 =	sld [smem:$0x3FFC];
	_ =	sdelay $0x3  }
0x9a: {  	_ =	strace s2  }
0x9b: {  	s2 =	sld [smem:$0x3FFD];
	_ =	sdelay $0x3  }
0x9c: {  	_ =	strace s2  }
0x9d: {  	_ =	strace $0x8FFFFFFF  }
0x9e: {  	s20 =	sld [smem:$0x3FDB];
	_ =	sdelay $0x1  }
0x9f: {  	s5 =	simm.s32 $_scs_section_size  }
0xa0: {  	s6 =	simm.s32 $_size__tile_overlayer_lowered;
	s7 =	simm.s32 $_tile_overlayer_lowered  }
0xa1: {  	s8 =	simm.s32 $0x1BFF;
	s21 =	sshll.u32 s7, $0x1;
	s5 =	sadd.s32 s5, s20  }
0xa2: {  	s22 =	simm.s32 $0x0;
	s6 =	sshll.u32 s6, $0x1;
	s7 =	sadd.s32 s21, s5  }
0xa3: {  	[timem:s22], [sflag:s8] =	dma.local [hbm:s7], s6  }
0xa4: {  	_ =	swait.ge [sflag:s8], s6  }
0xa5: {  	s6 =	ssub.s32 $0x0, s6;
	[sflag:s8] =	ssyncset.done $0x0  }
0xa6: {  	[sflag:s8] =	ssyncadd.s32 s6;
	_ =	sdelay $0x1  }
0xa7: {  	s23 =	simm.s32 $0x1B8B  }
0xa8: {  	_ =	swait.ge [sflag:s23], $0x1  }
0xa9: {  	[sflag:s23] =	ssyncset.done $0x0  }
0xaa: {  	[sflag:s23] =	ssyncadd.s32 $0xFFFFFFFF  }
0xab: {  	s6 =	sld [smem:$0x0]  }
0xac: {  	s7 =	sand.u32 $0xFFFFFFFE, s1  }
0xad: {  	p0 =	sne.s32 s1, s7  }
0xae: {  	s7 =	sshll.u32 @p0 s7, $0xE  }
0xaf: {  	s7 =	sadd.s32 @p0 $0x11B8D, s7;
	s8 =	sshll.u32 @p0 s6, $0x11  }
0xb0: {  	s7 =	sor.u32 @p0 s8, s7  }
0xb1: {  	[sflag:s7] =	ssyncadd.remote.s32 @p0 $0x1;
	_ =	sdelay $0x1  }
0xb2: {  	s7 =	simm.s32 @p0 $0x1B8D  }
0xb3: {  	_ =	swait.eq @p0 [sflag:s7], $0x1  }
0xb4: {  	[sflag:s7] =	ssyncadd.s32 @p0 $0xFFFFFFFF  }
0xb5: {  	s8 =	sshll.u32 @!p0 s1, $0xE  }
0xb6: {  	s8 =	sor.u32 @!p0 $0x4000, s8;
	s7 =	simm.s32 @!p0 $0x1B8D  }
0xb7: {  	s6 =	sshll.u32 @!p0 s6, $0x11;
	s8 =	sadd.s32 @!p0 $0x11B8D, s8;
	_ =	swait.eq @!p0 [sflag:s7], $0x1  }
0xb8: {  	s6 =	sor.u32 @!p0 s6, s8;
	[sflag:s7] =	ssyncadd.s32 @!p0 $0xFFFFFFFF  }
0xb9: {  	s25 =	simm.s32 $0x1B8E;
	s24 =	sld [smem:$0x3FFE];
	[sflag:s6] =	ssyncadd.remote.s32 @!p0 $0x1  }
0xba: {  	s26 =	simm.s32 $execute0_lowered;
	[smem:$0x3FD2] =	sst s25  }
0xbb: {  	s7 =	sshll.u32 s26, $0x1;
	_ =	strace $0x80000049;
	[dreg:$0x1] =	wrdreg $0xFFFFFFFF  }
0xbc: {  	s28 =	simm.s32 $_size_execute0_lowered;
	s5 =	sadd.s32 s5, s7;
	[dreg:$0x0] =	wrdreg $0x0  }
0xbd: {  	s7 =	sshll.u32 s28, $0x1;
	[dreg:$0x2] =	wrdreg s5  }
0xbe: {  	[dreg:$0x3] =	wrdreg s7  }
0xbf: {  	[dreg:$0x4] =	wrdreg $0xC0  }
0xc0: {  	_ =	task [dreg:s22], $0x5FFFF  }
0xc1: {  	[dreg:$0x1] =	wrdreg $0xFFFFFFFF  }
0xc2: {  	[dreg:$0x0] =	wrdreg $0x60  }
0xc3: {  	[dreg:$0x2] =	wrdreg s17  }
0xc4: {  	[dreg:$0x3] =	wrdreg s24  }
0xc5: {  	[dreg:$0x4] =	wrdreg s18  }
0xc6: {  	[dreg:$0x5] =	wrdreg $0xA  }
0xc7: {  	_ =	task.clear_ibuf [dreg:s22], $0x6FFFF;
	_ =	strace $0x90000049  }
0xc8: {  	s29 =	simm.s32 $0xA;
	_ =	strace $0x8000004B  }
0xc9: {  	_ =	swait.ge [sflag:s29], $0x1  }
0xca: {  	[sflag:s29] =	ssyncadd.s32 $0xFFFFFFFF  }
0xcb: {  	_ =	strace $0x9000004B  }
0xcc: {  	_ =	sfence  }
0xcd: {  	s30 =	sld [smem:$0x0];
	_ =	sdelay $0x2  }
0xce: {  	s31 =	sshll.u32 s1, $0xD;
	s1 =	sshrl.u32 s1, $0x2  }
0xcf: {  	s4 =	sand.u32 $0x4000, s31;
	s1 =	sadd.s32 s1, s30  }
0xd0: {  	s0 =	sor.u32 s4, s0;
	s1 =	sshll.u32 s1, $0x11  }
0xd1: {  	s0 =	sor.u32 s1, s0  }
0xd2: {  	s0 =	sadd.s32 $0x8F2B, s0  }
0xd3: {  	[sflag:s0] =	ssyncadd.remote.s32 $0x1  }
0xd4: {  	_ =	sfence.sel $0xFFFF  }
0xd5: {  	[dreg:$0x0] =	wrdreg $0xFFFFFFFF;
	(pc) =	sbr.abs _section_cstart, $3  }
0xd6: {  	[dreg:$0x1] =	wrdreg $0xFFFFFFFF  }
0xd7: {  	_ =	task.clear_ibuf [dreg:s22], $0x2FFFF;
	_ =	strace $0x9FFFFFFF  }
0xd8: {  	(tm) =	ssettm $0x7FFFFFFF  }
0xd9: {  	_ =	shalt  }
tec
execute0_lowered:
.L_overlay_start_1:
0x0: {  	(tag) =	ssettag $0x1  }
0x1: {  	s1 =	rddreg [dreg:$0x0]  }
0x2: {  	s5 =	rddreg [dreg:$0x1]  }
0x3: {  	s11 =	rddreg [dreg:$0x2];
	s2 =	simm.s32 $0x0  }
0x4: {  	s6 =	srdreg.scid;
	s0 =	stileid.u32;
	s17 =	simm.s32 $0x1  }
0x5: {  	s18 =	simm.s32 $0x100;
	s19 =	simm.s32 $0x2;
	s20 =	simm.s32 $0x3  }
0x6: {  	s21 =	simm.s32 $0x6;
	s22 =	simm.s32 $0x0;
	[smem:$0x7FF] =	sst s2  }
0x7: {  	s4 =	sadd.s32 $0xEC00, s5;
	s12 =	sadd.s32 $0x2ABE00, s5;
	s13 =	sand.u32 $0x1, s6  }
0x8: {  	s28 =	sshll.u32 s0, $0x1;
	s14 =	sadd.s32 $0x2A6E00, s5;
	s30 =	sshll.u32 s0, $0xC  }
0x9: {  	s16 =	sshll.u32 s0, $0x5;
	_ =	strace $0x8000004A;
	s29 =	ssub.s32 $0x2, s13  }
0xa: {  	s6 =	sor.u32 s13, s28;
	s11 =	sadd.s32 s30, s11;
	s31 =	sshll.u32 s13, $0xB  }
0xb: {  	s13 =	sshll.u32 s13, $0x4;
	s7 =	sshrl.u32 s29, $0x1;
	s8 =	ssub.s32 $0x501, s6  }
0xc: {  	s9 =	sshll.u32 s6, $0x4;
	s11 =	sadd.s32 s31, s11;
	s10 =	ssub.s32 s29, s7  }
0xd: {  	s5 =	sshrl.u32 s8, $0x5;
	s15 =	sor.u32 $0x200, s9;
	s6 =	sadd.s32 s12, s9  }
0xe: {  	s7 =	sadd.s32 s14, s9;
	s8 =	sadd.s32 s12, s15;
	s9 =	sadd.s32 s14, s15  }
0xf: {  	s10 =	smax.u32 s10, $0x1;
	s12 =	sadd.s32 s16, s12;
	s14 =	sadd.s32 s16, s14  }
0x10: {  	s12 =	sadd.s32 s13, s12;
	s13 =	sadd.s32 s13, s14;
	s14 =	simm.s32 $0x80  }
.LBB2_1:
0x11: {  	[tilespmem:s2], [sflag:$0x1] =	stream.linear.gather [hbm4b:s6+s2], $0x80, $0x38;
	[tilespmem:$0x8200] =	vst v63  }
0x12: {  	_ = 	snop  }
0x13: {  	[tilespmem:s14], [sflag:$0x1] =	stream.linear.gather [hbm4b:s7+s2], $0x80, $0x38;
	[tilespmem:$0x8200] =	vst v63  }
0x14: {  	s0 =	simm.s32 $0x4100  }
0x15: {  	[tilespmem:s0], [sflag:$0x4] =	stream.linear.gather [hbm4b:s8+s2], $0x80, $0x38;
	[tilespmem:$0x8200] =	vst v63  }
0x16: {  	s26 =	simm.s32 $0x4180  }
0x17: {  	[tilespmem:s26], [sflag:$0x4] =	stream.linear.gather [hbm4b:s9+s2], $0x80, $0x38;
	[tilespmem:$0x8200] =	vst v63  }
0x18: {  	_ =	swait.ge [sflag:s17], $0x80  }
0x19: {  	[sflag:s17] =	ssyncset.done $0x0  }
0x1a: {  	[sflag:s17] =	ssyncadd.s32 $0xFFFFFF80  }
0x1b: {  	_ =	swait.ge [sflag:s17], $0x80  }
0x1c: {  	p0 =	por $0x1, $0x1;
	[sflag:s17] =	ssyncset.done $0x0  }
0x1d: {  	s23 =	simm.s32 @!p0 $0x3;
	[sflag:s17] =	ssyncadd.s32 $0xFFFFFF80  }
0x1e: {  	_ =	swait.ge @!p0 [sflag:s23], $0x4000  }
0x1f: {  	[sflag:s23] =	ssyncset.done @!p0 $0x0  }
0x20: {  	[sflag:s23] =	ssyncadd.s32 @!p0 $0xFFFFC000  }
0x21: {  	[tilespmem:s18], [sflag:$0x2] =	stream.indirect.gather [hbm4b:s1+s14], $0x80, s2, s14, $0xb8;
	[tilespmem:$0x8200] =	vst v63  }
0x22: {  	_ =	swait.ge [sflag:s19], $0x4000  }
0x23: {  	[sflag:s19] =	ssyncset.done $0x0  }
0x24: {  	[sflag:s19] =	ssyncadd.s32 $0xFFFFC000  }
0x25: {  	[tilespmem:s18], [sflag:$0x2] =	stream.indirect.gather.add.f32 [hbm:s4], $0x80, s14, s14, $0xb8;
	[tilespmem:$0x8200] =	vst v63  }
0x26: {  	_ =	swait.ge [sflag:s19], $0x4000  }
0x27: {  	p1 =	sle.u32 s5, $0x2;
	[sflag:s19] =	ssyncset.done $0x0  }
0x28: {  	s24 =	simm.s32 @!p1 $0x0;
	s23 =	sadd.s32 @!p1 $0x0, s12;
	[sflag:s19] =	ssyncadd.s32 $0xFFFFC000  }
0x29: {  	[hbm4b:s11+s2] =	stream.linear.scatter [tilespmem:s18], [sflag:$0x3], $0x4000, $0x38;
	[tilespmem:$0x8200] =	vst v63  }
0x2a: {  	s25 =	sadd.s32 @!p1 $0x0, s13;
	p0 =	sle.u32 s5, $0x1;
	s23 =	sadd.s32 @!p1 $0x400, s23  }
0x2b: {  	[tilespmem:s24], [sflag:$0x1] =	stream.linear.gather @!p1 [hbm4b:s23+s24], $0x80, $0x38;
	[tilespmem:$0x8200] =	vst v63  }
0x2c: {  	s26 =	simm.s32 @!p0 $0x4;
	s23 =	sadd.s32 @!p1 $0x400, s25;
	s25 =	simm.s32 @!p1 $0x80  }
0x2d: {  	[tilespmem:s25], [sflag:$0x1] =	stream.linear.gather @!p1 [hbm4b:s23+s24], $0x80, $0x38;
	[tilespmem:$0x8200] =	vst v63  }
0x2e: {  	_ =	swait.ge @!p0 [sflag:s26], $0x80  }
0x2f: {  	[sflag:s26] =	ssyncset.done @!p0 $0x0  }
0x30: {  	[sflag:s26] =	ssyncadd.s32 @!p0 $0xFFFFFF80  }
0x31: {  	p1 =	por @!p0 $0x1, $0x1;
	_ =	swait.ge @!p0 [sflag:s26], $0x80  }
0x32: {  	p1 =	por p1, p0;
	[sflag:s26] =	ssyncset.done @!p0 $0x0  }
0x33: {  	s23 =	simm.s32 @!p1 $0x6;
	[sflag:s26] =	ssyncadd.s32 @!p0 $0xFFFFFF80  }
0x34: {  	_ =	swait.ge @!p1 [sflag:s23], $0x4000  }
0x35: {  	s28 =	simm.s32 @!p0 $0x5;
	s24 =	simm.s32 @!p0 $0x4200;
	[sflag:s23] =	ssyncset.done @!p1 $0x0  }
0x36: {  	s25 =	simm.s32 @!p0 $0x80;
	s26 =	simm.s32 @!p0 $0x4100;
	[sflag:s23] =	ssyncadd.s32 @!p1 $0xFFFFC000  }
0x37: {  	[tilespmem:s24], [sflag:$0x5] =	stream.indirect.gather @!p0 [hbm4b:s1+s25], $0x80, s26, s25, $0xb8;
	[tilespmem:$0x8200] =	vst v63  }
0x38: {  	p1 =	sle.u32 @!p0 s5, $0x3;
	_ =	swait.ge @!p0 [sflag:s28], $0x4000  }
0x39: {  	s23 =	simm.s32 @!p0 $0x4180;
	p2 =	por p1, p0;
	[sflag:s28] =	ssyncset.done @!p0 $0x0  }
0x3a: {  	s26 =	sadd.s32 @!p0 $0x10000, s11;
	s29 =	sadd.s32 @!p2 $0x0, s12;
	[sflag:s28] =	ssyncadd.s32 @!p0 $0xFFFFC000  }
0x3b: {  	[tilespmem:s24], [sflag:$0x5] =	stream.indirect.gather.add.f32 @!p0 [hbm:s4], $0x80, s23, s25, $0xb8;
	[tilespmem:$0x8200] =	vst v63  }
0x3c: {  	s31 =	simm.s32 @!p2 $0x4100;
	s30 =	sadd.s32 @!p2 $0x600, s29;
	_ =	swait.ge @!p0 [sflag:s28], $0x4000  }
0x3d: {  	s29 =	simm.s32 @!p2 $0x0;
	s23 =	simm.s32 $0x400;
	[sflag:s28] =	ssyncset.done @!p0 $0x0  }
0x3e: {  	s25 =	simm.s32 @!p0 $0x0;
	[sflag:s28] =	ssyncadd.s32 @!p0 $0xFFFFC000;
	s28 =	simm.s32 @!p2 $0x4180  }
0x3f: {  	[hbm4b:s26+s25] =	stream.linear.scatter @!p0 [tilespmem:s24], [sflag:$0x6], $0x4000, $0x38;
	[tilespmem:$0x8200] =	vst v63  }
0x40: {  	s24 =	simm.s32 $0x5;
	s25 =	simm.s32 $0x0;
	s26 =	smov.u32 s11  }
.LBB2_2:
0x41: {  	s0 =	sadd.s32 @!p2 s25, s13  }
0x42: {  	s26 =	sadd.s32 $0x20000, s26;
	s25 =	smov.u32 s23;
	s23 =	sadd.s32 $0x400, s23  }
0x43: {  	[tilespmem:s31], [sflag:$0x4] =	stream.linear.gather @!p2 [hbm4b:s30+s29], $0x80, $0x38;
	[tilespmem:$0x8200] =	vst v63  }
0x44: {  	p0 =	sne.s32 s23, $0x5000;
	s0 =	sadd.s32 @!p2 $0x600, s0  }
0x45: {  	[tilespmem:s28], [sflag:$0x4] =	stream.linear.gather @!p2 [hbm4b:s0+s29], $0x80, $0x38;
	[tilespmem:$0x8200] =	vst v63  }
0x46: {  	_ =	swait.ge [sflag:s17], $0x80  }
0x47: {  	[sflag:s17] =	ssyncset.done $0x0  }
0x48: {  	p1 =	seq.s32 s25, $0x0;
	[sflag:s17] =	ssyncadd.s32 $0xFFFFFF80  }
0x49: {  	s0 =	simm.s32 @!p1 $0x3;
	_ =	swait.ge [sflag:s17], $0x80  }
0x4a: {  	[sflag:s17] =	ssyncset.done $0x0  }
0x4b: {  	[sflag:s17] =	ssyncadd.s32 $0xFFFFFF80  }
0x4c: {  	_ =	swait.ge @!p1 [sflag:s0], $0x4000  }
0x4d: {  	[sflag:s0] =	ssyncset.done @!p1 $0x0  }
0x4e: {  	[sflag:s0] =	ssyncadd.s32 @!p1 $0xFFFFC000  }
0x4f: {  	[tilespmem:s18], [sflag:$0x2] =	stream.indirect.gather [hbm4b:s1+s14], $0x80, s2, s14, $0xb8;
	[tilespmem:$0x8200] =	vst v63  }
0x50: {  	_ =	swait.ge [sflag:s19], $0x4000  }
0x51: {  	[sflag:s19] =	ssyncset.done $0x0  }
0x52: {  	s0 =	sadd.s32 $0xFFFFFFFF, s24;
	[sflag:s19] =	ssyncadd.s32 $0xFFFFC000  }
0x53: {  	[tilespmem:s18], [sflag:$0x2] =	stream.indirect.gather.add.f32 [hbm:s4], $0x80, s14, s14, $0xb8;
	[tilespmem:$0x8200] =	vst v63  }
0x54: {  	p3 =	sge.u32 s0, s5;
	s0 =	sadd.s32 $0xFFFFFFFE, s24;
	_ =	swait.ge [sflag:s19], $0x4000  }
0x55: {  	s28 =	sadd.s32 @!p3 s25, s12;
	p1 =	sge.u32 s0, s5;
	[sflag:s19] =	ssyncset.done $0x0  }
0x56: {  	s0 =	simm.s32 @!p3 $0x0;
	s29 =	sadd.s32 @!p3 s25, s13;
	[sflag:s19] =	ssyncadd.s32 $0xFFFFC000  }
0x57: {  	[hbm4b:s26+s2] =	stream.linear.scatter [tilespmem:s18], [sflag:$0x3], $0x4000, $0x38;
	[tilespmem:$0x8200] =	vst v63  }
0x58: {  	s30 =	simm.s32 @!p3 $0x80;
	s28 =	sadd.s32 @!p3 $0x400, s28;
	s29 =	sadd.s32 @!p3 $0x400, s29  }
0x59: {  	[tilespmem:s0], [sflag:$0x1] =	stream.linear.gather @!p3 [hbm4b:s28+s0], $0x80, $0x38;
	[tilespmem:$0x8200] =	vst v63  }
0x5a: {  	p4 =	seq.s32 @!p1 s25, $0x0;
	p2 =	sge.u32 @!p1 s24, s5;
	s28 =	simm.s32 @!p1 $0x4  }
0x5b: {  	[tilespmem:s30], [sflag:$0x1] =	stream.linear.gather @!p3 [hbm4b:s29+s0], $0x80, $0x38;
	[tilespmem:$0x8200] =	vst v63  }
0x5c: {  	_ =	swait.ge @!p1 [sflag:s28], $0x80  }
0x5d: {  	[sflag:s28] =	ssyncset.done @!p1 $0x0  }
0x5e: {  	[sflag:s28] =	ssyncadd.s32 @!p1 $0xFFFFFF80  }
0x5f: {  	p3 =	por p4, p1;
	_ =	swait.ge @!p1 [sflag:s28], $0x80  }
0x60: {  	s0 =	simm.s32 @!p3 $0x6;
	[sflag:s28] =	ssyncset.done @!p1 $0x0  }
0x61: {  	[sflag:s28] =	ssyncadd.s32 @!p1 $0xFFFFFF80  }
0x62: {  	s3 =	simm.s32 @!p1 $0x4200;
	_ =	swait.ge @!p3 [sflag:s0], $0x4000  }
0x63: {  	s29 =	simm.s32 @!p1 $0x4100;
	s28 =	simm.s32 @!p1 $0x80;
	[sflag:s0] =	ssyncset.done @!p3 $0x0  }
0x64: {  	[sflag:s0] =	ssyncadd.s32 @!p3 $0xFFFFC000;
	s0 =	simm.s32 @!p1 $0x5  }
0x65: {  	[tilespmem:s3], [sflag:$0x5] =	stream.indirect.gather @!p1 [hbm4b:s1+s28], $0x80, s29, s28, $0xb8;
	[tilespmem:$0x8200] =	vst v63  }
0x66: {  	_ =	swait.ge @!p1 [sflag:s0], $0x4000  }
0x67: {  	s29 =	simm.s32 @!p1 $0x4180;
	[sflag:s0] =	ssyncset.done @!p1 $0x0  }
0x68: {  	s15 =	simm.s32 @!p1 $0x0;
	[sflag:s0] =	ssyncadd.s32 @!p1 $0xFFFFC000  }
0x69: {  	[tilespmem:s3], [sflag:$0x5] =	stream.indirect.gather.add.f32 @!p1 [hbm:s4], $0x80, s29, s28, $0xb8;
	[tilespmem:$0x8200] =	vst v63  }
.Ltmp0:
0x6a: {  	s24 =	sadd.s32 $0x2, s24;
	_ =	swait.ge @!p1 [sflag:s0], $0x4000;
	(pc) =	sbr.rel @p0 .LBB2_2-.Ltmp0, $4  }
0x6b: {  	s16 =	sadd.s32 @!p1 $0x10000, s26;
	p2 =	por p2, p1;
	[sflag:s0] =	ssyncset.done @!p1 $0x0  }
0x6c: {  	s28 =	simm.s32 @!p2 $0x4180;
	[sflag:s0] =	ssyncadd.s32 @!p1 $0xFFFFC000;
	s0 =	sadd.s32 @!p2 s25, s12  }
0x6d: {  	s31 =	simm.s32 @!p2 $0x4100;
	s29 =	simm.s32 @!p2 $0x0;
	s30 =	sadd.s32 @!p2 $0x600, s0  }
0x6e: {  	[hbm4b:s16+s15] =	stream.linear.scatter @!p1 [tilespmem:s3], [sflag:$0x6], $0x4000, $0x38;
	[tilespmem:$0x8200] =	vst v63  }
0x6f: {  	s0 =	sadd.s32 @!p2 s25, s13  }
0x70: {  	[tilespmem:s31], [sflag:$0x4] =	stream.linear.gather @!p2 [hbm4b:s30+s29], $0x80, $0x38;
	[tilespmem:$0x8200] =	vst v63  }
0x71: {  	s22 =	sadd.s32 $0x1, s22;
	s0 =	sadd.s32 @!p2 $0x600, s0  }
0x72: {  	[tilespmem:s28], [sflag:$0x4] =	stream.linear.gather @!p2 [hbm4b:s0+s29], $0x80, $0x38;
	[tilespmem:$0x8200] =	vst v63  }
0x73: {  	p0 =	sne.s32 s22, s10;
	_ =	swait.ge [sflag:s20], $0x4000  }
.Ltmp1:
0x74: {  	[sflag:s20] =	ssyncset.done $0x0;
	(pc) =	sbr.rel @p0 .LBB2_1-.Ltmp1, $4  }
0x75: {  	[sflag:s20] =	ssyncadd.s32 $0xFFFFC000  }
0x76: {  	_ =	swait.ge [sflag:s21], $0x4000  }
0x77: {  	[sflag:s21] =	ssyncset.done $0x0  }
0x78: {  	[sflag:s21] =	ssyncadd.s32 $0xFFFFC000  }
0x79: {  	_ =	sfence.sel $0x180000  }
0x7a: {  	[bflag:$0x0] =	sbarrier.arrive $0xFFFF  }
0x7b: {  	_ =	strace $0x9000004A  }
0x7c: {  	s0 =	stileid.u32;
	[bflag:$0x2] =	sbarrier.arrive $0xFFFF  }
0x7d: {  	p0 =	sne.s32 s0, $0x0;
	s0 =	rddreg [dreg:$0x3]  }
0x7e: {  	s0 =	sadd.s32 @!p0 $0x100000, s0  }
0x7f: {  	[sflag:s0] =	ssyncadd.tile.s32 @!p0 $0x1;
	_ =	shalt  }
.Lfunc_end2:
_tile_overlayer_lowered:
.L_overlay_start_2:
0x80: {  	(tag) =	ssettag $0x2  }
0x81: {  	s0 =	rddreg [dreg:$0x0];
	s2 =	stileid.u32  }
0x82: {  	s1 =	rddreg [dreg:$0x1];
	p0 =	sne.s32 s2, $0x0  }
0x83: {  	s3 =	rddreg [dreg:$0x2];
	[bflag:$0x3] =	sbarrier.arrive $0xFFFF;
	s2 =	simm.s32 @!p0 $0x1C07  }
0x84: {  	[timem:s3], [sflag:s2] =	dma.local @!p0 [hbm:s0], s1  }
0x85: {  	s0 =	simm.s32 @!p0 $0x7  }
0x86: {  	_ =	swait.ge @!p0 [sflag:s0], s1  }
0x87: {  	s1 =	ssub.s32 @!p0 $0x0, s1;
	[sflag:s0] =	ssyncset.done @!p0 $0x0  }
0x88: {  	[sflag:s0] =	ssyncadd.s32 @!p0 s1  }
0x89: {  	[bflag:$0x3] =	sbarrier.arrive $0xFFFF  }
0x8a: {  	_ =	shalt  }

// kernel: kernel.20.cloned.1.call-start
scs
__scs_entry_jumppad:
0x0: {  	(pc) =	sbr.rel $0x88, $3  }
0x1: {  	(tag) =	ssettag $0x0;
	lr =	simm.s32 $0x1  }
0x2: {  	[smem:$0x3F8E] =	sst lr;
	_ =	strace $0xD0000000  }
0x3: {  	_ = 	snop  }
0x4: {  	_ = 	snop  }
0x5: {  	_ = 	snop  }
0x6: {  	_ = 	snop  }
0x7: {  	_ = 	snop  }
__scs_overlays_trampoline_lowered:
0x8: {  	[smem:$0x3F9D] =	sst s0  }
0x9: {  	[smem:$0x3F9E] =	sst s1  }
0xa: {  	[smem:$0x3F9F] =	sst s2  }
0xb: {  	[smem:$0x3FA0] =	sst s3  }
0xc: {  	[smem:$0x3FA1] =	sst s4  }
0xd: {  	[smem:$0x3FA2] =	sst s5  }
0xe: {  	[smem:$0x3FA3] =	sst s6  }
0xf: {  	[smem:$0x3FA4] =	sst s7  }
0x10: {  	[smem:$0x3FA5] =	sst s8  }
0x11: {  	[smem:$0x3FA6] =	sst s9;
	s0 =	simm.s32 @!p0 $0x0  }
0x12: {  	s1 =	sld [smem:$0x3F8C];
	s0 =	simm.s32 @p0 $0x1  }
0x13: {  	[smem:$0x3FA7] =	sst s0;
	s0 =	simm.s32 @!p1 $0x0  }
0x14: {  	s2 =	sld [smem:$0x3F8B];
	s0 =	simm.s32 @p1 $0x1  }
0x15: {  	[smem:$0x3FA8] =	sst s0;
	s0 =	simm.s32 @!p2 $0x0  }
0x16: {  	s3 =	sld [smem:$0x3FDB];
	s0 =	simm.s32 @p2 $0x1  }
0x17: {  	s4 =	simm.s32 $0x1BF5;
	[smem:$0x3FAA] =	sst s0  }
0x18: {  	s0 =	sld [smem:$0x3F8D];
	_ =	swait.ge [sflag:s4], $0x0  }
0x19: {  	s7 =	sld [smem:$0x3F8E]  }
0x1a: {  	s8 =	sadd.s32 $0xFFFFE003, lr  }
0x1b: {  	s9 =	sadd.s32 $0xFFFFFEF7, lr;
	s5 =	simm.s32 $0xFFFFFFFF;
	p2 =	slt.u32 s8, $0xFFFFF086  }
0x1c: {  	p1 =	slt.u32 s9, $0xF7A;
	s5 =	simm.s32 @!p2 $0x0  }
0x1d: {  	s5 =	simm.s32 @p1 $0x1;
	p0 =	seq.s32 s7, s2  }
0x1e: {  	s7 =	smul.u32 @!p0 $0xF7A, s2;
	p2 =	seq.s32 @!p0 s5, $0x0  }
0x1f: {  	s9 =	smul.u32 $0xF7A, s1;
	s8 =	simm.s32 @!p0 $0x1BF5;
	p2 =	por !p2, p0  }
0x20: {  	[sflag:s8] =	ssyncset.s32 @!p0 $0xFFFFF086;
	s6 =	sadd.s32 @!p0 s3, s7;
	s7 =	simm.s32 @!p0 $0x108  }
0x21: {  	s3 =	sadd.s32 s3, s9;
	s6 =	sadd.s32 @!p0 $0x88, s6;
	s7 =	simm.s32 @p2 $0x1082  }
0x22: {  	[simem:s7], [sflag:s8] =	dma.local @!p0 [hbm:s6], $0xF7A  }
0x23: {  	s9 =	sor.u32 $0xD0000000, s2;
	s6 =	simm.s32 $0x108;
	_ =	swait.ge @!p0 [sflag:s8], $0x0  }
0x24: {  	s3 =	sadd.s32 $0x88, s3;
	s6 =	simm.s32 @!p1 $0x1082;
	[sflag:s4] =	ssyncset.s32 $0xFFFFF086  }
0x25: {  	[simem:s6], [sflag:s4] =	dma.local [hbm:s3], $0xF7A  }
0x26: {  	[smem:$0x3F8E] =	sst s1;
	(tag) =	ssettag s2;
	_ =	strace s9  }
0x27: {  	s1 =	sld [smem:$0x3F9E]  }
0x28: {  	s2 =	sld [smem:$0x3F9F]  }
0x29: {  	s4 =	sld [smem:$0x3FA1]  }
0x2a: {  	p0 =	seq.s32 s5, $0x0;
	s5 =	sld [smem:$0x3FA2]  }
0x2b: {  	s6 =	sld [smem:$0x3FA3]  }
0x2c: {  	s7 =	sld [smem:$0x3FA4]  }
0x2d: {  	s3 =	simm.s32 $0x108;
	s8 =	sld [smem:$0x3FA5]  }
0x2e: {  	s3 =	simm.s32 @!p0 $0x1082;
	s9 =	sld [smem:$0x3FA6]  }
0x2f: {  	lr =	sadd.s32 s0, s3;
	s0 =	sld [smem:$0x3F9D]  }
0x30: {  	s3 =	sld [smem:$0x3FA0]  }
0x31: {  	[smem:$0x3FA9] =	sst s10  }
0x32: {  	s10 =	sld [smem:$0x3FA7];
	_ =	sdelay $0x3  }
0x33: {  	p0 =	seq.s32 s10, $0x1;
	s10 =	sld [smem:$0x3FA9];
	_ =	sdelay $0x3  }
0x34: {  	[smem:$0x3FA9] =	sst s10  }
0x35: {  	s10 =	sld [smem:$0x3FA8];
	_ =	sdelay $0x3  }
0x36: {  	p1 =	seq.s32 s10, $0x1;
	s10 =	sld [smem:$0x3FA9];
	_ =	sdelay $0x3  }
0x37: {  	[smem:$0x3FA9] =	sst s10  }
0x38: {  	s10 =	sld [smem:$0x3FAA]  }
0x39: {  	_ = 	snop;
	(pc) =	sbr.ind lr, $3  }
0x3a: {  	_ = 	snop  }
0x3b: {  	_ = 	snop  }
0x3c: {  	p2 =	seq.s32 s10, $0x1;
	s10 =	sld [smem:$0x3FA9]  }
0x3d: {  	_ =	shalt  }
0x3e: {  	_ =	shalt  }
0x3f: {  	_ =	shalt  }
0x40: {  	_ =	shalt  }
0x41: {  	_ =	shalt  }
0x42: {  	_ =	shalt  }
0x43: {  	_ =	shalt  }
0x44: {  	_ =	shalt  }
0x45: {  	_ =	shalt  }
0x46: {  	_ =	shalt  }
0x47: {  	_ =	shalt  }
0x48: {  	_ =	shalt  }
0x49: {  	_ =	shalt  }
0x4a: {  	_ =	shalt  }
0x4b: {  	_ =	shalt  }
0x4c: {  	_ =	shalt  }
0x4d: {  	_ =	shalt  }
0x4e: {  	_ =	shalt  }
0x4f: {  	_ =	shalt  }
0x50: {  	_ =	shalt  }
0x51: {  	_ =	shalt  }
0x52: {  	_ =	shalt  }
0x53: {  	_ =	shalt  }
0x54: {  	_ =	shalt  }
0x55: {  	_ =	shalt  }
0x56: {  	_ =	shalt  }
0x57: {  	_ =	shalt  }
0x58: {  	_ =	shalt  }
0x59: {  	_ =	shalt  }
0x5a: {  	_ =	shalt  }
0x5b: {  	_ =	shalt  }
0x5c: {  	_ =	shalt  }
0x5d: {  	_ =	shalt  }
0x5e: {  	_ =	shalt  }
0x5f: {  	_ =	shalt  }
0x60: {  	_ =	shalt  }
0x61: {  	_ =	shalt  }
0x62: {  	_ =	shalt  }
0x63: {  	_ =	shalt  }
0x64: {  	_ =	shalt  }
0x65: {  	_ =	shalt  }
0x66: {  	_ =	shalt  }
0x67: {  	_ =	shalt  }
0x68: {  	_ =	shalt  }
0x69: {  	_ =	shalt  }
0x6a: {  	_ =	shalt  }
0x6b: {  	_ =	shalt  }
0x6c: {  	_ =	shalt  }
0x6d: {  	_ =	shalt  }
0x6e: {  	_ =	shalt  }
0x6f: {  	_ =	shalt  }
0x70: {  	_ =	shalt  }
0x71: {  	_ =	shalt  }
0x72: {  	_ =	shalt  }
0x73: {  	_ =	shalt  }
0x74: {  	_ =	shalt  }
0x75: {  	_ =	shalt  }
0x76: {  	_ =	shalt  }
0x77: {  	_ =	shalt  }
0x78: {  	_ =	shalt  }
0x79: {  	_ =	shalt  }
0x7a: {  	_ =	shalt  }
0x7b: {  	_ =	shalt  }
0x7c: {  	_ =	shalt  }
0x7d: {  	_ =	shalt  }
0x7e: {  	_ =	shalt  }
0x7f: {  	_ =	shalt  }
0x80: {  	_ =	shalt  }
0x81: {  	_ =	shalt  }
0x82: {  	_ =	shalt  }
0x83: {  	_ =	shalt  }
0x84: {  	_ =	shalt  }
0x85: {  	_ =	shalt  }
0x86: {  	_ =	shalt  }
0x87: {  	_ =	shalt  }
.Lfunc_end0:
.L_simem_size_0:
called_computation.3_lowered:
.L_overlay_start_0:
0x88: {  	s2 =	sld [smem:$0x3FD9]  }
0x89: {  	s3 =	sld [smem:$0x3FFE];
	_ =	sdelay $0x1  }
0x8a: {  	s1 =	srdreg.scid  }
0x8b: {  	s0 =	sand.u32 $0x1, s1  }
0x8c: {  	s17 =	sshll.u32 s0, $0xA;
	s2 =	sadd.s32 s3, s2  }
0x8d: {  	s2 =	sadd.s32 s2, s17  }
0x8e: {  	[smem:$0x3FB5] =	sst s2  }
0x8f: {  	_ = 	snop  }
0x90: {  	(tm) =	ssettm $0x1  }
0x91: {  	s18 =	sld [smem:$0x3FFB];
	_ =	sdelay $0x3  }
0x92: {  	_ =	strace s18  }
0x93: {  	s2 =	sld [smem:$0x3FFC];
	_ =	sdelay $0x3  }
0x94: {  	_ =	strace s2  }
0x95: {  	s2 =	sld [smem:$0x3FFD];
	_ =	sdelay $0x3  }
0x96: {  	_ =	strace s2  }
0x97: {  	_ =	strace $0x8FFFFFFF  }
0x98: {  	s19 =	sld [smem:$0x3FDB];
	_ =	sdelay $0x1  }
0x99: {  	s20 =	simm.s32 $_scs_section_size  }
0x9a: {  	s4 =	simm.s32 $_size__tile_overlayer_lowered;
	s5 =	simm.s32 $_tile_overlayer_lowered  }
0x9b: {  	s6 =	simm.s32 $0x1BFF;
	s21 =	sshll.u32 s5, $0x1;
	s3 =	sadd.s32 s20, s19  }
0x9c: {  	s22 =	simm.s32 $0x0;
	s4 =	sshll.u32 s4, $0x1;
	s5 =	sadd.s32 s21, s3  }
0x9d: {  	[timem:s22], [sflag:s6] =	dma.local [hbm:s5], s4  }
0x9e: {  	_ =	swait.ge [sflag:s6], s4  }
0x9f: {  	s4 =	ssub.s32 $0x0, s4;
	[sflag:s6] =	ssyncset.done $0x0  }
0xa0: {  	[sflag:s6] =	ssyncadd.s32 s4;
	_ =	sdelay $0x1  }
0xa1: {  	s23 =	simm.s32 $0x1B8B  }
0xa2: {  	_ =	swait.ge [sflag:s23], $0x1  }
0xa3: {  	[sflag:s23] =	ssyncset.done $0x0  }
0xa4: {  	[sflag:s23] =	ssyncadd.s32 $0xFFFFFFFF  }
0xa5: {  	s4 =	sld [smem:$0x0]  }
0xa6: {  	s5 =	sand.u32 $0xFFFFFFFE, s1  }
0xa7: {  	p0 =	sne.s32 s1, s5  }
0xa8: {  	s5 =	sshll.u32 @p0 s5, $0xE  }
0xa9: {  	s5 =	sadd.s32 @p0 $0x11B8D, s5;
	s6 =	sshll.u32 @p0 s4, $0x11  }
0xaa: {  	s5 =	sor.u32 @p0 s6, s5  }
0xab: {  	[sflag:s5] =	ssyncadd.remote.s32 @p0 $0x1;
	_ =	sdelay $0x1  }
0xac: {  	s5 =	simm.s32 @p0 $0x1B8D  }
0xad: {  	_ =	swait.eq @p0 [sflag:s5], $0x1  }
0xae: {  	[sflag:s5] =	ssyncadd.s32 @p0 $0xFFFFFFFF  }
0xaf: {  	s6 =	sshll.u32 @!p0 s1, $0xE  }
0xb0: {  	s6 =	sor.u32 @!p0 $0x4000, s6;
	s5 =	simm.s32 @!p0 $0x1B8D  }
0xb1: {  	s4 =	sshll.u32 @!p0 s4, $0x11;
	s6 =	sadd.s32 @!p0 $0x11B8D, s6;
	_ =	swait.eq @!p0 [sflag:s5], $0x1  }
0xb2: {  	s4 =	sor.u32 @!p0 s4, s6;
	[sflag:s5] =	ssyncadd.s32 @!p0 $0xFFFFFFFF  }
0xb3: {  	s25 =	simm.s32 $0x1B8E;
	s24 =	sld [smem:$0x3FFE];
	[sflag:s4] =	ssyncadd.remote.s32 @!p0 $0x1  }
0xb4: {  	s26 =	simm.s32 $execute0_lowered;
	[smem:$0x3FD2] =	sst s25  }
0xb5: {  	s5 =	sshll.u32 s26, $0x1;
	_ =	strace $0x8000004F;
	[dreg:$0x1] =	wrdreg $0xFFFFFFFF  }
0xb6: {  	s28 =	simm.s32 $_size_execute0_lowered;
	s3 =	sadd.s32 s3, s5;
	[dreg:$0x0] =	wrdreg $0x0  }
0xb7: {  	s5 =	sshll.u32 s28, $0x1;
	[dreg:$0x2] =	wrdreg s3  }
0xb8: {  	[dreg:$0x3] =	wrdreg s5  }
0xb9: {  	[dreg:$0x4] =	wrdreg $0xC0  }
0xba: {  	_ =	task [dreg:s22], $0x5FFFF  }
0xbb: {  	[dreg:$0x1] =	wrdreg $0xFFFFFFFF  }
0xbc: {  	[dreg:$0x0] =	wrdreg $0x60  }
0xbd: {  	[dreg:$0x2] =	wrdreg s24  }
0xbe: {  	[dreg:$0x3] =	wrdreg $0xE5000  }
0xbf: {  	[dreg:$0x4] =	wrdreg $0xA  }
0xc0: {  	_ =	task.clear_ibuf [dreg:s22], $0x5FFFF;
	_ =	strace $0x9000004F  }
0xc1: {  	s29 =	simm.s32 $0xA;
	_ =	strace $0x80000051  }
0xc2: {  	_ =	swait.ge [sflag:s29], $0x1  }
0xc3: {  	[sflag:s29] =	ssyncadd.s32 $0xFFFFFFFF  }
0xc4: {  	_ =	strace $0x90000051  }
0xc5: {  	_ =	sfence  }
0xc6: {  	s30 =	sld [smem:$0x0];
	_ =	sdelay $0x2  }
0xc7: {  	s31 =	sshll.u32 s1, $0xD;
	s1 =	sshrl.u32 s1, $0x2  }
0xc8: {  	s4 =	sand.u32 $0x4000, s31;
	s1 =	sadd.s32 s1, s30  }
0xc9: {  	s0 =	sor.u32 s4, s0;
	s1 =	sshll.u32 s1, $0x11  }
0xca: {  	s0 =	sor.u32 s1, s0  }
0xcb: {  	s0 =	sadd.s32 $0x8F2B, s0  }
0xcc: {  	[sflag:s0] =	ssyncadd.remote.s32 $0x1  }
0xcd: {  	_ =	sfence.sel $0xFFFF  }
0xce: {  	[dreg:$0x0] =	wrdreg $0xFFFFFFFF;
	(pc) =	sbr.abs _section_cstart, $3  }
0xcf: {  	[dreg:$0x1] =	wrdreg $0xFFFFFFFF  }
0xd0: {  	_ =	task.clear_ibuf [dreg:s22], $0x2FFFF;
	_ =	strace $0x9FFFFFFF  }
0xd1: {  	(tm) =	ssettm $0x7FFFFFFF  }
tec
execute0_lowered:
.L_overlay_start_1:
0x0: {  	(tag) =	ssettag $0x1  }
0x1: {  	s0 =	rddreg [dreg:$0x0]  }
0x2: {  	s1 =	rddreg [dreg:$0x1];
	s2 =	simm.s32 $0x0  }
0x3: {  	s28 =	simm.s32 $0x4100;
	[smem:$0x7FF] =	sst s2;
	s3 =	sadd.s32 $0xC9CE00, s0  }
0x4: {  	s4 =	srdreg.scid;
	s8 =	sadd.s32 $0xF0DE00, s0;
	s9 =	sadd.s32 $0x2BFE00, s0  }
0x5: {  	s23 =	stileid.u32;
	s10 =	sadd.s32 $0x2BAE00, s0;
	s11 =	sadd.s32 $0x2D3E00, s0  }
0x6: {  	s12 =	sadd.s32 $0x2CEE00, s0;
	s7 =	sand.u32 $0x1, s4;
	s5 =	smul.u32 $0x19000, s23  }
0x7: {  	s13 =	sor.u32 $0x10, s23;
	s14 =	ssub.s32 $0x4F1, s23;
	s0 =	sadd.s32 $0x84000, s0  }
0x8: {  	s31 =	smul.u32 $0x6400, s23;
	s17 =	sshll.u32 s23, $0x4;
	s18 =	sshll.u32 s23, $0xB  }
0x9: {  	p5 =	sgt.u32 s23, $0x9;
	p6 =	sgt.u32 s23, $0x8;
	s15 =	smul.u32 $0x19000, s13  }
0xa: {  	_ =	strace $0x80000050;
	s4 =	ssub.s32 $0x2, s7;
	s30 =	smul.u32 $0x138800, s7  }
0xb: {  	p0 =	seq.s32 s7, $0x0;
	s19 =	sshll.u32 s13, $0x4;
	s20 =	sshll.u32 s13, $0xB  }
0xc: {  	s13 =	smul.u32 $0x6400, s13;
	s6 =	sshrl.u32 s4, $0x1;
	s5 =	sshrl.u32 s5, $0x2  }
0xd: {  	s11 =	smov.u32 @p0 s9;
	s8 =	smov.u32 @p0 s3;
	s12 =	smov.u32 @p0 s10  }
0xe: {  	s16 =	ssub.s32 s4, s6;
	s4 =	sshrl.u32 s14, $0x4;
	s29 =	sshrl.u32 s15, $0x2  }
0xf: {  	s5 =	sadd.s32 s5, s1;
	s24 =	sadd.s32 s31, s30;
	s25 =	sadd.s32 $0x9C400, s30  }
0x10: {  	s14 =	sadd.s32 s30, s13;
	s30 =	sadd.s32 s11, s19;
	s6 =	sadd.s32 s29, s1  }
0x11: {  	s21 =	sadd.s32 $0x1, s4;
	s22 =	sshrl.u32 s24, $0x3;
	s7 =	sadd.s32 $0xFFFFFFFF, s4  }
0x12: {  	s15 =	sadd.s32 s31, s25;
	s13 =	sadd.s32 s13, s25;
	s14 =	sshrl.u32 s14, $0x3  }
0x13: {  	s29 =	smax.u32 s16, $0x1;
	[dreg:$0x8] =	wrdreg s30;
	s16 =	sadd.s32 s8, s20  }
0x14: {  	s31 =	sadd.s32 s12, s19;
	s24 =	simm.s32 $0x3;
	[dreg:$0x7] =	wrdreg s29  }
0x15: {  	s22 =	sadd.s32 s0, s22;
	s15 =	sshrl.u32 s15, $0x3;
	[dreg:$0x9] =	wrdreg s31  }
0x16: {  	s13 =	sshrl.u32 s13, $0x3;
	s14 =	sadd.s32 s0, s14;
	[dreg:$0x3] =	wrdreg s22  }
0x17: {  	[dreg:$0x4] =	wrdreg s14;
	s26 =	sadd.s32 s0, s15;
	s0 =	sadd.s32 s0, s13  }
0x18: {  	s19 =	sand.u32 $0x5E, s21;
	[dreg:$0x6] =	wrdreg s0;
	s0 =	simm.s32 @!p5 $0x0  }
0x19: {  	s13 =	sadd.s32 s11, s17;
	s14 =	sadd.s32 s8, s18;
	s0 =	simm.s32 @p5 $0x1  }
0x1a: {  	s17 =	sadd.s32 s12, s17;
	[smem:$0x7FC] =	sst s0;
	s0 =	simm.s32 @!p6 $0x0  }
0x1b: {  	[dreg:$0x5] =	wrdreg s26;
	s11 =	sadd.s32 $0x18000, s14;
	s0 =	simm.s32 @p6 $0x1  }
0x1c: {  	v0 =	vimm.f32 $0.0e+00;
	s21 =	sadd.s32 $0x300, s13;
	s22 =	sadd.s32 $0x300, s17;
	[smem:$0x7FD] =	sst s0  }
.LBB2_1:
0x1d: {  	s0 =	simm.s32 $0x0;
	s3 =	simm.s32 $0x200  }
.LBB2_2:
0x1e: {  	p0 =	sne.s32 s3, $0x18E00;
	[tilespmem:s0+$0x8170] =	vst v0  }
0x1f: {  	[tilespmem:s0+$0x8100] =	vst v0  }
0x20: {  	[tilespmem:s0+$0x8110] =	vst v0  }
.Ltmp0:
0x21: {  	[tilespmem:s0+$0x8120] =	vst v0;
	(pc) =	sbr.rel @p0 .LBB2_2-.Ltmp0, $4  }
0x22: {  	[tilespmem:s0+$0x8130] =	vst v0  }
0x23: {  	[tilespmem:s0+$0x8140] =	vst v0  }
0x24: {  	[tilespmem:s0+$0x8150] =	vst v0  }
0x25: {  	[tilespmem:s0+$0x8160] =	vst v0;
	s0 =	sshra.s32 s3, $0x2;
	s3 =	sadd.s32 $0x200, s3  }
0x26: {  	[tilespmem:s0+$0x8170] =	vst v0  }
0x27: {  	[tilespmem:s0+$0x8100] =	vst v0  }
0x28: {  	[tilespmem:s0+$0x8110] =	vst v0  }
0x29: {  	[tilespmem:s0+$0x8120] =	vst v0  }
0x2a: {  	[tilespmem:s0+$0x8130] =	vst v0  }
0x2b: {  	[tilespmem:s0+$0x8140] =	vst v0  }
0x2c: {  	[tilespmem:s0+$0x8150] =	vst v0  }
0x2d: {  	[tilespmem:s0+$0x8160] =	vst v0;
	s25 =	simm.s32 $0x8100  }
0x2e: {  	[spmem:s5] =	stream.linear.scatter [tilespmem:s25], [sflag:$0x3], $0x6400, $0x38;
	[tilespmem:$0x18780] =	vst v63  }
0x2f: {  	s0 =	simm.s32 @!p5 $0x8100;
	s31 =	simm.s32 @!p5 $0x3;
	_ =	swait.ge [sflag:s24], $0x6400  }
0x30: {  	s30 =	simm.s32 $0x0;
	s3 =	simm.s32 $0x80;
	[sflag:s24] =	ssyncset.done $0x0  }
0x31: {  	s8 =	simm.s32 $0x4080;
	p0 =	sle.u32 s4, $0x0;
	[sflag:s24] =	ssyncadd.s32 $0xFFFF9C00  }
0x32: {  	[spmem:s6] =	stream.linear.scatter @!p5 [tilespmem:s0], [sflag:$0x3], $0x6400, $0x38;
	[tilespmem:$0x18780] =	vst v63  }
0x33: {  	s29 =	simm.s32 $0x2;
	p2 =	sne.s32 s19, $0x2;
	_ =	swait.ge @!p5 [sflag:s31], $0x6400  }
0x34: {  	s9 =	simm.s32 $0x0;
	p1 =	sle.u32 @!p0 s4, $0x2;
	[sflag:s31] =	ssyncset.done @!p5 $0x0  }
0x35: {  	p4 =	por p0, p0;
	p0 =	por $0x0, $0x0;
	[sflag:s31] =	ssyncadd.s32 @!p5 $0xFFFF9C00  }
0x36: {  	s10 =	simm.s32 @!p2 $0x0;
	p1 =	por p1, p1;
	[bflag:$0x0] =	sbarrier.arrive $0xFFFF  }
0x37: {  	[tilespmem:s30], [sflag:$0x1] =	stream.linear.gather [hbm4b:s13+s30], $0x80, $0x38;
	[tilespmem:$0x18780] =	vst v63  }
0x38: {  	p3 =	por p4, p4;
	s10 =	simm.s32 @p2 $0x1;
	p6 =	por p1, p1  }
0x39: {  	[tilespmem:s3], [sflag:$0x1] =	stream.linear.gather [hbm4b:s14+s30], $0x4000, $0x38;
	[tilespmem:$0x18780] =	vst v63  }
.Ltmp1:
0x3a: {  	s26 =	rddreg [dreg:$0x8];
	s3 =	simm.s32 @!p0 $0x0;
	(pc) =	sbr.rel @!p2 .LBB2_8-.Ltmp1, $4  }
0x3b: {  	[smem:$0x7FB] =	sst s10;
	s3 =	simm.s32 @p0 $0x1;
	p0 =	por $0x0, $0x0  }
0x3c: {  	[tilespmem:s8], [sflag:$0x2] =	stream.linear.gather [hbm4b:s26+s30], $0x80, $0x38;
	[tilespmem:$0x18780] =	vst v63  }
0x3d: {  	[smem:$0x7FA] =	sst s3;
	s3 =	smov.u32 s21;
	s8 =	smov.u32 s11  }
0x3e: {  	[tilespmem:s28], [sflag:$0x2] =	stream.linear.gather [hbm4b:s16+s30], $0x4000, $0x38;
	[tilespmem:$0x18780] =	vst v63  }
0x3f: {  	s3 =	simm.s32 @!p4 $0x1  }
0x40: {  	_ =	swait.ge @!p4 [sflag:s3], $0x80  }
0x41: {  	[sflag:s3] =	ssyncset.done @!p4 $0x0  }
0x42: {  	[sflag:s3] =	ssyncadd.s32 @!p4 $0xFFFFFF80  }
0x43: {  	_ =	swait.ge @!p4 [sflag:s3], $0x4000  }
0x44: {  	[sflag:s3] =	ssyncset.done @!p4 $0x0  }
0x45: {  	s9 =	simm.s32 @!p4 $0x80;
	[sflag:s3] =	ssyncadd.s32 @!p4 $0xFFFFC000;
	s3 =	simm.s32 @!p4 $0x0  }
0x46: {  	[spmem:s1] =	stream.indirect.scatter.add.f32 @!p4 [tilespmem:s9], [sflag:$0x3], $0x80, s3, s9, $0xb8;
	[tilespmem:$0x18780] =	vst v63  }
0x47: {  	s8 =	simm.s32 @!p4 $0x3;
	s3 =	simm.s32 @!p1 $0x0  }
0x48: {  	_ =	swait.ge @!p4 [sflag:s8], $0x4000;
	s3 =	simm.s32 @p1 $0x1  }
0x49: {  	p0 =	por p1, p4;
	[sflag:s8] =	ssyncset.done @!p4 $0x0;
	[smem:$0x7F9] =	sst s3  }
0x4a: {  	s3 =	sadd.s32 @!p0 $0xFFFFFF00, s21;
	[sflag:s8] =	ssyncadd.s32 @!p4 $0xFFFFC000;
	s8 =	simm.s32 @!p0 $0x0  }
0x4b: {  	[tilespmem:s8], [sflag:$0x1] =	stream.linear.gather @!p0 [hbm4b:s3+s8], $0x80, $0x38;
	[tilespmem:$0x18780] =	vst v63  }
0x4c: {  	s9 =	simm.s32 @!p0 $0x80;
	p1 =	sle.u32 s7, $0x0;
	s3 =	sadd.s32 @!p0 $0xFFFF8000, s11  }
0x4d: {  	[tilespmem:s9], [sflag:$0x1] =	stream.linear.gather @!p0 [hbm4b:s3+s8], $0x4000, $0x38;
	[tilespmem:$0x18780] =	vst v63  }
0x4e: {  	s3 =	simm.s32 @!p1 $0x2  }
0x4f: {  	p2 =	sle.u32 s4, $0x2;
	_ =	swait.ge @!p1 [sflag:s3], $0x80  }
0x50: {  	s10 =	simm.s32 $0x4;
	p3 =	sle.u32 @!p2 s4, $0x4;
	[sflag:s3] =	ssyncset.done @!p1 $0x0  }
0x51: {  	s20 =	smov.u32 s11;
	p6 =	por p3, p3;
	[sflag:s3] =	ssyncadd.s32 @!p1 $0xFFFFFF80  }
0x52: {  	s12 =	simm.s32 @!p1 $0x4080;
	s15 =	simm.s32 @!p1 $0x4100;
	_ =	swait.ge @!p1 [sflag:s3], $0x4000  }
0x53: {  	p5 =	sle.u32 @!p1 s4, $0x3;
	p0 =	sne.s32 s19, $0x4;
	[sflag:s3] =	ssyncset.done @!p1 $0x0  }
0x54: {  	s8 =	simm.s32 @!p1 $0x80;
	s9 =	simm.s32 @!p1 $0x3;
	[sflag:s3] =	ssyncadd.s32 @!p1 $0xFFFFC000  }
0x55: {  	[spmem:s1] =	stream.indirect.scatter.add.f32 @!p1 [tilespmem:s15], [sflag:$0x3], $0x80, s12, s8, $0xb8;
	[tilespmem:$0x18780] =	vst v63  }
.Ltmp2:
0x56: {  	p5 =	por p5, p1;
	_ =	swait.ge @!p1 [sflag:s9], $0x4000;
	(pc) =	sbr.rel @!p0 .LBB2_5-.Ltmp2, $4  }
0x57: {  	p3 =	por p2, p2;
	s23 =	simm.s32 @!p5 $0x4100;
	[sflag:s9] =	ssyncset.done @!p1 $0x0  }
0x58: {  	s3 =	simm.s32 @!p5 $0x4080;
	s15 =	simm.s32 @!p5 $0x0;
	[sflag:s9] =	ssyncadd.s32 @!p1 $0xFFFFC000  }
0x59: {  	[tilespmem:s3], [sflag:$0x2] =	stream.linear.gather @!p5 [hbm4b:s21+s15], $0x80, $0x38;
	[tilespmem:$0x18780] =	vst v63  }
0x5a: {  	s8 =	sadd.s32 $0x10000, s11;
	s9 =	simm.s32 $0x2;
	s3 =	sadd.s32 $0x200, s21  }
.LBB2_6:
0x5b: {  	p1 =	sge.u32 s10, s4;
	s25 =	simm.s32 @!p3 $0x1  }
0x5c: {  	s18 =	smov.u32 s10;
	s10 =	sadd.s32 $0x2, s10;
	s12 =	smov.u32 s3  }
0x5d: {  	[tilespmem:s23], [sflag:$0x2] =	stream.linear.gather @!p5 [hbm4b:s20+s15], $0x4000, $0x38;
	[tilespmem:$0x18780] =	vst v63  }
0x5e: {  	s15 =	sadd.s32 @!p1 $0x2, s18;
	p0 =	sne.s32 s19, s10;
	_ =	swait.ge @!p3 [sflag:s25], $0x80  }
0x5f: {  	s20 =	smov.u32 s8;
	p2 =	sge.u32 @!p1 s15, s4;
	[sflag:s25] =	ssyncset.done @!p3 $0x0  }
0x60: {  	[sflag:s25] =	ssyncadd.s32 @!p3 $0xFFFFFF80  }
0x61: {  	_ =	swait.ge @!p3 [sflag:s25], $0x4000  }
0x62: {  	s15 =	simm.s32 @!p3 $0x3;
	[sflag:s25] =	ssyncset.done @!p3 $0x0  }
0x63: {  	s23 =	simm.s32 @!p3 $0x0;
	[sflag:s25] =	ssyncadd.s32 @!p3 $0xFFFFC000;
	s25 =	simm.s32 @!p3 $0x80  }
0x64: {  	[spmem:s1] =	stream.indirect.scatter.add.f32 @!p3 [tilespmem:s25], [sflag:$0x3], $0x80, s23, s25, $0xb8;
	[tilespmem:$0x18780] =	vst v63  }
0x65: {  	_ =	swait.ge @!p3 [sflag:s15], $0x4000  }
0x66: {  	p5 =	por p6, p3;
	p6 =	por p2, p2;
	[sflag:s15] =	ssyncset.done @!p3 $0x0  }
0x67: {  	s23 =	simm.s32 @!p5 $0x0;
	[sflag:s15] =	ssyncadd.s32 @!p3 $0xFFFFC000;
	s15 =	sadd.s32 @!p5 $0xFFFFFF00, s3  }
0x68: {  	[tilespmem:s23], [sflag:$0x1] =	stream.linear.gather @!p5 [hbm4b:s15+s23], $0x80, $0x38;
	[tilespmem:$0x18780] =	vst v63  }
0x69: {  	p2 =	sge.u32 s9, s7;
	s25 =	simm.s32 @!p5 $0x80;
	s15 =	sadd.s32 @!p5 $0xFFFF8000, s8  }
0x6a: {  	[tilespmem:s25], [sflag:$0x1] =	stream.linear.gather @!p5 [hbm4b:s15+s23], $0x4000, $0x38;
	[tilespmem:$0x18780] =	vst v63  }
0x6b: {  	s15 =	simm.s32 @!p2 $0x2;
	s23 =	sadd.s32 @!p2 $0x3, s9;
	s9 =	smov.u32 s18  }
0x6c: {  	p3 =	por p1, p1;
	p5 =	sge.u32 @!p2 s23, s4;
	_ =	swait.ge @!p2 [sflag:s15], $0x80  }
0x6d: {  	[sflag:s15] =	ssyncset.done @!p2 $0x0  }
0x6e: {  	[sflag:s15] =	ssyncadd.s32 @!p2 $0xFFFFFF80  }
0x6f: {  	s18 =	simm.s32 @!p2 $0x80;
	s23 =	simm.s32 @!p2 $0x3;
	_ =	swait.ge @!p2 [sflag:s15], $0x4000  }
0x70: {  	s26 =	simm.s32 @!p2 $0x4100;
	s25 =	simm.s32 @!p2 $0x4080;
	[sflag:s15] =	ssyncset.done @!p2 $0x0  }
0x71: {  	[sflag:s15] =	ssyncadd.s32 @!p2 $0xFFFFC000  }
0x72: {  	[spmem:s1] =	stream.indirect.scatter.add.f32 @!p2 [tilespmem:s26], [sflag:$0x3], $0x80, s25, s18, $0xb8;
	[tilespmem:$0x18780] =	vst v63  }
.Ltmp3:
0x73: {  	_ = 	snop;
	(pc) =	sbr.rel @p0 .LBB2_6-.Ltmp3, $4  }
0x74: {  	s3 =	sadd.s32 $0x200, s3;
	p5 =	por p5, p2;
	_ =	swait.ge @!p2 [sflag:s23], $0x4000  }
0x75: {  	s15 =	simm.s32 @!p5 $0x0;
	s18 =	simm.s32 @!p5 $0x4080;
	[sflag:s23] =	ssyncset.done @!p2 $0x0  }
0x76: {  	s8 =	sadd.s32 $0x10000, s8;
	[sflag:s23] =	ssyncadd.s32 @!p2 $0xFFFFC000;
	s23 =	simm.s32 @!p5 $0x4100  }
0x77: {  	[tilespmem:s18], [sflag:$0x2] =	stream.linear.gather @!p5 [hbm4b:s12+s15], $0x80, $0x38;
	[tilespmem:$0x18780] =	vst v63  }
0x78: {  	s10 =	sld [smem:$0x7F9];
	_ =	sdelay $0x2  }
0x79: {  	p0 =	por $0x1, $0x1;
	p1 =	seq.s32 s10, $0x1  }
.LBB2_8:
0x7a: {  	p0 =	por p5, !p0;
	s10 =	simm.s32 @!p3 $0x1  }
0x7b: {  	[tilespmem:s23], [sflag:$0x2] =	stream.linear.gather @!p0 [hbm4b:s20+s15], $0x4000, $0x38;
	[tilespmem:$0x18780] =	vst v63  }
0x7c: {  	_ =	swait.ge @!p3 [sflag:s10], $0x80  }
0x7d: {  	[sflag:s10] =	ssyncset.done @!p3 $0x0  }
0x7e: {  	[sflag:s10] =	ssyncadd.s32 @!p3 $0xFFFFFF80  }
0x7f: {  	_ =	swait.ge @!p3 [sflag:s10], $0x4000  }
0x80: {  	s12 =	simm.s32 @!p3 $0x3;
	[sflag:s10] =	ssyncset.done @!p3 $0x0  }
0x81: {  	s15 =	simm.s32 @!p3 $0x80;
	[sflag:s10] =	ssyncadd.s32 @!p3 $0xFFFFC000;
	s10 =	simm.s32 @!p3 $0x0  }
0x82: {  	[spmem:s1] =	stream.indirect.scatter.add.f32 @!p3 [tilespmem:s15], [sflag:$0x3], $0x80, s10, s15, $0xb8;
	[tilespmem:$0x18780] =	vst v63  }
0x83: {  	_ =	swait.ge @!p3 [sflag:s12], $0x4000  }
0x84: {  	p2 =	por p1, p1;
	p1 =	por p6, p3;
	[sflag:s12] =	ssyncset.done @!p3 $0x0  }
0x85: {  	s10 =	sadd.s32 @!p1 $0xFFFFFF00, s3;
	[sflag:s12] =	ssyncadd.s32 @!p3 $0xFFFFC000;
	s12 =	simm.s32 @!p1 $0x0  }
0x86: {  	[tilespmem:s12], [sflag:$0x1] =	stream.linear.gather @!p1 [hbm4b:s10+s12], $0x80, $0x38;
	[tilespmem:$0x18780] =	vst v63  }
0x87: {  	p0 =	sge.u32 s9, s7;
	s15 =	simm.s32 @!p1 $0x80;
	s10 =	sadd.s32 @!p1 $0xFFFF8000, s8  }
0x88: {  	[tilespmem:s15], [sflag:$0x1] =	stream.linear.gather @!p1 [hbm4b:s10+s12], $0x4000, $0x38;
	[tilespmem:$0x18780] =	vst v63  }
0x89: {  	s10 =	simm.s32 @!p0 $0x2  }
0x8a: {  	_ =	swait.ge @!p0 [sflag:s10], $0x80  }
0x8b: {  	[sflag:s10] =	ssyncset.done @!p0 $0x0  }
0x8c: {  	[sflag:s10] =	ssyncadd.s32 @!p0 $0xFFFFFF80  }
0x8d: {  	_ =	swait.ge @!p0 [sflag:s10], $0x4000  }
0x8e: {  	s12 =	simm.s32 @!p0 $0x80;
	[sflag:s10] =	ssyncset.done @!p0 $0x0  }
0x8f: {  	s15 =	simm.s32 @!p0 $0x4080;
	[sflag:s10] =	ssyncadd.s32 @!p0 $0xFFFFC000;
	s10 =	simm.s32 @!p0 $0x4100  }
0x90: {  	[spmem:s1] =	stream.indirect.scatter.add.f32 @!p0 [tilespmem:s10], [sflag:$0x3], $0x80, s15, s12, $0xb8;
	[tilespmem:$0x18780] =	vst v63  }
0x91: {  	s9 =	sadd.s32 @!p0 $0x3, s9;
	s10 =	simm.s32 @!p0 $0x3  }
0x92: {  	p1 =	sge.u32 @!p0 s9, s4;
	_ =	swait.ge @!p0 [sflag:s10], $0x4000  }
0x93: {  	p1 =	por p1, p0;
	[sflag:s10] =	ssyncset.done @!p0 $0x0  }
0x94: {  	s9 =	simm.s32 @!p1 $0x0;
	[sflag:s10] =	ssyncadd.s32 @!p0 $0xFFFFC000;
	s10 =	simm.s32 @!p1 $0x4080  }
0x95: {  	[tilespmem:s10], [sflag:$0x2] =	stream.linear.gather @!p1 [hbm4b:s3+s9], $0x80, $0x38;
	[tilespmem:$0x18780] =	vst v63  }
0x96: {  	s3 =	simm.s32 @!p1 $0x4100;
	s10 =	stileid.u32  }
0x97: {  	[tilespmem:s3], [sflag:$0x2] =	stream.linear.gather @!p1 [hbm4b:s8+s9], $0x4000, $0x38;
	[tilespmem:$0x18780] =	vst v63  }
0x98: {  	s3 =	sshll.u32 s10, $0x6;
	[bflag:$0x0] =	sbarrier.arrive $0xFFFF  }
0x99: {  	s9 =	sshrl.u32 s5, $0x3;
	s3 =	sor.u32 $0x1C03, s3;
	s12 =	rddreg [dreg:$0x3]  }
0x9a: {  	[hbm:s12], [sflag:s3] =	dma.local [spmem:s9], $0xC80  }
0x9b: {  	_ =	swait.ge [sflag:s24], $0xC80  }
0x9c: {  	s15 =	sld [smem:$0x7FD];
	_ =	sdelay $0x2  }
0x9d: {  	[sflag:s24] =	ssyncset.done $0x0;
	p6 =	seq.s32 s15, $0x1  }
0x9e: {  	s8 =	rddreg [dreg:$0x4];
	[sflag:s24] =	ssyncadd.s32 $0xFFFFF380;
	s10 =	sshrl.u32 @!p6 s6, $0x3  }
0x9f: {  	[hbm:s8], [sflag:s3] =	dma.local @!p6 [spmem:s10], $0xC80  }
0xa0: {  	s8 =	simm.s32 @!p6 $0x3  }
0xa1: {  	_ =	swait.ge @!p6 [sflag:s8], $0xC80  }
0xa2: {  	[sflag:s8] =	ssyncset.done @!p6 $0x0  }
0xa3: {  	[sflag:s8] =	ssyncadd.s32 @!p6 $0xFFFFF380  }
0xa4: {  	s18 =	simm.s32 $0x8100;
	[bflag:$0x0] =	sbarrier.arrive $0xFFFF  }
0xa5: {  	[spmem:s5] =	stream.linear.scatter [tilespmem:s18], [sflag:$0x3], $0x6400, $0x38;
	[tilespmem:$0x18780] =	vst v63  }
0xa6: {  	_ =	swait.ge [sflag:s24], $0x6400  }
0xa7: {  	s20 =	sld [smem:$0x7FC];
	_ =	sdelay $0x1  }
0xa8: {  	[sflag:s24] =	ssyncset.done $0x0  }
0xa9: {  	[sflag:s24] =	ssyncadd.s32 $0xFFFF9C00;
	p5 =	seq.s32 s20, $0x1  }
0xaa: {  	[spmem:s6] =	stream.linear.scatter @!p5 [tilespmem:s0], [sflag:$0x3], $0x6400, $0x38;
	[tilespmem:$0x18780] =	vst v63  }
0xab: {  	_ =	swait.ge @!p5 [sflag:s31], $0x6400  }
0xac: {  	[sflag:s31] =	ssyncset.done @!p5 $0x0  }
0xad: {  	[sflag:s31] =	ssyncadd.s32 @!p5 $0xFFFF9C00  }
0xae: {  	[bflag:$0x0] =	sbarrier.arrive $0xFFFF  }
0xaf: {  	[tilespmem:s30], [sflag:$0x1] =	stream.linear.gather [hbm4b:s17+s30], $0x80, $0x38;
	[tilespmem:$0x18780] =	vst v63  }
0xb0: {  	s31 =	sld [smem:$0x7FB]  }
0xb1: {  	s23 =	simm.s32 $0x80  }
0xb2: {  	[tilespmem:s23], [sflag:$0x1] =	stream.linear.gather [hbm4b:s14+s30], $0x4000, $0x38;
	[tilespmem:$0x18780] =	vst v63  }
0xb3: {  	p0 =	seq.s32 s31, $0x1  }
.Ltmp4:
0xb4: {  	_ = 	snop;
	(pc) =	sbr.rel @!p0 .LBB2_9-.Ltmp4, $4  }
0xb5: {  	s26 =	simm.s32 $0x4080;
	s25 =	rddreg [dreg:$0x9]  }
0xb6: {  	[tilespmem:s26], [sflag:$0x2] =	stream.linear.gather [hbm4b:s25+s30], $0x80, $0x38;
	[tilespmem:$0x18780] =	vst v63  }
0xb7: {  	_ = 	snop  }
0xb8: {  	[tilespmem:s28], [sflag:$0x2] =	stream.linear.gather [hbm4b:s16+s30], $0x4000, $0x38;
	[tilespmem:$0x18780] =	vst v63  }
0xb9: {  	s0 =	simm.s32 @!p4 $0x1  }
0xba: {  	_ =	swait.ge @!p4 [sflag:s0], $0x80  }
0xbb: {  	[sflag:s0] =	ssyncset.done @!p4 $0x0  }
0xbc: {  	[sflag:s0] =	ssyncadd.s32 @!p4 $0xFFFFFF80  }
0xbd: {  	_ =	swait.ge @!p4 [sflag:s0], $0x4000  }
0xbe: {  	s12 =	simm.s32 @!p4 $0x3;
	[sflag:s0] =	ssyncset.done @!p4 $0x0  }
0xbf: {  	s15 =	simm.s32 @!p4 $0x80;
	[sflag:s0] =	ssyncadd.s32 @!p4 $0xFFFFC000;
	s0 =	simm.s32 @!p4 $0x0  }
0xc0: {  	[spmem:s1] =	stream.indirect.scatter.add.f32 @!p4 [tilespmem:s15], [sflag:$0x3], $0x80, s0, s15, $0xb8;
	[tilespmem:$0x18780] =	vst v63  }
0xc1: {  	_ =	swait.ge @!p4 [sflag:s12], $0x4000  }
0xc2: {  	p1 =	por p2, p4;
	[sflag:s12] =	ssyncset.done @!p4 $0x0  }
0xc3: {  	s0 =	sadd.s32 @!p1 $0xFFFFFF00, s22;
	[sflag:s12] =	ssyncadd.s32 @!p4 $0xFFFFC000;
	s12 =	simm.s32 @!p1 $0x0  }
0xc4: {  	[tilespmem:s12], [sflag:$0x1] =	stream.linear.gather @!p1 [hbm4b:s0+s12], $0x80, $0x38;
	[tilespmem:$0x18780] =	vst v63  }
0xc5: {  	p0 =	sle.u32 s7, $0x0;
	s15 =	simm.s32 @!p1 $0x80;
	s0 =	sadd.s32 @!p1 $0xFFFF8000, s11  }
0xc6: {  	[tilespmem:s15], [sflag:$0x1] =	stream.linear.gather @!p1 [hbm4b:s0+s12], $0x4000, $0x38;
	[tilespmem:$0x18780] =	vst v63  }
0xc7: {  	s0 =	simm.s32 @!p0 $0x2  }
0xc8: {  	_ =	swait.ge @!p0 [sflag:s0], $0x80  }
0xc9: {  	[sflag:s0] =	ssyncset.done @!p0 $0x0  }
0xca: {  	s30 =	simm.s32 $0x4;
	p2 =	sne.s32 s19, $0x4;
	[sflag:s0] =	ssyncadd.s32 @!p0 $0xFFFFFF80  }
0xcb: {  	s31 =	sadd.s32 $0x10000, s11;
	s18 =	simm.s32 @!p0 $0x3;
	_ =	swait.ge @!p0 [sflag:s0], $0x4000  }
0xcc: {  	s20 =	simm.s32 @!p0 $0x4100;
	p3 =	sle.u32 @!p0 s4, $0x3;
	[sflag:s0] =	ssyncset.done @!p0 $0x0  }
0xcd: {  	s12 =	simm.s32 @!p0 $0x80;
	s15 =	simm.s32 @!p0 $0x4080;
	[sflag:s0] =	ssyncadd.s32 @!p0 $0xFFFFC000  }
0xce: {  	[spmem:s1] =	stream.indirect.scatter.add.f32 @!p0 [tilespmem:s20], [sflag:$0x3], $0x80, s15, s12, $0xb8;
	[tilespmem:$0x18780] =	vst v63  }
0xcf: {  	p3 =	por p3, p0;
	p1 =	sle.u32 s4, $0x2;
	_ =	swait.ge @!p0 [sflag:s18], $0x4000  }
0xd0: {  	s0 =	simm.s32 @!p3 $0x4080;
	s15 =	simm.s32 @!p3 $0x0;
	[sflag:s18] =	ssyncset.done @!p0 $0x0  }
.Ltmp5:
0xd1: {  	[sflag:s18] =	ssyncadd.s32 @!p0 $0xFFFFC000;
	p0 =	por $0x1, $0x1;
	(pc) =	sbr.rel @!p2 .LBB2_11-.Ltmp5, $4  }
0xd2: {  	[tilespmem:s0], [sflag:$0x2] =	stream.linear.gather @!p3 [hbm4b:s22+s15], $0x80, $0x38;
	[tilespmem:$0x18780] =	vst v63  }
0xd3: {  	s23 =	simm.s32 @!p3 $0x4100;
	p4 =	sle.u32 @!p1 s4, $0x4;
	s12 =	simm.s32 @!p0 $0x0  }
0xd4: {  	p5 =	por p4, p4;
	p4 =	por p1, p1;
	s12 =	simm.s32 @p0 $0x1  }
0xd5: {  	s20 =	smov.u32 s11;
	s0 =	sadd.s32 $0x200, s22;
	[smem:$0x7FA] =	sst s12  }
.LBB2_12:
0xd6: {  	p1 =	sge.u32 s30, s4;
	s18 =	simm.s32 @!p4 $0x1  }
0xd7: {  	s25 =	smov.u32 s30;
	s30 =	sadd.s32 $0x2, s30;
	s12 =	smov.u32 s0  }
0xd8: {  	[tilespmem:s23], [sflag:$0x2] =	stream.linear.gather @!p3 [hbm4b:s20+s15], $0x4000, $0x38;
	[tilespmem:$0x18780] =	vst v63  }
0xd9: {  	s15 =	sadd.s32 @!p1 $0x2, s25;
	p0 =	sne.s32 s19, s30;
	_ =	swait.ge @!p4 [sflag:s18], $0x80  }
0xda: {  	s20 =	smov.u32 s31;
	p2 =	sge.u32 @!p1 s15, s4;
	[sflag:s18] =	ssyncset.done @!p4 $0x0  }
0xdb: {  	[sflag:s18] =	ssyncadd.s32 @!p4 $0xFFFFFF80  }
0xdc: {  	_ =	swait.ge @!p4 [sflag:s18], $0x4000  }
0xdd: {  	s15 =	simm.s32 @!p4 $0x3;
	[sflag:s18] =	ssyncset.done @!p4 $0x0  }
0xde: {  	s23 =	simm.s32 @!p4 $0x80;
	[sflag:s18] =	ssyncadd.s32 @!p4 $0xFFFFC000;
	s18 =	simm.s32 @!p4 $0x0  }
0xdf: {  	[spmem:s1] =	stream.indirect.scatter.add.f32 @!p4 [tilespmem:s23], [sflag:$0x3], $0x80, s18, s23, $0xb8;
	[tilespmem:$0x18780] =	vst v63  }
0xe0: {  	_ =	swait.ge @!p4 [sflag:s15], $0x4000  }
0xe1: {  	p3 =	por p5, p4;
	p5 =	por p2, p2;
	[sflag:s15] =	ssyncset.done @!p4 $0x0  }
0xe2: {  	s18 =	simm.s32 @!p3 $0x0;
	[sflag:s15] =	ssyncadd.s32 @!p4 $0xFFFFC000;
	s15 =	sadd.s32 @!p3 $0xFFFFFF00, s0  }
0xe3: {  	[tilespmem:s18], [sflag:$0x1] =	stream.linear.gather @!p3 [hbm4b:s15+s18], $0x80, $0x38;
	[tilespmem:$0x18780] =	vst v63  }
0xe4: {  	p2 =	sge.u32 s29, s7;
	s23 =	simm.s32 @!p3 $0x80;
	s15 =	sadd.s32 @!p3 $0xFFFF8000, s31  }
0xe5: {  	[tilespmem:s23], [sflag:$0x1] =	stream.linear.gather @!p3 [hbm4b:s15+s18], $0x4000, $0x38;
	[tilespmem:$0x18780] =	vst v63  }
0xe6: {  	s15 =	simm.s32 @!p2 $0x2;
	s18 =	sadd.s32 @!p2 $0x3, s29;
	s29 =	smov.u32 s25  }
0xe7: {  	p4 =	por p1, p1;
	p3 =	sge.u32 @!p2 s18, s4;
	_ =	swait.ge @!p2 [sflag:s15], $0x80  }
0xe8: {  	[sflag:s15] =	ssyncset.done @!p2 $0x0  }
0xe9: {  	[sflag:s15] =	ssyncadd.s32 @!p2 $0xFFFFFF80  }
0xea: {  	s23 =	simm.s32 @!p2 $0x3;
	s18 =	simm.s32 @!p2 $0x80;
	_ =	swait.ge @!p2 [sflag:s15], $0x4000  }
0xeb: {  	s26 =	simm.s32 @!p2 $0x4100;
	s25 =	simm.s32 @!p2 $0x4080;
	[sflag:s15] =	ssyncset.done @!p2 $0x0  }
0xec: {  	[sflag:s15] =	ssyncadd.s32 @!p2 $0xFFFFC000  }
0xed: {  	[spmem:s1] =	stream.indirect.scatter.add.f32 @!p2 [tilespmem:s26], [sflag:$0x3], $0x80, s25, s18, $0xb8;
	[tilespmem:$0x18780] =	vst v63  }
.Ltmp6:
0xee: {  	_ = 	snop;
	(pc) =	sbr.rel @p0 .LBB2_12-.Ltmp6, $4  }
0xef: {  	s0 =	sadd.s32 $0x200, s0;
	p3 =	por p3, p2;
	_ =	swait.ge @!p2 [sflag:s23], $0x4000  }
0xf0: {  	s15 =	simm.s32 @!p3 $0x0;
	s18 =	simm.s32 @!p3 $0x4080;
	[sflag:s23] =	ssyncset.done @!p2 $0x0  }
0xf1: {  	s31 =	sadd.s32 $0x10000, s31;
	[sflag:s23] =	ssyncadd.s32 @!p2 $0xFFFFC000;
	s23 =	simm.s32 @!p3 $0x4100  }
0xf2: {  	[tilespmem:s18], [sflag:$0x2] =	stream.linear.gather @!p3 [hbm4b:s12+s15], $0x80, $0x38;
	[tilespmem:$0x18780] =	vst v63  }
0xf3: {  	s12 =	sld [smem:$0x7FC];
	_ =	sdelay $0x2  }
0xf4: {  	s30 =	smov.u32 s29;
	p1 =	por p5, p5;
	p5 =	seq.s32 s12, $0x1  }
.LBB2_14:
0xf5: {  	s18 =	sld [smem:$0x7FA];
	_ =	sdelay $0x2  }
0xf6: {  	p0 =	seq.s32 s18, $0x1  }
0xf7: {  	s12 =	simm.s32 @!p4 $0x1;
	p0 =	por p3, !p0  }
0xf8: {  	[tilespmem:s23], [sflag:$0x2] =	stream.linear.gather @!p0 [hbm4b:s20+s15], $0x4000, $0x38;
	[tilespmem:$0x18780] =	vst v63  }
0xf9: {  	_ =	swait.ge @!p4 [sflag:s12], $0x80  }
0xfa: {  	[sflag:s12] =	ssyncset.done @!p4 $0x0  }
0xfb: {  	[sflag:s12] =	ssyncadd.s32 @!p4 $0xFFFFFF80  }
0xfc: {  	_ =	swait.ge @!p4 [sflag:s12], $0x4000  }
0xfd: {  	s18 =	simm.s32 @!p4 $0x80;
	[sflag:s12] =	ssyncset.done @!p4 $0x0  }
0xfe: {  	s15 =	simm.s32 @!p4 $0x3;
	[sflag:s12] =	ssyncadd.s32 @!p4 $0xFFFFC000;
	s12 =	simm.s32 @!p4 $0x0  }
0xff: {  	[spmem:s1] =	stream.indirect.scatter.add.f32 @!p4 [tilespmem:s18], [sflag:$0x3], $0x80, s12, s18, $0xb8;
	[tilespmem:$0x18780] =	vst v63  }
0x100: {  	_ =	swait.ge @!p4 [sflag:s15], $0x4000  }
0x101: {  	p1 =	por p1, p4;
	[sflag:s15] =	ssyncset.done @!p4 $0x0  }
0x102: {  	s12 =	sadd.s32 @!p1 $0xFFFFFF00, s0;
	[sflag:s15] =	ssyncadd.s32 @!p4 $0xFFFFC000;
	s15 =	simm.s32 @!p1 $0x0  }
0x103: {  	[tilespmem:s15], [sflag:$0x1] =	stream.linear.gather @!p1 [hbm4b:s12+s15], $0x80, $0x38;
	[tilespmem:$0x18780] =	vst v63  }
0x104: {  	p0 =	sge.u32 s30, s7;
	s18 =	simm.s32 @!p1 $0x80;
	s12 =	sadd.s32 @!p1 $0xFFFF8000, s31  }
0x105: {  	[tilespmem:s18], [sflag:$0x1] =	stream.linear.gather @!p1 [hbm4b:s12+s15], $0x4000, $0x38;
	[tilespmem:$0x18780] =	vst v63  }
0x106: {  	s12 =	simm.s32 @!p0 $0x2  }
0x107: {  	_ =	swait.ge @!p0 [sflag:s12], $0x80  }
0x108: {  	[sflag:s12] =	ssyncset.done @!p0 $0x0  }
0x109: {  	[sflag:s12] =	ssyncadd.s32 @!p0 $0xFFFFFF80  }
0x10a: {  	s20 =	simm.s32 @!p0 $0x3;
	_ =	swait.ge @!p0 [sflag:s12], $0x4000  }
0x10b: {  	s23 =	simm.s32 @!p0 $0x4080;
	s15 =	sadd.s32 @!p0 $0x3, s30;
	[sflag:s12] =	ssyncset.done @!p0 $0x0  }
0x10c: {  	s18 =	simm.s32 @!p0 $0x80;
	[sflag:s12] =	ssyncadd.s32 @!p0 $0xFFFFC000;
	s12 =	simm.s32 @!p0 $0x4100  }
0x10d: {  	[spmem:s1] =	stream.indirect.scatter.add.f32 @!p0 [tilespmem:s12], [sflag:$0x3], $0x80, s23, s18, $0xb8;
	[tilespmem:$0x18780] =	vst v63  }
0x10e: {  	p1 =	sge.u32 @!p0 s15, s4;
	_ =	swait.ge @!p0 [sflag:s20], $0x4000  }
0x10f: {  	p1 =	por p1, p0;
	[sflag:s20] =	ssyncset.done @!p0 $0x0  }
0x110: {  	s15 =	simm.s32 @!p1 $0x4080;
	s12 =	simm.s32 @!p1 $0x0;
	[sflag:s20] =	ssyncadd.s32 @!p0 $0xFFFFC000  }
0x111: {  	[tilespmem:s15], [sflag:$0x2] =	stream.linear.gather @!p1 [hbm4b:s0+s12], $0x80, $0x38;
	[tilespmem:$0x18780] =	vst v63  }
0x112: {  	s0 =	simm.s32 @!p1 $0x4100  }
0x113: {  	[tilespmem:s0], [sflag:$0x2] =	stream.linear.gather @!p1 [hbm4b:s31+s12], $0x4000, $0x38;
	[tilespmem:$0x18780] =	vst v63  }
0x114: {  	[bflag:$0x0] =	sbarrier.arrive $0xFFFF  }
0x115: {  	s30 =	rddreg [dreg:$0x5]  }
0x116: {  	[hbm:s30], [sflag:s3] =	dma.local [spmem:s9], $0xC80  }
0x117: {  	_ =	swait.ge [sflag:s24], $0xC80  }
0x118: {  	[sflag:s24] =	ssyncset.done $0x0  }
0x119: {  	s0 =	rddreg [dreg:$0x6];
	[sflag:s24] =	ssyncadd.s32 $0xFFFFF380  }
0x11a: {  	[hbm:s0], [sflag:s3] =	dma.local @!p6 [spmem:s10], $0xC80  }
0x11b: {  	_ =	swait.ge @!p6 [sflag:s8], $0xC80  }
0x11c: {  	s2 =	sadd.s32 $0x1, s2;
	s31 =	rddreg [dreg:$0x7]  }
0x11d: {  	p0 =	sne.s32 s2, s31  }
.Ltmp7:
0x11e: {  	_ = 	snop;
	(pc) =	sbr.rel @p0 .LBB2_1-.Ltmp7, $4  }
.Ltmp8:
0x11f: {  	[sflag:s8] =	ssyncset.done @!p6 $0x0;
	(pc) =	sbr.rel @!p0 .LBB2_15-.Ltmp8, $4  }
0x120: {  	[sflag:s8] =	ssyncadd.s32 @!p6 $0xFFFFF380  }
0x121: {  	[bflag:$0x0] =	sbarrier.arrive $0xFFFF  }
0x122: {  	_ = 	snop  }
0x123: {  	_ = 	snop  }
.LBB2_9:
.Ltmp9:
0x124: {  	(pc) =	sbr.rel .LBB2_14-.Ltmp9, $2  }
0x125: {  	_ =	sdelay $0x2  }
0x126: {  	s0 =	smov.u32 s22;
	s31 =	smov.u32 s11;
	p1 =	por p2, p2  }
.LBB2_5:
.Ltmp10:
0x127: {  	(pc) =	sbr.rel .LBB2_8-.Ltmp10, $3  }
0x128: {  	s10 =	sld [smem:$0x7F9];
	_ =	sdelay $0x1  }
0x129: {  	s20 =	smov.u32 s11  }
0x12a: {  	s9 =	simm.s32 $0x2;
	p0 =	por $0x1, $0x1;
	p1 =	seq.s32 s10, $0x1  }
.LBB2_11:
.Ltmp11:
0x12b: {  	(pc) =	sbr.rel .LBB2_14-.Ltmp11, $3  }
0x12c: {  	s12 =	sld [smem:$0x7FC];
	_ =	sdelay $0x1  }
0x12d: {  	s20 =	smov.u32 s11  }
0x12e: {  	s30 =	simm.s32 $0x2;
	p1 =	por p5, p5;
	p5 =	seq.s32 s12, $0x1  }
.LBB2_15:
0x12f: {  	_ =	sfence.sel $0x180000  }
0x130: {  	[bflag:$0x0] =	sbarrier.arrive $0xFFFF  }
0x131: {  	_ =	strace $0x90000050  }
0x132: {  	s0 =	stileid.u32;
	[bflag:$0x2] =	sbarrier.arrive $0xFFFF  }
0x133: {  	p0 =	sne.s32 s0, $0x0;
	s0 =	rddreg [dreg:$0x2]  }
0x134: {  	s0 =	sadd.s32 @!p0 $0x100000, s0  }
0x135: {  	[sflag:s0] =	ssyncadd.tile.s32 @!p0 $0x1;
	_ =	shalt  }
.Lfunc_end2:
_tile_overlayer_lowered:
.L_overlay_start_2:
0x136: {  	(tag) =	ssettag $0x2  }
0x137: {  	s0 =	rddreg [dreg:$0x0];
	s2 =	stileid.u32  }
0x138: {  	s1 =	rddreg [dreg:$0x1];
	p0 =	sne.s32 s2, $0x0  }
0x139: {  	s3 =	rddreg [dreg:$0x2];
	[bflag:$0x3] =	sbarrier.arrive $0xFFFF;
	s2 =	simm.s32 @!p0 $0x1C03  }
0x13a: {  	[timem:s3], [sflag:s2] =	dma.local @!p0 [hbm:s0], s1  }
0x13b: {  	s0 =	simm.s32 @!p0 $0x3  }
0x13c: {  	_ =	swait.ge @!p0 [sflag:s0], s1  }
0x13d: {  	s1 =	ssub.s32 @!p0 $0x0, s1;
	[sflag:s0] =	ssyncset.done @!p0 $0x0  }
0x13e: {  	[sflag:s0] =	ssyncadd.s32 @!p0 s1  }
0x13f: {  	[bflag:$0x3] =	sbarrier.arrive $0xFFFF  }
0x140: {  	_ =	shalt  }

</sc_bundles>
